<compile_context>
chip_gen: v7x
topology: tpu7x:2x2x1
jax: 0.10.2.dev20260603
libtpu: 0.0.44.dev20260713+nightly
codegen_flags: <defaults>
</compile_context>

<pallas_src>
import dataclasses

import jax
import jax.numpy as jnp
from jax import lax
from jax.experimental import pallas as pl
from jax.experimental.pallas import tpu as pltpu
from jax.experimental.pallas import tpu_sc as plsc

N = 10000
E = 320000
D = 128
NC = 2
NS = 16
NW = NC * NS
WIN = 64
GROUPS = WIN // 16
W = 158
EDB = 3 * WIN
E_PAD = NW * W * WIN
N_PAD = 10112
ROWS_PER_S = N_PAD // NS


def _emb_mm_body(x_ref, w_ref, b_ref, of_ref):
    emb = (
        jnp.dot(x_ref[...], w_ref[...].T, preferred_element_type=jnp.float32)
        + b_ref[...]
    )
    of_ref[...] = emb


def _emb(x, W_, b):
    return pl.pallas_call(
        _emb_mm_body,
        out_shape=jax.ShapeDtypeStruct((N, D), jnp.float32),
    )(x, W_, b.reshape(1, D))


def _sc_body(embf_hbm, ed_hbm, msg_hbm, den_hbm,
             acc_sh, den_v, wv, ed0, ed1, AB0, AB1,
             sis0, sio0, sis1, sio1,
             se0, se1, sg0, sg1, ss0, ss1):
    c = lax.axis_index("c")
    s = lax.axis_index("s")
    wid = s * NC + c

    eds = (ed0, ed1)
    ABs = (AB0, AB1)
    siss = (sis0, sis1)
    sios = (sio0, sio1)
    ses = (se0, se1)
    sgs = (sg0, sg1)
    sss = (ss0, ss1)

    ZR = 2 * WIN
    @pl.loop(0, ZR)
    def _(r):
        for k in range(D // 16):
            AB0[r, pl.ds(k * 16, 16)] = jnp.zeros((16,), jnp.float32)

    for k in range(ROWS_PER_S // ZR):
        pltpu.sync_copy(AB0, acc_sh.at[pl.ds(s * ROWS_PER_S + k * ZR, ZR)])
    _rem = ROWS_PER_S % ZR
    pltpu.sync_copy(
        AB0.at[pl.ds(0, _rem)],
        acc_sh.at[pl.ds(s * ROWS_PER_S + ROWS_PER_S - _rem, _rem)],
    )

    @pl.loop(0, N_PAD // 16)
    def _(r):
        den_v[pl.ds(pl.multiple_of(r * 16, 16), 16)] = jnp.zeros((16,), jnp.float32)

    plsc.subcore_barrier()

    base = wid * W

    pltpu.sync_copy(ed_hbm.at[pl.ds(base * EDB, EDB)], ed0)
    pltpu.async_copy(embf_hbm.at[ed0.at[pl.ds(0, 2 * WIN)]], AB0, sg0)
    pltpu.async_copy(ed_hbm.at[pl.ds((base + 1) * EDB, EDB)], ed1, se1)

    @pl.loop(0, W, step=2)
    def _(j):
        for p in (0, 1):
            jj = j + p
            ed, AB = eds[p], ABs[p]
            edn, ABn = eds[1 - p], ABs[1 - p]

            def _prefetch():
                pltpu.make_async_copy(
                    ed_hbm.at[pl.ds((base + jj + 1) * EDB, EDB)],
                    edn, ses[1 - p]).wait()
                pltpu.async_copy(
                    embf_hbm.at[edn.at[pl.ds(0, 2 * WIN)]], ABn, sgs[1 - p])

            def _wait_prev_scatters():
                pltpu.make_async_copy(
                    ABn.at[pl.ds(0, WIN)], acc_sh.at[siss[1 - p]],
                    sss[1 - p]).wait()
                pltpu.make_async_copy(
                    ABn.at[pl.ds(0, WIN)], acc_sh.at[sios[1 - p]],
                    sss[1 - p]).wait()

            if p == 0:
                @pl.when(jj >= 1)
                def _():
                    _wait_prev_scatters()

                _prefetch()
            else:
                @pl.when(jj < W - 1)
                def _():
                    _wait_prev_scatters()
                    _prefetch()

            pltpu.make_async_copy(
                embf_hbm.at[ed.at[pl.ds(0, 2 * WIN)]], AB, sgs[p]).wait()

            @pl.loop(0, GROUPS)
            def _(g):
                o16 = pl.multiple_of(g * 16, 16)
                cb = ed[pl.ds(pl.multiple_of(2 * WIN + g * 16, 16), 16)]
                w16 = jnp.exp(plsc.bitcast(cb, jnp.float32) - 10.0)
                wv[...] = w16
                iv_s = ed[pl.ds(o16, 16)]
                iv_o = ed[pl.ds(pl.multiple_of(WIN + g * 16, 16), 16)]
                plsc.addupdate_scatter(den_v, [iv_s], w16)
                plsc.addupdate_scatter(den_v, [iv_o], w16)
                for i in range(16):
                    e = g * 16 + i
                    ws = plsc.load_gather(wv, [jnp.full((16,), i, jnp.int32)])
                    for ch in range(8):
                        sl = pl.ds(ch * 16, 16)
                        AB[e, sl] = ws * AB[e, sl] * AB[WIN + e, sl]

            for k in range(GROUPS):
                siss[p][pl.ds(k * 16, 16)] = ed[pl.ds(k * 16, 16)]
                sios[p][pl.ds(k * 16, 16)] = ed[
                    pl.ds(pl.multiple_of(WIN + k * 16, 16), 16)]

            pltpu.async_copy(
                AB.at[pl.ds(0, WIN)], acc_sh.at[siss[p]], sss[p], add=True)
            pltpu.async_copy(
                AB.at[pl.ds(0, WIN)], acc_sh.at[sios[p]], sss[p], add=True)

            @pl.when(jj < W - 2)
            def _():
                pltpu.async_copy(
                    ed_hbm.at[pl.ds((base + jj + 2) * EDB, EDB)], ed, ses[p])

    for p in (0, 1):
        pltpu.make_async_copy(
            ABs[p].at[pl.ds(0, WIN)], acc_sh.at[siss[p]], sss[p]).wait()
        pltpu.make_async_copy(
            ABs[p].at[pl.ds(0, WIN)], acc_sh.at[sios[p]], sss[p]).wait()

    plsc.subcore_barrier()
    pltpu.sync_copy(
        acc_sh.at[pl.ds(s * ROWS_PER_S, ROWS_PER_S)],
        msg_hbm.at[c, pl.ds(s * ROWS_PER_S, ROWS_PER_S)],
    )
    pltpu.sync_copy(den_v, den_hbm.at[pl.ds(wid * N_PAD, N_PAD)])


def _sc_scatter(embf, edata):
    mesh = plsc.VectorSubcoreMesh(core_axis_name="c", subcore_axis_name="s")
    cp = pltpu.CompilerParams()
    if "needs_layout_passes" in pltpu.CompilerParams.__dataclass_fields__:
        cp = dataclasses.replace(cp, needs_layout_passes=False)
    kfn = pl.kernel(
        compiler_params=cp,
        out_type=(
            jax.ShapeDtypeStruct((NC, N_PAD, D), jnp.float32),
            jax.ShapeDtypeStruct((NW * N_PAD,), jnp.float32),
        ),
        mesh=mesh,
        scratch_types=[
            pltpu.VMEM_SHARED((N_PAD, D), jnp.float32),
            pltpu.VMEM((N_PAD,), jnp.float32),
            pltpu.VMEM((16,), jnp.float32),
            pltpu.VMEM((EDB,), jnp.int32),
            pltpu.VMEM((EDB,), jnp.int32),
            pltpu.VMEM((2 * WIN, D), jnp.float32),
            pltpu.VMEM((2 * WIN, D), jnp.float32),
            pltpu.VMEM((WIN,), jnp.int32),
            pltpu.VMEM((WIN,), jnp.int32),
            pltpu.VMEM((WIN,), jnp.int32),
            pltpu.VMEM((WIN,), jnp.int32),
            pltpu.SemaphoreType.DMA,
            pltpu.SemaphoreType.DMA,
            pltpu.SemaphoreType.DMA,
            pltpu.SemaphoreType.DMA,
            pltpu.SemaphoreType.DMA,
            pltpu.SemaphoreType.DMA,
        ],
    )(_sc_body)
    return kfn(embf, edata)


def _combine_body(x_ref, p_ref, d_ref, o_ref):
    num = x_ref[...] + p_ref[0, :N, :] + p_ref[1, :N, :]
    den = 1.0 + jnp.sum(d_ref[...], axis=0)[:N]
    o_ref[...] = num / den[:, None]


def _combine(x, partials, dens):
    return pl.pallas_call(
        _combine_body,
        out_shape=jax.ShapeDtypeStruct((N, D), jnp.float32),
    )(x, partials, dens.reshape(NW, N_PAD))


@jax.jit
def kernel(object_feats, pairs, confidence, W_, b):
    sub = jnp.asarray(pairs[:, 0], jnp.int32)
    obj = jnp.asarray(pairs[:, 1], jnp.int32)
    npad = E_PAD - E
    iota = jnp.arange(npad, dtype=jnp.int32)
    sub_p = jnp.concatenate([sub, iota % N])
    obj_p = jnp.concatenate([obj, (iota * 7 + 13) % N])
    conf_p = jnp.concatenate(
        [confidence, jnp.full((npad,), -100.0, jnp.float32)])
    edata = jnp.stack(
        [
            sub_p.reshape(-1, WIN),
            obj_p.reshape(-1, WIN),
            jax.lax.bitcast_convert_type(conf_p, jnp.int32).reshape(-1, WIN),
        ],
        axis=1,
    ).reshape(-1)
    embf = _emb(object_feats, W_, b)
    partials, dens = _sc_scatter(embf, edata)
    new_feats = _combine(object_feats, partials, dens)
    return (new_feats, pairs, confidence)

# --- scband reference (transcript-rebuilt; emitter-appended) ---
"""Pipeline reference for scband-emb-bgconv-unit-78340203479086 (READ-ONLY COPY).

The authoritative reference and input builder live on the scoring server;
editing this copy changes nothing except your own understanding.
"""

import jax, jax.numpy as jnp
import numpy as np

N_NODES = 10000
N_EDGES = 320000
D = 128


def setup_inputs(seed: int = 0) -> dict:
    key = jax.random.key(seed)
    k1, k2, k3, k4 = jax.random.split(key, 4)
    object_feats = jax.random.normal(k1, (N_NODES, D), dtype=jnp.float32)
    pairs = jax.random.randint(k2, (N_EDGES, 2), 0, N_NODES).astype(jnp.int64)
    confidence = jax.random.normal(k3, (N_EDGES,), dtype=jnp.float32)
    # emb = nn.Linear(input_dim, output_dim) with kaiming_normal init
    W = jax.random.normal(k4, (D, D), dtype=jnp.float32) * np.sqrt(2.0 / D)
    b = jnp.zeros((D,), dtype=jnp.float32)
    return {"object_feats": object_feats, "pairs": pairs, "confidence": confidence, "W": W, "b": b}


def reference(object_feats, pairs, confidence, W, b):
    # emb applied to nodes 0..max_idx; gathering emb(x)[pairs] is equivalent
    # to applying emb to all nodes and gathering (pairs < max_idx+1 by construction).
    emb = object_feats @ W.T + b
    sub = pairs[:, 0]
    obj = pairs[:, 1]
    # per-edge message: elementwise product of embedded endpoint features
    msg = emb[sub] * emb[obj]
    # each edge contributes its message (with its confidence) to BOTH endpoints
    seg = jnp.concatenate([sub, obj], axis=0)
    msg2 = jnp.concatenate([msg, msg], axis=0)
    conf2 = jnp.concatenate([confidence, confidence], axis=0)
    n = object_feats.shape[0]
    # per-node softmax over {baseline=10} U {confidences of incident edges},
    # weighted sum over {original node feature} U {incident edge messages}
    segmax = jax.ops.segment_max(conf2, seg, num_segments=n)
    M = jnp.maximum(10.0, segmax)  # numerically stable softmax max
    w_edge = jnp.exp(conf2 - M[seg])
    base = jnp.exp(10.0 - M)
    num = base[:, None] * object_feats + jax.ops.segment_sum(w_edge[:, None] * msg2, seg, num_segments=n)
    den = base + jax.ops.segment_sum(w_edge, seg, num_segments=n)
    new_feats = num / den[:, None]
    # nodes with no incident edges reduce to softmax([10]) -> weight 1 on x_i,
    # matching the torch loop; nodes > max_idx are untouched clones (same value).
    return (new_feats, pairs, confidence)

if __name__ == "__main__":
    import jax
    _d = setup_inputs()
    print(jax.jit(kernel)(*tuple(_d.values())))

</pallas_src>

<mosaic_0001>
#map = affine_map<(d0, d1) -> (0, 0)>
#map1 = affine_map<(d0, d1) -> (0)>
#map2 = affine_map<(d0, d1) -> (0, 0, 0)>
module attributes {stable_mosaic.version = 14 : i64} {
  func.func @_sc_body(%arg0: i32, %arg1: i32, %arg2: memref<10000x128xf32, #tpu.memory_space<hbm>>, %arg3: memref<970752xi32, #tpu.memory_space<hbm>>, %arg4: memref<2x10112x128xf32, #tpu.memory_space<hbm>>, %arg5: memref<323584xf32, #tpu.memory_space<hbm>>, %arg6: memref<10112x128xf32, #tpu.memory_space<vmem_shared>>, %arg7: memref<10112xf32, #tpu.memory_space<vmem>>, %arg8: memref<16xf32, #tpu.memory_space<vmem>>, %arg9: memref<192xi32, #tpu.memory_space<vmem>>, %arg10: memref<192xi32, #tpu.memory_space<vmem>>, %arg11: memref<128x128xf32, #tpu.memory_space<vmem>>, %arg12: memref<128x128xf32, #tpu.memory_space<vmem>>, %arg13: memref<64xi32, #tpu.memory_space<vmem>>, %arg14: memref<64xi32, #tpu.memory_space<vmem>>, %arg15: memref<64xi32, #tpu.memory_space<vmem>>, %arg16: memref<64xi32, #tpu.memory_space<vmem>>, %arg17: memref<!tpu.dma_semaphore, #tpu.memory_space<semaphore_mem>>, %arg18: memref<!tpu.dma_semaphore, #tpu.memory_space<semaphore_mem>>, %arg19: memref<!tpu.dma_semaphore, #tpu.memory_space<semaphore_mem>>, %arg20: memref<!tpu.dma_semaphore, #tpu.memory_space<semaphore_mem>>, %arg21: memref<!tpu.dma_semaphore, #tpu.memory_space<semaphore_mem>>, %arg22: memref<!tpu.dma_semaphore, #tpu.memory_space<semaphore_mem>>) attributes {dimension_semantics = [#tpu.dimension_semantics<core_parallel>, #tpu.dimension_semantics<subcore_parallel>], iteration_bounds = array<i64: 2, 16>, scalar_prefetch = 0 : i64, scratch_operands = 17 : i64, tpu.core_type = #tpu.core_type<sc_vector_subcore>, window_params = [{transform_indices = #map}, {transform_indices = #map1}, {transform_indices = #map2}, {transform_indices = #map1}]} {
    %mul3A = arith.constant 2 : i32
    %mul3A_0 = arith.muli %arg1, %mul3A : i32
    %add3A = arith.addi %mul3A_0, %arg0 : i32
    %scan3A = arith.constant 0 : i32
    %scan3A_1 = arith.constant 128 : i32
    %scan3A_2 = arith.addi %scan3A, %scan3A_1 : i32
    %scan3A_3 = arith.constant 1 : i32
    scf.for %scan3A_80 = %scan3A to %scan3A_2 step %scan3A_3  : i32 {
      %mul3A_81 = arith.constant 1 : i32
      %mul3A_82 = arith.muli %scan3A_80, %mul3A_81 : i32
      %add3A_83 = arith.constant 0 : i32
      %add3A_84 = arith.addi %add3A_83, %mul3A_82 : i32
      %broadcast_in_dim3A = arith.constant 0.000000e+00 : f32
      %broadcast_in_dim3A_85 = vector.broadcast %broadcast_in_dim3A : f32 to vector<16xf32>
      %swap3A = arith.index_cast %add3A_84 : i32 to index
      %swap3A_86 = arith.constant 0 : index
      %swap3A_87 = tpu.vector_load %arg11[%swap3A, %swap3A_86] {strides = array<i32>} : memref<128x128xf32, #tpu.memory_space<vmem>>, vector<16xf32>,
      tpu.vector_store %arg11[%swap3A, %swap3A_86], %broadcast_in_dim3A_85 {strides = array<i32>} : memref<128x128xf32, #tpu.memory_space<vmem>>, vector<16xf32>,
      %broadcast_in_dim3A_88 = arith.constant 0.000000e+00 : f32
      %broadcast_in_dim3A_89 = vector.broadcast %broadcast_in_dim3A_88 : f32 to vector<16xf32>
      %swap3A_90 = arith.index_cast %add3A_84 : i32 to index
      %swap3A_91 = arith.constant 16 : index
      %swap3A_92 = tpu.vector_load %arg11[%swap3A_90, %swap3A_91] {strides = array<i32>} : memref<128x128xf32, #tpu.memory_space<vmem>>, vector<16xf32>,
      tpu.vector_store %arg11[%swap3A_90, %swap3A_91], %broadcast_in_dim3A_89 {strides = array<i32>} : memref<128x128xf32, #tpu.memory_space<vmem>>, vector<16xf32>,
      %broadcast_in_dim3A_93 = arith.constant 0.000000e+00 : f32
      %broadcast_in_dim3A_94 = vector.broadcast %broadcast_in_dim3A_93 : f32 to vector<16xf32>
      %swap3A_95 = arith.index_cast %add3A_84 : i32 to index
      %swap3A_96 = arith.constant 32 : index
      %swap3A_97 = tpu.vector_load %arg11[%swap3A_95, %swap3A_96] {strides = array<i32>} : memref<128x128xf32, #tpu.memory_space<vmem>>, vector<16xf32>,
      tpu.vector_store %arg11[%swap3A_95, %swap3A_96], %broadcast_in_dim3A_94 {strides = array<i32>} : memref<128x128xf32, #tpu.memory_space<vmem>>, vector<16xf32>,
      %broadcast_in_dim3A_98 = arith.constant 0.000000e+00 : f32
      %broadcast_in_dim3A_99 = vector.broadcast %broadcast_in_dim3A_98 : f32 to vector<16xf32>
      %swap3A_100 = arith.index_cast %add3A_84 : i32 to index
      %swap3A_101 = arith.constant 48 : index
      %swap3A_102 = tpu.vector_load %arg11[%swap3A_100, %swap3A_101] {strides = array<i32>} : memref<128x128xf32, #tpu.memory_space<vmem>>, vector<16xf32>,
      tpu.vector_store %arg11[%swap3A_100, %swap3A_101], %broadcast_in_dim3A_99 {strides = array<i32>} : memref<128x128xf32, #tpu.memory_space<vmem>>, vector<16xf32>,
      %broadcast_in_dim3A_103 = arith.constant 0.000000e+00 : f32
      %broadcast_in_dim3A_104 = vector.broadcast %broadcast_in_dim3A_103 : f32 to vector<16xf32>
      %swap3A_105 = arith.index_cast %add3A_84 : i32 to index
      %swap3A_106 = arith.constant 64 : index
      %swap3A_107 = tpu.vector_load %arg11[%swap3A_105, %swap3A_106] {strides = array<i32>} : memref<128x128xf32, #tpu.memory_space<vmem>>, vector<16xf32>,
      tpu.vector_store %arg11[%swap3A_105, %swap3A_106], %broadcast_in_dim3A_104 {strides = array<i32>} : memref<128x128xf32, #tpu.memory_space<vmem>>, vector<16xf32>,
      %broadcast_in_dim3A_108 = arith.constant 0.000000e+00 : f32
      %broadcast_in_dim3A_109 = vector.broadcast %broadcast_in_dim3A_108 : f32 to vector<16xf32>
      %swap3A_110 = arith.index_cast %add3A_84 : i32 to index
      %swap3A_111 = arith.constant 80 : index
      %swap3A_112 = tpu.vector_load %arg11[%swap3A_110, %swap3A_111] {strides = array<i32>} : memref<128x128xf32, #tpu.memory_space<vmem>>, vector<16xf32>,
      tpu.vector_store %arg11[%swap3A_110, %swap3A_111], %broadcast_in_dim3A_109 {strides = array<i32>} : memref<128x128xf32, #tpu.memory_space<vmem>>, vector<16xf32>,
      %broadcast_in_dim3A_113 = arith.constant 0.000000e+00 : f32
      %broadcast_in_dim3A_114 = vector.broadcast %broadcast_in_dim3A_113 : f32 to vector<16xf32>
      %swap3A_115 = arith.index_cast %add3A_84 : i32 to index
      %swap3A_116 = arith.constant 96 : index
      %swap3A_117 = tpu.vector_load %arg11[%swap3A_115, %swap3A_116] {strides = array<i32>} : memref<128x128xf32, #tpu.memory_space<vmem>>, vector<16xf32>,
      tpu.vector_store %arg11[%swap3A_115, %swap3A_116], %broadcast_in_dim3A_114 {strides = array<i32>} : memref<128x128xf32, #tpu.memory_space<vmem>>, vector<16xf32>,
      %broadcast_in_dim3A_118 = arith.constant 0.000000e+00 : f32
      %broadcast_in_dim3A_119 = vector.broadcast %broadcast_in_dim3A_118 : f32 to vector<16xf32>
      %swap3A_120 = arith.index_cast %add3A_84 : i32 to index
      %swap3A_121 = arith.constant 112 : index
      %swap3A_122 = tpu.vector_load %arg11[%swap3A_120, %swap3A_121] {strides = array<i32>} : memref<128x128xf32, #tpu.memory_space<vmem>>, vector<16xf32>,
      tpu.vector_store %arg11[%swap3A_120, %swap3A_121], %broadcast_in_dim3A_119 {strides = array<i32>} : memref<128x128xf32, #tpu.memory_space<vmem>>, vector<16xf32>,
    }
    %scan3A_4 = arith.constant 128 : i32
    %mul3A_5 = arith.constant 632 : i32
    %mul3A_6 = arith.muli %arg1, %mul3A_5 : i32
    %add3A_7 = arith.constant 0 : i32
    %add3A_8 = arith.addi %mul3A_6, %add3A_7 : i32
    "tpu.region"() ({
      %run_scoped3A = tpu.sem_alloc : memref<!tpu.dma_semaphore, #tpu.memory_space<semaphore_mem>>
      %dma_start3A_80 = arith.constant 0 : i32
      %dma_start3A_81 = tpu.memref_slice %arg6[%add3A_8, %dma_start3A_80] : memref<10112x128xf32, #tpu.memory_space<vmem_shared>> -> memref<128x128xf32, #tpu.memory_space<vmem_shared>>
      %dma_start3A_82 = arith.constant 0 : i32
      %dma_start3A_83 = tpu.memref_slice %arg6[%add3A_8, %dma_start3A_82] : memref<10112x128xf32, #tpu.memory_space<vmem_shared>> -> memref<128x128xf32, #tpu.memory_space<vmem_shared>>
      tpu.enqueue_dma source(%arg11 : memref<128x128xf32, #tpu.memory_space<vmem>>) target(%dma_start3A_83 : memref<128x128xf32, #tpu.memory_space<vmem_shared>>) target_semaphore(%run_scoped3A : memref<!tpu.dma_semaphore, #tpu.memory_space<semaphore_mem>>)
      %dma_wait3A_84 = arith.constant 0 : i32
      %dma_wait3A_85 = tpu.memref_slice %arg6[%add3A_8, %dma_wait3A_84] : memref<10112x128xf32, #tpu.memory_space<vmem_shared>> -> memref<128x128xf32, #tpu.memory_space<vmem_shared>>
      %dma_wait3A_86 = arith.constant 0 : i32
      %dma_wait3A_87 = tpu.memref_slice %arg6[%add3A_8, %dma_wait3A_86] : memref<10112x128xf32, #tpu.memory_space<vmem_shared>> -> memref<128x128xf32, #tpu.memory_space<vmem_shared>>
      tpu.wait_dma2 semaphore(%run_scoped3A : memref<!tpu.dma_semaphore, #tpu.memory_space<semaphore_mem>>) src(%arg11 : memref<128x128xf32, #tpu.memory_space<vmem>>) dst(%dma_wait3A_87 : memref<128x128xf32, #tpu.memory_space<vmem_shared>>)
      tpu.yield
    }) : () -> ()
    %mul3A_9 = arith.constant 632 : i32
    %mul3A_10 = arith.muli %arg1, %mul3A_9 : i32
    %add3A_11 = arith.constant 128 : i32
    %add3A_12 = arith.addi %mul3A_10, %add3A_11 : i32
    "tpu.region"() ({
      %run_scoped3A = tpu.sem_alloc : memref<!tpu.dma_semaphore, #tpu.memory_space<semaphore_mem>>
      %dma_start3A_80 = arith.constant 0 : i32
      %dma_start3A_81 = tpu.memref_slice %arg6[%add3A_12, %dma_start3A_80] : memref<10112x128xf32, #tpu.memory_space<vmem_shared>> -> memref<128x128xf32, #tpu.memory_space<vmem_shared>>
      %dma_start3A_82 = arith.constant 0 : i32
      %dma_start3A_83 = tpu.memref_slice %arg6[%add3A_12, %dma_start3A_82] : memref<10112x128xf32, #tpu.memory_space<vmem_shared>> -> memref<128x128xf32, #tpu.memory_space<vmem_shared>>
      tpu.enqueue_dma source(%arg11 : memref<128x128xf32, #tpu.memory_space<vmem>>) target(%dma_start3A_83 : memref<128x128xf32, #tpu.memory_space<vmem_shared>>) target_semaphore(%run_scoped3A : memref<!tpu.dma_semaphore, #tpu.memory_space<semaphore_mem>>)
      %dma_wait3A_84 = arith.constant 0 : i32
      %dma_wait3A_85 = tpu.memref_slice %arg6[%add3A_12, %dma_wait3A_84] : memref<10112x128xf32, #tpu.memory_space<vmem_shared>> -> memref<128x128xf32, #tpu.memory_space<vmem_shared>>
      %dma_wait3A_86 = arith.constant 0 : i32
      %dma_wait3A_87 = tpu.memref_slice %arg6[%add3A_12, %dma_wait3A_86] : memref<10112x128xf32, #tpu.memory_space<vmem_shared>> -> memref<128x128xf32, #tpu.memory_space<vmem_shared>>
      tpu.wait_dma2 semaphore(%run_scoped3A : memref<!tpu.dma_semaphore, #tpu.memory_space<semaphore_mem>>) src(%arg11 : memref<128x128xf32, #tpu.memory_space<vmem>>) dst(%dma_wait3A_87 : memref<128x128xf32, #tpu.memory_space<vmem_shared>>)
      tpu.yield
    }) : () -> ()
    %mul3A_13 = arith.constant 632 : i32
    %mul3A_14 = arith.muli %arg1, %mul3A_13 : i32
    %add3A_15 = arith.constant 256 : i32
    %add3A_16 = arith.addi %mul3A_14, %add3A_15 : i32
    "tpu.region"() ({
      %run_scoped3A = tpu.sem_alloc : memref<!tpu.dma_semaphore, #tpu.memory_space<semaphore_mem>>
      %dma_start3A_80 = arith.constant 0 : i32
      %dma_start3A_81 = tpu.memref_slice %arg6[%add3A_16, %dma_start3A_80] : memref<10112x128xf32, #tpu.memory_space<vmem_shared>> -> memref<128x128xf32, #tpu.memory_space<vmem_shared>>
      %dma_start3A_82 = arith.constant 0 : i32
      %dma_start3A_83 = tpu.memref_slice %arg6[%add3A_16, %dma_start3A_82] : memref<10112x128xf32, #tpu.memory_space<vmem_shared>> -> memref<128x128xf32, #tpu.memory_space<vmem_shared>>
      tpu.enqueue_dma source(%arg11 : memref<128x128xf32, #tpu.memory_space<vmem>>) target(%dma_start3A_83 : memref<128x128xf32, #tpu.memory_space<vmem_shared>>) target_semaphore(%run_scoped3A : memref<!tpu.dma_semaphore, #tpu.memory_space<semaphore_mem>>)
      %dma_wait3A_84 = arith.constant 0 : i32
      %dma_wait3A_85 = tpu.memref_slice %arg6[%add3A_16, %dma_wait3A_84] : memref<10112x128xf32, #tpu.memory_space<vmem_shared>> -> memref<128x128xf32, #tpu.memory_space<vmem_shared>>
      %dma_wait3A_86 = arith.constant 0 : i32
      %dma_wait3A_87 = tpu.memref_slice %arg6[%add3A_16, %dma_wait3A_86] : memref<10112x128xf32, #tpu.memory_space<vmem_shared>> -> memref<128x128xf32, #tpu.memory_space<vmem_shared>>
      tpu.wait_dma2 semaphore(%run_scoped3A : memref<!tpu.dma_semaphore, #tpu.memory_space<semaphore_mem>>) src(%arg11 : memref<128x128xf32, #tpu.memory_space<vmem>>) dst(%dma_wait3A_87 : memref<128x128xf32, #tpu.memory_space<vmem_shared>>)
      tpu.yield
    }) : () -> ()
    %mul3A_17 = arith.constant 632 : i32
    %mul3A_18 = arith.muli %arg1, %mul3A_17 : i32
    %add3A_19 = arith.constant 384 : i32
    %add3A_20 = arith.addi %mul3A_18, %add3A_19 : i32
    "tpu.region"() ({
      %run_scoped3A = tpu.sem_alloc : memref<!tpu.dma_semaphore, #tpu.memory_space<semaphore_mem>>
      %dma_start3A_80 = arith.constant 0 : i32
      %dma_start3A_81 = tpu.memref_slice %arg6[%add3A_20, %dma_start3A_80] : memref<10112x128xf32, #tpu.memory_space<vmem_shared>> -> memref<128x128xf32, #tpu.memory_space<vmem_shared>>
      %dma_start3A_82 = arith.constant 0 : i32
      %dma_start3A_83 = tpu.memref_slice %arg6[%add3A_20, %dma_start3A_82] : memref<10112x128xf32, #tpu.memory_space<vmem_shared>> -> memref<128x128xf32, #tpu.memory_space<vmem_shared>>
      tpu.enqueue_dma source(%arg11 : memref<128x128xf32, #tpu.memory_space<vmem>>) target(%dma_start3A_83 : memref<128x128xf32, #tpu.memory_space<vmem_shared>>) target_semaphore(%run_scoped3A : memref<!tpu.dma_semaphore, #tpu.memory_space<semaphore_mem>>)
      %dma_wait3A_84 = arith.constant 0 : i32
      %dma_wait3A_85 = tpu.memref_slice %arg6[%add3A_20, %dma_wait3A_84] : memref<10112x128xf32, #tpu.memory_space<vmem_shared>> -> memref<128x128xf32, #tpu.memory_space<vmem_shared>>
      %dma_wait3A_86 = arith.constant 0 : i32
      %dma_wait3A_87 = tpu.memref_slice %arg6[%add3A_20, %dma_wait3A_86] : memref<10112x128xf32, #tpu.memory_space<vmem_shared>> -> memref<128x128xf32, #tpu.memory_space<vmem_shared>>
      tpu.wait_dma2 semaphore(%run_scoped3A : memref<!tpu.dma_semaphore, #tpu.memory_space<semaphore_mem>>) src(%arg11 : memref<128x128xf32, #tpu.memory_space<vmem>>) dst(%dma_wait3A_87 : memref<128x128xf32, #tpu.memory_space<vmem_shared>>)
      tpu.yield
    }) : () -> ()
    %mul3A_21 = arith.constant 632 : i32
    %mul3A_22 = arith.muli %arg1, %mul3A_21 : i32
    %add3A_23 = arith.constant 632 : i32
    %add3A_24 = arith.addi %mul3A_22, %add3A_23 : i32
    %sub3A = arith.constant 120 : i32
    %sub3A_25 = arith.subi %add3A_24, %sub3A : i32
    "tpu.region"() ({
      %run_scoped3A = tpu.sem_alloc : memref<!tpu.dma_semaphore, #tpu.memory_space<semaphore_mem>>
      %dma_start3A_80 = arith.constant 0 : i32
      %dma_start3A_81 = arith.constant 0 : i32
      %dma_start3A_82 = tpu.memref_slice %arg11[%dma_start3A_80, %dma_start3A_81] : memref<128x128xf32, #tpu.memory_space<vmem>> -> memref<120x128xf32, #tpu.memory_space<vmem>>
      %dma_start3A_83 = arith.constant 0 : i32
      %dma_start3A_84 = tpu.memref_slice %arg6[%sub3A_25, %dma_start3A_83] : memref<10112x128xf32, #tpu.memory_space<vmem_shared>> -> memref<120x128xf32, #tpu.memory_space<vmem_shared>>
      %dma_start3A_85 = arith.constant 0 : i32
      %dma_start3A_86 = tpu.memref_slice %arg6[%sub3A_25, %dma_start3A_85] : memref<10112x128xf32, #tpu.memory_space<vmem_shared>> -> memref<120x128xf32, #tpu.memory_space<vmem_shared>>
      %dma_start3A_87 = arith.constant 0 : i32
      %dma_start3A_88 = arith.constant 0 : i32
      %dma_start3A_89 = tpu.memref_slice %arg11[%dma_start3A_87, %dma_start3A_88] : memref<128x128xf32, #tpu.memory_space<vmem>> -> memref<120x128xf32, #tpu.memory_space<vmem>>
      tpu.enqueue_dma source(%dma_start3A_89 : memref<120x128xf32, #tpu.memory_space<vmem>>) target(%dma_start3A_86 : memref<120x128xf32, #tpu.memory_space<vmem_shared>>) target_semaphore(%run_scoped3A : memref<!tpu.dma_semaphore, #tpu.memory_space<semaphore_mem>>)
      %dma_wait3A_90 = arith.constant 0 : i32
      %dma_wait3A_91 = arith.constant 0 : i32
      %dma_wait3A_92 = tpu.memref_slice %arg11[%dma_wait3A_90, %dma_wait3A_91] : memref<128x128xf32, #tpu.memory_space<vmem>> -> memref<120x128xf32, #tpu.memory_space<vmem>>
      %dma_wait3A_93 = arith.constant 0 : i32
      %dma_wait3A_94 = tpu.memref_slice %arg6[%sub3A_25, %dma_wait3A_93] : memref<10112x128xf32, #tpu.memory_space<vmem_shared>> -> memref<120x128xf32, #tpu.memory_space<vmem_shared>>
      %dma_wait3A_95 = arith.constant 0 : i32
      %dma_wait3A_96 = tpu.memref_slice %arg6[%sub3A_25, %dma_wait3A_95] : memref<10112x128xf32, #tpu.memory_space<vmem_shared>> -> memref<120x128xf32, #tpu.memory_space<vmem_shared>>
      %dma_wait3A_97 = arith.constant 0 : i32
      %dma_wait3A_98 = arith.constant 0 : i32
      %dma_wait3A_99 = tpu.memref_slice %arg11[%dma_wait3A_97, %dma_wait3A_98] : memref<128x128xf32, #tpu.memory_space<vmem>> -> memref<120x128xf32, #tpu.memory_space<vmem>>
      tpu.wait_dma2 semaphore(%run_scoped3A : memref<!tpu.dma_semaphore, #tpu.memory_space<semaphore_mem>>) src(%dma_wait3A_99 : memref<120x128xf32, #tpu.memory_space<vmem>>) dst(%dma_wait3A_96 : memref<120x128xf32, #tpu.memory_space<vmem_shared>>)
      tpu.yield
    }) : () -> ()
    %scan3A_26 = arith.constant 0 : i32
    %scan3A_27 = arith.constant 632 : i32
    %scan3A_28 = arith.addi %scan3A_26, %scan3A_27 : i32
    %scan3A_29 = arith.constant 1 : i32
    scf.for %scan3A_80 = %scan3A_26 to %scan3A_28 step %scan3A_29  : i32 {
      %mul3A_81 = arith.constant 1 : i32
      %mul3A_82 = arith.muli %scan3A_80, %mul3A_81 : i32
      %add3A_83 = arith.constant 0 : i32
      %add3A_84 = arith.addi %add3A_83, %mul3A_82 : i32
      %broadcast_in_dim3A = arith.constant 0.000000e+00 : f32
      %broadcast_in_dim3A_85 = vector.broadcast %broadcast_in_dim3A : f32 to vector<16xf32>
      %mul3A_86 = arith.constant 16 : i32
      %mul3A_87 = arith.muli %add3A_84, %mul3A_86 : i32
      %multiple_of3A = tpu.assume_multiple %mul3A_87, 16 : i32
      %swap3A = arith.index_cast %multiple_of3A : i32 to index
      %swap3A_88 = tpu.vector_load %arg7[%swap3A] {strides = array<i32>} : memref<10112xf32, #tpu.memory_space<vmem>>, vector<16xf32>,
      tpu.vector_store %arg7[%swap3A], %broadcast_in_dim3A_85 {strides = array<i32>} : memref<10112xf32, #tpu.memory_space<vmem>>, vector<16xf32>,
    }
    %scan3A_30 = arith.constant 632 : i32
    %barrier3A = arith.constant 0 : index
    tpu.barrier barrier_id(%barrier3A)
    %mul3A_31 = arith.constant 158 : i32
    %mul3A_32 = arith.muli %add3A, %mul3A_31 : i32
    %mul3A_33 = arith.constant 192 : i32
    %mul3A_34 = arith.muli %mul3A_32, %mul3A_33 : i32
    "tpu.region"() ({
      %run_scoped3A = tpu.sem_alloc : memref<!tpu.dma_semaphore, #tpu.memory_space<semaphore_mem>>
      %dma_start3A_80 = tpu.memref_slice %arg3[%mul3A_34] : memref<970752xi32, #tpu.memory_space<hbm>> -> memref<192xi32, #tpu.memory_space<hbm>>
      %dma_start3A_81 = tpu.memref_slice %arg3[%mul3A_34] : memref<970752xi32, #tpu.memory_space<hbm>> -> memref<192xi32, #tpu.memory_space<hbm>>
      tpu.enqueue_dma source(%dma_start3A_81 : memref<192xi32, #tpu.memory_space<hbm>>) target(%arg9 : memref<192xi32, #tpu.memory_space<vmem>>) target_semaphore(%run_scoped3A : memref<!tpu.dma_semaphore, #tpu.memory_space<semaphore_mem>>)
      %dma_wait3A_82 = tpu.memref_slice %arg3[%mul3A_34] : memref<970752xi32, #tpu.memory_space<hbm>> -> memref<192xi32, #tpu.memory_space<hbm>>
      %dma_wait3A_83 = tpu.memref_slice %arg3[%mul3A_34] : memref<970752xi32, #tpu.memory_space<hbm>> -> memref<192xi32, #tpu.memory_space<hbm>>
      tpu.wait_dma2 semaphore(%run_scoped3A : memref<!tpu.dma_semaphore, #tpu.memory_space<semaphore_mem>>) src(%dma_wait3A_83 : memref<192xi32, #tpu.memory_space<hbm>>) dst(%arg9 : memref<192xi32, #tpu.memory_space<vmem>>)
      tpu.yield
    }) : () -> ()
    %dma_start3A = arith.constant 0 : i32
    %dma_start3A_35 = tpu.memref_slice %arg9[%dma_start3A] : memref<192xi32, #tpu.memory_space<vmem>> -> memref<128xi32, #tpu.memory_space<vmem>>
    %dma_start3A_36 = arith.constant 0 : i32
    %dma_start3A_37 = arith.constant 0 : i32
    %dma_start3A_38 = tpu.memref_slice %arg2[%dma_start3A_36, %dma_start3A_37] : memref<10000x128xf32, #tpu.memory_space<hbm>> -> memref<10000x128xf32, #tpu.memory_space<hbm>>
    tpu.enqueue_indirect_dma source(%dma_start3A_38 : memref<10000x128xf32, #tpu.memory_space<hbm>>) target(%arg11 : memref<128x128xf32, #tpu.memory_space<vmem>>) offsets(%dma_start3A_35 : memref<128xi32, #tpu.memory_space<vmem>>) semaphore(%arg19 : memref<!tpu.dma_semaphore, #tpu.memory_space<semaphore_mem>>)
    %add3A_39 = arith.constant 1 : i32
    %add3A_40 = arith.addi %mul3A_32, %add3A_39 : i32
    %mul3A_41 = arith.constant 192 : i32
    %mul3A_42 = arith.muli %add3A_40, %mul3A_41 : i32
    %dma_start3A_43 = tpu.memref_slice %arg3[%mul3A_42] : memref<970752xi32, #tpu.memory_space<hbm>> -> memref<192xi32, #tpu.memory_space<hbm>>
    %dma_start3A_44 = tpu.memref_slice %arg3[%mul3A_42] : memref<970752xi32, #tpu.memory_space<hbm>> -> memref<192xi32, #tpu.memory_space<hbm>>
    tpu.enqueue_dma source(%dma_start3A_44 : memref<192xi32, #tpu.memory_space<hbm>>) target(%arg10 : memref<192xi32, #tpu.memory_space<vmem>>) target_semaphore(%arg18 : memref<!tpu.dma_semaphore, #tpu.memory_space<semaphore_mem>>)
    %scan3A_45 = arith.constant 0 : i32
    %scan3A_46 = arith.constant 79 : i32
    %scan3A_47 = arith.addi %scan3A_45, %scan3A_46 : i32
    %scan3A_48 = arith.constant 1 : i32
    scf.for %scan3A_80 = %scan3A_45 to %scan3A_47 step %scan3A_48  : i32 {
      %mul3A_81 = arith.constant 2 : i32
      %mul3A_82 = arith.muli %scan3A_80, %mul3A_81 : i32
      %add3A_83 = arith.constant 0 : i32
      %add3A_84 = arith.addi %add3A_83, %mul3A_82 : i32
      %add3A_85 = arith.constant 0 : i32
      %add3A_86 = arith.addi %add3A_84, %add3A_85 : i32
      %ge3A = arith.constant 1 : i32
      %ge3A_87 = arith.cmpi sge, %add3A_86, %ge3A : i32
      %convert_element_type3A = arith.extui %ge3A_87 : i1 to i32
      %cond3A = arith.constant 0 : i32
      %cond3A_88 = arith.cmpi ne, %convert_element_type3A, %cond3A : i32
      scf.if %cond3A_88 {
        %dma_wait3A_238 = arith.constant 0 : i32
        %dma_wait3A_239 = arith.constant 0 : i32
        %dma_wait3A_240 = tpu.memref_slice %arg12[%dma_wait3A_238, %dma_wait3A_239] : memref<128x128xf32, #tpu.memory_space<vmem>> -> memref<64x128xf32, #tpu.memory_space<vmem>>
        %dma_wait3A_241 = arith.constant 0 : i32
        %dma_wait3A_242 = arith.constant 0 : i32
        %dma_wait3A_243 = tpu.memref_slice %arg6[%dma_wait3A_241, %dma_wait3A_242] : memref<10112x128xf32, #tpu.memory_space<vmem_shared>> -> memref<10112x128xf32, #tpu.memory_space<vmem_shared>>
        tpu.wait_indirect_dma semaphore(%arg22 : memref<!tpu.dma_semaphore, #tpu.memory_space<semaphore_mem>>) src(%dma_wait3A_240 : memref<64x128xf32, #tpu.memory_space<vmem>>) dst(%dma_wait3A_243 : memref<10112x128xf32, #tpu.memory_space<vmem_shared>>)
        %dma_wait3A_244 = arith.constant 0 : i32
        %dma_wait3A_245 = arith.constant 0 : i32
        %dma_wait3A_246 = tpu.memref_slice %arg12[%dma_wait3A_244, %dma_wait3A_245] : memref<128x128xf32, #tpu.memory_space<vmem>> -> memref<64x128xf32, #tpu.memory_space<vmem>>
        %dma_wait3A_247 = arith.constant 0 : i32
        %dma_wait3A_248 = arith.constant 0 : i32
        %dma_wait3A_249 = tpu.memref_slice %arg6[%dma_wait3A_247, %dma_wait3A_248] : memref<10112x128xf32, #tpu.memory_space<vmem_shared>> -> memref<10112x128xf32, #tpu.memory_space<vmem_shared>>
        tpu.wait_indirect_dma semaphore(%arg22 : memref<!tpu.dma_semaphore, #tpu.memory_space<semaphore_mem>>) src(%dma_wait3A_246 : memref<64x128xf32, #tpu.memory_space<vmem>>) dst(%dma_wait3A_249 : memref<10112x128xf32, #tpu.memory_space<vmem_shared>>)
      } else {
      }
      %add3A_89 = arith.addi %mul3A_32, %add3A_86 : i32
      %add3A_90 = arith.constant 1 : i32
      %add3A_91 = arith.addi %add3A_89, %add3A_90 : i32
      %mul3A_92 = arith.constant 192 : i32
      %mul3A_93 = arith.muli %add3A_91, %mul3A_92 : i32
      %dma_wait3A_94 = tpu.memref_slice %arg3[%mul3A_93] : memref<970752xi32, #tpu.memory_space<hbm>> -> memref<192xi32, #tpu.memory_space<hbm>>
      %dma_wait3A_95 = tpu.memref_slice %arg3[%mul3A_93] : memref<970752xi32, #tpu.memory_space<hbm>> -> memref<192xi32, #tpu.memory_space<hbm>>
      tpu.wait_dma2 semaphore(%arg18 : memref<!tpu.dma_semaphore, #tpu.memory_space<semaphore_mem>>) src(%dma_wait3A_95 : memref<192xi32, #tpu.memory_space<hbm>>) dst(%arg10 : memref<192xi32, #tpu.memory_space<vmem>>)
      %dma_start3A_96 = arith.constant 0 : i32
      %dma_start3A_97 = tpu.memref_slice %arg10[%dma_start3A_96] : memref<192xi32, #tpu.memory_space<vmem>> -> memref<128xi32, #tpu.memory_space<vmem>>
      %dma_start3A_98 = arith.constant 0 : i32
      %dma_start3A_99 = arith.constant 0 : i32
      %dma_start3A_100 = tpu.memref_slice %arg2[%dma_start3A_98, %dma_start3A_99] : memref<10000x128xf32, #tpu.memory_space<hbm>> -> memref<10000x128xf32, #tpu.memory_space<hbm>>
      tpu.enqueue_indirect_dma source(%dma_start3A_100 : memref<10000x128xf32, #tpu.memory_space<hbm>>) target(%arg12 : memref<128x128xf32, #tpu.memory_space<vmem>>) offsets(%dma_start3A_97 : memref<128xi32, #tpu.memory_space<vmem>>) semaphore(%arg20 : memref<!tpu.dma_semaphore, #tpu.memory_space<semaphore_mem>>)
      %dma_wait3A_101 = arith.constant 0 : i32
      %dma_wait3A_102 = tpu.memref_slice %arg9[%dma_wait3A_101] : memref<192xi32, #tpu.memory_space<vmem>> -> memref<128xi32, #tpu.memory_space<vmem>>
      %dma_wait3A_103 = arith.constant 0 : i32
      %dma_wait3A_104 = arith.constant 0 : i32
      %dma_wait3A_105 = tpu.memref_slice %arg2[%dma_wait3A_103, %dma_wait3A_104] : memref<10000x128xf32, #tpu.memory_space<hbm>> -> memref<10000x128xf32, #tpu.memory_space<hbm>>
      tpu.wait_indirect_dma semaphore(%arg19 : memref<!tpu.dma_semaphore, #tpu.memory_space<semaphore_mem>>) src(%dma_wait3A_105 : memref<10000x128xf32, #tpu.memory_space<hbm>>) dst(%arg11 : memref<128x128xf32, #tpu.memory_space<vmem>>)
      %scan3A_106 = arith.constant 0 : i32
      %scan3A_107 = arith.constant 4 : i32
      %scan3A_108 = arith.addi %scan3A_106, %scan3A_107 : i32
      %scan3A_109 = arith.constant 1 : i32
      scf.for %scan3A_238 = %scan3A_106 to %scan3A_108 step %scan3A_109  : i32 {
        %mul3A_239 = arith.constant 1 : i32
        %mul3A_240 = arith.muli %scan3A_238, %mul3A_239 : i32
        %add3A_241 = arith.constant 0 : i32
        %add3A_242 = arith.addi %add3A_241, %mul3A_240 : i32
        %mul3A_243 = arith.constant 16 : i32
        %mul3A_244 = arith.muli %add3A_242, %mul3A_243 : i32
        %multiple_of3A_245 = tpu.assume_multiple %mul3A_244, 16 : i32
        %mul3A_246 = arith.constant 16 : i32
        %mul3A_247 = arith.muli %add3A_242, %mul3A_246 : i32
        %add3A_248 = arith.constant 128 : i32
        %add3A_249 = arith.addi %add3A_248, %mul3A_247 : i32
        %multiple_of3A_250 = tpu.assume_multiple %add3A_249, 16 : i32
        %get3A_251 = arith.index_cast %multiple_of3A_250 : i32 to index
        %get3A_252 = tpu.vector_load %arg9[%get3A_251] {strides = array<i32>} : memref<192xi32, #tpu.memory_space<vmem>>, vector<16xi32>,
        %bitcast3A = vector.bitcast %get3A_252 : vector<16xi32> to vector<16xf32>
        %sub3A_253 = arith.constant 1.000000e+01 : f32
        %sub3A_254 = vector.broadcast %sub3A_253 : f32 to vector<16xf32>
        %sub3A_255 = arith.subf %bitcast3A, %sub3A_254 : vector<16xf32>
        %exp3A = math.exp %sub3A_255 : vector<16xf32>
        %swap3A_256 = arith.constant 0 : index
        %swap3A_257 = tpu.vector_load %arg8[%swap3A_256] {strides = array<i32>} : memref<16xf32, #tpu.memory_space<vmem>>, vector<16xf32>,
        tpu.vector_store %arg8[%swap3A_256], %exp3A {strides = array<i32>} : memref<16xf32, #tpu.memory_space<vmem>>, vector<16xf32>,
        %get3A_258 = arith.index_cast %multiple_of3A_245 : i32 to index
        %get3A_259 = tpu.vector_load %arg9[%get3A_258] {strides = array<i32>} : memref<192xi32, #tpu.memory_space<vmem>>, vector<16xi32>,
        %mul3A_260 = arith.constant 16 : i32
        %mul3A_261 = arith.muli %add3A_242, %mul3A_260 : i32
        %add3A_262 = arith.constant 64 : i32
        %add3A_263 = arith.addi %add3A_262, %mul3A_261 : i32
        %multiple_of3A_264 = tpu.assume_multiple %add3A_263, 16 : i32
        %get3A_265 = arith.index_cast %multiple_of3A_264 : i32 to index
        %get3A_266 = tpu.vector_load %arg9[%get3A_265] {strides = array<i32>} : memref<192xi32, #tpu.memory_space<vmem>>, vector<16xi32>,
        tpu.vector_store_idx %arg7[%get3A_259], %exp3A {add = true} : memref<10112xf32, #tpu.memory_space<vmem>>[vector<16xi32>], vector<16xf32>,
        tpu.vector_store_idx %arg7[%get3A_266], %exp3A {add = true} : memref<10112xf32, #tpu.memory_space<vmem>>[vector<16xi32>], vector<16xf32>,
        %mul3A_267 = arith.constant 16 : i32
        %mul3A_268 = arith.muli %add3A_242, %mul3A_267 : i32
        %add3A_269 = arith.constant 0 : i32
        %add3A_270 = arith.addi %mul3A_268, %add3A_269 : i32
        %broadcast_in_dim3A = arith.constant 0 : i32
        %broadcast_in_dim3A_271 = vector.broadcast %broadcast_in_dim3A : i32 to vector<16xi32>
        %gather3A = tpu.vector_load_idx %arg8[%broadcast_in_dim3A_271] : memref<16xf32, #tpu.memory_space<vmem>>[vector<16xi32>], vector<16xf32>,
        %get3A_272 = arith.index_cast %add3A_270 : i32 to index
        %get3A_273 = arith.constant 0 : index
        %get3A_274 = tpu.vector_load %arg11[%get3A_272, %get3A_273] {strides = array<i32>} : memref<128x128xf32, #tpu.memory_space<vmem>>, vector<16xf32>,
        %mul3A_275 = arith.mulf %gather3A, %get3A_274 : vector<16xf32>
        %add3A_276 = arith.constant 64 : i32
        %add3A_277 = arith.addi %add3A_276, %add3A_270 : i32
        %get3A_278 = arith.index_cast %add3A_277 : i32 to index
        %get3A_279 = arith.constant 0 : index
        %get3A_280 = tpu.vector_load %arg11[%get3A_278, %get3A_279] {strides = array<i32>} : memref<128x128xf32, #tpu.memory_space<vmem>>, vector<16xf32>,
        %mul3A_281 = arith.mulf %mul3A_275, %get3A_280 : vector<16xf32>
        %swap3A_282 = arith.index_cast %add3A_270 : i32 to index
        %swap3A_283 = arith.constant 0 : index
        %swap3A_284 = tpu.vector_load %arg11[%swap3A_282, %swap3A_283] {strides = array<i32>} : memref<128x128xf32, #tpu.memory_space<vmem>>, vector<16xf32>,
        tpu.vector_store %arg11[%swap3A_282, %swap3A_283], %mul3A_281 {strides = array<i32>} : memref<128x128xf32, #tpu.memory_space<vmem>>, vector<16xf32>,
        %get3A_285 = arith.index_cast %add3A_270 : i32 to index
        %get3A_286 = arith.constant 16 : index
        %get3A_287 = tpu.vector_load %arg11[%get3A_285, %get3A_286] {strides = array<i32>} : memref<128x128xf32, #tpu.memory_space<vmem>>, vector<16xf32>,
        %mul3A_288 = arith.mulf %gather3A, %get3A_287 : vector<16xf32>
        %add3A_289 = arith.constant 64 : i32
        %add3A_290 = arith.addi %add3A_289, %add3A_270 : i32
        %get3A_291 = arith.index_cast %add3A_290 : i32 to index
        %get3A_292 = arith.constant 16 : index
        %get3A_293 = tpu.vector_load %arg11[%get3A_291, %get3A_292] {strides = array<i32>} : memref<128x128xf32, #tpu.memory_space<vmem>>, vector<16xf32>,
        %mul3A_294 = arith.mulf %mul3A_288, %get3A_293 : vector<16xf32>
        %swap3A_295 = arith.index_cast %add3A_270 : i32 to index
        %swap3A_296 = arith.constant 16 : index
        %swap3A_297 = tpu.vector_load %arg11[%swap3A_295, %swap3A_296] {strides = array<i32>} : memref<128x128xf32, #tpu.memory_space<vmem>>, vector<16xf32>,
        tpu.vector_store %arg11[%swap3A_295, %swap3A_296], %mul3A_294 {strides = array<i32>} : memref<128x128xf32, #tpu.memory_space<vmem>>, vector<16xf32>,
        %get3A_298 = arith.index_cast %add3A_270 : i32 to index
        %get3A_299 = arith.constant 32 : index
        %get3A_300 = tpu.vector_load %arg11[%get3A_298, %get3A_299] {strides = array<i32>} : memref<128x128xf32, #tpu.memory_space<vmem>>, vector<16xf32>,
        %mul3A_301 = arith.mulf %gather3A, %get3A_300 : vector<16xf32>
        %add3A_302 = arith.constant 64 : i32
        %add3A_303 = arith.addi %add3A_302, %add3A_270 : i32
        %get3A_304 = arith.index_cast %add3A_303 : i32 to index
        %get3A_305 = arith.constant 32 : index
        %get3A_306 = tpu.vector_load %arg11[%get3A_304, %get3A_305] {strides = array<i32>} : memref<128x128xf32, #tpu.memory_space<vmem>>, vector<16xf32>,
        %mul3A_307 = arith.mulf %mul3A_301, %get3A_306 : vector<16xf32>
        %swap3A_308 = arith.index_cast %add3A_270 : i32 to index
        %swap3A_309 = arith.constant 32 : index
        %swap3A_310 = tpu.vector_load %arg11[%swap3A_308, %swap3A_309] {strides = array<i32>} : memref<128x128xf32, #tpu.memory_space<vmem>>, vector<16xf32>,
        tpu.vector_store %arg11[%swap3A_308, %swap3A_309], %mul3A_307 {strides = array<i32>} : memref<128x128xf32, #tpu.memory_space<vmem>>, vector<16xf32>,
        %get3A_311 = arith.index_cast %add3A_270 : i32 to index
        %get3A_312 = arith.constant 48 : index
        %get3A_313 = tpu.vector_load %arg11[%get3A_311, %get3A_312] {strides = array<i32>} : memref<128x128xf32, #tpu.memory_space<vmem>>, vector<16xf32>,
        %mul3A_314 = arith.mulf %gather3A, %get3A_313 : vector<16xf32>
        %add3A_315 = arith.constant 64 : i32
        %add3A_316 = arith.addi %add3A_315, %add3A_270 : i32
        %get3A_317 = arith.index_cast %add3A_316 : i32 to index
        %get3A_318 = arith.constant 48 : index
        %get3A_319 = tpu.vector_load %arg11[%get3A_317, %get3A_318] {strides = array<i32>} : memref<128x128xf32, #tpu.memory_space<vmem>>, vector<16xf32>,
        %mul3A_320 = arith.mulf %mul3A_314, %get3A_319 : vector<16xf32>
        %swap3A_321 = arith.index_cast %add3A_270 : i32 to index
        %swap3A_322 = arith.constant 48 : index
        %swap3A_323 = tpu.vector_load %arg11[%swap3A_321, %swap3A_322] {strides = array<i32>} : memref<128x128xf32, #tpu.memory_space<vmem>>, vector<16xf32>,
        tpu.vector_store %arg11[%swap3A_321, %swap3A_322], %mul3A_320 {strides = array<i32>} : memref<128x128xf32, #tpu.memory_space<vmem>>, vector<16xf32>,
        %get3A_324 = arith.index_cast %add3A_270 : i32 to index
        %get3A_325 = arith.constant 64 : index
        %get3A_326 = tpu.vector_load %arg11[%get3A_324, %get3A_325] {strides = array<i32>} : memref<128x128xf32, #tpu.memory_space<vmem>>, vector<16xf32>,
        %mul3A_327 = arith.mulf %gather3A, %get3A_326 : vector<16xf32>
        %add3A_328 = arith.constant 64 : i32
        %add3A_329 = arith.addi %add3A_328, %add3A_270 : i32
        %get3A_330 = arith.index_cast %add3A_329 : i32 to index
        %get3A_331 = arith.constant 64 : index
        %get3A_332 = tpu.vector_load %arg11[%get3A_330, %get3A_331] {strides = array<i32>} : memref<128x128xf32, #tpu.memory_space<vmem>>, vector<16xf32>,
        %mul3A_333 = arith.mulf %mul3A_327, %get3A_332 : vector<16xf32>
        %swap3A_334 = arith.index_cast %add3A_270 : i32 to index
        %swap3A_335 = arith.constant 64 : index
        %swap3A_336 = tpu.vector_load %arg11[%swap3A_334, %swap3A_335] {strides = array<i32>} : memref<128x128xf32, #tpu.memory_space<vmem>>, vector<16xf32>,
        tpu.vector_store %arg11[%swap3A_334, %swap3A_335], %mul3A_333 {strides = array<i32>} : memref<128x128xf32, #tpu.memory_space<vmem>>, vector<16xf32>,
        %get3A_337 = arith.index_cast %add3A_270 : i32 to index
        %get3A_338 = arith.constant 80 : index
        %get3A_339 = tpu.vector_load %arg11[%get3A_337, %get3A_338] {strides = array<i32>} : memref<128x128xf32, #tpu.memory_space<vmem>>, vector<16xf32>,
        %mul3A_340 = arith.mulf %gather3A, %get3A_339 : vector<16xf32>
        %add3A_341 = arith.constant 64 : i32
        %add3A_342 = arith.addi %add3A_341, %add3A_270 : i32
        %get3A_343 = arith.index_cast %add3A_342 : i32 to index
        %get3A_344 = arith.constant 80 : index
        %get3A_345 = tpu.vector_load %arg11[%get3A_343, %get3A_344] {strides = array<i32>} : memref<128x128xf32, #tpu.memory_space<vmem>>, vector<16xf32>,
        %mul3A_346 = arith.mulf %mul3A_340, %get3A_345 : vector<16xf32>
        %swap3A_347 = arith.index_cast %add3A_270 : i32 to index
        %swap3A_348 = arith.constant 80 : index
        %swap3A_349 = tpu.vector_load %arg11[%swap3A_347, %swap3A_348] {strides = array<i32>} : memref<128x128xf32, #tpu.memory_space<vmem>>, vector<16xf32>,
        tpu.vector_store %arg11[%swap3A_347, %swap3A_348], %mul3A_346 {strides = array<i32>} : memref<128x128xf32, #tpu.memory_space<vmem>>, vector<16xf32>,
        %get3A_350 = arith.index_cast %add3A_270 : i32 to index
        %get3A_351 = arith.constant 96 : index
        %get3A_352 = tpu.vector_load %arg11[%get3A_350, %get3A_351] {strides = array<i32>} : memref<128x128xf32, #tpu.memory_space<vmem>>, vector<16xf32>,
        %mul3A_353 = arith.mulf %gather3A, %get3A_352 : vector<16xf32>
        %add3A_354 = arith.constant 64 : i32
        %add3A_355 = arith.addi %add3A_354, %add3A_270 : i32
        %get3A_356 = arith.index_cast %add3A_355 : i32 to index
        %get3A_357 = arith.constant 96 : index
        %get3A_358 = tpu.vector_load %arg11[%get3A_356, %get3A_357] {strides = array<i32>} : memref<128x128xf32, #tpu.memory_space<vmem>>, vector<16xf32>,
        %mul3A_359 = arith.mulf %mul3A_353, %get3A_358 : vector<16xf32>
        %swap3A_360 = arith.index_cast %add3A_270 : i32 to index
        %swap3A_361 = arith.constant 96 : index
        %swap3A_362 = tpu.vector_load %arg11[%swap3A_360, %swap3A_361] {strides = array<i32>} : memref<128x128xf32, #tpu.memory_space<vmem>>, vector<16xf32>,
        tpu.vector_store %arg11[%swap3A_360, %swap3A_361], %mul3A_359 {strides = array<i32>} : memref<128x128xf32, #tpu.memory_space<vmem>>, vector<16xf32>,
        %get3A_363 = arith.index_cast %add3A_270 : i32 to index
        %get3A_364 = arith.constant 112 : index
        %get3A_365 = tpu.vector_load %arg11[%get3A_363, %get3A_364] {strides = array<i32>} : memref<128x128xf32, #tpu.memory_space<vmem>>, vector<16xf32>,
        %mul3A_366 = arith.mulf %gather3A, %get3A_365 : vector<16xf32>
        %add3A_367 = arith.constant 64 : i32
        %add3A_368 = arith.addi %add3A_367, %add3A_270 : i32
        %get3A_369 = arith.index_cast %add3A_368 : i32 to index
        %get3A_370 = arith.constant 112 : index
        %get3A_371 = tpu.vector_load %arg11[%get3A_369, %get3A_370] {strides = array<i32>} : memref<128x128xf32, #tpu.memory_space<vmem>>, vector<16xf32>,
        %mul3A_372 = arith.mulf %mul3A_366, %get3A_371 : vector<16xf32>
        %swap3A_373 = arith.index_cast %add3A_270 : i32 to index
        %swap3A_374 = arith.constant 112 : index
        %swap3A_375 = tpu.vector_load %arg11[%swap3A_373, %swap3A_374] {strides = array<i32>} : memref<128x128xf32, #tpu.memory_space<vmem>>, vector<16xf32>,
        tpu.vector_store %arg11[%swap3A_373, %swap3A_374], %mul3A_372 {strides = array<i32>} : memref<128x128xf32, #tpu.memory_space<vmem>>, vector<16xf32>,
        %mul3A_376 = arith.constant 16 : i32
        %mul3A_377 = arith.muli %add3A_242, %mul3A_376 : i32
        %add3A_378 = arith.constant 1 : i32
        %add3A_379 = arith.addi %mul3A_377, %add3A_378 : i32
        %broadcast_in_dim3A_380 = arith.constant 1 : i32
        %broadcast_in_dim3A_381 = vector.broadcast %broadcast_in_dim3A_380 : i32 to vector<16xi32>
        %gather3A_382 = tpu.vector_load_idx %arg8[%broadcast_in_dim3A_381] : memref<16xf32, #tpu.memory_space<vmem>>[vector<16xi32>], vector<16xf32>,
        %get3A_383 = arith.index_cast %add3A_379 : i32 to index
        %get3A_384 = arith.constant 0 : index
        %get3A_385 = tpu.vector_load %arg11[%get3A_383, %get3A_384] {strides = array<i32>} : memref<128x128xf32, #tpu.memory_space<vmem>>, vector<16xf32>,
        %mul3A_386 = arith.mulf %gather3A_382, %get3A_385 : vector<16xf32>
        %add3A_387 = arith.constant 64 : i32
        %add3A_388 = arith.addi %add3A_387, %add3A_379 : i32
        %get3A_389 = arith.index_cast %add3A_388 : i32 to index
        %get3A_390 = arith.constant 0 : index
        %get3A_391 = tpu.vector_load %arg11[%get3A_389, %get3A_390] {strides = array<i32>} : memref<128x128xf32, #tpu.memory_space<vmem>>, vector<16xf32>,
        %mul3A_392 = arith.mulf %mul3A_386, %get3A_391 : vector<16xf32>
        %swap3A_393 = arith.index_cast %add3A_379 : i32 to index
        %swap3A_394 = arith.constant 0 : index
        %swap3A_395 = tpu.vector_load %arg11[%swap3A_393, %swap3A_394] {strides = array<i32>} : memref<128x128xf32, #tpu.memory_space<vmem>>, vector<16xf32>,
        tpu.vector_store %arg11[%swap3A_393, %swap3A_394], %mul3A_392 {strides = array<i32>} : memref<128x128xf32, #tpu.memory_space<vmem>>, vector<16xf32>,
        %get3A_396 = arith.index_cast %add3A_379 : i32 to index
        %get3A_397 = arith.constant 16 : index
        %get3A_398 = tpu.vector_load %arg11[%get3A_396, %get3A_397] {strides = array<i32>} : memref<128x128xf32, #tpu.memory_space<vmem>>, vector<16xf32>,
        %mul3A_399 = arith.mulf %gather3A_382, %get3A_398 : vector<16xf32>
        %add3A_400 = arith.constant 64 : i32
        %add3A_401 = arith.addi %add3A_400, %add3A_379 : i32
        %get3A_402 = arith.index_cast %add3A_401 : i32 to index
        %get3A_403 = arith.constant 16 : index
        %get3A_404 = tpu.vector_load %arg11[%get3A_402, %get3A_403] {strides = array<i32>} : memref<128x128xf32, #tpu.memory_space<vmem>>, vector<16xf32>,
        %mul3A_405 = arith.mulf %mul3A_399, %get3A_404 : vector<16xf32>
        %swap3A_406 = arith.index_cast %add3A_379 : i32 to index
        %swap3A_407 = arith.constant 16 : index
        %swap3A_408 = tpu.vector_load %arg11[%swap3A_406, %swap3A_407] {strides = array<i32>} : memref<128x128xf32, #tpu.memory_space<vmem>>, vector<16xf32>,
        tpu.vector_store %arg11[%swap3A_406, %swap3A_407], %mul3A_405 {strides = array<i32>} : memref<128x128xf32, #tpu.memory_space<vmem>>, vector<16xf32>,
        %get3A_409 = arith.index_cast %add3A_379 : i32 to index
        %get3A_410 = arith.constant 32 : index
        %get3A_411 = tpu.vector_load %arg11[%get3A_409, %get3A_410] {strides = array<i32>} : memref<128x128xf32, #tpu.memory_space<vmem>>, vector<16xf32>,
        %mul3A_412 = arith.mulf %gather3A_382, %get3A_411 : vector<16xf32>
        %add3A_413 = arith.constant 64 : i32
        %add3A_414 = arith.addi %add3A_413, %add3A_379 : i32
        %get3A_415 = arith.index_cast %add3A_414 : i32 to index
        %get3A_416 = arith.constant 32 : index
        %get3A_417 = tpu.vector_load %arg11[%get3A_415, %get3A_416] {strides = array<i32>} : memref<128x128xf32, #tpu.memory_space<vmem>>, vector<16xf32>,
        %mul3A_418 = arith.mulf %mul3A_412, %get3A_417 : vector<16xf32>
        %swap3A_419 = arith.index_cast %add3A_379 : i32 to index
        %swap3A_420 = arith.constant 32 : index
        %swap3A_421 = tpu.vector_load %arg11[%swap3A_419, %swap3A_420] {strides = array<i32>} : memref<128x128xf32, #tpu.memory_space<vmem>>, vector<16xf32>,
        tpu.vector_store %arg11[%swap3A_419, %swap3A_420], %mul3A_418 {strides = array<i32>} : memref<128x128xf32, #tpu.memory_space<vmem>>, vector<16xf32>,
        %get3A_422 = arith.index_cast %add3A_379 : i32 to index
        %get3A_423 = arith.constant 48 : index
        %get3A_424 = tpu.vector_load %arg11[%get3A_422, %get3A_423] {strides = array<i32>} : memref<128x128xf32, #tpu.memory_space<vmem>>, vector<16xf32>,
        %mul3A_425 = arith.mulf %gather3A_382, %get3A_424 : vector<16xf32>
        %add3A_426 = arith.constant 64 : i32
        %add3A_427 = arith.addi %add3A_426, %add3A_379 : i32
        %get3A_428 = arith.index_cast %add3A_427 : i32 to index
        %get3A_429 = arith.constant 48 : index
        %get3A_430 = tpu.vector_load %arg11[%get3A_428, %get3A_429] {strides = array<i32>} : memref<128x128xf32, #tpu.memory_space<vmem>>, vector<16xf32>,
        %mul3A_431 = arith.mulf %mul3A_425, %get3A_430 : vector<16xf32>
        %swap3A_432 = arith.index_cast %add3A_379 : i32 to index
        %swap3A_433 = arith.constant 48 : index
        %swap3A_434 = tpu.vector_load %arg11[%swap3A_432, %swap3A_433] {strides = array<i32>} : memref<128x128xf32, #tpu.memory_space<vmem>>, vector<16xf32>,
        tpu.vector_store %arg11[%swap3A_432, %swap3A_433], %mul3A_431 {strides = array<i32>} : memref<128x128xf32, #tpu.memory_space<vmem>>, vector<16xf32>,
        %get3A_435 = arith.index_cast %add3A_379 : i32 to index
        %get3A_436 = arith.constant 64 : index
        %get3A_437 = tpu.vector_load %arg11[%get3A_435, %get3A_436] {strides = array<i32>} : memref<128x128xf32, #tpu.memory_space<vmem>>, vector<16xf32>,
        %mul3A_438 = arith.mulf %gather3A_382, %get3A_437 : vector<16xf32>
        %add3A_439 = arith.constant 64 : i32
        %add3A_440 = arith.addi %add3A_439, %add3A_379 : i32
        %get3A_441 = arith.index_cast %add3A_440 : i32 to index
        %get3A_442 = arith.constant 64 : index
        %get3A_443 = tpu.vector_load %arg11[%get3A_441, %get3A_442] {strides = array<i32>} : memref<128x128xf32, #tpu.memory_space<vmem>>, vector<16xf32>,
        %mul3A_444 = arith.mulf %mul3A_438, %get3A_443 : vector<16xf32>
        %swap3A_445 = arith.index_cast %add3A_379 : i32 to index
        %swap3A_446 = arith.constant 64 : index
        %swap3A_447 = tpu.vector_load %arg11[%swap3A_445, %swap3A_446] {strides = array<i32>} : memref<128x128xf32, #tpu.memory_space<vmem>>, vector<16xf32>,
        tpu.vector_store %arg11[%swap3A_445, %swap3A_446], %mul3A_444 {strides = array<i32>} : memref<128x128xf32, #tpu.memory_space<vmem>>, vector<16xf32>,
        %get3A_448 = arith.index_cast %add3A_379 : i32 to index
        %get3A_449 = arith.constant 80 : index
        %get3A_450 = tpu.vector_load %arg11[%get3A_448, %get3A_449] {strides = array<i32>} : memref<128x128xf32, #tpu.memory_space<vmem>>, vector<16xf32>,
        %mul3A_451 = arith.mulf %gather3A_382, %get3A_450 : vector<16xf32>
        %add3A_452 = arith.constant 64 : i32
        %add3A_453 = arith.addi %add3A_452, %add3A_379 : i32
        %get3A_454 = arith.index_cast %add3A_453 : i32 to index
        %get3A_455 = arith.constant 80 : index
        %get3A_456 = tpu.vector_load %arg11[%get3A_454, %get3A_455] {strides = array<i32>} : memref<128x128xf32, #tpu.memory_space<vmem>>, vector<16xf32>,
        %mul3A_457 = arith.mulf %mul3A_451, %get3A_456 : vector<16xf32>
        %swap3A_458 = arith.index_cast %add3A_379 : i32 to index
        %swap3A_459 = arith.constant 80 : index
        %swap3A_460 = tpu.vector_load %arg11[%swap3A_458, %swap3A_459] {strides = array<i32>} : memref<128x128xf32, #tpu.memory_space<vmem>>, vector<16xf32>,
        tpu.vector_store %arg11[%swap3A_458, %swap3A_459], %mul3A_457 {strides = array<i32>} : memref<128x128xf32, #tpu.memory_space<vmem>>, vector<16xf32>,
        %get3A_461 = arith.index_cast %add3A_379 : i32 to index
        %get3A_462 = arith.constant 96 : index
        %get3A_463 = tpu.vector_load %arg11[%get3A_461, %get3A_462] {strides = array<i32>} : memref<128x128xf32, #tpu.memory_space<vmem>>, vector<16xf32>,
        %mul3A_464 = arith.mulf %gather3A_382, %get3A_463 : vector<16xf32>
        %add3A_465 = arith.constant 64 : i32
        %add3A_466 = arith.addi %add3A_465, %add3A_379 : i32
        %get3A_467 = arith.index_cast %add3A_466 : i32 to index
        %get3A_468 = arith.constant 96 : index
        %get3A_469 = tpu.vector_load %arg11[%get3A_467, %get3A_468] {strides = array<i32>} : memref<128x128xf32, #tpu.memory_space<vmem>>, vector<16xf32>,
        %mul3A_470 = arith.mulf %mul3A_464, %get3A_469 : vector<16xf32>
        %swap3A_471 = arith.index_cast %add3A_379 : i32 to index
        %swap3A_472 = arith.constant 96 : index
        %swap3A_473 = tpu.vector_load %arg11[%swap3A_471, %swap3A_472] {strides = array<i32>} : memref<128x128xf32, #tpu.memory_space<vmem>>, vector<16xf32>,
        tpu.vector_store %arg11[%swap3A_471, %swap3A_472], %mul3A_470 {strides = array<i32>} : memref<128x128xf32, #tpu.memory_space<vmem>>, vector<16xf32>,
        %get3A_474 = arith.index_cast %add3A_379 : i32 to index
        %get3A_475 = arith.constant 112 : index
        %get3A_476 = tpu.vector_load %arg11[%get3A_474, %get3A_475] {strides = array<i32>} : memref<128x128xf32, #tpu.memory_space<vmem>>, vector<16xf32>,
        %mul3A_477 = arith.mulf %gather3A_382, %get3A_476 : vector<16xf32>
        %add3A_478 = arith.constant 64 : i32
        %add3A_479 = arith.addi %add3A_478, %add3A_379 : i32
        %get3A_480 = arith.index_cast %add3A_479 : i32 to index
        %get3A_481 = arith.constant 112 : index
        %get3A_482 = tpu.vector_load %arg11[%get3A_480, %get3A_481] {strides = array<i32>} : memref<128x128xf32, #tpu.memory_space<vmem>>, vector<16xf32>,
        %mul3A_483 = arith.mulf %mul3A_477, %get3A_482 : vector<16xf32>
        %swap3A_484 = arith.index_cast %add3A_379 : i32 to index
        %swap3A_485 = arith.constant 112 : index
        %swap3A_486 = tpu.vector_load %arg11[%swap3A_484, %swap3A_485] {strides = array<i32>} : memref<128x128xf32, #tpu.memory_space<vmem>>, vector<16xf32>,
        tpu.vector_store %arg11[%swap3A_484, %swap3A_485], %mul3A_483 {strides = array<i32>} : memref<128x128xf32, #tpu.memory_space<vmem>>, vector<16xf32>,
        %mul3A_487 = arith.constant 16 : i32
        %mul3A_488 = arith.muli %add3A_242, %mul3A_487 : i32
        %add3A_489 = arith.constant 2 : i32
        %add3A_490 = arith.addi %mul3A_488, %add3A_489 : i32
        %broadcast_in_dim3A_491 = arith.constant 2 : i32
        %broadcast_in_dim3A_492 = vector.broadcast %broadcast_in_dim3A_491 : i32 to vector<16xi32>
        %gather3A_493 = tpu.vector_load_idx %arg8[%broadcast_in_dim3A_492] : memref<16xf32, #tpu.memory_space<vmem>>[vector<16xi32>], vector<16xf32>,
        %get3A_494 = arith.index_cast %add3A_490 : i32 to index
        %get3A_495 = arith.constant 0 : index
        %get3A_496 = tpu.vector_load %arg11[%get3A_494, %get3A_495] {strides = array<i32>} : memref<128x128xf32, #tpu.memory_space<vmem>>, vector<16xf32>,
        %mul3A_497 = arith.mulf %gather3A_493, %get3A_496 : vector<16xf32>
        %add3A_498 = arith.constant 64 : i32
        %add3A_499 = arith.addi %add3A_498, %add3A_490 : i32
        %get3A_500 = arith.index_cast %add3A_499 : i32 to index
        %get3A_501 = arith.constant 0 : index
        %get3A_502 = tpu.vector_load %arg11[%get3A_500, %get3A_501] {strides = array<i32>} : memref<128x128xf32, #tpu.memory_space<vmem>>, vector<16xf32>,
        %mul3A_503 = arith.mulf %mul3A_497, %get3A_502 : vector<16xf32>
        %swap3A_504 = arith.index_cast %add3A_490 : i32 to index
        %swap3A_505 = arith.constant 0 : index
        %swap3A_506 = tpu.vector_load %arg11[%swap3A_504, %swap3A_505] {strides = array<i32>} : memref<128x128xf32, #tpu.memory_space<vmem>>, vector<16xf32>,
        tpu.vector_store %arg11[%swap3A_504, %swap3A_505], %mul3A_503 {strides = array<i32>} : memref<128x128xf32, #tpu.memory_space<vmem>>, vector<16xf32>,
        %get3A_507 = arith.index_cast %add3A_490 : i32 to index
        %get3A_508 = arith.constant 16 : index
        %get3A_509 = tpu.vector_load %arg11[%get3A_507, %get3A_508] {strides = array<i32>} : memref<128x128xf32, #tpu.memory_space<vmem>>, vector<16xf32>,
        %mul3A_510 = arith.mulf %gather3A_493, %get3A_509 : vector<16xf32>
        %add3A_511 = arith.constant 64 : i32
        %add3A_512 = arith.addi %add3A_511, %add3A_490 : i32
        %get3A_513 = arith.index_cast %add3A_512 : i32 to index
        %get3A_514 = arith.constant 16 : index
        %get3A_515 = tpu.vector_load %arg11[%get3A_513, %get3A_514] {strides = array<i32>} : memref<128x128xf32, #tpu.memory_space<vmem>>, vector<16xf32>,
        %mul3A_516 = arith.mulf %mul3A_510, %get3A_515 : vector<16xf32>
        %swap3A_517 = arith.index_cast %add3A_490 : i32 to index
        %swap3A_518 = arith.constant 16 : index
        %swap3A_519 = tpu.vector_load %arg11[%swap3A_517, %swap3A_518] {strides = array<i32>} : memref<128x128xf32, #tpu.memory_space<vmem>>, vector<16xf32>,
        tpu.vector_store %arg11[%swap3A_517, %swap3A_518], %mul3A_516 {strides = array<i32>} : memref<128x128xf32, #tpu.memory_space<vmem>>, vector<16xf32>,
        %get3A_520 = arith.index_cast %add3A_490 : i32 to index
        %get3A_521 = arith.constant 32 : index
        %get3A_522 = tpu.vector_load %arg11[%get3A_520, %get3A_521] {strides = array<i32>} : memref<128x128xf32, #tpu.memory_space<vmem>>, vector<16xf32>,
        %mul3A_523 = arith.mulf %gather3A_493, %get3A_522 : vector<16xf32>
        %add3A_524 = arith.constant 64 : i32
        %add3A_525 = arith.addi %add3A_524, %add3A_490 : i32
        %get3A_526 = arith.index_cast %add3A_525 : i32 to index
        %get3A_527 = arith.constant 32 : index
        %get3A_528 = tpu.vector_load %arg11[%get3A_526, %get3A_527] {strides = array<i32>} : memref<128x128xf32, #tpu.memory_space<vmem>>, vector<16xf32>,
        %mul3A_529 = arith.mulf %mul3A_523, %get3A_528 : vector<16xf32>
        %swap3A_530 = arith.index_cast %add3A_490 : i32 to index
        %swap3A_531 = arith.constant 32 : index
        %swap3A_532 = tpu.vector_load %arg11[%swap3A_530, %swap3A_531] {strides = array<i32>} : memref<128x128xf32, #tpu.memory_space<vmem>>, vector<16xf32>,
        tpu.vector_store %arg11[%swap3A_530, %swap3A_531], %mul3A_529 {strides = array<i32>} : memref<128x128xf32, #tpu.memory_space<vmem>>, vector<16xf32>,
        %get3A_533 = arith.index_cast %add3A_490 : i32 to index
        %get3A_534 = arith.constant 48 : index
        %get3A_535 = tpu.vector_load %arg11[%get3A_533, %get3A_534] {strides = array<i32>} : memref<128x128xf32, #tpu.memory_space<vmem>>, vector<16xf32>,
        %mul3A_536 = arith.mulf %gather3A_493, %get3A_535 : vector<16xf32>
        %add3A_537 = arith.constant 64 : i32
        %add3A_538 = arith.addi %add3A_537, %add3A_490 : i32
        %get3A_539 = arith.index_cast %add3A_538 : i32 to index
        %get3A_540 = arith.constant 48 : index
        %get3A_541 = tpu.vector_load %arg11[%get3A_539, %get3A_540] {strides = array<i32>} : memref<128x128xf32, #tpu.memory_space<vmem>>, vector<16xf32>,
        %mul3A_542 = arith.mulf %mul3A_536, %get3A_541 : vector<16xf32>
        %swap3A_543 = arith.index_cast %add3A_490 : i32 to index
        %swap3A_544 = arith.constant 48 : index
        %swap3A_545 = tpu.vector_load %arg11[%swap3A_543, %swap3A_544] {strides = array<i32>} : memref<128x128xf32, #tpu.memory_space<vmem>>, vector<16xf32>,
        tpu.vector_store %arg11[%swap3A_543, %swap3A_544], %mul3A_542 {strides = array<i32>} : memref<128x128xf32, #tpu.memory_space<vmem>>, vector<16xf32>,
        %get3A_546 = arith.index_cast %add3A_490 : i32 to index
        %get3A_547 = arith.constant 64 : index
        %get3A_548 = tpu.vector_load %arg11[%get3A_546, %get3A_547] {strides = array<i32>} : memref<128x128xf32, #tpu.memory_space<vmem>>, vector<16xf32>,
        %mul3A_549 = arith.mulf %gather3A_493, %get3A_548 : vector<16xf32>
        %add3A_550 = arith.constant 64 : i32
        %add3A_551 = arith.addi %add3A_550, %add3A_490 : i32
        %get3A_552 = arith.index_cast %add3A_551 : i32 to index
        %get3A_553 = arith.constant 64 : index
        %get3A_554 = tpu.vector_load %arg11[%get3A_552, %get3A_553] {strides = array<i32>} : memref<128x128xf32, #tpu.memory_space<vmem>>, vector<16xf32>,
        %mul3A_555 = arith.mulf %mul3A_549, %get3A_554 : vector<16xf32>
        %swap3A_556 = arith.index_cast %add3A_490 : i32 to index
        %swap3A_557 = arith.constant 64 : index
        %swap3A_558 = tpu.vector_load %arg11[%swap3A_556, %swap3A_557] {strides = array<i32>} : memref<128x128xf32, #tpu.memory_space<vmem>>, vector<16xf32>,
        tpu.vector_store %arg11[%swap3A_556, %swap3A_557], %mul3A_555 {strides = array<i32>} : memref<128x128xf32, #tpu.memory_space<vmem>>, vector<16xf32>,
        %get3A_559 = arith.index_cast %add3A_490 : i32 to index
        %get3A_560 = arith.constant 80 : index
        %get3A_561 = tpu.vector_load %arg11[%get3A_559, %get3A_560] {strides = array<i32>} : memref<128x128xf32, #tpu.memory_space<vmem>>, vector<16xf32>,
        %mul3A_562 = arith.mulf %gather3A_493, %get3A_561 : vector<16xf32>
        %add3A_563 = arith.constant 64 : i32
        %add3A_564 = arith.addi %add3A_563, %add3A_490 : i32
        %get3A_565 = arith.index_cast %add3A_564 : i32 to index
        %get3A_566 = arith.constant 80 : index
        %get3A_567 = tpu.vector_load %arg11[%get3A_565, %get3A_566] {strides = array<i32>} : memref<128x128xf32, #tpu.memory_space<vmem>>, vector<16xf32>,
        %mul3A_568 = arith.mulf %mul3A_562, %get3A_567 : vector<16xf32>
        %swap3A_569 = arith.index_cast %add3A_490 : i32 to index
        %swap3A_570 = arith.constant 80 : index
        %swap3A_571 = tpu.vector_load %arg11[%swap3A_569, %swap3A_570] {strides = array<i32>} : memref<128x128xf32, #tpu.memory_space<vmem>>, vector<16xf32>,
        tpu.vector_store %arg11[%swap3A_569, %swap3A_570], %mul3A_568 {strides = array<i32>} : memref<128x128xf32, #tpu.memory_space<vmem>>, vector<16xf32>,
        %get3A_572 = arith.index_cast %add3A_490 : i32 to index
        %get3A_573 = arith.constant 96 : index
        %get3A_574 = tpu.vector_load %arg11[%get3A_572, %get3A_573] {strides = array<i32>} : memref<128x128xf32, #tpu.memory_space<vmem>>, vector<16xf32>,
        %mul3A_575 = arith.mulf %gather3A_493, %get3A_574 : vector<16xf32>
        %add3A_576 = arith.constant 64 : i32
        %add3A_577 = arith.addi %add3A_576, %add3A_490 : i32
        %get3A_578 = arith.index_cast %add3A_577 : i32 to index
        %get3A_579 = arith.constant 96 : index
        %get3A_580 = tpu.vector_load %arg11[%get3A_578, %get3A_579] {strides = array<i32>} : memref<128x128xf32, #tpu.memory_space<vmem>>, vector<16xf32>,
        %mul3A_581 = arith.mulf %mul3A_575, %get3A_580 : vector<16xf32>
        %swap3A_582 = arith.index_cast %add3A_490 : i32 to index
        %swap3A_583 = arith.constant 96 : index
        %swap3A_584 = tpu.vector_load %arg11[%swap3A_582, %swap3A_583] {strides = array<i32>} : memref<128x128xf32, #tpu.memory_space<vmem>>, vector<16xf32>,
        tpu.vector_store %arg11[%swap3A_582, %swap3A_583], %mul3A_581 {strides = array<i32>} : memref<128x128xf32, #tpu.memory_space<vmem>>, vector<16xf32>,
        %get3A_585 = arith.index_cast %add3A_490 : i32 to index
        %get3A_586 = arith.constant 112 : index
        %get3A_587 = tpu.vector_load %arg11[%get3A_585, %get3A_586] {strides = array<i32>} : memref<128x128xf32, #tpu.memory_space<vmem>>, vector<16xf32>,
        %mul3A_588 = arith.mulf %gather3A_493, %get3A_587 : vector<16xf32>
        %add3A_589 = arith.constant 64 : i32
        %add3A_590 = arith.addi %add3A_589, %add3A_490 : i32
        %get3A_591 = arith.index_cast %add3A_590 : i32 to index
        %get3A_592 = arith.constant 112 : index
        %get3A_593 = tpu.vector_load %arg11[%get3A_591, %get3A_592] {strides = array<i32>} : memref<128x128xf32, #tpu.memory_space<vmem>>, vector<16xf32>,
        %mul3A_594 = arith.mulf %mul3A_588, %get3A_593 : vector<16xf32>
        %swap3A_595 = arith.index_cast %add3A_490 : i32 to index
        %swap3A_596 = arith.constant 112 : index
        %swap3A_597 = tpu.vector_load %arg11[%swap3A_595, %swap3A_596] {strides = array<i32>} : memref<128x128xf32, #tpu.memory_space<vmem>>, vector<16xf32>,
        tpu.vector_store %arg11[%swap3A_595, %swap3A_596], %mul3A_594 {strides = array<i32>} : memref<128x128xf32, #tpu.memory_space<vmem>>, vector<16xf32>,
        %mul3A_598 = arith.constant 16 : i32
        %mul3A_599 = arith.muli %add3A_242, %mul3A_598 : i32
        %add3A_600 = arith.constant 3 : i32
        %add3A_601 = arith.addi %mul3A_599, %add3A_600 : i32
        %broadcast_in_dim3A_602 = arith.constant 3 : i32
        %broadcast_in_dim3A_603 = vector.broadcast %broadcast_in_dim3A_602 : i32 to vector<16xi32>
        %gather3A_604 = tpu.vector_load_idx %arg8[%broadcast_in_dim3A_603] : memref<16xf32, #tpu.memory_space<vmem>>[vector<16xi32>], vector<16xf32>,
        %get3A_605 = arith.index_cast %add3A_601 : i32 to index
        %get3A_606 = arith.constant 0 : index
        %get3A_607 = tpu.vector_load %arg11[%get3A_605, %get3A_606] {strides = array<i32>} : memref<128x128xf32, #tpu.memory_space<vmem>>, vector<16xf32>,
        %mul3A_608 = arith.mulf %gather3A_604, %get3A_607 : vector<16xf32>
        %add3A_609 = arith.constant 64 : i32
        %add3A_610 = arith.addi %add3A_609, %add3A_601 : i32
        %get3A_611 = arith.index_cast %add3A_610 : i32 to index
        %get3A_612 = arith.constant 0 : index
        %get3A_613 = tpu.vector_load %arg11[%get3A_611, %get3A_612] {strides = array<i32>} : memref<128x128xf32, #tpu.memory_space<vmem>>, vector<16xf32>,
        %mul3A_614 = arith.mulf %mul3A_608, %get3A_613 : vector<16xf32>
        %swap3A_615 = arith.index_cast %add3A_601 : i32 to index
        %swap3A_616 = arith.constant 0 : index
        %swap3A_617 = tpu.vector_load %arg11[%swap3A_615, %swap3A_616] {strides = array<i32>} : memref<128x128xf32, #tpu.memory_space<vmem>>, vector<16xf32>,
        tpu.vector_store %arg11[%swap3A_615, %swap3A_616], %mul3A_614 {strides = array<i32>} : memref<128x128xf32, #tpu.memory_space<vmem>>, vector<16xf32>,
        %get3A_618 = arith.index_cast %add3A_601 : i32 to index
        %get3A_619 = arith.constant 16 : index
        %get3A_620 = tpu.vector_load %arg11[%get3A_618, %get3A_619] {strides = array<i32>} : memref<128x128xf32, #tpu.memory_space<vmem>>, vector<16xf32>,
        %mul3A_621 = arith.mulf %gather3A_604, %get3A_620 : vector<16xf32>
        %add3A_622 = arith.constant 64 : i32
        %add3A_623 = arith.addi %add3A_622, %add3A_601 : i32
        %get3A_624 = arith.index_cast %add3A_623 : i32 to index
        %get3A_625 = arith.constant 16 : index
        %get3A_626 = tpu.vector_load %arg11[%get3A_624, %get3A_625] {strides = array<i32>} : memref<128x128xf32, #tpu.memory_space<vmem>>, vector<16xf32>,
        %mul3A_627 = arith.mulf %mul3A_621, %get3A_626 : vector<16xf32>
        %swap3A_628 = arith.index_cast %add3A_601 : i32 to index
        %swap3A_629 = arith.constant 16 : index
        %swap3A_630 = tpu.vector_load %arg11[%swap3A_628, %swap3A_629] {strides = array<i32>} : memref<128x128xf32, #tpu.memory_space<vmem>>, vector<16xf32>,
        tpu.vector_store %arg11[%swap3A_628, %swap3A_629], %mul3A_627 {strides = array<i32>} : memref<128x128xf32, #tpu.memory_space<vmem>>, vector<16xf32>,
        %get3A_631 = arith.index_cast %add3A_601 : i32 to index
        %get3A_632 = arith.constant 32 : index
        %get3A_633 = tpu.vector_load %arg11[%get3A_631, %get3A_632] {strides = array<i32>} : memref<128x128xf32, #tpu.memory_space<vmem>>, vector<16xf32>,
        %mul3A_634 = arith.mulf %gather3A_604, %get3A_633 : vector<16xf32>
        %add3A_635 = arith.constant 64 : i32
        %add3A_636 = arith.addi %add3A_635, %add3A_601 : i32
        %get3A_637 = arith.index_cast %add3A_636 : i32 to index
        %get3A_638 = arith.constant 32 : index
        %get3A_639 = tpu.vector_load %arg11[%get3A_637, %get3A_638] {strides = array<i32>} : memref<128x128xf32, #tpu.memory_space<vmem>>, vector<16xf32>,
        %mul3A_640 = arith.mulf %mul3A_634, %get3A_639 : vector<16xf32>
        %swap3A_641 = arith.index_cast %add3A_601 : i32 to index
        %swap3A_642 = arith.constant 32 : index
        %swap3A_643 = tpu.vector_load %arg11[%swap3A_641, %swap3A_642] {strides = array<i32>} : memref<128x128xf32, #tpu.memory_space<vmem>>, vector<16xf32>,
        tpu.vector_store %arg11[%swap3A_641, %swap3A_642], %mul3A_640 {strides = array<i32>} : memref<128x128xf32, #tpu.memory_space<vmem>>, vector<16xf32>,
        %get3A_644 = arith.index_cast %add3A_601 : i32 to index
        %get3A_645 = arith.constant 48 : index
        %get3A_646 = tpu.vector_load %arg11[%get3A_644, %get3A_645] {strides = array<i32>} : memref<128x128xf32, #tpu.memory_space<vmem>>, vector<16xf32>,
        %mul3A_647 = arith.mulf %gather3A_604, %get3A_646 : vector<16xf32>
        %add3A_648 = arith.constant 64 : i32
        %add3A_649 = arith.addi %add3A_648, %add3A_601 : i32
        %get3A_650 = arith.index_cast %add3A_649 : i32 to index
        %get3A_651 = arith.constant 48 : index
        %get3A_652 = tpu.vector_load %arg11[%get3A_650, %get3A_651] {strides = array<i32>} : memref<128x128xf32, #tpu.memory_space<vmem>>, vector<16xf32>,
        %mul3A_653 = arith.mulf %mul3A_647, %get3A_652 : vector<16xf32>
        %swap3A_654 = arith.index_cast %add3A_601 : i32 to index
        %swap3A_655 = arith.constant 48 : index
        %swap3A_656 = tpu.vector_load %arg11[%swap3A_654, %swap3A_655] {strides = array<i32>} : memref<128x128xf32, #tpu.memory_space<vmem>>, vector<16xf32>,
        tpu.vector_store %arg11[%swap3A_654, %swap3A_655], %mul3A_653 {strides = array<i32>} : memref<128x128xf32, #tpu.memory_space<vmem>>, vector<16xf32>,
        %get3A_657 = arith.index_cast %add3A_601 : i32 to index
        %get3A_658 = arith.constant 64 : index
        %get3A_659 = tpu.vector_load %arg11[%get3A_657, %get3A_658] {strides = array<i32>} : memref<128x128xf32, #tpu.memory_space<vmem>>, vector<16xf32>,
        %mul3A_660 = arith.mulf %gather3A_604, %get3A_659 : vector<16xf32>
        %add3A_661 = arith.constant 64 : i32
        %add3A_662 = arith.addi %add3A_661, %add3A_601 : i32
        %get3A_663 = arith.index_cast %add3A_662 : i32 to index
        %get3A_664 = arith.constant 64 : index
        %get3A_665 = tpu.vector_load %arg11[%get3A_663, %get3A_664] {strides = array<i32>} : memref<128x128xf32, #tpu.memory_space<vmem>>, vector<16xf32>,
        %mul3A_666 = arith.mulf %mul3A_660, %get3A_665 : vector<16xf32>
        %swap3A_667 = arith.index_cast %add3A_601 : i32 to index
        %swap3A_668 = arith.constant 64 : index
        %swap3A_669 = tpu.vector_load %arg11[%swap3A_667, %swap3A_668] {strides = array<i32>} : memref<128x128xf32, #tpu.memory_space<vmem>>, vector<16xf32>,
        tpu.vector_store %arg11[%swap3A_667, %swap3A_668], %mul3A_666 {strides = array<i32>} : memref<128x128xf32, #tpu.memory_space<vmem>>, vector<16xf32>,
        %get3A_670 = arith.index_cast %add3A_601 : i32 to index
        %get3A_671 = arith.constant 80 : index
        %get3A_672 = tpu.vector_load %arg11[%get3A_670, %get3A_671] {strides = array<i32>} : memref<128x128xf32, #tpu.memory_space<vmem>>, vector<16xf32>,
        %mul3A_673 = arith.mulf %gather3A_604, %get3A_672 : vector<16xf32>
        %add3A_674 = arith.constant 64 : i32
        %add3A_675 = arith.addi %add3A_674, %add3A_601 : i32
        %get3A_676 = arith.index_cast %add3A_675 : i32 to index
        %get3A_677 = arith.constant 80 : index
        %get3A_678 = tpu.vector_load %arg11[%get3A_676, %get3A_677] {strides = array<i32>} : memref<128x128xf32, #tpu.memory_space<vmem>>, vector<16xf32>,
        %mul3A_679 = arith.mulf %mul3A_673, %get3A_678 : vector<16xf32>
        %swap3A_680 = arith.index_cast %add3A_601 : i32 to index
        %swap3A_681 = arith.constant 80 : index
        %swap3A_682 = tpu.vector_load %arg11[%swap3A_680, %swap3A_681] {strides = array<i32>} : memref<128x128xf32, #tpu.memory_space<vmem>>, vector<16xf32>,
        tpu.vector_store %arg11[%swap3A_680, %swap3A_681], %mul3A_679 {strides = array<i32>} : memref<128x128xf32, #tpu.memory_space<vmem>>, vector<16xf32>,
        %get3A_683 = arith.index_cast %add3A_601 : i32 to index
        %get3A_684 = arith.constant 96 : index
        %get3A_685 = tpu.vector_load %arg11[%get3A_683, %get3A_684] {strides = array<i32>} : memref<128x128xf32, #tpu.memory_space<vmem>>, vector<16xf32>,
        %mul3A_686 = arith.mulf %gather3A_604, %get3A_685 : vector<16xf32>
        %add3A_687 = arith.constant 64 : i32
        %add3A_688 = arith.addi %add3A_687, %add3A_601 : i32
        %get3A_689 = arith.index_cast %add3A_688 : i32 to index
        %get3A_690 = arith.constant 96 : index
        %get3A_691 = tpu.vector_load %arg11[%get3A_689, %get3A_690] {strides = array<i32>} : memref<128x128xf32, #tpu.memory_space<vmem>>, vector<16xf32>,
        %mul3A_692 = arith.mulf %mul3A_686, %get3A_691 : vector<16xf32>
        %swap3A_693 = arith.index_cast %add3A_601 : i32 to index
        %swap3A_694 = arith.constant 96 : index
        %swap3A_695 = tpu.vector_load %arg11[%swap3A_693, %swap3A_694] {strides = array<i32>} : memref<128x128xf32, #tpu.memory_space<vmem>>, vector<16xf32>,
        tpu.vector_store %arg11[%swap3A_693, %swap3A_694], %mul3A_692 {strides = array<i32>} : memref<128x128xf32, #tpu.memory_space<vmem>>, vector<16xf32>,
        %get3A_696 = arith.index_cast %add3A_601 : i32 to index
        %get3A_697 = arith.constant 112 : index
        %get3A_698 = tpu.vector_load %arg11[%get3A_696, %get3A_697] {strides = array<i32>} : memref<128x128xf32, #tpu.memory_space<vmem>>, vector<16xf32>,
        %mul3A_699 = arith.mulf %gather3A_604, %get3A_698 : vector<16xf32>
        %add3A_700 = arith.constant 64 : i32
        %add3A_701 = arith.addi %add3A_700, %add3A_601 : i32
        %get3A_702 = arith.index_cast %add3A_701 : i32 to index
        %get3A_703 = arith.constant 112 : index
        %get3A_704 = tpu.vector_load %arg11[%get3A_702, %get3A_703] {strides = array<i32>} : memref<128x128xf32, #tpu.memory_space<vmem>>, vector<16xf32>,
        %mul3A_705 = arith.mulf %mul3A_699, %get3A_704 : vector<16xf32>
        %swap3A_706 = arith.index_cast %add3A_601 : i32 to index
        %swap3A_707 = arith.constant 112 : index
        %swap3A_708 = tpu.vector_load %arg11[%swap3A_706, %swap3A_707] {strides = array<i32>} : memref<128x128xf32, #tpu.memory_space<vmem>>, vector<16xf32>,
        tpu.vector_store %arg11[%swap3A_706, %swap3A_707], %mul3A_705 {strides = array<i32>} : memref<128x128xf32, #tpu.memory_space<vmem>>, vector<16xf32>,
        %mul3A_709 = arith.constant 16 : i32
        %mul3A_710 = arith.muli %add3A_242, %mul3A_709 : i32
        %add3A_711 = arith.constant 4 : i32
        %add3A_712 = arith.addi %mul3A_710, %add3A_711 : i32
        %broadcast_in_dim3A_713 = arith.constant 4 : i32
        %broadcast_in_dim3A_714 = vector.broadcast %broadcast_in_dim3A_713 : i32 to vector<16xi32>
        %gather3A_715 = tpu.vector_load_idx %arg8[%broadcast_in_dim3A_714] : memref<16xf32, #tpu.memory_space<vmem>>[vector<16xi32>], vector<16xf32>,
        %get3A_716 = arith.index_cast %add3A_712 : i32 to index
        %get3A_717 = arith.constant 0 : index
        %get3A_718 = tpu.vector_load %arg11[%get3A_716, %get3A_717] {strides = array<i32>} : memref<128x128xf32, #tpu.memory_space<vmem>>, vector<16xf32>,
        %mul3A_719 = arith.mulf %gather3A_715, %get3A_718 : vector<16xf32>
        %add3A_720 = arith.constant 64 : i32
        %add3A_721 = arith.addi %add3A_720, %add3A_712 : i32
        %get3A_722 = arith.index_cast %add3A_721 : i32 to index
        %get3A_723 = arith.constant 0 : index
        %get3A_724 = tpu.vector_load %arg11[%get3A_722, %get3A_723] {strides = array<i32>} : memref<128x128xf32, #tpu.memory_space<vmem>>, vector<16xf32>,
        %mul3A_725 = arith.mulf %mul3A_719, %get3A_724 : vector<16xf32>
        %swap3A_726 = arith.index_cast %add3A_712 : i32 to index
        %swap3A_727 = arith.constant 0 : index
        %swap3A_728 = tpu.vector_load %arg11[%swap3A_726, %swap3A_727] {strides = array<i32>} : memref<128x128xf32, #tpu.memory_space<vmem>>, vector<16xf32>,
        tpu.vector_store %arg11[%swap3A_726, %swap3A_727], %mul3A_725 {strides = array<i32>} : memref<128x128xf32, #tpu.memory_space<vmem>>, vector<16xf32>,
        %get3A_729 = arith.index_cast %add3A_712 : i32 to index
        %get3A_730 = arith.constant 16 : index
        %get3A_731 = tpu.vector_load %arg11[%get3A_729, %get3A_730] {strides = array<i32>} : memref<128x128xf32, #tpu.memory_space<vmem>>, vector<16xf32>,
        %mul3A_732 = arith.mulf %gather3A_715, %get3A_731 : vector<16xf32>
        %add3A_733 = arith.constant 64 : i32
        %add3A_734 = arith.addi %add3A_733, %add3A_712 : i32
        %get3A_735 = arith.index_cast %add3A_734 : i32 to index
        %get3A_736 = arith.constant 16 : index
        %get3A_737 = tpu.vector_load %arg11[%get3A_735, %get3A_736] {strides = array<i32>} : memref<128x128xf32, #tpu.memory_space<vmem>>, vector<16xf32>,
        %mul3A_738 = arith.mulf %mul3A_732, %get3A_737 : vector<16xf32>
        %swap3A_739 = arith.index_cast %add3A_712 : i32 to index
        %swap3A_740 = arith.constant 16 : index
        %swap3A_741 = tpu.vector_load %arg11[%swap3A_739, %swap3A_740] {strides = array<i32>} : memref<128x128xf32, #tpu.memory_space<vmem>>, vector<16xf32>,
        tpu.vector_store %arg11[%swap3A_739, %swap3A_740], %mul3A_738 {strides = array<i32>} : memref<128x128xf32, #tpu.memory_space<vmem>>, vector<16xf32>,
        %get3A_742 = arith.index_cast %add3A_712 : i32 to index
        %get3A_743 = arith.constant 32 : index
        %get3A_744 = tpu.vector_load %arg11[%get3A_742, %get3A_743] {strides = array<i32>} : memref<128x128xf32, #tpu.memory_space<vmem>>, vector<16xf32>,
        %mul3A_745 = arith.mulf %gather3A_715, %get3A_744 : vector<16xf32>
        %add3A_746 = arith.constant 64 : i32
        %add3A_747 = arith.addi %add3A_746, %add3A_712 : i32
        %get3A_748 = arith.index_cast %add3A_747 : i32 to index
        %get3A_749 = arith.constant 32 : index
        %get3A_750 = tpu.vector_load %arg11[%get3A_748, %get3A_749] {strides = array<i32>} : memref<128x128xf32, #tpu.memory_space<vmem>>, vector<16xf32>,
        %mul3A_751 = arith.mulf %mul3A_745, %get3A_750 : vector<16xf32>
        %swap3A_752 = arith.index_cast %add3A_712 : i32 to index
        %swap3A_753 = arith.constant 32 : index
        %swap3A_754 = tpu.vector_load %arg11[%swap3A_752, %swap3A_753] {strides = array<i32>} : memref<128x128xf32, #tpu.memory_space<vmem>>, vector<16xf32>,
        tpu.vector_store %arg11[%swap3A_752, %swap3A_753], %mul3A_751 {strides = array<i32>} : memref<128x128xf32, #tpu.memory_space<vmem>>, vector<16xf32>,
        %get3A_755 = arith.index_cast %add3A_712 : i32 to index
        %get3A_756 = arith.constant 48 : index
        %get3A_757 = tpu.vector_load %arg11[%get3A_755, %get3A_756] {strides = array<i32>} : memref<128x128xf32, #tpu.memory_space<vmem>>, vector<16xf32>,
        %mul3A_758 = arith.mulf %gather3A_715, %get3A_757 : vector<16xf32>
        %add3A_759 = arith.constant 64 : i32
        %add3A_760 = arith.addi %add3A_759, %add3A_712 : i32
        %get3A_761 = arith.index_cast %add3A_760 : i32 to index
        %get3A_762 = arith.constant 48 : index
        %get3A_763 = tpu.vector_load %arg11[%get3A_761, %get3A_762] {strides = array<i32>} : memref<128x128xf32, #tpu.memory_space<vmem>>, vector<16xf32>,
        %mul3A_764 = arith.mulf %mul3A_758, %get3A_763 : vector<16xf32>
        %swap3A_765 = arith.index_cast %add3A_712 : i32 to index
        %swap3A_766 = arith.constant 48 : index
        %swap3A_767 = tpu.vector_load %arg11[%swap3A_765, %swap3A_766] {strides = array<i32>} : memref<128x128xf32, #tpu.memory_space<vmem>>, vector<16xf32>,
        tpu.vector_store %arg11[%swap3A_765, %swap3A_766], %mul3A_764 {strides = array<i32>} : memref<128x128xf32, #tpu.memory_space<vmem>>, vector<16xf32>,
        %get3A_768 = arith.index_cast %add3A_712 : i32 to index
        %get3A_769 = arith.constant 64 : index
        %get3A_770 = tpu.vector_load %arg11[%get3A_768, %get3A_769] {strides = array<i32>} : memref<128x128xf32, #tpu.memory_space<vmem>>, vector<16xf32>,
        %mul3A_771 = arith.mulf %gather3A_715, %get3A_770 : vector<16xf32>
        %add3A_772 = arith.constant 64 : i32
        %add3A_773 = arith.addi %add3A_772, %add3A_712 : i32
        %get3A_774 = arith.index_cast %add3A_773 : i32 to index
        %get3A_775 = arith.constant 64 : index
        %get3A_776 = tpu.vector_load %arg11[%get3A_774, %get3A_775] {strides = array<i32>} : memref<128x128xf32, #tpu.memory_space<vmem>>, vector<16xf32>,
        %mul3A_777 = arith.mulf %mul3A_771, %get3A_776 : vector<16xf32>
        %swap3A_778 = arith.index_cast %add3A_712 : i32 to index
        %swap3A_779 = arith.constant 64 : index
        %swap3A_780 = tpu.vector_load %arg11[%swap3A_778, %swap3A_779] {strides = array<i32>} : memref<128x128xf32, #tpu.memory_space<vmem>>, vector<16xf32>,
        tpu.vector_store %arg11[%swap3A_778, %swap3A_779], %mul3A_777 {strides = array<i32>} : memref<128x128xf32, #tpu.memory_space<vmem>>, vector<16xf32>,
        %get3A_781 = arith.index_cast %add3A_712 : i32 to index
        %get3A_782 = arith.constant 80 : index
        %get3A_783 = tpu.vector_load %arg11[%get3A_781, %get3A_782] {strides = array<i32>} : memref<128x128xf32, #tpu.memory_space<vmem>>, vector<16xf32>,
        %mul3A_784 = arith.mulf %gather3A_715, %get3A_783 : vector<16xf32>
        %add3A_785 = arith.constant 64 : i32
        %add3A_786 = arith.addi %add3A_785, %add3A_712 : i32
        %get3A_787 = arith.index_cast %add3A_786 : i32 to index
        %get3A_788 = arith.constant 80 : index
        %get3A_789 = tpu.vector_load %arg11[%get3A_787, %get3A_788] {strides = array<i32>} : memref<128x128xf32, #tpu.memory_space<vmem>>, vector<16xf32>,
        %mul3A_790 = arith.mulf %mul3A_784, %get3A_789 : vector<16xf32>
        %swap3A_791 = arith.index_cast %add3A_712 : i32 to index
        %swap3A_792 = arith.constant 80 : index
        %swap3A_793 = tpu.vector_load %arg11[%swap3A_791, %swap3A_792] {strides = array<i32>} : memref<128x128xf32, #tpu.memory_space<vmem>>, vector<16xf32>,
        tpu.vector_store %arg11[%swap3A_791, %swap3A_792], %mul3A_790 {strides = array<i32>} : memref<128x128xf32, #tpu.memory_space<vmem>>, vector<16xf32>,
        %get3A_794 = arith.index_cast %add3A_712 : i32 to index
        %get3A_795 = arith.constant 96 : index
        %get3A_796 = tpu.vector_load %arg11[%get3A_794, %get3A_795] {strides = array<i32>} : memref<128x128xf32, #tpu.memory_space<vmem>>, vector<16xf32>,
        %mul3A_797 = arith.mulf %gather3A_715, %get3A_796 : vector<16xf32>
        %add3A_798 = arith.constant 64 : i32
        %add3A_799 = arith.addi %add3A_798, %add3A_712 : i32
        %get3A_800 = arith.index_cast %add3A_799 : i32 to index
        %get3A_801 = arith.constant 96 : index
        %get3A_802 = tpu.vector_load %arg11[%get3A_800, %get3A_801] {strides = array<i32>} : memref<128x128xf32, #tpu.memory_space<vmem>>, vector<16xf32>,
        %mul3A_803 = arith.mulf %mul3A_797, %get3A_802 : vector<16xf32>
        %swap3A_804 = arith.index_cast %add3A_712 : i32 to index
        %swap3A_805 = arith.constant 96 : index
        %swap3A_806 = tpu.vector_load %arg11[%swap3A_804, %swap3A_805] {strides = array<i32>} : memref<128x128xf32, #tpu.memory_space<vmem>>, vector<16xf32>,
        tpu.vector_store %arg11[%swap3A_804, %swap3A_805], %mul3A_803 {strides = array<i32>} : memref<128x128xf32, #tpu.memory_space<vmem>>, vector<16xf32>,
        %get3A_807 = arith.index_cast %add3A_712 : i32 to index
        %get3A_808 = arith.constant 112 : index
        %get3A_809 = tpu.vector_load %arg11[%get3A_807, %get3A_808] {strides = array<i32>} : memref<128x128xf32, #tpu.memory_space<vmem>>, vector<16xf32>,
        %mul3A_810 = arith.mulf %gather3A_715, %get3A_809 : vector<16xf32>
        %add3A_811 = arith.constant 64 : i32
        %add3A_812 = arith.addi %add3A_811, %add3A_712 : i32
        %get3A_813 = arith.index_cast %add3A_812 : i32 to index
        %get3A_814 = arith.constant 112 : index
        %get3A_815 = tpu.vector_load %arg11[%get3A_813, %get3A_814] {strides = array<i32>} : memref<128x128xf32, #tpu.memory_space<vmem>>, vector<16xf32>,
        %mul3A_816 = arith.mulf %mul3A_810, %get3A_815 : vector<16xf32>
        %swap3A_817 = arith.index_cast %add3A_712 : i32 to index
        %swap3A_818 = arith.constant 112 : index
        %swap3A_819 = tpu.vector_load %arg11[%swap3A_817, %swap3A_818] {strides = array<i32>} : memref<128x128xf32, #tpu.memory_space<vmem>>, vector<16xf32>,
        tpu.vector_store %arg11[%swap3A_817, %swap3A_818], %mul3A_816 {strides = array<i32>} : memref<128x128xf32, #tpu.memory_space<vmem>>, vector<16xf32>,
        %mul3A_820 = arith.constant 16 : i32
        %mul3A_821 = arith.muli %add3A_242, %mul3A_820 : i32
        %add3A_822 = arith.constant 5 : i32
        %add3A_823 = arith.addi %mul3A_821, %add3A_822 : i32
        %broadcast_in_dim3A_824 = arith.constant 5 : i32
        %broadcast_in_dim3A_825 = vector.broadcast %broadcast_in_dim3A_824 : i32 to vector<16xi32>
        %gather3A_826 = tpu.vector_load_idx %arg8[%broadcast_in_dim3A_825] : memref<16xf32, #tpu.memory_space<vmem>>[vector<16xi32>], vector<16xf32>,
        %get3A_827 = arith.index_cast %add3A_823 : i32 to index
        %get3A_828 = arith.constant 0 : index
        %get3A_829 = tpu.vector_load %arg11[%get3A_827, %get3A_828] {strides = array<i32>} : memref<128x128xf32, #tpu.memory_space<vmem>>, vector<16xf32>,
        %mul3A_830 = arith.mulf %gather3A_826, %get3A_829 : vector<16xf32>
        %add3A_831 = arith.constant 64 : i32
        %add3A_832 = arith.addi %add3A_831, %add3A_823 : i32
        %get3A_833 = arith.index_cast %add3A_832 : i32 to index
        %get3A_834 = arith.constant 0 : index
        %get3A_835 = tpu.vector_load %arg11[%get3A_833, %get3A_834] {strides = array<i32>} : memref<128x128xf32, #tpu.memory_space<vmem>>, vector<16xf32>,
        %mul3A_836 = arith.mulf %mul3A_830, %get3A_835 : vector<16xf32>
        %swap3A_837 = arith.index_cast %add3A_823 : i32 to index
        %swap3A_838 = arith.constant 0 : index
        %swap3A_839 = tpu.vector_load %arg11[%swap3A_837, %swap3A_838] {strides = array<i32>} : memref<128x128xf32, #tpu.memory_space<vmem>>, vector<16xf32>,
        tpu.vector_store %arg11[%swap3A_837, %swap3A_838], %mul3A_836 {strides = array<i32>} : memref<128x128xf32, #tpu.memory_space<vmem>>, vector<16xf32>,
        %get3A_840 = arith.index_cast %add3A_823 : i32 to index
        %get3A_841 = arith.constant 16 : index
        %get3A_842 = tpu.vector_load %arg11[%get3A_840, %get3A_841] {strides = array<i32>} : memref<128x128xf32, #tpu.memory_space<vmem>>, vector<16xf32>,
        %mul3A_843 = arith.mulf %gather3A_826, %get3A_842 : vector<16xf32>
        %add3A_844 = arith.constant 64 : i32
        %add3A_845 = arith.addi %add3A_844, %add3A_823 : i32
        %get3A_846 = arith.index_cast %add3A_845 : i32 to index
        %get3A_847 = arith.constant 16 : index
        %get3A_848 = tpu.vector_load %arg11[%get3A_846, %get3A_847] {strides = array<i32>} : memref<128x128xf32, #tpu.memory_space<vmem>>, vector<16xf32>,
        %mul3A_849 = arith.mulf %mul3A_843, %get3A_848 : vector<16xf32>
        %swap3A_850 = arith.index_cast %add3A_823 : i32 to index
        %swap3A_851 = arith.constant 16 : index
        %swap3A_852 = tpu.vector_load %arg11[%swap3A_850, %swap3A_851] {strides = array<i32>} : memref<128x128xf32, #tpu.memory_space<vmem>>, vector<16xf32>,
        tpu.vector_store %arg11[%swap3A_850, %swap3A_851], %mul3A_849 {strides = array<i32>} : memref<128x128xf32, #tpu.memory_space<vmem>>, vector<16xf32>,
        %get3A_853 = arith.index_cast %add3A_823 : i32 to index
        %get3A_854 = arith.constant 32 : index
        %get3A_855 = tpu.vector_load %arg11[%get3A_853, %get3A_854] {strides = array<i32>} : memref<128x128xf32, #tpu.memory_space<vmem>>, vector<16xf32>,
        %mul3A_856 = arith.mulf %gather3A_826, %get3A_855 : vector<16xf32>
        %add3A_857 = arith.constant 64 : i32
        %add3A_858 = arith.addi %add3A_857, %add3A_823 : i32
        %get3A_859 = arith.index_cast %add3A_858 : i32 to index
        %get3A_860 = arith.constant 32 : index
        %get3A_861 = tpu.vector_load %arg11[%get3A_859, %get3A_860] {strides = array<i32>} : memref<128x128xf32, #tpu.memory_space<vmem>>, vector<16xf32>,
        %mul3A_862 = arith.mulf %mul3A_856, %get3A_861 : vector<16xf32>
        %swap3A_863 = arith.index_cast %add3A_823 : i32 to index
        %swap3A_864 = arith.constant 32 : index
        %swap3A_865 = tpu.vector_load %arg11[%swap3A_863, %swap3A_864] {strides = array<i32>} : memref<128x128xf32, #tpu.memory_space<vmem>>, vector<16xf32>,
        tpu.vector_store %arg11[%swap3A_863, %swap3A_864], %mul3A_862 {strides = array<i32>} : memref<128x128xf32, #tpu.memory_space<vmem>>, vector<16xf32>,
        %get3A_866 = arith.index_cast %add3A_823 : i32 to index
        %get3A_867 = arith.constant 48 : index
        %get3A_868 = tpu.vector_load %arg11[%get3A_866, %get3A_867] {strides = array<i32>} : memref<128x128xf32, #tpu.memory_space<vmem>>, vector<16xf32>,
        %mul3A_869 = arith.mulf %gather3A_826, %get3A_868 : vector<16xf32>
        %add3A_870 = arith.constant 64 : i32
        %add3A_871 = arith.addi %add3A_870, %add3A_823 : i32
        %get3A_872 = arith.index_cast %add3A_871 : i32 to index
        %get3A_873 = arith.constant 48 : index
        %get3A_874 = tpu.vector_load %arg11[%get3A_872, %get3A_873] {strides = array<i32>} : memref<128x128xf32, #tpu.memory_space<vmem>>, vector<16xf32>,
        %mul3A_875 = arith.mulf %mul3A_869, %get3A_874 : vector<16xf32>
        %swap3A_876 = arith.index_cast %add3A_823 : i32 to index
        %swap3A_877 = arith.constant 48 : index
        %swap3A_878 = tpu.vector_load %arg11[%swap3A_876, %swap3A_877] {strides = array<i32>} : memref<128x128xf32, #tpu.memory_space<vmem>>, vector<16xf32>,
        tpu.vector_store %arg11[%swap3A_876, %swap3A_877], %mul3A_875 {strides = array<i32>} : memref<128x128xf32, #tpu.memory_space<vmem>>, vector<16xf32>,
        %get3A_879 = arith.index_cast %add3A_823 : i32 to index
        %get3A_880 = arith.constant 64 : index
        %get3A_881 = tpu.vector_load %arg11[%get3A_879, %get3A_880] {strides = array<i32>} : memref<128x128xf32, #tpu.memory_space<vmem>>, vector<16xf32>,
        %mul3A_882 = arith.mulf %gather3A_826, %get3A_881 : vector<16xf32>
        %add3A_883 = arith.constant 64 : i32
        %add3A_884 = arith.addi %add3A_883, %add3A_823 : i32
        %get3A_885 = arith.index_cast %add3A_884 : i32 to index
        %get3A_886 = arith.constant 64 : index
        %get3A_887 = tpu.vector_load %arg11[%get3A_885, %get3A_886] {strides = array<i32>} : memref<128x128xf32, #tpu.memory_space<vmem>>, vector<16xf32>,
        %mul3A_888 = arith.mulf %mul3A_882, %get3A_887 : vector<16xf32>
        %swap3A_889 = arith.index_cast %add3A_823 : i32 to index
        %swap3A_890 = arith.constant 64 : index
        %swap3A_891 = tpu.vector_load %arg11[%swap3A_889, %swap3A_890] {strides = array<i32>} : memref<128x128xf32, #tpu.memory_space<vmem>>, vector<16xf32>,
        tpu.vector_store %arg11[%swap3A_889, %swap3A_890], %mul3A_888 {strides = array<i32>} : memref<128x128xf32, #tpu.memory_space<vmem>>, vector<16xf32>,
        %get3A_892 = arith.index_cast %add3A_823 : i32 to index
        %get3A_893 = arith.constant 80 : index
        %get3A_894 = tpu.vector_load %arg11[%get3A_892, %get3A_893] {strides = array<i32>} : memref<128x128xf32, #tpu.memory_space<vmem>>, vector<16xf32>,
        %mul3A_895 = arith.mulf %gather3A_826, %get3A_894 : vector<16xf32>
        %add3A_896 = arith.constant 64 : i32
        %add3A_897 = arith.addi %add3A_896, %add3A_823 : i32
        %get3A_898 = arith.index_cast %add3A_897 : i32 to index
        %get3A_899 = arith.constant 80 : index
        %get3A_900 = tpu.vector_load %arg11[%get3A_898, %get3A_899] {strides = array<i32>} : memref<128x128xf32, #tpu.memory_space<vmem>>, vector<16xf32>,
        %mul3A_901 = arith.mulf %mul3A_895, %get3A_900 : vector<16xf32>
        %swap3A_902 = arith.index_cast %add3A_823 : i32 to index
        %swap3A_903 = arith.constant 80 : index
        %swap3A_904 = tpu.vector_load %arg11[%swap3A_902, %swap3A_903] {strides = array<i32>} : memref<128x128xf32, #tpu.memory_space<vmem>>, vector<16xf32>,
        tpu.vector_store %arg11[%swap3A_902, %swap3A_903], %mul3A_901 {strides = array<i32>} : memref<128x128xf32, #tpu.memory_space<vmem>>, vector<16xf32>,
        %get3A_905 = arith.index_cast %add3A_823 : i32 to index
        %get3A_906 = arith.constant 96 : index
        %get3A_907 = tpu.vector_load %arg11[%get3A_905, %get3A_906] {strides = array<i32>} : memref<128x128xf32, #tpu.memory_space<vmem>>, vector<16xf32>,
        %mul3A_908 = arith.mulf %gather3A_826, %get3A_907 : vector<16xf32>
        %add3A_909 = arith.constant 64 : i32
        %add3A_910 = arith.addi %add3A_909, %add3A_823 : i32
        %get3A_911 = arith.index_cast %add3A_910 : i32 to index
        %get3A_912 = arith.constant 96 : index
        %get3A_913 = tpu.vector_load %arg11[%get3A_911, %get3A_912] {strides = array<i32>} : memref<128x128xf32, #tpu.memory_space<vmem>>, vector<16xf32>,
        %mul3A_914 = arith.mulf %mul3A_908, %get3A_913 : vector<16xf32>
        %swap3A_915 = arith.index_cast %add3A_823 : i32 to index
        %swap3A_916 = arith.constant 96 : index
        %swap3A_917 = tpu.vector_load %arg11[%swap3A_915, %swap3A_916] {strides = array<i32>} : memref<128x128xf32, #tpu.memory_space<vmem>>, vector<16xf32>,
        tpu.vector_store %arg11[%swap3A_915, %swap3A_916], %mul3A_914 {strides = array<i32>} : memref<128x128xf32, #tpu.memory_space<vmem>>, vector<16xf32>,
        %get3A_918 = arith.index_cast %add3A_823 : i32 to index
        %get3A_919 = arith.constant 112 : index
        %get3A_920 = tpu.vector_load %arg11[%get3A_918, %get3A_919] {strides = array<i32>} : memref<128x128xf32, #tpu.memory_space<vmem>>, vector<16xf32>,
        %mul3A_921 = arith.mulf %gather3A_826, %get3A_920 : vector<16xf32>
        %add3A_922 = arith.constant 64 : i32
        %add3A_923 = arith.addi %add3A_922, %add3A_823 : i32
        %get3A_924 = arith.index_cast %add3A_923 : i32 to index
        %get3A_925 = arith.constant 112 : index
        %get3A_926 = tpu.vector_load %arg11[%get3A_924, %get3A_925] {strides = array<i32>} : memref<128x128xf32, #tpu.memory_space<vmem>>, vector<16xf32>,
        %mul3A_927 = arith.mulf %mul3A_921, %get3A_926 : vector<16xf32>
        %swap3A_928 = arith.index_cast %add3A_823 : i32 to index
        %swap3A_929 = arith.constant 112 : index
        %swap3A_930 = tpu.vector_load %arg11[%swap3A_928, %swap3A_929] {strides = array<i32>} : memref<128x128xf32, #tpu.memory_space<vmem>>, vector<16xf32>,
        tpu.vector_store %arg11[%swap3A_928, %swap3A_929], %mul3A_927 {strides = array<i32>} : memref<128x128xf32, #tpu.memory_space<vmem>>, vector<16xf32>,
        %mul3A_931 = arith.constant 16 : i32
        %mul3A_932 = arith.muli %add3A_242, %mul3A_931 : i32
        %add3A_933 = arith.constant 6 : i32
        %add3A_934 = arith.addi %mul3A_932, %add3A_933 : i32
        %broadcast_in_dim3A_935 = arith.constant 6 : i32
        %broadcast_in_dim3A_936 = vector.broadcast %broadcast_in_dim3A_935 : i32 to vector<16xi32>
        %gather3A_937 = tpu.vector_load_idx %arg8[%broadcast_in_dim3A_936] : memref<16xf32, #tpu.memory_space<vmem>>[vector<16xi32>], vector<16xf32>,
        %get3A_938 = arith.index_cast %add3A_934 : i32 to index
        %get3A_939 = arith.constant 0 : index
        %get3A_940 = tpu.vector_load %arg11[%get3A_938, %get3A_939] {strides = array<i32>} : memref<128x128xf32, #tpu.memory_space<vmem>>, vector<16xf32>,
        %mul3A_941 = arith.mulf %gather3A_937, %get3A_940 : vector<16xf32>
        %add3A_942 = arith.constant 64 : i32
        %add3A_943 = arith.addi %add3A_942, %add3A_934 : i32
        %get3A_944 = arith.index_cast %add3A_943 : i32 to index
        %get3A_945 = arith.constant 0 : index
        %get3A_946 = tpu.vector_load %arg11[%get3A_944, %get3A_945] {strides = array<i32>} : memref<128x128xf32, #tpu.memory_space<vmem>>, vector<16xf32>,
        %mul3A_947 = arith.mulf %mul3A_941, %get3A_946 : vector<16xf32>
        %swap3A_948 = arith.index_cast %add3A_934 : i32 to index
        %swap3A_949 = arith.constant 0 : index
        %swap3A_950 = tpu.vector_load %arg11[%swap3A_948, %swap3A_949] {strides = array<i32>} : memref<128x128xf32, #tpu.memory_space<vmem>>, vector<16xf32>,
        tpu.vector_store %arg11[%swap3A_948, %swap3A_949], %mul3A_947 {strides = array<i32>} : memref<128x128xf32, #tpu.memory_space<vmem>>, vector<16xf32>,
        %get3A_951 = arith.index_cast %add3A_934 : i32 to index
        %get3A_952 = arith.constant 16 : index
        %get3A_953 = tpu.vector_load %arg11[%get3A_951, %get3A_952] {strides = array<i32>} : memref<128x128xf32, #tpu.memory_space<vmem>>, vector<16xf32>,
        %mul3A_954 = arith.mulf %gather3A_937, %get3A_953 : vector<16xf32>
        %add3A_955 = arith.constant 64 : i32
        %add3A_956 = arith.addi %add3A_955, %add3A_934 : i32
        %get3A_957 = arith.index_cast %add3A_956 : i32 to index
        %get3A_958 = arith.constant 16 : index
        %get3A_959 = tpu.vector_load %arg11[%get3A_957, %get3A_958] {strides = array<i32>} : memref<128x128xf32, #tpu.memory_space<vmem>>, vector<16xf32>,
        %mul3A_960 = arith.mulf %mul3A_954, %get3A_959 : vector<16xf32>
        %swap3A_961 = arith.index_cast %add3A_934 : i32 to index
        %swap3A_962 = arith.constant 16 : index
        %swap3A_963 = tpu.vector_load %arg11[%swap3A_961, %swap3A_962] {strides = array<i32>} : memref<128x128xf32, #tpu.memory_space<vmem>>, vector<16xf32>,
        tpu.vector_store %arg11[%swap3A_961, %swap3A_962], %mul3A_960 {strides = array<i32>} : memref<128x128xf32, #tpu.memory_space<vmem>>, vector<16xf32>,
        %get3A_964 = arith.index_cast %add3A_934 : i32 to index
        %get3A_965 = arith.constant 32 : index
        %get3A_966 = tpu.vector_load %arg11[%get3A_964, %get3A_965] {strides = array<i32>} : memref<128x128xf32, #tpu.memory_space<vmem>>, vector<16xf32>,
        %mul3A_967 = arith.mulf %gather3A_937, %get3A_966 : vector<16xf32>
        %add3A_968 = arith.constant 64 : i32
        %add3A_969 = arith.addi %add3A_968, %add3A_934 : i32
        %get3A_970 = arith.index_cast %add3A_969 : i32 to index
        %get3A_971 = arith.constant 32 : index
        %get3A_972 = tpu.vector_load %arg11[%get3A_970, %get3A_971] {strides = array<i32>} : memref<128x128xf32, #tpu.memory_space<vmem>>, vector<16xf32>,
        %mul3A_973 = arith.mulf %mul3A_967, %get3A_972 : vector<16xf32>
        %swap3A_974 = arith.index_cast %add3A_934 : i32 to index
        %swap3A_975 = arith.constant 32 : index
        %swap3A_976 = tpu.vector_load %arg11[%swap3A_974, %swap3A_975] {strides = array<i32>} : memref<128x128xf32, #tpu.memory_space<vmem>>, vector<16xf32>,
        tpu.vector_store %arg11[%swap3A_974, %swap3A_975], %mul3A_973 {strides = array<i32>} : memref<128x128xf32, #tpu.memory_space<vmem>>, vector<16xf32>,
        %get3A_977 = arith.index_cast %add3A_934 : i32 to index
        %get3A_978 = arith.constant 48 : index
        %get3A_979 = tpu.vector_load %arg11[%get3A_977, %get3A_978] {strides = array<i32>} : memref<128x128xf32, #tpu.memory_space<vmem>>, vector<16xf32>,
        %mul3A_980 = arith.mulf %gather3A_937, %get3A_979 : vector<16xf32>
        %add3A_981 = arith.constant 64 : i32
        %add3A_982 = arith.addi %add3A_981, %add3A_934 : i32
        %get3A_983 = arith.index_cast %add3A_982 : i32 to index
        %get3A_984 = arith.constant 48 : index
        %get3A_985 = tpu.vector_load %arg11[%get3A_983, %get3A_984] {strides = array<i32>} : memref<128x128xf32, #tpu.memory_space<vmem>>, vector<16xf32>,
        %mul3A_986 = arith.mulf %mul3A_980, %get3A_985 : vector<16xf32>
        %swap3A_987 = arith.index_cast %add3A_934 : i32 to index
        %swap3A_988 = arith.constant 48 : index
        %swap3A_989 = tpu.vector_load %arg11[%swap3A_987, %swap3A_988] {strides = array<i32>} : memref<128x128xf32, #tpu.memory_space<vmem>>, vector<16xf32>,
        tpu.vector_store %arg11[%swap3A_987, %swap3A_988], %mul3A_986 {strides = array<i32>} : memref<128x128xf32, #tpu.memory_space<vmem>>, vector<16xf32>,
        %get3A_990 = arith.index_cast %add3A_934 : i32 to index
        %get3A_991 = arith.constant 64 : index
        %get3A_992 = tpu.vector_load %arg11[%get3A_990, %get3A_991] {strides = array<i32>} : memref<128x128xf32, #tpu.memory_space<vmem>>, vector<16xf32>,
        %mul3A_993 = arith.mulf %gather3A_937, %get3A_992 : vector<16xf32>
        %add3A_994 = arith.constant 64 : i32
        %add3A_995 = arith.addi %add3A_994, %add3A_934 : i32
        %get3A_996 = arith.index_cast %add3A_995 : i32 to index
        %get3A_997 = arith.constant 64 : index
        %get3A_998 = tpu.vector_load %arg11[%get3A_996, %get3A_997] {strides = array<i32>} : memref<128x128xf32, #tpu.memory_space<vmem>>, vector<16xf32>,
        %mul3A_999 = arith.mulf %mul3A_993, %get3A_998 : vector<16xf32>
        %swap3A_1000 = arith.index_cast %add3A_934 : i32 to index
        %swap3A_1001 = arith.constant 64 : index
        %swap3A_1002 = tpu.vector_load %arg11[%swap3A_1000, %swap3A_1001] {strides = array<i32>} : memref<128x128xf32, #tpu.memory_space<vmem>>, vector<16xf32>,
        tpu.vector_store %arg11[%swap3A_1000, %swap3A_1001], %mul3A_999 {strides = array<i32>} : memref<128x128xf32, #tpu.memory_space<vmem>>, vector<16xf32>,
        %get3A_1003 = arith.index_cast %add3A_934 : i32 to index
        %get3A_1004 = arith.constant 80 : index
        %get3A_1005 = tpu.vector_load %arg11[%get3A_1003, %get3A_1004] {strides = array<i32>} : memref<128x128xf32, #tpu.memory_space<vmem>>, vector<16xf32>,
        %mul3A_1006 = arith.mulf %gather3A_937, %get3A_1005 : vector<16xf32>
        %add3A_1007 = arith.constant 64 : i32
        %add3A_1008 = arith.addi %add3A_1007, %add3A_934 : i32
        %get3A_1009 = arith.index_cast %add3A_1008 : i32 to index
        %get3A_1010 = arith.constant 80 : index
        %get3A_1011 = tpu.vector_load %arg11[%get3A_1009, %get3A_1010] {strides = array<i32>} : memref<128x128xf32, #tpu.memory_space<vmem>>, vector<16xf32>,
        %mul3A_1012 = arith.mulf %mul3A_1006, %get3A_1011 : vector<16xf32>
        %swap3A_1013 = arith.index_cast %add3A_934 : i32 to index
        %swap3A_1014 = arith.constant 80 : index
        %swap3A_1015 = tpu.vector_load %arg11[%swap3A_1013, %swap3A_1014] {strides = array<i32>} : memref<128x128xf32, #tpu.memory_space<vmem>>, vector<16xf32>,
        tpu.vector_store %arg11[%swap3A_1013, %swap3A_1014], %mul3A_1012 {strides = array<i32>} : memref<128x128xf32, #tpu.memory_space<vmem>>, vector<16xf32>,
        %get3A_1016 = arith.index_cast %add3A_934 : i32 to index
        %get3A_1017 = arith.constant 96 : index
        %get3A_1018 = tpu.vector_load %arg11[%get3A_1016, %get3A_1017] {strides = array<i32>} : memref<128x128xf32, #tpu.memory_space<vmem>>, vector<16xf32>,
        %mul3A_1019 = arith.mulf %gather3A_937, %get3A_1018 : vector<16xf32>
        %add3A_1020 = arith.constant 64 : i32
        %add3A_1021 = arith.addi %add3A_1020, %add3A_934 : i32
        %get3A_1022 = arith.index_cast %add3A_1021 : i32 to index
        %get3A_1023 = arith.constant 96 : index
        %get3A_1024 = tpu.vector_load %arg11[%get3A_1022, %get3A_1023] {strides = array<i32>} : memref<128x128xf32, #tpu.memory_space<vmem>>, vector<16xf32>,
        %mul3A_1025 = arith.mulf %mul3A_1019, %get3A_1024 : vector<16xf32>
        %swap3A_1026 = arith.index_cast %add3A_934 : i32 to index
        %swap3A_1027 = arith.constant 96 : index
        %swap3A_1028 = tpu.vector_load %arg11[%swap3A_1026, %swap3A_1027] {strides = array<i32>} : memref<128x128xf32, #tpu.memory_space<vmem>>, vector<16xf32>,
        tpu.vector_store %arg11[%swap3A_1026, %swap3A_1027], %mul3A_1025 {strides = array<i32>} : memref<128x128xf32, #tpu.memory_space<vmem>>, vector<16xf32>,
        %get3A_1029 = arith.index_cast %add3A_934 : i32 to index
        %get3A_1030 = arith.constant 112 : index
        %get3A_1031 = tpu.vector_load %arg11[%get3A_1029, %get3A_1030] {strides = array<i32>} : memref<128x128xf32, #tpu.memory_space<vmem>>, vector<16xf32>,
        %mul3A_1032 = arith.mulf %gather3A_937, %get3A_1031 : vector<16xf32>
        %add3A_1033 = arith.constant 64 : i32
        %add3A_1034 = arith.addi %add3A_1033, %add3A_934 : i32
        %get3A_1035 = arith.index_cast %add3A_1034 : i32 to index
        %get3A_1036 = arith.constant 112 : index
        %get3A_1037 = tpu.vector_load %arg11[%get3A_1035, %get3A_1036] {strides = array<i32>} : memref<128x128xf32, #tpu.memory_space<vmem>>, vector<16xf32>,
        %mul3A_1038 = arith.mulf %mul3A_1032, %get3A_1037 : vector<16xf32>
        %swap3A_1039 = arith.index_cast %add3A_934 : i32 to index
        %swap3A_1040 = arith.constant 112 : index
        %swap3A_1041 = tpu.vector_load %arg11[%swap3A_1039, %swap3A_1040] {strides = array<i32>} : memref<128x128xf32, #tpu.memory_space<vmem>>, vector<16xf32>,
        tpu.vector_store %arg11[%swap3A_1039, %swap3A_1040], %mul3A_1038 {strides = array<i32>} : memref<128x128xf32, #tpu.memory_space<vmem>>, vector<16xf32>,
        %mul3A_1042 = arith.constant 16 : i32
        %mul3A_1043 = arith.muli %add3A_242, %mul3A_1042 : i32
        %add3A_1044 = arith.constant 7 : i32
        %add3A_1045 = arith.addi %mul3A_1043, %add3A_1044 : i32
        %broadcast_in_dim3A_1046 = arith.constant 7 : i32
        %broadcast_in_dim3A_1047 = vector.broadcast %broadcast_in_dim3A_1046 : i32 to vector<16xi32>
        %gather3A_1048 = tpu.vector_load_idx %arg8[%broadcast_in_dim3A_1047] : memref<16xf32, #tpu.memory_space<vmem>>[vector<16xi32>], vector<16xf32>,
        %get3A_1049 = arith.index_cast %add3A_1045 : i32 to index
        %get3A_1050 = arith.constant 0 : index
        %get3A_1051 = tpu.vector_load %arg11[%get3A_1049, %get3A_1050] {strides = array<i32>} : memref<128x128xf32, #tpu.memory_space<vmem>>, vector<16xf32>,
        %mul3A_1052 = arith.mulf %gather3A_1048, %get3A_1051 : vector<16xf32>
        %add3A_1053 = arith.constant 64 : i32
        %add3A_1054 = arith.addi %add3A_1053, %add3A_1045 : i32
        %get3A_1055 = arith.index_cast %add3A_1054 : i32 to index
        %get3A_1056 = arith.constant 0 : index
        %get3A_1057 = tpu.vector_load %arg11[%get3A_1055, %get3A_1056] {strides = array<i32>} : memref<128x128xf32, #tpu.memory_space<vmem>>, vector<16xf32>,
        %mul3A_1058 = arith.mulf %mul3A_1052, %get3A_1057 : vector<16xf32>
        %swap3A_1059 = arith.index_cast %add3A_1045 : i32 to index
        %swap3A_1060 = arith.constant 0 : index
        %swap3A_1061 = tpu.vector_load %arg11[%swap3A_1059, %swap3A_1060] {strides = array<i32>} : memref<128x128xf32, #tpu.memory_space<vmem>>, vector<16xf32>,
        tpu.vector_store %arg11[%swap3A_1059, %swap3A_1060], %mul3A_1058 {strides = array<i32>} : memref<128x128xf32, #tpu.memory_space<vmem>>, vector<16xf32>,
        %get3A_1062 = arith.index_cast %add3A_1045 : i32 to index
        %get3A_1063 = arith.constant 16 : index
        %get3A_1064 = tpu.vector_load %arg11[%get3A_1062, %get3A_1063] {strides = array<i32>} : memref<128x128xf32, #tpu.memory_space<vmem>>, vector<16xf32>,
        %mul3A_1065 = arith.mulf %gather3A_1048, %get3A_1064 : vector<16xf32>
        %add3A_1066 = arith.constant 64 : i32
        %add3A_1067 = arith.addi %add3A_1066, %add3A_1045 : i32
        %get3A_1068 = arith.index_cast %add3A_1067 : i32 to index
        %get3A_1069 = arith.constant 16 : index
        %get3A_1070 = tpu.vector_load %arg11[%get3A_1068, %get3A_1069] {strides = array<i32>} : memref<128x128xf32, #tpu.memory_space<vmem>>, vector<16xf32>,
        %mul3A_1071 = arith.mulf %mul3A_1065, %get3A_1070 : vector<16xf32>
        %swap3A_1072 = arith.index_cast %add3A_1045 : i32 to index
        %swap3A_1073 = arith.constant 16 : index
        %swap3A_1074 = tpu.vector_load %arg11[%swap3A_1072, %swap3A_1073] {strides = array<i32>} : memref<128x128xf32, #tpu.memory_space<vmem>>, vector<16xf32>,
        tpu.vector_store %arg11[%swap3A_1072, %swap3A_1073], %mul3A_1071 {strides = array<i32>} : memref<128x128xf32, #tpu.memory_space<vmem>>, vector<16xf32>,
        %get3A_1075 = arith.index_cast %add3A_1045 : i32 to index
        %get3A_1076 = arith.constant 32 : index
        %get3A_1077 = tpu.vector_load %arg11[%get3A_1075, %get3A_1076] {strides = array<i32>} : memref<128x128xf32, #tpu.memory_space<vmem>>, vector<16xf32>,
        %mul3A_1078 = arith.mulf %gather3A_1048, %get3A_1077 : vector<16xf32>
        %add3A_1079 = arith.constant 64 : i32
        %add3A_1080 = arith.addi %add3A_1079, %add3A_1045 : i32
        %get3A_1081 = arith.index_cast %add3A_1080 : i32 to index
        %get3A_1082 = arith.constant 32 : index
        %get3A_1083 = tpu.vector_load %arg11[%get3A_1081, %get3A_1082] {strides = array<i32>} : memref<128x128xf32, #tpu.memory_space<vmem>>, vector<16xf32>,
        %mul3A_1084 = arith.mulf %mul3A_1078, %get3A_1083 : vector<16xf32>
        %swap3A_1085 = arith.index_cast %add3A_1045 : i32 to index
        %swap3A_1086 = arith.constant 32 : index
        %swap3A_1087 = tpu.vector_load %arg11[%swap3A_1085, %swap3A_1086] {strides = array<i32>} : memref<128x128xf32, #tpu.memory_space<vmem>>, vector<16xf32>,
        tpu.vector_store %arg11[%swap3A_1085, %swap3A_1086], %mul3A_1084 {strides = array<i32>} : memref<128x128xf32, #tpu.memory_space<vmem>>, vector<16xf32>,
        %get3A_1088 = arith.index_cast %add3A_1045 : i32 to index
        %get3A_1089 = arith.constant 48 : index
        %get3A_1090 = tpu.vector_load %arg11[%get3A_1088, %get3A_1089] {strides = array<i32>} : memref<128x128xf32, #tpu.memory_space<vmem>>, vector<16xf32>,
        %mul3A_1091 = arith.mulf %gather3A_1048, %get3A_1090 : vector<16xf32>
        %add3A_1092 = arith.constant 64 : i32
        %add3A_1093 = arith.addi %add3A_1092, %add3A_1045 : i32
        %get3A_1094 = arith.index_cast %add3A_1093 : i32 to index
        %get3A_1095 = arith.constant 48 : index
        %get3A_1096 = tpu.vector_load %arg11[%get3A_1094, %get3A_1095] {strides = array<i32>} : memref<128x128xf32, #tpu.memory_space<vmem>>, vector<16xf32>,
        %mul3A_1097 = arith.mulf %mul3A_1091, %get3A_1096 : vector<16xf32>
        %swap3A_1098 = arith.index_cast %add3A_1045 : i32 to index
        %swap3A_1099 = arith.constant 48 : index
        %swap3A_1100 = tpu.vector_load %arg11[%swap3A_1098, %swap3A_1099] {strides = array<i32>} : memref<128x128xf32, #tpu.memory_space<vmem>>, vector<16xf32>,
        tpu.vector_store %arg11[%swap3A_1098, %swap3A_1099], %mul3A_1097 {strides = array<i32>} : memref<128x128xf32, #tpu.memory_space<vmem>>, vector<16xf32>,
        %get3A_1101 = arith.index_cast %add3A_1045 : i32 to index
        %get3A_1102 = arith.constant 64 : index
        %get3A_1103 = tpu.vector_load %arg11[%get3A_1101, %get3A_1102] {strides = array<i32>} : memref<128x128xf32, #tpu.memory_space<vmem>>, vector<16xf32>,
        %mul3A_1104 = arith.mulf %gather3A_1048, %get3A_1103 : vector<16xf32>
        %add3A_1105 = arith.constant 64 : i32
        %add3A_1106 = arith.addi %add3A_1105, %add3A_1045 : i32
        %get3A_1107 = arith.index_cast %add3A_1106 : i32 to index
        %get3A_1108 = arith.constant 64 : index
        %get3A_1109 = tpu.vector_load %arg11[%get3A_1107, %get3A_1108] {strides = array<i32>} : memref<128x128xf32, #tpu.memory_space<vmem>>, vector<16xf32>,
        %mul3A_1110 = arith.mulf %mul3A_1104, %get3A_1109 : vector<16xf32>
        %swap3A_1111 = arith.index_cast %add3A_1045 : i32 to index
        %swap3A_1112 = arith.constant 64 : index
        %swap3A_1113 = tpu.vector_load %arg11[%swap3A_1111, %swap3A_1112] {strides = array<i32>} : memref<128x128xf32, #tpu.memory_space<vmem>>, vector<16xf32>,
        tpu.vector_store %arg11[%swap3A_1111, %swap3A_1112], %mul3A_1110 {strides = array<i32>} : memref<128x128xf32, #tpu.memory_space<vmem>>, vector<16xf32>,
        %get3A_1114 = arith.index_cast %add3A_1045 : i32 to index
        %get3A_1115 = arith.constant 80 : index
        %get3A_1116 = tpu.vector_load %arg11[%get3A_1114, %get3A_1115] {strides = array<i32>} : memref<128x128xf32, #tpu.memory_space<vmem>>, vector<16xf32>,
        %mul3A_1117 = arith.mulf %gather3A_1048, %get3A_1116 : vector<16xf32>
        %add3A_1118 = arith.constant 64 : i32
        %add3A_1119 = arith.addi %add3A_1118, %add3A_1045 : i32
        %get3A_1120 = arith.index_cast %add3A_1119 : i32 to index
        %get3A_1121 = arith.constant 80 : index
        %get3A_1122 = tpu.vector_load %arg11[%get3A_1120, %get3A_1121] {strides = array<i32>} : memref<128x128xf32, #tpu.memory_space<vmem>>, vector<16xf32>,
        %mul3A_1123 = arith.mulf %mul3A_1117, %get3A_1122 : vector<16xf32>
        %swap3A_1124 = arith.index_cast %add3A_1045 : i32 to index
        %swap3A_1125 = arith.constant 80 : index
        %swap3A_1126 = tpu.vector_load %arg11[%swap3A_1124, %swap3A_1125] {strides = array<i32>} : memref<128x128xf32, #tpu.memory_space<vmem>>, vector<16xf32>,
        tpu.vector_store %arg11[%swap3A_1124, %swap3A_1125], %mul3A_1123 {strides = array<i32>} : memref<128x128xf32, #tpu.memory_space<vmem>>, vector<16xf32>,
        %get3A_1127 = arith.index_cast %add3A_1045 : i32 to index
        %get3A_1128 = arith.constant 96 : index
        %get3A_1129 = tpu.vector_load %arg11[%get3A_1127, %get3A_1128] {strides = array<i32>} : memref<128x128xf32, #tpu.memory_space<vmem>>, vector<16xf32>,
        %mul3A_1130 = arith.mulf %gather3A_1048, %get3A_1129 : vector<16xf32>
        %add3A_1131 = arith.constant 64 : i32
        %add3A_1132 = arith.addi %add3A_1131, %add3A_1045 : i32
        %get3A_1133 = arith.index_cast %add3A_1132 : i32 to index
        %get3A_1134 = arith.constant 96 : index
        %get3A_1135 = tpu.vector_load %arg11[%get3A_1133, %get3A_1134] {strides = array<i32>} : memref<128x128xf32, #tpu.memory_space<vmem>>, vector<16xf32>,
        %mul3A_1136 = arith.mulf %mul3A_1130, %get3A_1135 : vector<16xf32>
        %swap3A_1137 = arith.index_cast %add3A_1045 : i32 to index
        %swap3A_1138 = arith.constant 96 : index
        %swap3A_1139 = tpu.vector_load %arg11[%swap3A_1137, %swap3A_1138] {strides = array<i32>} : memref<128x128xf32, #tpu.memory_space<vmem>>, vector<16xf32>,
        tpu.vector_store %arg11[%swap3A_1137, %swap3A_1138], %mul3A_1136 {strides = array<i32>} : memref<128x128xf32, #tpu.memory_space<vmem>>, vector<16xf32>,
        %get3A_1140 = arith.index_cast %add3A_1045 : i32 to index
        %get3A_1141 = arith.constant 112 : index
        %get3A_1142 = tpu.vector_load %arg11[%get3A_1140, %get3A_1141] {strides = array<i32>} : memref<128x128xf32, #tpu.memory_space<vmem>>, vector<16xf32>,
        %mul3A_1143 = arith.mulf %gather3A_1048, %get3A_1142 : vector<16xf32>
        %add3A_1144 = arith.constant 64 : i32
        %add3A_1145 = arith.addi %add3A_1144, %add3A_1045 : i32
        %get3A_1146 = arith.index_cast %add3A_1145 : i32 to index
        %get3A_1147 = arith.constant 112 : index
        %get3A_1148 = tpu.vector_load %arg11[%get3A_1146, %get3A_1147] {strides = array<i32>} : memref<128x128xf32, #tpu.memory_space<vmem>>, vector<16xf32>,
        %mul3A_1149 = arith.mulf %mul3A_1143, %get3A_1148 : vector<16xf32>
        %swap3A_1150 = arith.index_cast %add3A_1045 : i32 to index
        %swap3A_1151 = arith.constant 112 : index
        %swap3A_1152 = tpu.vector_load %arg11[%swap3A_1150, %swap3A_1151] {strides = array<i32>} : memref<128x128xf32, #tpu.memory_space<vmem>>, vector<16xf32>,
        tpu.vector_store %arg11[%swap3A_1150, %swap3A_1151], %mul3A_1149 {strides = array<i32>} : memref<128x128xf32, #tpu.memory_space<vmem>>, vector<16xf32>,
        %mul3A_1153 = arith.constant 16 : i32
        %mul3A_1154 = arith.muli %add3A_242, %mul3A_1153 : i32
        %add3A_1155 = arith.constant 8 : i32
        %add3A_1156 = arith.addi %mul3A_1154, %add3A_1155 : i32
        %broadcast_in_dim3A_1157 = arith.constant 8 : i32
        %broadcast_in_dim3A_1158 = vector.broadcast %broadcast_in_dim3A_1157 : i32 to vector<16xi32>
        %gather3A_1159 = tpu.vector_load_idx %arg8[%broadcast_in_dim3A_1158] : memref<16xf32, #tpu.memory_space<vmem>>[vector<16xi32>], vector<16xf32>,
        %get3A_1160 = arith.index_cast %add3A_1156 : i32 to index
        %get3A_1161 = arith.constant 0 : index
        %get3A_1162 = tpu.vector_load %arg11[%get3A_1160, %get3A_1161] {strides = array<i32>} : memref<128x128xf32, #tpu.memory_space<vmem>>, vector<16xf32>,
        %mul3A_1163 = arith.mulf %gather3A_1159, %get3A_1162 : vector<16xf32>
        %add3A_1164 = arith.constant 64 : i32
        %add3A_1165 = arith.addi %add3A_1164, %add3A_1156 : i32
        %get3A_1166 = arith.index_cast %add3A_1165 : i32 to index
        %get3A_1167 = arith.constant 0 : index
        %get3A_1168 = tpu.vector_load %arg11[%get3A_1166, %get3A_1167] {strides = array<i32>} : memref<128x128xf32, #tpu.memory_space<vmem>>, vector<16xf32>,
        %mul3A_1169 = arith.mulf %mul3A_1163, %get3A_1168 : vector<16xf32>
        %swap3A_1170 = arith.index_cast %add3A_1156 : i32 to index
        %swap3A_1171 = arith.constant 0 : index
        %swap3A_1172 = tpu.vector_load %arg11[%swap3A_1170, %swap3A_1171] {strides = array<i32>} : memref<128x128xf32, #tpu.memory_space<vmem>>, vector<16xf32>,
        tpu.vector_store %arg11[%swap3A_1170, %swap3A_1171], %mul3A_1169 {strides = array<i32>} : memref<128x128xf32, #tpu.memory_space<vmem>>, vector<16xf32>,
        %get3A_1173 = arith.index_cast %add3A_1156 : i32 to index
        %get3A_1174 = arith.constant 16 : index
        %get3A_1175 = tpu.vector_load %arg11[%get3A_1173, %get3A_1174] {strides = array<i32>} : memref<128x128xf32, #tpu.memory_space<vmem>>, vector<16xf32>,
        %mul3A_1176 = arith.mulf %gather3A_1159, %get3A_1175 : vector<16xf32>
        %add3A_1177 = arith.constant 64 : i32
        %add3A_1178 = arith.addi %add3A_1177, %add3A_1156 : i32
        %get3A_1179 = arith.index_cast %add3A_1178 : i32 to index
        %get3A_1180 = arith.constant 16 : index
        %get3A_1181 = tpu.vector_load %arg11[%get3A_1179, %get3A_1180] {strides = array<i32>} : memref<128x128xf32, #tpu.memory_space<vmem>>, vector<16xf32>,
        %mul3A_1182 = arith.mulf %mul3A_1176, %get3A_1181 : vector<16xf32>
        %swap3A_1183 = arith.index_cast %add3A_1156 : i32 to index
        %swap3A_1184 = arith.constant 16 : index
        %swap3A_1185 = tpu.vector_load %arg11[%swap3A_1183, %swap3A_1184] {strides = array<i32>} : memref<128x128xf32, #tpu.memory_space<vmem>>, vector<16xf32>,
        tpu.vector_store %arg11[%swap3A_1183, %swap3A_1184], %mul3A_1182 {strides = array<i32>} : memref<128x128xf32, #tpu.memory_space<vmem>>, vector<16xf32>,
        %get3A_1186 = arith.index_cast %add3A_1156 : i32 to index
        %get3A_1187 = arith.constant 32 : index
        %get3A_1188 = tpu.vector_load %arg11[%get3A_1186, %get3A_1187] {strides = array<i32>} : memref<128x128xf32, #tpu.memory_space<vmem>>, vector<16xf32>,
        %mul3A_1189 = arith.mulf %gather3A_1159, %get3A_1188 : vector<16xf32>
        %add3A_1190 = arith.constant 64 : i32
        %add3A_1191 = arith.addi %add3A_1190, %add3A_1156 : i32
        %get3A_1192 = arith.index_cast %add3A_1191 : i32 to index
        %get3A_1193 = arith.constant 32 : index
        %get3A_1194 = tpu.vector_load %arg11[%get3A_1192, %get3A_1193] {strides = array<i32>} : memref<128x128xf32, #tpu.memory_space<vmem>>, vector<16xf32>,
        %mul3A_1195 = arith.mulf %mul3A_1189, %get3A_1194 : vector<16xf32>
        %swap3A_1196 = arith.index_cast %add3A_1156 : i32 to index
        %swap3A_1197 = arith.constant 32 : index
        %swap3A_1198 = tpu.vector_load %arg11[%swap3A_1196, %swap3A_1197] {strides = array<i32>} : memref<128x128xf32, #tpu.memory_space<vmem>>, vector<16xf32>,
        tpu.vector_store %arg11[%swap3A_1196, %swap3A_1197], %mul3A_1195 {strides = array<i32>} : memref<128x128xf32, #tpu.memory_space<vmem>>, vector<16xf32>,
        %get3A_1199 = arith.index_cast %add3A_1156 : i32 to index
        %get3A_1200 = arith.constant 48 : index
        %get3A_1201 = tpu.vector_load %arg11[%get3A_1199, %get3A_1200] {strides = array<i32>} : memref<128x128xf32, #tpu.memory_space<vmem>>, vector<16xf32>,
        %mul3A_1202 = arith.mulf %gather3A_1159, %get3A_1201 : vector<16xf32>
        %add3A_1203 = arith.constant 64 : i32
        %add3A_1204 = arith.addi %add3A_1203, %add3A_1156 : i32
        %get3A_1205 = arith.index_cast %add3A_1204 : i32 to index
        %get3A_1206 = arith.constant 48 : index
        %get3A_1207 = tpu.vector_load %arg11[%get3A_1205, %get3A_1206] {strides = array<i32>} : memref<128x128xf32, #tpu.memory_space<vmem>>, vector<16xf32>,
        %mul3A_1208 = arith.mulf %mul3A_1202, %get3A_1207 : vector<16xf32>
        %swap3A_1209 = arith.index_cast %add3A_1156 : i32 to index
        %swap3A_1210 = arith.constant 48 : index
        %swap3A_1211 = tpu.vector_load %arg11[%swap3A_1209, %swap3A_1210] {strides = array<i32>} : memref<128x128xf32, #tpu.memory_space<vmem>>, vector<16xf32>,
        tpu.vector_store %arg11[%swap3A_1209, %swap3A_1210], %mul3A_1208 {strides = array<i32>} : memref<128x128xf32, #tpu.memory_space<vmem>>, vector<16xf32>,
        %get3A_1212 = arith.index_cast %add3A_1156 : i32 to index
        %get3A_1213 = arith.constant 64 : index
        %get3A_1214 = tpu.vector_load %arg11[%get3A_1212, %get3A_1213] {strides = array<i32>} : memref<128x128xf32, #tpu.memory_space<vmem>>, vector<16xf32>,
        %mul3A_1215 = arith.mulf %gather3A_1159, %get3A_1214 : vector<16xf32>
        %add3A_1216 = arith.constant 64 : i32
        %add3A_1217 = arith.addi %add3A_1216, %add3A_1156 : i32
        %get3A_1218 = arith.index_cast %add3A_1217 : i32 to index
        %get3A_1219 = arith.constant 64 : index
        %get3A_1220 = tpu.vector_load %arg11[%get3A_1218, %get3A_1219] {strides = array<i32>} : memref<128x128xf32, #tpu.memory_space<vmem>>, vector<16xf32>,
        %mul3A_1221 = arith.mulf %mul3A_1215, %get3A_1220 : vector<16xf32>
        %swap3A_1222 = arith.index_cast %add3A_1156 : i32 to index
        %swap3A_1223 = arith.constant 64 : index
        %swap3A_1224 = tpu.vector_load %arg11[%swap3A_1222, %swap3A_1223] {strides = array<i32>} : memref<128x128xf32, #tpu.memory_space<vmem>>, vector<16xf32>,
        tpu.vector_store %arg11[%swap3A_1222, %swap3A_1223], %mul3A_1221 {strides = array<i32>} : memref<128x128xf32, #tpu.memory_space<vmem>>, vector<16xf32>,
        %get3A_1225 = arith.index_cast %add3A_1156 : i32 to index
        %get3A_1226 = arith.constant 80 : index
        %get3A_1227 = tpu.vector_load %arg11[%get3A_1225, %get3A_1226] {strides = array<i32>} : memref<128x128xf32, #tpu.memory_space<vmem>>, vector<16xf32>,
        %mul3A_1228 = arith.mulf %gather3A_1159, %get3A_1227 : vector<16xf32>
        %add3A_1229 = arith.constant 64 : i32
        %add3A_1230 = arith.addi %add3A_1229, %add3A_1156 : i32
        %get3A_1231 = arith.index_cast %add3A_1230 : i32 to index
        %get3A_1232 = arith.constant 80 : index
        %get3A_1233 = tpu.vector_load %arg11[%get3A_1231, %get3A_1232] {strides = array<i32>} : memref<128x128xf32, #tpu.memory_space<vmem>>, vector<16xf32>,
        %mul3A_1234 = arith.mulf %mul3A_1228, %get3A_1233 : vector<16xf32>
        %swap3A_1235 = arith.index_cast %add3A_1156 : i32 to index
        %swap3A_1236 = arith.constant 80 : index
        %swap3A_1237 = tpu.vector_load %arg11[%swap3A_1235, %swap3A_1236] {strides = array<i32>} : memref<128x128xf32, #tpu.memory_space<vmem>>, vector<16xf32>,
        tpu.vector_store %arg11[%swap3A_1235, %swap3A_1236], %mul3A_1234 {strides = array<i32>} : memref<128x128xf32, #tpu.memory_space<vmem>>, vector<16xf32>,
        %get3A_1238 = arith.index_cast %add3A_1156 : i32 to index
        %get3A_1239 = arith.constant 96 : index
        %get3A_1240 = tpu.vector_load %arg11[%get3A_1238, %get3A_1239] {strides = array<i32>} : memref<128x128xf32, #tpu.memory_space<vmem>>, vector<16xf32>,
        %mul3A_1241 = arith.mulf %gather3A_1159, %get3A_1240 : vector<16xf32>
        %add3A_1242 = arith.constant 64 : i32
        %add3A_1243 = arith.addi %add3A_1242, %add3A_1156 : i32
        %get3A_1244 = arith.index_cast %add3A_1243 : i32 to index
        %get3A_1245 = arith.constant 96 : index
        %get3A_1246 = tpu.vector_load %arg11[%get3A_1244, %get3A_1245] {strides = array<i32>} : memref<128x128xf32, #tpu.memory_space<vmem>>, vector<16xf32>,
        %mul3A_1247 = arith.mulf %mul3A_1241, %get3A_1246 : vector<16xf32>
        %swap3A_1248 = arith.index_cast %add3A_1156 : i32 to index
        %swap3A_1249 = arith.constant 96 : index
        %swap3A_1250 = tpu.vector_load %arg11[%swap3A_1248, %swap3A_1249] {strides = array<i32>} : memref<128x128xf32, #tpu.memory_space<vmem>>, vector<16xf32>,
        tpu.vector_store %arg11[%swap3A_1248, %swap3A_1249], %mul3A_1247 {strides = array<i32>} : memref<128x128xf32, #tpu.memory_space<vmem>>, vector<16xf32>,
        %get3A_1251 = arith.index_cast %add3A_1156 : i32 to index
        %get3A_1252 = arith.constant 112 : index
        %get3A_1253 = tpu.vector_load %arg11[%get3A_1251, %get3A_1252] {strides = array<i32>} : memref<128x128xf32, #tpu.memory_space<vmem>>, vector<16xf32>,
        %mul3A_1254 = arith.mulf %gather3A_1159, %get3A_1253 : vector<16xf32>
        %add3A_1255 = arith.constant 64 : i32
        %add3A_1256 = arith.addi %add3A_1255, %add3A_1156 : i32
        %get3A_1257 = arith.index_cast %add3A_1256 : i32 to index
        %get3A_1258 = arith.constant 112 : index
        %get3A_1259 = tpu.vector_load %arg11[%get3A_1257, %get3A_1258] {strides = array<i32>} : memref<128x128xf32, #tpu.memory_space<vmem>>, vector<16xf32>,
        %mul3A_1260 = arith.mulf %mul3A_1254, %get3A_1259 : vector<16xf32>
        %swap3A_1261 = arith.index_cast %add3A_1156 : i32 to index
        %swap3A_1262 = arith.constant 112 : index
        %swap3A_1263 = tpu.vector_load %arg11[%swap3A_1261, %swap3A_1262] {strides = array<i32>} : memref<128x128xf32, #tpu.memory_space<vmem>>, vector<16xf32>,
        tpu.vector_store %arg11[%swap3A_1261, %swap3A_1262], %mul3A_1260 {strides = array<i32>} : memref<128x128xf32, #tpu.memory_space<vmem>>, vector<16xf32>,
        %mul3A_1264 = arith.constant 16 : i32
        %mul3A_1265 = arith.muli %add3A_242, %mul3A_1264 : i32
        %add3A_1266 = arith.constant 9 : i32
        %add3A_1267 = arith.addi %mul3A_1265, %add3A_1266 : i32
        %broadcast_in_dim3A_1268 = arith.constant 9 : i32
        %broadcast_in_dim3A_1269 = vector.broadcast %broadcast_in_dim3A_1268 : i32 to vector<16xi32>
        %gather3A_1270 = tpu.vector_load_idx %arg8[%broadcast_in_dim3A_1269] : memref<16xf32, #tpu.memory_space<vmem>>[vector<16xi32>], vector<16xf32>,
        %get3A_1271 = arith.index_cast %add3A_1267 : i32 to index
        %get3A_1272 = arith.constant 0 : index
        %get3A_1273 = tpu.vector_load %arg11[%get3A_1271, %get3A_1272] {strides = array<i32>} : memref<128x128xf32, #tpu.memory_space<vmem>>, vector<16xf32>,
        %mul3A_1274 = arith.mulf %gather3A_1270, %get3A_1273 : vector<16xf32>
        %add3A_1275 = arith.constant 64 : i32
        %add3A_1276 = arith.addi %add3A_1275, %add3A_1267 : i32
        %get3A_1277 = arith.index_cast %add3A_1276 : i32 to index
        %get3A_1278 = arith.constant 0 : index
        %get3A_1279 = tpu.vector_load %arg11[%get3A_1277, %get3A_1278] {strides = array<i32>} : memref<128x128xf32, #tpu.memory_space<vmem>>, vector<16xf32>,
        %mul3A_1280 = arith.mulf %mul3A_1274, %get3A_1279 : vector<16xf32>
        %swap3A_1281 = arith.index_cast %add3A_1267 : i32 to index
        %swap3A_1282 = arith.constant 0 : index
        %swap3A_1283 = tpu.vector_load %arg11[%swap3A_1281, %swap3A_1282] {strides = array<i32>} : memref<128x128xf32, #tpu.memory_space<vmem>>, vector<16xf32>,
        tpu.vector_store %arg11[%swap3A_1281, %swap3A_1282], %mul3A_1280 {strides = array<i32>} : memref<128x128xf32, #tpu.memory_space<vmem>>, vector<16xf32>,
        %get3A_1284 = arith.index_cast %add3A_1267 : i32 to index
        %get3A_1285 = arith.constant 16 : index
        %get3A_1286 = tpu.vector_load %arg11[%get3A_1284, %get3A_1285] {strides = array<i32>} : memref<128x128xf32, #tpu.memory_space<vmem>>, vector<16xf32>,
        %mul3A_1287 = arith.mulf %gather3A_1270, %get3A_1286 : vector<16xf32>
        %add3A_1288 = arith.constant 64 : i32
        %add3A_1289 = arith.addi %add3A_1288, %add3A_1267 : i32
        %get3A_1290 = arith.index_cast %add3A_1289 : i32 to index
        %get3A_1291 = arith.constant 16 : index
        %get3A_1292 = tpu.vector_load %arg11[%get3A_1290, %get3A_1291] {strides = array<i32>} : memref<128x128xf32, #tpu.memory_space<vmem>>, vector<16xf32>,
        %mul3A_1293 = arith.mulf %mul3A_1287, %get3A_1292 : vector<16xf32>
        %swap3A_1294 = arith.index_cast %add3A_1267 : i32 to index
        %swap3A_1295 = arith.constant 16 : index
        %swap3A_1296 = tpu.vector_load %arg11[%swap3A_1294, %swap3A_1295] {strides = array<i32>} : memref<128x128xf32, #tpu.memory_space<vmem>>, vector<16xf32>,
        tpu.vector_store %arg11[%swap3A_1294, %swap3A_1295], %mul3A_1293 {strides = array<i32>} : memref<128x128xf32, #tpu.memory_space<vmem>>, vector<16xf32>,
        %get3A_1297 = arith.index_cast %add3A_1267 : i32 to index
        %get3A_1298 = arith.constant 32 : index
        %get3A_1299 = tpu.vector_load %arg11[%get3A_1297, %get3A_1298] {strides = array<i32>} : memref<128x128xf32, #tpu.memory_space<vmem>>, vector<16xf32>,
        %mul3A_1300 = arith.mulf %gather3A_1270, %get3A_1299 : vector<16xf32>
        %add3A_1301 = arith.constant 64 : i32
        %add3A_1302 = arith.addi %add3A_1301, %add3A_1267 : i32
        %get3A_1303 = arith.index_cast %add3A_1302 : i32 to index
        %get3A_1304 = arith.constant 32 : index
        %get3A_1305 = tpu.vector_load %arg11[%get3A_1303, %get3A_1304] {strides = array<i32>} : memref<128x128xf32, #tpu.memory_space<vmem>>, vector<16xf32>,
        %mul3A_1306 = arith.mulf %mul3A_1300, %get3A_1305 : vector<16xf32>
        %swap3A_1307 = arith.index_cast %add3A_1267 : i32 to index
        %swap3A_1308 = arith.constant 32 : index
        %swap3A_1309 = tpu.vector_load %arg11[%swap3A_1307, %swap3A_1308] {strides = array<i32>} : memref<128x128xf32, #tpu.memory_space<vmem>>, vector<16xf32>,
        tpu.vector_store %arg11[%swap3A_1307, %swap3A_1308], %mul3A_1306 {strides = array<i32>} : memref<128x128xf32, #tpu.memory_space<vmem>>, vector<16xf32>,
        %get3A_1310 = arith.index_cast %add3A_1267 : i32 to index
        %get3A_1311 = arith.constant 48 : index
        %get3A_1312 = tpu.vector_load %arg11[%get3A_1310, %get3A_1311] {strides = array<i32>} : memref<128x128xf32, #tpu.memory_space<vmem>>, vector<16xf32>,
        %mul3A_1313 = arith.mulf %gather3A_1270, %get3A_1312 : vector<16xf32>
        %add3A_1314 = arith.constant 64 : i32
        %add3A_1315 = arith.addi %add3A_1314, %add3A_1267 : i32
        %get3A_1316 = arith.index_cast %add3A_1315 : i32 to index
        %get3A_1317 = arith.constant 48 : index
        %get3A_1318 = tpu.vector_load %arg11[%get3A_1316, %get3A_1317] {strides = array<i32>} : memref<128x128xf32, #tpu.memory_space<vmem>>, vector<16xf32>,
        %mul3A_1319 = arith.mulf %mul3A_1313, %get3A_1318 : vector<16xf32>
        %swap3A_1320 = arith.index_cast %add3A_1267 : i32 to index
        %swap3A_1321 = arith.constant 48 : index
        %swap3A_1322 = tpu.vector_load %arg11[%swap3A_1320, %swap3A_1321] {strides = array<i32>} : memref<128x128xf32, #tpu.memory_space<vmem>>, vector<16xf32>,
        tpu.vector_store %arg11[%swap3A_1320, %swap3A_1321], %mul3A_1319 {strides = array<i32>} : memref<128x128xf32, #tpu.memory_space<vmem>>, vector<16xf32>,
        %get3A_1323 = arith.index_cast %add3A_1267 : i32 to index
        %get3A_1324 = arith.constant 64 : index
        %get3A_1325 = tpu.vector_load %arg11[%get3A_1323, %get3A_1324] {strides = array<i32>} : memref<128x128xf32, #tpu.memory_space<vmem>>, vector<16xf32>,
        %mul3A_1326 = arith.mulf %gather3A_1270, %get3A_1325 : vector<16xf32>
        %add3A_1327 = arith.constant 64 : i32
        %add3A_1328 = arith.addi %add3A_1327, %add3A_1267 : i32
        %get3A_1329 = arith.index_cast %add3A_1328 : i32 to index
        %get3A_1330 = arith.constant 64 : index
        %get3A_1331 = tpu.vector_load %arg11[%get3A_1329, %get3A_1330] {strides = array<i32>} : memref<128x128xf32, #tpu.memory_space<vmem>>, vector<16xf32>,
        %mul3A_1332 = arith.mulf %mul3A_1326, %get3A_1331 : vector<16xf32>
        %swap3A_1333 = arith.index_cast %add3A_1267 : i32 to index
        %swap3A_1334 = arith.constant 64 : index
        %swap3A_1335 = tpu.vector_load %arg11[%swap3A_1333, %swap3A_1334] {strides = array<i32>} : memref<128x128xf32, #tpu.memory_space<vmem>>, vector<16xf32>,
        tpu.vector_store %arg11[%swap3A_1333, %swap3A_1334], %mul3A_1332 {strides = array<i32>} : memref<128x128xf32, #tpu.memory_space<vmem>>, vector<16xf32>,
        %get3A_1336 = arith.index_cast %add3A_1267 : i32 to index
        %get3A_1337 = arith.constant 80 : index
        %get3A_1338 = tpu.vector_load %arg11[%get3A_1336, %get3A_1337] {strides = array<i32>} : memref<128x128xf32, #tpu.memory_space<vmem>>, vector<16xf32>,
        %mul3A_1339 = arith.mulf %gather3A_1270, %get3A_1338 : vector<16xf32>
        %add3A_1340 = arith.constant 64 : i32
        %add3A_1341 = arith.addi %add3A_1340, %add3A_1267 : i32
        %get3A_1342 = arith.index_cast %add3A_1341 : i32 to index
        %get3A_1343 = arith.constant 80 : index
        %get3A_1344 = tpu.vector_load %arg11[%get3A_1342, %get3A_1343] {strides = array<i32>} : memref<128x128xf32, #tpu.memory_space<vmem>>, vector<16xf32>,
        %mul3A_1345 = arith.mulf %mul3A_1339, %get3A_1344 : vector<16xf32>
        %swap3A_1346 = arith.index_cast %add3A_1267 : i32 to index
        %swap3A_1347 = arith.constant 80 : index
        %swap3A_1348 = tpu.vector_load %arg11[%swap3A_1346, %swap3A_1347] {strides = array<i32>} : memref<128x128xf32, #tpu.memory_space<vmem>>, vector<16xf32>,
        tpu.vector_store %arg11[%swap3A_1346, %swap3A_1347], %mul3A_1345 {strides = array<i32>} : memref<128x128xf32, #tpu.memory_space<vmem>>, vector<16xf32>,
        %get3A_1349 = arith.index_cast %add3A_1267 : i32 to index
        %get3A_1350 = arith.constant 96 : index
        %get3A_1351 = tpu.vector_load %arg11[%get3A_1349, %get3A_1350] {strides = array<i32>} : memref<128x128xf32, #tpu.memory_space<vmem>>, vector<16xf32>,
        %mul3A_1352 = arith.mulf %gather3A_1270, %get3A_1351 : vector<16xf32>
        %add3A_1353 = arith.constant 64 : i32
        %add3A_1354 = arith.addi %add3A_1353, %add3A_1267 : i32
        %get3A_1355 = arith.index_cast %add3A_1354 : i32 to index
        %get3A_1356 = arith.constant 96 : index
        %get3A_1357 = tpu.vector_load %arg11[%get3A_1355, %get3A_1356] {strides = array<i32>} : memref<128x128xf32, #tpu.memory_space<vmem>>, vector<16xf32>,
        %mul3A_1358 = arith.mulf %mul3A_1352, %get3A_1357 : vector<16xf32>
        %swap3A_1359 = arith.index_cast %add3A_1267 : i32 to index
        %swap3A_1360 = arith.constant 96 : index
        %swap3A_1361 = tpu.vector_load %arg11[%swap3A_1359, %swap3A_1360] {strides = array<i32>} : memref<128x128xf32, #tpu.memory_space<vmem>>, vector<16xf32>,
        tpu.vector_store %arg11[%swap3A_1359, %swap3A_1360], %mul3A_1358 {strides = array<i32>} : memref<128x128xf32, #tpu.memory_space<vmem>>, vector<16xf32>,
        %get3A_1362 = arith.index_cast %add3A_1267 : i32 to index
        %get3A_1363 = arith.constant 112 : index
        %get3A_1364 = tpu.vector_load %arg11[%get3A_1362, %get3A_1363] {strides = array<i32>} : memref<128x128xf32, #tpu.memory_space<vmem>>, vector<16xf32>,
        %mul3A_1365 = arith.mulf %gather3A_1270, %get3A_1364 : vector<16xf32>
        %add3A_1366 = arith.constant 64 : i32
        %add3A_1367 = arith.addi %add3A_1366, %add3A_1267 : i32
        %get3A_1368 = arith.index_cast %add3A_1367 : i32 to index
        %get3A_1369 = arith.constant 112 : index
        %get3A_1370 = tpu.vector_load %arg11[%get3A_1368, %get3A_1369] {strides = array<i32>} : memref<128x128xf32, #tpu.memory_space<vmem>>, vector<16xf32>,
        %mul3A_1371 = arith.mulf %mul3A_1365, %get3A_1370 : vector<16xf32>
        %swap3A_1372 = arith.index_cast %add3A_1267 : i32 to index
        %swap3A_1373 = arith.constant 112 : index
        %swap3A_1374 = tpu.vector_load %arg11[%swap3A_1372, %swap3A_1373] {strides = array<i32>} : memref<128x128xf32, #tpu.memory_space<vmem>>, vector<16xf32>,
        tpu.vector_store %arg11[%swap3A_1372, %swap3A_1373], %mul3A_1371 {strides = array<i32>} : memref<128x128xf32, #tpu.memory_space<vmem>>, vector<16xf32>,
        %mul3A_1375 = arith.constant 16 : i32
        %mul3A_1376 = arith.muli %add3A_242, %mul3A_1375 : i32
        %add3A_1377 = arith.constant 10 : i32
        %add3A_1378 = arith.addi %mul3A_1376, %add3A_1377 : i32
        %broadcast_in_dim3A_1379 = arith.constant 10 : i32
        %broadcast_in_dim3A_1380 = vector.broadcast %broadcast_in_dim3A_1379 : i32 to vector<16xi32>
        %gather3A_1381 = tpu.vector_load_idx %arg8[%broadcast_in_dim3A_1380] : memref<16xf32, #tpu.memory_space<vmem>>[vector<16xi32>], vector<16xf32>,
        %get3A_1382 = arith.index_cast %add3A_1378 : i32 to index
        %get3A_1383 = arith.constant 0 : index
        %get3A_1384 = tpu.vector_load %arg11[%get3A_1382, %get3A_1383] {strides = array<i32>} : memref<128x128xf32, #tpu.memory_space<vmem>>, vector<16xf32>,
        %mul3A_1385 = arith.mulf %gather3A_1381, %get3A_1384 : vector<16xf32>
        %add3A_1386 = arith.constant 64 : i32
        %add3A_1387 = arith.addi %add3A_1386, %add3A_1378 : i32
        %get3A_1388 = arith.index_cast %add3A_1387 : i32 to index
        %get3A_1389 = arith.constant 0 : index
        %get3A_1390 = tpu.vector_load %arg11[%get3A_1388, %get3A_1389] {strides = array<i32>} : memref<128x128xf32, #tpu.memory_space<vmem>>, vector<16xf32>,
        %mul3A_1391 = arith.mulf %mul3A_1385, %get3A_1390 : vector<16xf32>
        %swap3A_1392 = arith.index_cast %add3A_1378 : i32 to index
        %swap3A_1393 = arith.constant 0 : index
        %swap3A_1394 = tpu.vector_load %arg11[%swap3A_1392, %swap3A_1393] {strides = array<i32>} : memref<128x128xf32, #tpu.memory_space<vmem>>, vector<16xf32>,
        tpu.vector_store %arg11[%swap3A_1392, %swap3A_1393], %mul3A_1391 {strides = array<i32>} : memref<128x128xf32, #tpu.memory_space<vmem>>, vector<16xf32>,
        %get3A_1395 = arith.index_cast %add3A_1378 : i32 to index
        %get3A_1396 = arith.constant 16 : index
        %get3A_1397 = tpu.vector_load %arg11[%get3A_1395, %get3A_1396] {strides = array<i32>} : memref<128x128xf32, #tpu.memory_space<vmem>>, vector<16xf32>,
        %mul3A_1398 = arith.mulf %gather3A_1381, %get3A_1397 : vector<16xf32>
        %add3A_1399 = arith.constant 64 : i32
        %add3A_1400 = arith.addi %add3A_1399, %add3A_1378 : i32
        %get3A_1401 = arith.index_cast %add3A_1400 : i32 to index
        %get3A_1402 = arith.constant 16 : index
        %get3A_1403 = tpu.vector_load %arg11[%get3A_1401, %get3A_1402] {strides = array<i32>} : memref<128x128xf32, #tpu.memory_space<vmem>>, vector<16xf32>,
        %mul3A_1404 = arith.mulf %mul3A_1398, %get3A_1403 : vector<16xf32>
        %swap3A_1405 = arith.index_cast %add3A_1378 : i32 to index
        %swap3A_1406 = arith.constant 16 : index
        %swap3A_1407 = tpu.vector_load %arg11[%swap3A_1405, %swap3A_1406] {strides = array<i32>} : memref<128x128xf32, #tpu.memory_space<vmem>>, vector<16xf32>,
        tpu.vector_store %arg11[%swap3A_1405, %swap3A_1406], %mul3A_1404 {strides = array<i32>} : memref<128x128xf32, #tpu.memory_space<vmem>>, vector<16xf32>,
        %get3A_1408 = arith.index_cast %add3A_1378 : i32 to index
        %get3A_1409 = arith.constant 32 : index
        %get3A_1410 = tpu.vector_load %arg11[%get3A_1408, %get3A_1409] {strides = array<i32>} : memref<128x128xf32, #tpu.memory_space<vmem>>, vector<16xf32>,
        %mul3A_1411 = arith.mulf %gather3A_1381, %get3A_1410 : vector<16xf32>
        %add3A_1412 = arith.constant 64 : i32
        %add3A_1413 = arith.addi %add3A_1412, %add3A_1378 : i32
        %get3A_1414 = arith.index_cast %add3A_1413 : i32 to index
        %get3A_1415 = arith.constant 32 : index
        %get3A_1416 = tpu.vector_load %arg11[%get3A_1414, %get3A_1415] {strides = array<i32>} : memref<128x128xf32, #tpu.memory_space<vmem>>, vector<16xf32>,
        %mul3A_1417 = arith.mulf %mul3A_1411, %get3A_1416 : vector<16xf32>
        %swap3A_1418 = arith.index_cast %add3A_1378 : i32 to index
        %swap3A_1419 = arith.constant 32 : index
        %swap3A_1420 = tpu.vector_load %arg11[%swap3A_1418, %swap3A_1419] {strides = array<i32>} : memref<128x128xf32, #tpu.memory_space<vmem>>, vector<16xf32>,
        tpu.vector_store %arg11[%swap3A_1418, %swap3A_1419], %mul3A_1417 {strides = array<i32>} : memref<128x128xf32, #tpu.memory_space<vmem>>, vector<16xf32>,
        %get3A_1421 = arith.index_cast %add3A_1378 : i32 to index
        %get3A_1422 = arith.constant 48 : index
        %get3A_1423 = tpu.vector_load %arg11[%get3A_1421, %get3A_1422] {strides = array<i32>} : memref<128x128xf32, #tpu.memory_space<vmem>>, vector<16xf32>,
        %mul3A_1424 = arith.mulf %gather3A_1381, %get3A_1423 : vector<16xf32>
        %add3A_1425 = arith.constant 64 : i32
        %add3A_1426 = arith.addi %add3A_1425, %add3A_1378 : i32
        %get3A_1427 = arith.index_cast %add3A_1426 : i32 to index
        %get3A_1428 = arith.constant 48 : index
        %get3A_1429 = tpu.vector_load %arg11[%get3A_1427, %get3A_1428] {strides = array<i32>} : memref<128x128xf32, #tpu.memory_space<vmem>>, vector<16xf32>,
        %mul3A_1430 = arith.mulf %mul3A_1424, %get3A_1429 : vector<16xf32>
        %swap3A_1431 = arith.index_cast %add3A_1378 : i32 to index
        %swap3A_1432 = arith.constant 48 : index
        %swap3A_1433 = tpu.vector_load %arg11[%swap3A_1431, %swap3A_1432] {strides = array<i32>} : memref<128x128xf32, #tpu.memory_space<vmem>>, vector<16xf32>,
        tpu.vector_store %arg11[%swap3A_1431, %swap3A_1432], %mul3A_1430 {strides = array<i32>} : memref<128x128xf32, #tpu.memory_space<vmem>>, vector<16xf32>,
        %get3A_1434 = arith.index_cast %add3A_1378 : i32 to index
        %get3A_1435 = arith.constant 64 : index
        %get3A_1436 = tpu.vector_load %arg11[%get3A_1434, %get3A_1435] {strides = array<i32>} : memref<128x128xf32, #tpu.memory_space<vmem>>, vector<16xf32>,
        %mul3A_1437 = arith.mulf %gather3A_1381, %get3A_1436 : vector<16xf32>
        %add3A_1438 = arith.constant 64 : i32
        %add3A_1439 = arith.addi %add3A_1438, %add3A_1378 : i32
        %get3A_1440 = arith.index_cast %add3A_1439 : i32 to index
        %get3A_1441 = arith.constant 64 : index
        %get3A_1442 = tpu.vector_load %arg11[%get3A_1440, %get3A_1441] {strides = array<i32>} : memref<128x128xf32, #tpu.memory_space<vmem>>, vector<16xf32>,
        %mul3A_1443 = arith.mulf %mul3A_1437, %get3A_1442 : vector<16xf32>
        %swap3A_1444 = arith.index_cast %add3A_1378 : i32 to index
        %swap3A_1445 = arith.constant 64 : index
        %swap3A_1446 = tpu.vector_load %arg11[%swap3A_1444, %swap3A_1445] {strides = array<i32>} : memref<128x128xf32, #tpu.memory_space<vmem>>, vector<16xf32>,
        tpu.vector_store %arg11[%swap3A_1444, %swap3A_1445], %mul3A_1443 {strides = array<i32>} : memref<128x128xf32, #tpu.memory_space<vmem>>, vector<16xf32>,
        %get3A_1447 = arith.index_cast %add3A_1378 : i32 to index
        %get3A_1448 = arith.constant 80 : index
        %get3A_1449 = tpu.vector_load %arg11[%get3A_1447, %get3A_1448] {strides = array<i32>} : memref<128x128xf32, #tpu.memory_space<vmem>>, vector<16xf32>,
        %mul3A_1450 = arith.mulf %gather3A_1381, %get3A_1449 : vector<16xf32>
        %add3A_1451 = arith.constant 64 : i32
        %add3A_1452 = arith.addi %add3A_1451, %add3A_1378 : i32
        %get3A_1453 = arith.index_cast %add3A_1452 : i32 to index
        %get3A_1454 = arith.constant 80 : index
        %get3A_1455 = tpu.vector_load %arg11[%get3A_1453, %get3A_1454] {strides = array<i32>} : memref<128x128xf32, #tpu.memory_space<vmem>>, vector<16xf32>,
        %mul3A_1456 = arith.mulf %mul3A_1450, %get3A_1455 : vector<16xf32>
        %swap3A_1457 = arith.index_cast %add3A_1378 : i32 to index
        %swap3A_1458 = arith.constant 80 : index
        %swap3A_1459 = tpu.vector_load %arg11[%swap3A_1457, %swap3A_1458] {strides = array<i32>} : memref<128x128xf32, #tpu.memory_space<vmem>>, vector<16xf32>,
        tpu.vector_store %arg11[%swap3A_1457, %swap3A_1458], %mul3A_1456 {strides = array<i32>} : memref<128x128xf32, #tpu.memory_space<vmem>>, vector<16xf32>,
        %get3A_1460 = arith.index_cast %add3A_1378 : i32 to index
        %get3A_1461 = arith.constant 96 : index
        %get3A_1462 = tpu.vector_load %arg11[%get3A_1460, %get3A_1461] {strides = array<i32>} : memref<128x128xf32, #tpu.memory_space<vmem>>, vector<16xf32>,
        %mul3A_1463 = arith.mulf %gather3A_1381, %get3A_1462 : vector<16xf32>
        %add3A_1464 = arith.constant 64 : i32
        %add3A_1465 = arith.addi %add3A_1464, %add3A_1378 : i32
        %get3A_1466 = arith.index_cast %add3A_1465 : i32 to index
        %get3A_1467 = arith.constant 96 : index
        %get3A_1468 = tpu.vector_load %arg11[%get3A_1466, %get3A_1467] {strides = array<i32>} : memref<128x128xf32, #tpu.memory_space<vmem>>, vector<16xf32>,
        %mul3A_1469 = arith.mulf %mul3A_1463, %get3A_1468 : vector<16xf32>
        %swap3A_1470 = arith.index_cast %add3A_1378 : i32 to index
        %swap3A_1471 = arith.constant 96 : index
        %swap3A_1472 = tpu.vector_load %arg11[%swap3A_1470, %swap3A_1471] {strides = array<i32>} : memref<128x128xf32, #tpu.memory_space<vmem>>, vector<16xf32>,
        tpu.vector_store %arg11[%swap3A_1470, %swap3A_1471], %mul3A_1469 {strides = array<i32>} : memref<128x128xf32, #tpu.memory_space<vmem>>, vector<16xf32>,
        %get3A_1473 = arith.index_cast %add3A_1378 : i32 to index
        %get3A_1474 = arith.constant 112 : index
        %get3A_1475 = tpu.vector_load %arg11[%get3A_1473, %get3A_1474] {strides = array<i32>} : memref<128x128xf32, #tpu.memory_space<vmem>>, vector<16xf32>,
        %mul3A_1476 = arith.mulf %gather3A_1381, %get3A_1475 : vector<16xf32>
        %add3A_1477 = arith.constant 64 : i32
        %add3A_1478 = arith.addi %add3A_1477, %add3A_1378 : i32
        %get3A_1479 = arith.index_cast %add3A_1478 : i32 to index
        %get3A_1480 = arith.constant 112 : index
        %get3A_1481 = tpu.vector_load %arg11[%get3A_1479, %get3A_1480] {strides = array<i32>} : memref<128x128xf32, #tpu.memory_space<vmem>>, vector<16xf32>,
        %mul3A_1482 = arith.mulf %mul3A_1476, %get3A_1481 : vector<16xf32>
        %swap3A_1483 = arith.index_cast %add3A_1378 : i32 to index
        %swap3A_1484 = arith.constant 112 : index
        %swap3A_1485 = tpu.vector_load %arg11[%swap3A_1483, %swap3A_1484] {strides = array<i32>} : memref<128x128xf32, #tpu.memory_space<vmem>>, vector<16xf32>,
        tpu.vector_store %arg11[%swap3A_1483, %swap3A_1484], %mul3A_1482 {strides = array<i32>} : memref<128x128xf32, #tpu.memory_space<vmem>>, vector<16xf32>,
        %mul3A_1486 = arith.constant 16 : i32
        %mul3A_1487 = arith.muli %add3A_242, %mul3A_1486 : i32
        %add3A_1488 = arith.constant 11 : i32
        %add3A_1489 = arith.addi %mul3A_1487, %add3A_1488 : i32
        %broadcast_in_dim3A_1490 = arith.constant 11 : i32
        %broadcast_in_dim3A_1491 = vector.broadcast %broadcast_in_dim3A_1490 : i32 to vector<16xi32>
        %gather3A_1492 = tpu.vector_load_idx %arg8[%broadcast_in_dim3A_1491] : memref<16xf32, #tpu.memory_space<vmem>>[vector<16xi32>], vector<16xf32>,
        %get3A_1493 = arith.index_cast %add3A_1489 : i32 to index
        %get3A_1494 = arith.constant 0 : index
        %get3A_1495 = tpu.vector_load %arg11[%get3A_1493, %get3A_1494] {strides = array<i32>} : memref<128x128xf32, #tpu.memory_space<vmem>>, vector<16xf32>,
        %mul3A_1496 = arith.mulf %gather3A_1492, %get3A_1495 : vector<16xf32>
        %add3A_1497 = arith.constant 64 : i32
        %add3A_1498 = arith.addi %add3A_1497, %add3A_1489 : i32
        %get3A_1499 = arith.index_cast %add3A_1498 : i32 to index
        %get3A_1500 = arith.constant 0 : index
        %get3A_1501 = tpu.vector_load %arg11[%get3A_1499, %get3A_1500] {strides = array<i32>} : memref<128x128xf32, #tpu.memory_space<vmem>>, vector<16xf32>,
        %mul3A_1502 = arith.mulf %mul3A_1496, %get3A_1501 : vector<16xf32>
        %swap3A_1503 = arith.index_cast %add3A_1489 : i32 to index
        %swap3A_1504 = arith.constant 0 : index
        %swap3A_1505 = tpu.vector_load %arg11[%swap3A_1503, %swap3A_1504] {strides = array<i32>} : memref<128x128xf32, #tpu.memory_space<vmem>>, vector<16xf32>,
        tpu.vector_store %arg11[%swap3A_1503, %swap3A_1504], %mul3A_1502 {strides = array<i32>} : memref<128x128xf32, #tpu.memory_space<vmem>>, vector<16xf32>,
        %get3A_1506 = arith.index_cast %add3A_1489 : i32 to index
        %get3A_1507 = arith.constant 16 : index
        %get3A_1508 = tpu.vector_load %arg11[%get3A_1506, %get3A_1507] {strides = array<i32>} : memref<128x128xf32, #tpu.memory_space<vmem>>, vector<16xf32>,
        %mul3A_1509 = arith.mulf %gather3A_1492, %get3A_1508 : vector<16xf32>
        %add3A_1510 = arith.constant 64 : i32
        %add3A_1511 = arith.addi %add3A_1510, %add3A_1489 : i32
        %get3A_1512 = arith.index_cast %add3A_1511 : i32 to index
        %get3A_1513 = arith.constant 16 : index
        %get3A_1514 = tpu.vector_load %arg11[%get3A_1512, %get3A_1513] {strides = array<i32>} : memref<128x128xf32, #tpu.memory_space<vmem>>, vector<16xf32>,
        %mul3A_1515 = arith.mulf %mul3A_1509, %get3A_1514 : vector<16xf32>
        %swap3A_1516 = arith.index_cast %add3A_1489 : i32 to index
        %swap3A_1517 = arith.constant 16 : index
        %swap3A_1518 = tpu.vector_load %arg11[%swap3A_1516, %swap3A_1517] {strides = array<i32>} : memref<128x128xf32, #tpu.memory_space<vmem>>, vector<16xf32>,
        tpu.vector_store %arg11[%swap3A_1516, %swap3A_1517], %mul3A_1515 {strides = array<i32>} : memref<128x128xf32, #tpu.memory_space<vmem>>, vector<16xf32>,
        %get3A_1519 = arith.index_cast %add3A_1489 : i32 to index
        %get3A_1520 = arith.constant 32 : index
        %get3A_1521 = tpu.vector_load %arg11[%get3A_1519, %get3A_1520] {strides = array<i32>} : memref<128x128xf32, #tpu.memory_space<vmem>>, vector<16xf32>,
        %mul3A_1522 = arith.mulf %gather3A_1492, %get3A_1521 : vector<16xf32>
        %add3A_1523 = arith.constant 64 : i32
        %add3A_1524 = arith.addi %add3A_1523, %add3A_1489 : i32
        %get3A_1525 = arith.index_cast %add3A_1524 : i32 to index
        %get3A_1526 = arith.constant 32 : index
        %get3A_1527 = tpu.vector_load %arg11[%get3A_1525, %get3A_1526] {strides = array<i32>} : memref<128x128xf32, #tpu.memory_space<vmem>>, vector<16xf32>,
        %mul3A_1528 = arith.mulf %mul3A_1522, %get3A_1527 : vector<16xf32>
        %swap3A_1529 = arith.index_cast %add3A_1489 : i32 to index
        %swap3A_1530 = arith.constant 32 : index
        %swap3A_1531 = tpu.vector_load %arg11[%swap3A_1529, %swap3A_1530] {strides = array<i32>} : memref<128x128xf32, #tpu.memory_space<vmem>>, vector<16xf32>,
        tpu.vector_store %arg11[%swap3A_1529, %swap3A_1530], %mul3A_1528 {strides = array<i32>} : memref<128x128xf32, #tpu.memory_space<vmem>>, vector<16xf32>,
        %get3A_1532 = arith.index_cast %add3A_1489 : i32 to index
        %get3A_1533 = arith.constant 48 : index
        %get3A_1534 = tpu.vector_load %arg11[%get3A_1532, %get3A_1533] {strides = array<i32>} : memref<128x128xf32, #tpu.memory_space<vmem>>, vector<16xf32>,
        %mul3A_1535 = arith.mulf %gather3A_1492, %get3A_1534 : vector<16xf32>
        %add3A_1536 = arith.constant 64 : i32
        %add3A_1537 = arith.addi %add3A_1536, %add3A_1489 : i32
        %get3A_1538 = arith.index_cast %add3A_1537 : i32 to index
        %get3A_1539 = arith.constant 48 : index
        %get3A_1540 = tpu.vector_load %arg11[%get3A_1538, %get3A_1539] {strides = array<i32>} : memref<128x128xf32, #tpu.memory_space<vmem>>, vector<16xf32>,
        %mul3A_1541 = arith.mulf %mul3A_1535, %get3A_1540 : vector<16xf32>
        %swap3A_1542 = arith.index_cast %add3A_1489 : i32 to index
        %swap3A_1543 = arith.constant 48 : index
        %swap3A_1544 = tpu.vector_load %arg11[%swap3A_1542, %swap3A_1543] {strides = array<i32>} : memref<128x128xf32, #tpu.memory_space<vmem>>, vector<16xf32>,
        tpu.vector_store %arg11[%swap3A_1542, %swap3A_1543], %mul3A_1541 {strides = array<i32>} : memref<128x128xf32, #tpu.memory_space<vmem>>, vector<16xf32>,
        %get3A_1545 = arith.index_cast %add3A_1489 : i32 to index
        %get3A_1546 = arith.constant 64 : index
        %get3A_1547 = tpu.vector_load %arg11[%get3A_1545, %get3A_1546] {strides = array<i32>} : memref<128x128xf32, #tpu.memory_space<vmem>>, vector<16xf32>,
        %mul3A_1548 = arith.mulf %gather3A_1492, %get3A_1547 : vector<16xf32>
        %add3A_1549 = arith.constant 64 : i32
        %add3A_1550 = arith.addi %add3A_1549, %add3A_1489 : i32
        %get3A_1551 = arith.index_cast %add3A_1550 : i32 to index
        %get3A_1552 = arith.constant 64 : index
        %get3A_1553 = tpu.vector_load %arg11[%get3A_1551, %get3A_1552] {strides = array<i32>} : memref<128x128xf32, #tpu.memory_space<vmem>>, vector<16xf32>,
        %mul3A_1554 = arith.mulf %mul3A_1548, %get3A_1553 : vector<16xf32>
        %swap3A_1555 = arith.index_cast %add3A_1489 : i32 to index
        %swap3A_1556 = arith.constant 64 : index
        %swap3A_1557 = tpu.vector_load %arg11[%swap3A_1555, %swap3A_1556] {strides = array<i32>} : memref<128x128xf32, #tpu.memory_space<vmem>>, vector<16xf32>,
        tpu.vector_store %arg11[%swap3A_1555, %swap3A_1556], %mul3A_1554 {strides = array<i32>} : memref<128x128xf32, #tpu.memory_space<vmem>>, vector<16xf32>,
        %get3A_1558 = arith.index_cast %add3A_1489 : i32 to index
        %get3A_1559 = arith.constant 80 : index
        %get3A_1560 = tpu.vector_load %arg11[%get3A_1558, %get3A_1559] {strides = array<i32>} : memref<128x128xf32, #tpu.memory_space<vmem>>, vector<16xf32>,
        %mul3A_1561 = arith.mulf %gather3A_1492, %get3A_1560 : vector<16xf32>
        %add3A_1562 = arith.constant 64 : i32
        %add3A_1563 = arith.addi %add3A_1562, %add3A_1489 : i32
        %get3A_1564 = arith.index_cast %add3A_1563 : i32 to index
        %get3A_1565 = arith.constant 80 : index
        %get3A_1566 = tpu.vector_load %arg11[%get3A_1564, %get3A_1565] {strides = array<i32>} : memref<128x128xf32, #tpu.memory_space<vmem>>, vector<16xf32>,
        %mul3A_1567 = arith.mulf %mul3A_1561, %get3A_1566 : vector<16xf32>
        %swap3A_1568 = arith.index_cast %add3A_1489 : i32 to index
        %swap3A_1569 = arith.constant 80 : index
        %swap3A_1570 = tpu.vector_load %arg11[%swap3A_1568, %swap3A_1569] {strides = array<i32>} : memref<128x128xf32, #tpu.memory_space<vmem>>, vector<16xf32>,
        tpu.vector_store %arg11[%swap3A_1568, %swap3A_1569], %mul3A_1567 {strides = array<i32>} : memref<128x128xf32, #tpu.memory_space<vmem>>, vector<16xf32>,
        %get3A_1571 = arith.index_cast %add3A_1489 : i32 to index
        %get3A_1572 = arith.constant 96 : index
        %get3A_1573 = tpu.vector_load %arg11[%get3A_1571, %get3A_1572] {strides = array<i32>} : memref<128x128xf32, #tpu.memory_space<vmem>>, vector<16xf32>,
        %mul3A_1574 = arith.mulf %gather3A_1492, %get3A_1573 : vector<16xf32>
        %add3A_1575 = arith.constant 64 : i32
        %add3A_1576 = arith.addi %add3A_1575, %add3A_1489 : i32
        %get3A_1577 = arith.index_cast %add3A_1576 : i32 to index
        %get3A_1578 = arith.constant 96 : index
        %get3A_1579 = tpu.vector_load %arg11[%get3A_1577, %get3A_1578] {strides = array<i32>} : memref<128x128xf32, #tpu.memory_space<vmem>>, vector<16xf32>,
        %mul3A_1580 = arith.mulf %mul3A_1574, %get3A_1579 : vector<16xf32>
        %swap3A_1581 = arith.index_cast %add3A_1489 : i32 to index
        %swap3A_1582 = arith.constant 96 : index
        %swap3A_1583 = tpu.vector_load %arg11[%swap3A_1581, %swap3A_1582] {strides = array<i32>} : memref<128x128xf32, #tpu.memory_space<vmem>>, vector<16xf32>,
        tpu.vector_store %arg11[%swap3A_1581, %swap3A_1582], %mul3A_1580 {strides = array<i32>} : memref<128x128xf32, #tpu.memory_space<vmem>>, vector<16xf32>,
        %get3A_1584 = arith.index_cast %add3A_1489 : i32 to index
        %get3A_1585 = arith.constant 112 : index
        %get3A_1586 = tpu.vector_load %arg11[%get3A_1584, %get3A_1585] {strides = array<i32>} : memref<128x128xf32, #tpu.memory_space<vmem>>, vector<16xf32>,
        %mul3A_1587 = arith.mulf %gather3A_1492, %get3A_1586 : vector<16xf32>
        %add3A_1588 = arith.constant 64 : i32
        %add3A_1589 = arith.addi %add3A_1588, %add3A_1489 : i32
        %get3A_1590 = arith.index_cast %add3A_1589 : i32 to index
        %get3A_1591 = arith.constant 112 : index
        %get3A_1592 = tpu.vector_load %arg11[%get3A_1590, %get3A_1591] {strides = array<i32>} : memref<128x128xf32, #tpu.memory_space<vmem>>, vector<16xf32>,
        %mul3A_1593 = arith.mulf %mul3A_1587, %get3A_1592 : vector<16xf32>
        %swap3A_1594 = arith.index_cast %add3A_1489 : i32 to index
        %swap3A_1595 = arith.constant 112 : index
        %swap3A_1596 = tpu.vector_load %arg11[%swap3A_1594, %swap3A_1595] {strides = array<i32>} : memref<128x128xf32, #tpu.memory_space<vmem>>, vector<16xf32>,
        tpu.vector_store %arg11[%swap3A_1594, %swap3A_1595], %mul3A_1593 {strides = array<i32>} : memref<128x128xf32, #tpu.memory_space<vmem>>, vector<16xf32>,
        %mul3A_1597 = arith.constant 16 : i32
        %mul3A_1598 = arith.muli %add3A_242, %mul3A_1597 : i32
        %add3A_1599 = arith.constant 12 : i32
        %add3A_1600 = arith.addi %mul3A_1598, %add3A_1599 : i32
        %broadcast_in_dim3A_1601 = arith.constant 12 : i32
        %broadcast_in_dim3A_1602 = vector.broadcast %broadcast_in_dim3A_1601 : i32 to vector<16xi32>
        %gather3A_1603 = tpu.vector_load_idx %arg8[%broadcast_in_dim3A_1602] : memref<16xf32, #tpu.memory_space<vmem>>[vector<16xi32>], vector<16xf32>,
        %get3A_1604 = arith.index_cast %add3A_1600 : i32 to index
        %get3A_1605 = arith.constant 0 : index
        %get3A_1606 = tpu.vector_load %arg11[%get3A_1604, %get3A_1605] {strides = array<i32>} : memref<128x128xf32, #tpu.memory_space<vmem>>, vector<16xf32>,
        %mul3A_1607 = arith.mulf %gather3A_1603, %get3A_1606 : vector<16xf32>
        %add3A_1608 = arith.constant 64 : i32
        %add3A_1609 = arith.addi %add3A_1608, %add3A_1600 : i32
        %get3A_1610 = arith.index_cast %add3A_1609 : i32 to index
        %get3A_1611 = arith.constant 0 : index
        %get3A_1612 = tpu.vector_load %arg11[%get3A_1610, %get3A_1611] {strides = array<i32>} : memref<128x128xf32, #tpu.memory_space<vmem>>, vector<16xf32>,
        %mul3A_1613 = arith.mulf %mul3A_1607, %get3A_1612 : vector<16xf32>
        %swap3A_1614 = arith.index_cast %add3A_1600 : i32 to index
        %swap3A_1615 = arith.constant 0 : index
        %swap3A_1616 = tpu.vector_load %arg11[%swap3A_1614, %swap3A_1615] {strides = array<i32>} : memref<128x128xf32, #tpu.memory_space<vmem>>, vector<16xf32>,
        tpu.vector_store %arg11[%swap3A_1614, %swap3A_1615], %mul3A_1613 {strides = array<i32>} : memref<128x128xf32, #tpu.memory_space<vmem>>, vector<16xf32>,
        %get3A_1617 = arith.index_cast %add3A_1600 : i32 to index
        %get3A_1618 = arith.constant 16 : index
        %get3A_1619 = tpu.vector_load %arg11[%get3A_1617, %get3A_1618] {strides = array<i32>} : memref<128x128xf32, #tpu.memory_space<vmem>>, vector<16xf32>,
        %mul3A_1620 = arith.mulf %gather3A_1603, %get3A_1619 : vector<16xf32>
        %add3A_1621 = arith.constant 64 : i32
        %add3A_1622 = arith.addi %add3A_1621, %add3A_1600 : i32
        %get3A_1623 = arith.index_cast %add3A_1622 : i32 to index
        %get3A_1624 = arith.constant 16 : index
        %get3A_1625 = tpu.vector_load %arg11[%get3A_1623, %get3A_1624] {strides = array<i32>} : memref<128x128xf32, #tpu.memory_space<vmem>>, vector<16xf32>,
        %mul3A_1626 = arith.mulf %mul3A_1620, %get3A_1625 : vector<16xf32>
        %swap3A_1627 = arith.index_cast %add3A_1600 : i32 to index
        %swap3A_1628 = arith.constant 16 : index
        %swap3A_1629 = tpu.vector_load %arg11[%swap3A_1627, %swap3A_1628] {strides = array<i32>} : memref<128x128xf32, #tpu.memory_space<vmem>>, vector<16xf32>,
        tpu.vector_store %arg11[%swap3A_1627, %swap3A_1628], %mul3A_1626 {strides = array<i32>} : memref<128x128xf32, #tpu.memory_space<vmem>>, vector<16xf32>,
        %get3A_1630 = arith.index_cast %add3A_1600 : i32 to index
        %get3A_1631 = arith.constant 32 : index
        %get3A_1632 = tpu.vector_load %arg11[%get3A_1630, %get3A_1631] {strides = array<i32>} : memref<128x128xf32, #tpu.memory_space<vmem>>, vector<16xf32>,
        %mul3A_1633 = arith.mulf %gather3A_1603, %get3A_1632 : vector<16xf32>
        %add3A_1634 = arith.constant 64 : i32
        %add3A_1635 = arith.addi %add3A_1634, %add3A_1600 : i32
        %get3A_1636 = arith.index_cast %add3A_1635 : i32 to index
        %get3A_1637 = arith.constant 32 : index
        %get3A_1638 = tpu.vector_load %arg11[%get3A_1636, %get3A_1637] {strides = array<i32>} : memref<128x128xf32, #tpu.memory_space<vmem>>, vector<16xf32>,
        %mul3A_1639 = arith.mulf %mul3A_1633, %get3A_1638 : vector<16xf32>
        %swap3A_1640 = arith.index_cast %add3A_1600 : i32 to index
        %swap3A_1641 = arith.constant 32 : index
        %swap3A_1642 = tpu.vector_load %arg11[%swap3A_1640, %swap3A_1641] {strides = array<i32>} : memref<128x128xf32, #tpu.memory_space<vmem>>, vector<16xf32>,
        tpu.vector_store %arg11[%swap3A_1640, %swap3A_1641], %mul3A_1639 {strides = array<i32>} : memref<128x128xf32, #tpu.memory_space<vmem>>, vector<16xf32>,
        %get3A_1643 = arith.index_cast %add3A_1600 : i32 to index
        %get3A_1644 = arith.constant 48 : index
        %get3A_1645 = tpu.vector_load %arg11[%get3A_1643, %get3A_1644] {strides = array<i32>} : memref<128x128xf32, #tpu.memory_space<vmem>>, vector<16xf32>,
        %mul3A_1646 = arith.mulf %gather3A_1603, %get3A_1645 : vector<16xf32>
        %add3A_1647 = arith.constant 64 : i32
        %add3A_1648 = arith.addi %add3A_1647, %add3A_1600 : i32
        %get3A_1649 = arith.index_cast %add3A_1648 : i32 to index
        %get3A_1650 = arith.constant 48 : index
        %get3A_1651 = tpu.vector_load %arg11[%get3A_1649, %get3A_1650] {strides = array<i32>} : memref<128x128xf32, #tpu.memory_space<vmem>>, vector<16xf32>,
        %mul3A_1652 = arith.mulf %mul3A_1646, %get3A_1651 : vector<16xf32>
        %swap3A_1653 = arith.index_cast %add3A_1600 : i32 to index
        %swap3A_1654 = arith.constant 48 : index
        %swap3A_1655 = tpu.vector_load %arg11[%swap3A_1653, %swap3A_1654] {strides = array<i32>} : memref<128x128xf32, #tpu.memory_space<vmem>>, vector<16xf32>,
        tpu.vector_store %arg11[%swap3A_1653, %swap3A_1654], %mul3A_1652 {strides = array<i32>} : memref<128x128xf32, #tpu.memory_space<vmem>>, vector<16xf32>,
        %get3A_1656 = arith.index_cast %add3A_1600 : i32 to index
        %get3A_1657 = arith.constant 64 : index
        %get3A_1658 = tpu.vector_load %arg11[%get3A_1656, %get3A_1657] {strides = array<i32>} : memref<128x128xf32, #tpu.memory_space<vmem>>, vector<16xf32>,
        %mul3A_1659 = arith.mulf %gather3A_1603, %get3A_1658 : vector<16xf32>
        %add3A_1660 = arith.constant 64 : i32
        %add3A_1661 = arith.addi %add3A_1660, %add3A_1600 : i32
        %get3A_1662 = arith.index_cast %add3A_1661 : i32 to index
        %get3A_1663 = arith.constant 64 : index
        %get3A_1664 = tpu.vector_load %arg11[%get3A_1662, %get3A_1663] {strides = array<i32>} : memref<128x128xf32, #tpu.memory_space<vmem>>, vector<16xf32>,
        %mul3A_1665 = arith.mulf %mul3A_1659, %get3A_1664 : vector<16xf32>
        %swap3A_1666 = arith.index_cast %add3A_1600 : i32 to index
        %swap3A_1667 = arith.constant 64 : index
        %swap3A_1668 = tpu.vector_load %arg11[%swap3A_1666, %swap3A_1667] {strides = array<i32>} : memref<128x128xf32, #tpu.memory_space<vmem>>, vector<16xf32>,
        tpu.vector_store %arg11[%swap3A_1666, %swap3A_1667], %mul3A_1665 {strides = array<i32>} : memref<128x128xf32, #tpu.memory_space<vmem>>, vector<16xf32>,
        %get3A_1669 = arith.index_cast %add3A_1600 : i32 to index
        %get3A_1670 = arith.constant 80 : index
        %get3A_1671 = tpu.vector_load %arg11[%get3A_1669, %get3A_1670] {strides = array<i32>} : memref<128x128xf32, #tpu.memory_space<vmem>>, vector<16xf32>,
        %mul3A_1672 = arith.mulf %gather3A_1603, %get3A_1671 : vector<16xf32>
        %add3A_1673 = arith.constant 64 : i32
        %add3A_1674 = arith.addi %add3A_1673, %add3A_1600 : i32
        %get3A_1675 = arith.index_cast %add3A_1674 : i32 to index
        %get3A_1676 = arith.constant 80 : index
        %get3A_1677 = tpu.vector_load %arg11[%get3A_1675, %get3A_1676] {strides = array<i32>} : memref<128x128xf32, #tpu.memory_space<vmem>>, vector<16xf32>,
        %mul3A_1678 = arith.mulf %mul3A_1672, %get3A_1677 : vector<16xf32>
        %swap3A_1679 = arith.index_cast %add3A_1600 : i32 to index
        %swap3A_1680 = arith.constant 80 : index
        %swap3A_1681 = tpu.vector_load %arg11[%swap3A_1679, %swap3A_1680] {strides = array<i32>} : memref<128x128xf32, #tpu.memory_space<vmem>>, vector<16xf32>,
        tpu.vector_store %arg11[%swap3A_1679, %swap3A_1680], %mul3A_1678 {strides = array<i32>} : memref<128x128xf32, #tpu.memory_space<vmem>>, vector<16xf32>,
        %get3A_1682 = arith.index_cast %add3A_1600 : i32 to index
        %get3A_1683 = arith.constant 96 : index
        %get3A_1684 = tpu.vector_load %arg11[%get3A_1682, %get3A_1683] {strides = array<i32>} : memref<128x128xf32, #tpu.memory_space<vmem>>, vector<16xf32>,
        %mul3A_1685 = arith.mulf %gather3A_1603, %get3A_1684 : vector<16xf32>
        %add3A_1686 = arith.constant 64 : i32
        %add3A_1687 = arith.addi %add3A_1686, %add3A_1600 : i32
        %get3A_1688 = arith.index_cast %add3A_1687 : i32 to index
        %get3A_1689 = arith.constant 96 : index
        %get3A_1690 = tpu.vector_load %arg11[%get3A_1688, %get3A_1689] {strides = array<i32>} : memref<128x128xf32, #tpu.memory_space<vmem>>, vector<16xf32>,
        %mul3A_1691 = arith.mulf %mul3A_1685, %get3A_1690 : vector<16xf32>
        %swap3A_1692 = arith.index_cast %add3A_1600 : i32 to index
        %swap3A_1693 = arith.constant 96 : index
        %swap3A_1694 = tpu.vector_load %arg11[%swap3A_1692, %swap3A_1693] {strides = array<i32>} : memref<128x128xf32, #tpu.memory_space<vmem>>, vector<16xf32>,
        tpu.vector_store %arg11[%swap3A_1692, %swap3A_1693], %mul3A_1691 {strides = array<i32>} : memref<128x128xf32, #tpu.memory_space<vmem>>, vector<16xf32>,
        %get3A_1695 = arith.index_cast %add3A_1600 : i32 to index
        %get3A_1696 = arith.constant 112 : index
        %get3A_1697 = tpu.vector_load %arg11[%get3A_1695, %get3A_1696] {strides = array<i32>} : memref<128x128xf32, #tpu.memory_space<vmem>>, vector<16xf32>,
        %mul3A_1698 = arith.mulf %gather3A_1603, %get3A_1697 : vector<16xf32>
        %add3A_1699 = arith.constant 64 : i32
        %add3A_1700 = arith.addi %add3A_1699, %add3A_1600 : i32
        %get3A_1701 = arith.index_cast %add3A_1700 : i32 to index
        %get3A_1702 = arith.constant 112 : index
        %get3A_1703 = tpu.vector_load %arg11[%get3A_1701, %get3A_1702] {strides = array<i32>} : memref<128x128xf32, #tpu.memory_space<vmem>>, vector<16xf32>,
        %mul3A_1704 = arith.mulf %mul3A_1698, %get3A_1703 : vector<16xf32>
        %swap3A_1705 = arith.index_cast %add3A_1600 : i32 to index
        %swap3A_1706 = arith.constant 112 : index
        %swap3A_1707 = tpu.vector_load %arg11[%swap3A_1705, %swap3A_1706] {strides = array<i32>} : memref<128x128xf32, #tpu.memory_space<vmem>>, vector<16xf32>,
        tpu.vector_store %arg11[%swap3A_1705, %swap3A_1706], %mul3A_1704 {strides = array<i32>} : memref<128x128xf32, #tpu.memory_space<vmem>>, vector<16xf32>,
        %mul3A_1708 = arith.constant 16 : i32
        %mul3A_1709 = arith.muli %add3A_242, %mul3A_1708 : i32
        %add3A_1710 = arith.constant 13 : i32
        %add3A_1711 = arith.addi %mul3A_1709, %add3A_1710 : i32
        %broadcast_in_dim3A_1712 = arith.constant 13 : i32
        %broadcast_in_dim3A_1713 = vector.broadcast %broadcast_in_dim3A_1712 : i32 to vector<16xi32>
        %gather3A_1714 = tpu.vector_load_idx %arg8[%broadcast_in_dim3A_1713] : memref<16xf32, #tpu.memory_space<vmem>>[vector<16xi32>], vector<16xf32>,
        %get3A_1715 = arith.index_cast %add3A_1711 : i32 to index
        %get3A_1716 = arith.constant 0 : index
        %get3A_1717 = tpu.vector_load %arg11[%get3A_1715, %get3A_1716] {strides = array<i32>} : memref<128x128xf32, #tpu.memory_space<vmem>>, vector<16xf32>,
        %mul3A_1718 = arith.mulf %gather3A_1714, %get3A_1717 : vector<16xf32>
        %add3A_1719 = arith.constant 64 : i32
        %add3A_1720 = arith.addi %add3A_1719, %add3A_1711 : i32
        %get3A_1721 = arith.index_cast %add3A_1720 : i32 to index
        %get3A_1722 = arith.constant 0 : index
        %get3A_1723 = tpu.vector_load %arg11[%get3A_1721, %get3A_1722] {strides = array<i32>} : memref<128x128xf32, #tpu.memory_space<vmem>>, vector<16xf32>,
        %mul3A_1724 = arith.mulf %mul3A_1718, %get3A_1723 : vector<16xf32>
        %swap3A_1725 = arith.index_cast %add3A_1711 : i32 to index
        %swap3A_1726 = arith.constant 0 : index
        %swap3A_1727 = tpu.vector_load %arg11[%swap3A_1725, %swap3A_1726] {strides = array<i32>} : memref<128x128xf32, #tpu.memory_space<vmem>>, vector<16xf32>,
        tpu.vector_store %arg11[%swap3A_1725, %swap3A_1726], %mul3A_1724 {strides = array<i32>} : memref<128x128xf32, #tpu.memory_space<vmem>>, vector<16xf32>,
        %get3A_1728 = arith.index_cast %add3A_1711 : i32 to index
        %get3A_1729 = arith.constant 16 : index
        %get3A_1730 = tpu.vector_load %arg11[%get3A_1728, %get3A_1729] {strides = array<i32>} : memref<128x128xf32, #tpu.memory_space<vmem>>, vector<16xf32>,
        %mul3A_1731 = arith.mulf %gather3A_1714, %get3A_1730 : vector<16xf32>
        %add3A_1732 = arith.constant 64 : i32
        %add3A_1733 = arith.addi %add3A_1732, %add3A_1711 : i32
        %get3A_1734 = arith.index_cast %add3A_1733 : i32 to index
        %get3A_1735 = arith.constant 16 : index
        %get3A_1736 = tpu.vector_load %arg11[%get3A_1734, %get3A_1735] {strides = array<i32>} : memref<128x128xf32, #tpu.memory_space<vmem>>, vector<16xf32>,
        %mul3A_1737 = arith.mulf %mul3A_1731, %get3A_1736 : vector<16xf32>
        %swap3A_1738 = arith.index_cast %add3A_1711 : i32 to index
        %swap3A_1739 = arith.constant 16 : index
        %swap3A_1740 = tpu.vector_load %arg11[%swap3A_1738, %swap3A_1739] {strides = array<i32>} : memref<128x128xf32, #tpu.memory_space<vmem>>, vector<16xf32>,
        tpu.vector_store %arg11[%swap3A_1738, %swap3A_1739], %mul3A_1737 {strides = array<i32>} : memref<128x128xf32, #tpu.memory_space<vmem>>, vector<16xf32>,
        %get3A_1741 = arith.index_cast %add3A_1711 : i32 to index
        %get3A_1742 = arith.constant 32 : index
        %get3A_1743 = tpu.vector_load %arg11[%get3A_1741, %get3A_1742] {strides = array<i32>} : memref<128x128xf32, #tpu.memory_space<vmem>>, vector<16xf32>,
        %mul3A_1744 = arith.mulf %gather3A_1714, %get3A_1743 : vector<16xf32>
        %add3A_1745 = arith.constant 64 : i32
        %add3A_1746 = arith.addi %add3A_1745, %add3A_1711 : i32
        %get3A_1747 = arith.index_cast %add3A_1746 : i32 to index
        %get3A_1748 = arith.constant 32 : index
        %get3A_1749 = tpu.vector_load %arg11[%get3A_1747, %get3A_1748] {strides = array<i32>} : memref<128x128xf32, #tpu.memory_space<vmem>>, vector<16xf32>,
        %mul3A_1750 = arith.mulf %mul3A_1744, %get3A_1749 : vector<16xf32>
        %swap3A_1751 = arith.index_cast %add3A_1711 : i32 to index
        %swap3A_1752 = arith.constant 32 : index
        %swap3A_1753 = tpu.vector_load %arg11[%swap3A_1751, %swap3A_1752] {strides = array<i32>} : memref<128x128xf32, #tpu.memory_space<vmem>>, vector<16xf32>,
        tpu.vector_store %arg11[%swap3A_1751, %swap3A_1752], %mul3A_1750 {strides = array<i32>} : memref<128x128xf32, #tpu.memory_space<vmem>>, vector<16xf32>,
        %get3A_1754 = arith.index_cast %add3A_1711 : i32 to index
        %get3A_1755 = arith.constant 48 : index
        %get3A_1756 = tpu.vector_load %arg11[%get3A_1754, %get3A_1755] {strides = array<i32>} : memref<128x128xf32, #tpu.memory_space<vmem>>, vector<16xf32>,
        %mul3A_1757 = arith.mulf %gather3A_1714, %get3A_1756 : vector<16xf32>
        %add3A_1758 = arith.constant 64 : i32
        %add3A_1759 = arith.addi %add3A_1758, %add3A_1711 : i32
        %get3A_1760 = arith.index_cast %add3A_1759 : i32 to index
        %get3A_1761 = arith.constant 48 : index
        %get3A_1762 = tpu.vector_load %arg11[%get3A_1760, %get3A_1761] {strides = array<i32>} : memref<128x128xf32, #tpu.memory_space<vmem>>, vector<16xf32>,
        %mul3A_1763 = arith.mulf %mul3A_1757, %get3A_1762 : vector<16xf32>
        %swap3A_1764 = arith.index_cast %add3A_1711 : i32 to index
        %swap3A_1765 = arith.constant 48 : index
        %swap3A_1766 = tpu.vector_load %arg11[%swap3A_1764, %swap3A_1765] {strides = array<i32>} : memref<128x128xf32, #tpu.memory_space<vmem>>, vector<16xf32>,
        tpu.vector_store %arg11[%swap3A_1764, %swap3A_1765], %mul3A_1763 {strides = array<i32>} : memref<128x128xf32, #tpu.memory_space<vmem>>, vector<16xf32>,
        %get3A_1767 = arith.index_cast %add3A_1711 : i32 to index
        %get3A_1768 = arith.constant 64 : index
        %get3A_1769 = tpu.vector_load %arg11[%get3A_1767, %get3A_1768] {strides = array<i32>} : memref<128x128xf32, #tpu.memory_space<vmem>>, vector<16xf32>,
        %mul3A_1770 = arith.mulf %gather3A_1714, %get3A_1769 : vector<16xf32>
        %add3A_1771 = arith.constant 64 : i32
        %add3A_1772 = arith.addi %add3A_1771, %add3A_1711 : i32
        %get3A_1773 = arith.index_cast %add3A_1772 : i32 to index
        %get3A_1774 = arith.constant 64 : index
        %get3A_1775 = tpu.vector_load %arg11[%get3A_1773, %get3A_1774] {strides = array<i32>} : memref<128x128xf32, #tpu.memory_space<vmem>>, vector<16xf32>,
        %mul3A_1776 = arith.mulf %mul3A_1770, %get3A_1775 : vector<16xf32>
        %swap3A_1777 = arith.index_cast %add3A_1711 : i32 to index
        %swap3A_1778 = arith.constant 64 : index
        %swap3A_1779 = tpu.vector_load %arg11[%swap3A_1777, %swap3A_1778] {strides = array<i32>} : memref<128x128xf32, #tpu.memory_space<vmem>>, vector<16xf32>,
        tpu.vector_store %arg11[%swap3A_1777, %swap3A_1778], %mul3A_1776 {strides = array<i32>} : memref<128x128xf32, #tpu.memory_space<vmem>>, vector<16xf32>,
        %get3A_1780 = arith.index_cast %add3A_1711 : i32 to index
        %get3A_1781 = arith.constant 80 : index
        %get3A_1782 = tpu.vector_load %arg11[%get3A_1780, %get3A_1781] {strides = array<i32>} : memref<128x128xf32, #tpu.memory_space<vmem>>, vector<16xf32>,
        %mul3A_1783 = arith.mulf %gather3A_1714, %get3A_1782 : vector<16xf32>
        %add3A_1784 = arith.constant 64 : i32
        %add3A_1785 = arith.addi %add3A_1784, %add3A_1711 : i32
        %get3A_1786 = arith.index_cast %add3A_1785 : i32 to index
        %get3A_1787 = arith.constant 80 : index
        %get3A_1788 = tpu.vector_load %arg11[%get3A_1786, %get3A_1787] {strides = array<i32>} : memref<128x128xf32, #tpu.memory_space<vmem>>, vector<16xf32>,
        %mul3A_1789 = arith.mulf %mul3A_1783, %get3A_1788 : vector<16xf32>
        %swap3A_1790 = arith.index_cast %add3A_1711 : i32 to index
        %swap3A_1791 = arith.constant 80 : index
        %swap3A_1792 = tpu.vector_load %arg11[%swap3A_1790, %swap3A_1791] {strides = array<i32>} : memref<128x128xf32, #tpu.memory_space<vmem>>, vector<16xf32>,
        tpu.vector_store %arg11[%swap3A_1790, %swap3A_1791], %mul3A_1789 {strides = array<i32>} : memref<128x128xf32, #tpu.memory_space<vmem>>, vector<16xf32>,
        %get3A_1793 = arith.index_cast %add3A_1711 : i32 to index
        %get3A_1794 = arith.constant 96 : index
        %get3A_1795 = tpu.vector_load %arg11[%get3A_1793, %get3A_1794] {strides = array<i32>} : memref<128x128xf32, #tpu.memory_space<vmem>>, vector<16xf32>,
        %mul3A_1796 = arith.mulf %gather3A_1714, %get3A_1795 : vector<16xf32>
        %add3A_1797 = arith.constant 64 : i32
        %add3A_1798 = arith.addi %add3A_1797, %add3A_1711 : i32
        %get3A_1799 = arith.index_cast %add3A_1798 : i32 to index
        %get3A_1800 = arith.constant 96 : index
        %get3A_1801 = tpu.vector_load %arg11[%get3A_1799, %get3A_1800] {strides = array<i32>} : memref<128x128xf32, #tpu.memory_space<vmem>>, vector<16xf32>,
        %mul3A_1802 = arith.mulf %mul3A_1796, %get3A_1801 : vector<16xf32>
        %swap3A_1803 = arith.index_cast %add3A_1711 : i32 to index
        %swap3A_1804 = arith.constant 96 : index
        %swap3A_1805 = tpu.vector_load %arg11[%swap3A_1803, %swap3A_1804] {strides = array<i32>} : memref<128x128xf32, #tpu.memory_space<vmem>>, vector<16xf32>,
        tpu.vector_store %arg11[%swap3A_1803, %swap3A_1804], %mul3A_1802 {strides = array<i32>} : memref<128x128xf32, #tpu.memory_space<vmem>>, vector<16xf32>,
        %get3A_1806 = arith.index_cast %add3A_1711 : i32 to index
        %get3A_1807 = arith.constant 112 : index
        %get3A_1808 = tpu.vector_load %arg11[%get3A_1806, %get3A_1807] {strides = array<i32>} : memref<128x128xf32, #tpu.memory_space<vmem>>, vector<16xf32>,
        %mul3A_1809 = arith.mulf %gather3A_1714, %get3A_1808 : vector<16xf32>
        %add3A_1810 = arith.constant 64 : i32
        %add3A_1811 = arith.addi %add3A_1810, %add3A_1711 : i32
        %get3A_1812 = arith.index_cast %add3A_1811 : i32 to index
        %get3A_1813 = arith.constant 112 : index
        %get3A_1814 = tpu.vector_load %arg11[%get3A_1812, %get3A_1813] {strides = array<i32>} : memref<128x128xf32, #tpu.memory_space<vmem>>, vector<16xf32>,
        %mul3A_1815 = arith.mulf %mul3A_1809, %get3A_1814 : vector<16xf32>
        %swap3A_1816 = arith.index_cast %add3A_1711 : i32 to index
        %swap3A_1817 = arith.constant 112 : index
        %swap3A_1818 = tpu.vector_load %arg11[%swap3A_1816, %swap3A_1817] {strides = array<i32>} : memref<128x128xf32, #tpu.memory_space<vmem>>, vector<16xf32>,
        tpu.vector_store %arg11[%swap3A_1816, %swap3A_1817], %mul3A_1815 {strides = array<i32>} : memref<128x128xf32, #tpu.memory_space<vmem>>, vector<16xf32>,
        %mul3A_1819 = arith.constant 16 : i32
        %mul3A_1820 = arith.muli %add3A_242, %mul3A_1819 : i32
        %add3A_1821 = arith.constant 14 : i32
        %add3A_1822 = arith.addi %mul3A_1820, %add3A_1821 : i32
        %broadcast_in_dim3A_1823 = arith.constant 14 : i32
        %broadcast_in_dim3A_1824 = vector.broadcast %broadcast_in_dim3A_1823 : i32 to vector<16xi32>
        %gather3A_1825 = tpu.vector_load_idx %arg8[%broadcast_in_dim3A_1824] : memref<16xf32, #tpu.memory_space<vmem>>[vector<16xi32>], vector<16xf32>,
        %get3A_1826 = arith.index_cast %add3A_1822 : i32 to index
        %get3A_1827 = arith.constant 0 : index
        %get3A_1828 = tpu.vector_load %arg11[%get3A_1826, %get3A_1827] {strides = array<i32>} : memref<128x128xf32, #tpu.memory_space<vmem>>, vector<16xf32>,
        %mul3A_1829 = arith.mulf %gather3A_1825, %get3A_1828 : vector<16xf32>
        %add3A_1830 = arith.constant 64 : i32
        %add3A_1831 = arith.addi %add3A_1830, %add3A_1822 : i32
        %get3A_1832 = arith.index_cast %add3A_1831 : i32 to index
        %get3A_1833 = arith.constant 0 : index
        %get3A_1834 = tpu.vector_load %arg11[%get3A_1832, %get3A_1833] {strides = array<i32>} : memref<128x128xf32, #tpu.memory_space<vmem>>, vector<16xf32>,
        %mul3A_1835 = arith.mulf %mul3A_1829, %get3A_1834 : vector<16xf32>
        %swap3A_1836 = arith.index_cast %add3A_1822 : i32 to index
        %swap3A_1837 = arith.constant 0 : index
        %swap3A_1838 = tpu.vector_load %arg11[%swap3A_1836, %swap3A_1837] {strides = array<i32>} : memref<128x128xf32, #tpu.memory_space<vmem>>, vector<16xf32>,
        tpu.vector_store %arg11[%swap3A_1836, %swap3A_1837], %mul3A_1835 {strides = array<i32>} : memref<128x128xf32, #tpu.memory_space<vmem>>, vector<16xf32>,
        %get3A_1839 = arith.index_cast %add3A_1822 : i32 to index
        %get3A_1840 = arith.constant 16 : index
        %get3A_1841 = tpu.vector_load %arg11[%get3A_1839, %get3A_1840] {strides = array<i32>} : memref<128x128xf32, #tpu.memory_space<vmem>>, vector<16xf32>,
        %mul3A_1842 = arith.mulf %gather3A_1825, %get3A_1841 : vector<16xf32>
        %add3A_1843 = arith.constant 64 : i32
        %add3A_1844 = arith.addi %add3A_1843, %add3A_1822 : i32
        %get3A_1845 = arith.index_cast %add3A_1844 : i32 to index
        %get3A_1846 = arith.constant 16 : index
        %get3A_1847 = tpu.vector_load %arg11[%get3A_1845, %get3A_1846] {strides = array<i32>} : memref<128x128xf32, #tpu.memory_space<vmem>>, vector<16xf32>,
        %mul3A_1848 = arith.mulf %mul3A_1842, %get3A_1847 : vector<16xf32>
        %swap3A_1849 = arith.index_cast %add3A_1822 : i32 to index
        %swap3A_1850 = arith.constant 16 : index
        %swap3A_1851 = tpu.vector_load %arg11[%swap3A_1849, %swap3A_1850] {strides = array<i32>} : memref<128x128xf32, #tpu.memory_space<vmem>>, vector<16xf32>,
        tpu.vector_store %arg11[%swap3A_1849, %swap3A_1850], %mul3A_1848 {strides = array<i32>} : memref<128x128xf32, #tpu.memory_space<vmem>>, vector<16xf32>,
        %get3A_1852 = arith.index_cast %add3A_1822 : i32 to index
        %get3A_1853 = arith.constant 32 : index
        %get3A_1854 = tpu.vector_load %arg11[%get3A_1852, %get3A_1853] {strides = array<i32>} : memref<128x128xf32, #tpu.memory_space<vmem>>, vector<16xf32>,
        %mul3A_1855 = arith.mulf %gather3A_1825, %get3A_1854 : vector<16xf32>
        %add3A_1856 = arith.constant 64 : i32
        %add3A_1857 = arith.addi %add3A_1856, %add3A_1822 : i32
        %get3A_1858 = arith.index_cast %add3A_1857 : i32 to index
        %get3A_1859 = arith.constant 32 : index
        %get3A_1860 = tpu.vector_load %arg11[%get3A_1858, %get3A_1859] {strides = array<i32>} : memref<128x128xf32, #tpu.memory_space<vmem>>, vector<16xf32>,
        %mul3A_1861 = arith.mulf %mul3A_1855, %get3A_1860 : vector<16xf32>
        %swap3A_1862 = arith.index_cast %add3A_1822 : i32 to index
        %swap3A_1863 = arith.constant 32 : index
        %swap3A_1864 = tpu.vector_load %arg11[%swap3A_1862, %swap3A_1863] {strides = array<i32>} : memref<128x128xf32, #tpu.memory_space<vmem>>, vector<16xf32>,
        tpu.vector_store %arg11[%swap3A_1862, %swap3A_1863], %mul3A_1861 {strides = array<i32>} : memref<128x128xf32, #tpu.memory_space<vmem>>, vector<16xf32>,
        %get3A_1865 = arith.index_cast %add3A_1822 : i32 to index
        %get3A_1866 = arith.constant 48 : index
        %get3A_1867 = tpu.vector_load %arg11[%get3A_1865, %get3A_1866] {strides = array<i32>} : memref<128x128xf32, #tpu.memory_space<vmem>>, vector<16xf32>,
        %mul3A_1868 = arith.mulf %gather3A_1825, %get3A_1867 : vector<16xf32>
        %add3A_1869 = arith.constant 64 : i32
        %add3A_1870 = arith.addi %add3A_1869, %add3A_1822 : i32
        %get3A_1871 = arith.index_cast %add3A_1870 : i32 to index
        %get3A_1872 = arith.constant 48 : index
        %get3A_1873 = tpu.vector_load %arg11[%get3A_1871, %get3A_1872] {strides = array<i32>} : memref<128x128xf32, #tpu.memory_space<vmem>>, vector<16xf32>,
        %mul3A_1874 = arith.mulf %mul3A_1868, %get3A_1873 : vector<16xf32>
        %swap3A_1875 = arith.index_cast %add3A_1822 : i32 to index
        %swap3A_1876 = arith.constant 48 : index
        %swap3A_1877 = tpu.vector_load %arg11[%swap3A_1875, %swap3A_1876] {strides = array<i32>} : memref<128x128xf32, #tpu.memory_space<vmem>>, vector<16xf32>,
        tpu.vector_store %arg11[%swap3A_1875, %swap3A_1876], %mul3A_1874 {strides = array<i32>} : memref<128x128xf32, #tpu.memory_space<vmem>>, vector<16xf32>,
        %get3A_1878 = arith.index_cast %add3A_1822 : i32 to index
        %get3A_1879 = arith.constant 64 : index
        %get3A_1880 = tpu.vector_load %arg11[%get3A_1878, %get3A_1879] {strides = array<i32>} : memref<128x128xf32, #tpu.memory_space<vmem>>, vector<16xf32>,
        %mul3A_1881 = arith.mulf %gather3A_1825, %get3A_1880 : vector<16xf32>
        %add3A_1882 = arith.constant 64 : i32
        %add3A_1883 = arith.addi %add3A_1882, %add3A_1822 : i32
        %get3A_1884 = arith.index_cast %add3A_1883 : i32 to index
        %get3A_1885 = arith.constant 64 : index
        %get3A_1886 = tpu.vector_load %arg11[%get3A_1884, %get3A_1885] {strides = array<i32>} : memref<128x128xf32, #tpu.memory_space<vmem>>, vector<16xf32>,
        %mul3A_1887 = arith.mulf %mul3A_1881, %get3A_1886 : vector<16xf32>
        %swap3A_1888 = arith.index_cast %add3A_1822 : i32 to index
        %swap3A_1889 = arith.constant 64 : index
        %swap3A_1890 = tpu.vector_load %arg11[%swap3A_1888, %swap3A_1889] {strides = array<i32>} : memref<128x128xf32, #tpu.memory_space<vmem>>, vector<16xf32>,
        tpu.vector_store %arg11[%swap3A_1888, %swap3A_1889], %mul3A_1887 {strides = array<i32>} : memref<128x128xf32, #tpu.memory_space<vmem>>, vector<16xf32>,
        %get3A_1891 = arith.index_cast %add3A_1822 : i32 to index
        %get3A_1892 = arith.constant 80 : index
        %get3A_1893 = tpu.vector_load %arg11[%get3A_1891, %get3A_1892] {strides = array<i32>} : memref<128x128xf32, #tpu.memory_space<vmem>>, vector<16xf32>,
        %mul3A_1894 = arith.mulf %gather3A_1825, %get3A_1893 : vector<16xf32>
        %add3A_1895 = arith.constant 64 : i32
        %add3A_1896 = arith.addi %add3A_1895, %add3A_1822 : i32
        %get3A_1897 = arith.index_cast %add3A_1896 : i32 to index
        %get3A_1898 = arith.constant 80 : index
        %get3A_1899 = tpu.vector_load %arg11[%get3A_1897, %get3A_1898] {strides = array<i32>} : memref<128x128xf32, #tpu.memory_space<vmem>>, vector<16xf32>,
        %mul3A_1900 = arith.mulf %mul3A_1894, %get3A_1899 : vector<16xf32>
        %swap3A_1901 = arith.index_cast %add3A_1822 : i32 to index
        %swap3A_1902 = arith.constant 80 : index
        %swap3A_1903 = tpu.vector_load %arg11[%swap3A_1901, %swap3A_1902] {strides = array<i32>} : memref<128x128xf32, #tpu.memory_space<vmem>>, vector<16xf32>,
        tpu.vector_store %arg11[%swap3A_1901, %swap3A_1902], %mul3A_1900 {strides = array<i32>} : memref<128x128xf32, #tpu.memory_space<vmem>>, vector<16xf32>,
        %get3A_1904 = arith.index_cast %add3A_1822 : i32 to index
        %get3A_1905 = arith.constant 96 : index
        %get3A_1906 = tpu.vector_load %arg11[%get3A_1904, %get3A_1905] {strides = array<i32>} : memref<128x128xf32, #tpu.memory_space<vmem>>, vector<16xf32>,
        %mul3A_1907 = arith.mulf %gather3A_1825, %get3A_1906 : vector<16xf32>
        %add3A_1908 = arith.constant 64 : i32
        %add3A_1909 = arith.addi %add3A_1908, %add3A_1822 : i32
        %get3A_1910 = arith.index_cast %add3A_1909 : i32 to index
        %get3A_1911 = arith.constant 96 : index
        %get3A_1912 = tpu.vector_load %arg11[%get3A_1910, %get3A_1911] {strides = array<i32>} : memref<128x128xf32, #tpu.memory_space<vmem>>, vector<16xf32>,
        %mul3A_1913 = arith.mulf %mul3A_1907, %get3A_1912 : vector<16xf32>
        %swap3A_1914 = arith.index_cast %add3A_1822 : i32 to index
        %swap3A_1915 = arith.constant 96 : index
        %swap3A_1916 = tpu.vector_load %arg11[%swap3A_1914, %swap3A_1915] {strides = array<i32>} : memref<128x128xf32, #tpu.memory_space<vmem>>, vector<16xf32>,
        tpu.vector_store %arg11[%swap3A_1914, %swap3A_1915], %mul3A_1913 {strides = array<i32>} : memref<128x128xf32, #tpu.memory_space<vmem>>, vector<16xf32>,
        %get3A_1917 = arith.index_cast %add3A_1822 : i32 to index
        %get3A_1918 = arith.constant 112 : index
        %get3A_1919 = tpu.vector_load %arg11[%get3A_1917, %get3A_1918] {strides = array<i32>} : memref<128x128xf32, #tpu.memory_space<vmem>>, vector<16xf32>,
        %mul3A_1920 = arith.mulf %gather3A_1825, %get3A_1919 : vector<16xf32>
        %add3A_1921 = arith.constant 64 : i32
        %add3A_1922 = arith.addi %add3A_1921, %add3A_1822 : i32
        %get3A_1923 = arith.index_cast %add3A_1922 : i32 to index
        %get3A_1924 = arith.constant 112 : index
        %get3A_1925 = tpu.vector_load %arg11[%get3A_1923, %get3A_1924] {strides = array<i32>} : memref<128x128xf32, #tpu.memory_space<vmem>>, vector<16xf32>,
        %mul3A_1926 = arith.mulf %mul3A_1920, %get3A_1925 : vector<16xf32>
        %swap3A_1927 = arith.index_cast %add3A_1822 : i32 to index
        %swap3A_1928 = arith.constant 112 : index
        %swap3A_1929 = tpu.vector_load %arg11[%swap3A_1927, %swap3A_1928] {strides = array<i32>} : memref<128x128xf32, #tpu.memory_space<vmem>>, vector<16xf32>,
        tpu.vector_store %arg11[%swap3A_1927, %swap3A_1928], %mul3A_1926 {strides = array<i32>} : memref<128x128xf32, #tpu.memory_space<vmem>>, vector<16xf32>,
        %mul3A_1930 = arith.constant 16 : i32
        %mul3A_1931 = arith.muli %add3A_242, %mul3A_1930 : i32
        %add3A_1932 = arith.constant 15 : i32
        %add3A_1933 = arith.addi %mul3A_1931, %add3A_1932 : i32
        %broadcast_in_dim3A_1934 = arith.constant 15 : i32
        %broadcast_in_dim3A_1935 = vector.broadcast %broadcast_in_dim3A_1934 : i32 to vector<16xi32>
        %gather3A_1936 = tpu.vector_load_idx %arg8[%broadcast_in_dim3A_1935] : memref<16xf32, #tpu.memory_space<vmem>>[vector<16xi32>], vector<16xf32>,
        %get3A_1937 = arith.index_cast %add3A_1933 : i32 to index
        %get3A_1938 = arith.constant 0 : index
        %get3A_1939 = tpu.vector_load %arg11[%get3A_1937, %get3A_1938] {strides = array<i32>} : memref<128x128xf32, #tpu.memory_space<vmem>>, vector<16xf32>,
        %mul3A_1940 = arith.mulf %gather3A_1936, %get3A_1939 : vector<16xf32>
        %add3A_1941 = arith.constant 64 : i32
        %add3A_1942 = arith.addi %add3A_1941, %add3A_1933 : i32
        %get3A_1943 = arith.index_cast %add3A_1942 : i32 to index
        %get3A_1944 = arith.constant 0 : index
        %get3A_1945 = tpu.vector_load %arg11[%get3A_1943, %get3A_1944] {strides = array<i32>} : memref<128x128xf32, #tpu.memory_space<vmem>>, vector<16xf32>,
        %mul3A_1946 = arith.mulf %mul3A_1940, %get3A_1945 : vector<16xf32>
        %swap3A_1947 = arith.index_cast %add3A_1933 : i32 to index
        %swap3A_1948 = arith.constant 0 : index
        %swap3A_1949 = tpu.vector_load %arg11[%swap3A_1947, %swap3A_1948] {strides = array<i32>} : memref<128x128xf32, #tpu.memory_space<vmem>>, vector<16xf32>,
        tpu.vector_store %arg11[%swap3A_1947, %swap3A_1948], %mul3A_1946 {strides = array<i32>} : memref<128x128xf32, #tpu.memory_space<vmem>>, vector<16xf32>,
        %get3A_1950 = arith.index_cast %add3A_1933 : i32 to index
        %get3A_1951 = arith.constant 16 : index
        %get3A_1952 = tpu.vector_load %arg11[%get3A_1950, %get3A_1951] {strides = array<i32>} : memref<128x128xf32, #tpu.memory_space<vmem>>, vector<16xf32>,
        %mul3A_1953 = arith.mulf %gather3A_1936, %get3A_1952 : vector<16xf32>
        %add3A_1954 = arith.constant 64 : i32
        %add3A_1955 = arith.addi %add3A_1954, %add3A_1933 : i32
        %get3A_1956 = arith.index_cast %add3A_1955 : i32 to index
        %get3A_1957 = arith.constant 16 : index
        %get3A_1958 = tpu.vector_load %arg11[%get3A_1956, %get3A_1957] {strides = array<i32>} : memref<128x128xf32, #tpu.memory_space<vmem>>, vector<16xf32>,
        %mul3A_1959 = arith.mulf %mul3A_1953, %get3A_1958 : vector<16xf32>
        %swap3A_1960 = arith.index_cast %add3A_1933 : i32 to index
        %swap3A_1961 = arith.constant 16 : index
        %swap3A_1962 = tpu.vector_load %arg11[%swap3A_1960, %swap3A_1961] {strides = array<i32>} : memref<128x128xf32, #tpu.memory_space<vmem>>, vector<16xf32>,
        tpu.vector_store %arg11[%swap3A_1960, %swap3A_1961], %mul3A_1959 {strides = array<i32>} : memref<128x128xf32, #tpu.memory_space<vmem>>, vector<16xf32>,
        %get3A_1963 = arith.index_cast %add3A_1933 : i32 to index
        %get3A_1964 = arith.constant 32 : index
        %get3A_1965 = tpu.vector_load %arg11[%get3A_1963, %get3A_1964] {strides = array<i32>} : memref<128x128xf32, #tpu.memory_space<vmem>>, vector<16xf32>,
        %mul3A_1966 = arith.mulf %gather3A_1936, %get3A_1965 : vector<16xf32>
        %add3A_1967 = arith.constant 64 : i32
        %add3A_1968 = arith.addi %add3A_1967, %add3A_1933 : i32
        %get3A_1969 = arith.index_cast %add3A_1968 : i32 to index
        %get3A_1970 = arith.constant 32 : index
        %get3A_1971 = tpu.vector_load %arg11[%get3A_1969, %get3A_1970] {strides = array<i32>} : memref<128x128xf32, #tpu.memory_space<vmem>>, vector<16xf32>,
        %mul3A_1972 = arith.mulf %mul3A_1966, %get3A_1971 : vector<16xf32>
        %swap3A_1973 = arith.index_cast %add3A_1933 : i32 to index
        %swap3A_1974 = arith.constant 32 : index
        %swap3A_1975 = tpu.vector_load %arg11[%swap3A_1973, %swap3A_1974] {strides = array<i32>} : memref<128x128xf32, #tpu.memory_space<vmem>>, vector<16xf32>,
        tpu.vector_store %arg11[%swap3A_1973, %swap3A_1974], %mul3A_1972 {strides = array<i32>} : memref<128x128xf32, #tpu.memory_space<vmem>>, vector<16xf32>,
        %get3A_1976 = arith.index_cast %add3A_1933 : i32 to index
        %get3A_1977 = arith.constant 48 : index
        %get3A_1978 = tpu.vector_load %arg11[%get3A_1976, %get3A_1977] {strides = array<i32>} : memref<128x128xf32, #tpu.memory_space<vmem>>, vector<16xf32>,
        %mul3A_1979 = arith.mulf %gather3A_1936, %get3A_1978 : vector<16xf32>
        %add3A_1980 = arith.constant 64 : i32
        %add3A_1981 = arith.addi %add3A_1980, %add3A_1933 : i32
        %get3A_1982 = arith.index_cast %add3A_1981 : i32 to index
        %get3A_1983 = arith.constant 48 : index
        %get3A_1984 = tpu.vector_load %arg11[%get3A_1982, %get3A_1983] {strides = array<i32>} : memref<128x128xf32, #tpu.memory_space<vmem>>, vector<16xf32>,
        %mul3A_1985 = arith.mulf %mul3A_1979, %get3A_1984 : vector<16xf32>
        %swap3A_1986 = arith.index_cast %add3A_1933 : i32 to index
        %swap3A_1987 = arith.constant 48 : index
        %swap3A_1988 = tpu.vector_load %arg11[%swap3A_1986, %swap3A_1987] {strides = array<i32>} : memref<128x128xf32, #tpu.memory_space<vmem>>, vector<16xf32>,
        tpu.vector_store %arg11[%swap3A_1986, %swap3A_1987], %mul3A_1985 {strides = array<i32>} : memref<128x128xf32, #tpu.memory_space<vmem>>, vector<16xf32>,
        %get3A_1989 = arith.index_cast %add3A_1933 : i32 to index
        %get3A_1990 = arith.constant 64 : index
        %get3A_1991 = tpu.vector_load %arg11[%get3A_1989, %get3A_1990] {strides = array<i32>} : memref<128x128xf32, #tpu.memory_space<vmem>>, vector<16xf32>,
        %mul3A_1992 = arith.mulf %gather3A_1936, %get3A_1991 : vector<16xf32>
        %add3A_1993 = arith.constant 64 : i32
        %add3A_1994 = arith.addi %add3A_1993, %add3A_1933 : i32
        %get3A_1995 = arith.index_cast %add3A_1994 : i32 to index
        %get3A_1996 = arith.constant 64 : index
        %get3A_1997 = tpu.vector_load %arg11[%get3A_1995, %get3A_1996] {strides = array<i32>} : memref<128x128xf32, #tpu.memory_space<vmem>>, vector<16xf32>,
        %mul3A_1998 = arith.mulf %mul3A_1992, %get3A_1997 : vector<16xf32>
        %swap3A_1999 = arith.index_cast %add3A_1933 : i32 to index
        %swap3A_2000 = arith.constant 64 : index
        %swap3A_2001 = tpu.vector_load %arg11[%swap3A_1999, %swap3A_2000] {strides = array<i32>} : memref<128x128xf32, #tpu.memory_space<vmem>>, vector<16xf32>,
        tpu.vector_store %arg11[%swap3A_1999, %swap3A_2000], %mul3A_1998 {strides = array<i32>} : memref<128x128xf32, #tpu.memory_space<vmem>>, vector<16xf32>,
        %get3A_2002 = arith.index_cast %add3A_1933 : i32 to index
        %get3A_2003 = arith.constant 80 : index
        %get3A_2004 = tpu.vector_load %arg11[%get3A_2002, %get3A_2003] {strides = array<i32>} : memref<128x128xf32, #tpu.memory_space<vmem>>, vector<16xf32>,
        %mul3A_2005 = arith.mulf %gather3A_1936, %get3A_2004 : vector<16xf32>
        %add3A_2006 = arith.constant 64 : i32
        %add3A_2007 = arith.addi %add3A_2006, %add3A_1933 : i32
        %get3A_2008 = arith.index_cast %add3A_2007 : i32 to index
        %get3A_2009 = arith.constant 80 : index
        %get3A_2010 = tpu.vector_load %arg11[%get3A_2008, %get3A_2009] {strides = array<i32>} : memref<128x128xf32, #tpu.memory_space<vmem>>, vector<16xf32>,
        %mul3A_2011 = arith.mulf %mul3A_2005, %get3A_2010 : vector<16xf32>
        %swap3A_2012 = arith.index_cast %add3A_1933 : i32 to index
        %swap3A_2013 = arith.constant 80 : index
        %swap3A_2014 = tpu.vector_load %arg11[%swap3A_2012, %swap3A_2013] {strides = array<i32>} : memref<128x128xf32, #tpu.memory_space<vmem>>, vector<16xf32>,
        tpu.vector_store %arg11[%swap3A_2012, %swap3A_2013], %mul3A_2011 {strides = array<i32>} : memref<128x128xf32, #tpu.memory_space<vmem>>, vector<16xf32>,
        %get3A_2015 = arith.index_cast %add3A_1933 : i32 to index
        %get3A_2016 = arith.constant 96 : index
        %get3A_2017 = tpu.vector_load %arg11[%get3A_2015, %get3A_2016] {strides = array<i32>} : memref<128x128xf32, #tpu.memory_space<vmem>>, vector<16xf32>,
        %mul3A_2018 = arith.mulf %gather3A_1936, %get3A_2017 : vector<16xf32>
        %add3A_2019 = arith.constant 64 : i32
        %add3A_2020 = arith.addi %add3A_2019, %add3A_1933 : i32
        %get3A_2021 = arith.index_cast %add3A_2020 : i32 to index
        %get3A_2022 = arith.constant 96 : index
        %get3A_2023 = tpu.vector_load %arg11[%get3A_2021, %get3A_2022] {strides = array<i32>} : memref<128x128xf32, #tpu.memory_space<vmem>>, vector<16xf32>,
        %mul3A_2024 = arith.mulf %mul3A_2018, %get3A_2023 : vector<16xf32>
        %swap3A_2025 = arith.index_cast %add3A_1933 : i32 to index
        %swap3A_2026 = arith.constant 96 : index
        %swap3A_2027 = tpu.vector_load %arg11[%swap3A_2025, %swap3A_2026] {strides = array<i32>} : memref<128x128xf32, #tpu.memory_space<vmem>>, vector<16xf32>,
        tpu.vector_store %arg11[%swap3A_2025, %swap3A_2026], %mul3A_2024 {strides = array<i32>} : memref<128x128xf32, #tpu.memory_space<vmem>>, vector<16xf32>,
        %get3A_2028 = arith.index_cast %add3A_1933 : i32 to index
        %get3A_2029 = arith.constant 112 : index
        %get3A_2030 = tpu.vector_load %arg11[%get3A_2028, %get3A_2029] {strides = array<i32>} : memref<128x128xf32, #tpu.memory_space<vmem>>, vector<16xf32>,
        %mul3A_2031 = arith.mulf %gather3A_1936, %get3A_2030 : vector<16xf32>
        %add3A_2032 = arith.constant 64 : i32
        %add3A_2033 = arith.addi %add3A_2032, %add3A_1933 : i32
        %get3A_2034 = arith.index_cast %add3A_2033 : i32 to index
        %get3A_2035 = arith.constant 112 : index
        %get3A_2036 = tpu.vector_load %arg11[%get3A_2034, %get3A_2035] {strides = array<i32>} : memref<128x128xf32, #tpu.memory_space<vmem>>, vector<16xf32>,
        %mul3A_2037 = arith.mulf %mul3A_2031, %get3A_2036 : vector<16xf32>
        %swap3A_2038 = arith.index_cast %add3A_1933 : i32 to index
        %swap3A_2039 = arith.constant 112 : index
        %swap3A_2040 = tpu.vector_load %arg11[%swap3A_2038, %swap3A_2039] {strides = array<i32>} : memref<128x128xf32, #tpu.memory_space<vmem>>, vector<16xf32>,
        tpu.vector_store %arg11[%swap3A_2038, %swap3A_2039], %mul3A_2037 {strides = array<i32>} : memref<128x128xf32, #tpu.memory_space<vmem>>, vector<16xf32>,
      }
      %scan3A_110 = arith.constant 4 : i32
      %get3A = arith.constant 0 : index
      %get3A_111 = tpu.vector_load %arg9[%get3A] {strides = array<i32>} : memref<192xi32, #tpu.memory_space<vmem>>, vector<16xi32>,
      %swap3A = arith.constant 0 : index
      %swap3A_112 = tpu.vector_load %arg13[%swap3A] {strides = array<i32>} : memref<64xi32, #tpu.memory_space<vmem>>, vector<16xi32>,
      tpu.vector_store %arg13[%swap3A], %get3A_111 {strides = array<i32>} : memref<64xi32, #tpu.memory_space<vmem>>, vector<16xi32>,
      %multiple_of3A = arith.constant 64 : i32
      %multiple_of3A_113 = tpu.assume_multiple %multiple_of3A, 16 : i32
      %get3A_114 = arith.index_cast %multiple_of3A_113 : i32 to index
      %get3A_115 = tpu.vector_load %arg9[%get3A_114] {strides = array<i32>} : memref<192xi32, #tpu.memory_space<vmem>>, vector<16xi32>,
      %swap3A_116 = arith.constant 0 : index
      %swap3A_117 = tpu.vector_load %arg14[%swap3A_116] {strides = array<i32>} : memref<64xi32, #tpu.memory_space<vmem>>, vector<16xi32>,
      tpu.vector_store %arg14[%swap3A_116], %get3A_115 {strides = array<i32>} : memref<64xi32, #tpu.memory_space<vmem>>, vector<16xi32>,
      %get3A_118 = arith.constant 16 : index
      %get3A_119 = tpu.vector_load %arg9[%get3A_118] {strides = array<i32>} : memref<192xi32, #tpu.memory_space<vmem>>, vector<16xi32>,
      %swap3A_120 = arith.constant 16 : index
      %swap3A_121 = tpu.vector_load %arg13[%swap3A_120] {strides = array<i32>} : memref<64xi32, #tpu.memory_space<vmem>>, vector<16xi32>,
      tpu.vector_store %arg13[%swap3A_120], %get3A_119 {strides = array<i32>} : memref<64xi32, #tpu.memory_space<vmem>>, vector<16xi32>,
      %multiple_of3A_122 = arith.constant 80 : i32
      %multiple_of3A_123 = tpu.assume_multiple %multiple_of3A_122, 16 : i32
      %get3A_124 = arith.index_cast %multiple_of3A_123 : i32 to index
      %get3A_125 = tpu.vector_load %arg9[%get3A_124] {strides = array<i32>} : memref<192xi32, #tpu.memory_space<vmem>>, vector<16xi32>,
      %swap3A_126 = arith.constant 16 : index
      %swap3A_127 = tpu.vector_load %arg14[%swap3A_126] {strides = array<i32>} : memref<64xi32, #tpu.memory_space<vmem>>, vector<16xi32>,
      tpu.vector_store %arg14[%swap3A_126], %get3A_125 {strides = array<i32>} : memref<64xi32, #tpu.memory_space<vmem>>, vector<16xi32>,
      %get3A_128 = arith.constant 32 : index
      %get3A_129 = tpu.vector_load %arg9[%get3A_128] {strides = array<i32>} : memref<192xi32, #tpu.memory_space<vmem>>, vector<16xi32>,
      %swap3A_130 = arith.constant 32 : index
      %swap3A_131 = tpu.vector_load %arg13[%swap3A_130] {strides = array<i32>} : memref<64xi32, #tpu.memory_space<vmem>>, vector<16xi32>,
      tpu.vector_store %arg13[%swap3A_130], %get3A_129 {strides = array<i32>} : memref<64xi32, #tpu.memory_space<vmem>>, vector<16xi32>,
      %multiple_of3A_132 = arith.constant 96 : i32
      %multiple_of3A_133 = tpu.assume_multiple %multiple_of3A_132, 16 : i32
      %get3A_134 = arith.index_cast %multiple_of3A_133 : i32 to index
      %get3A_135 = tpu.vector_load %arg9[%get3A_134] {strides = array<i32>} : memref<192xi32, #tpu.memory_space<vmem>>, vector<16xi32>,
      %swap3A_136 = arith.constant 32 : index
      %swap3A_137 = tpu.vector_load %arg14[%swap3A_136] {strides = array<i32>} : memref<64xi32, #tpu.memory_space<vmem>>, vector<16xi32>,
      tpu.vector_store %arg14[%swap3A_136], %get3A_135 {strides = array<i32>} : memref<64xi32, #tpu.memory_space<vmem>>, vector<16xi32>,
      %get3A_138 = arith.constant 48 : index
      %get3A_139 = tpu.vector_load %arg9[%get3A_138] {strides = array<i32>} : memref<192xi32, #tpu.memory_space<vmem>>, vector<16xi32>,
      %swap3A_140 = arith.constant 48 : index
      %swap3A_141 = tpu.vector_load %arg13[%swap3A_140] {strides = array<i32>} : memref<64xi32, #tpu.memory_space<vmem>>, vector<16xi32>,
      tpu.vector_store %arg13[%swap3A_140], %get3A_139 {strides = array<i32>} : memref<64xi32, #tpu.memory_space<vmem>>, vector<16xi32>,
      %multiple_of3A_142 = arith.constant 112 : i32
      %multiple_of3A_143 = tpu.assume_multiple %multiple_of3A_142, 16 : i32
      %get3A_144 = arith.index_cast %multiple_of3A_143 : i32 to index
      %get3A_145 = tpu.vector_load %arg9[%get3A_144] {strides = array<i32>} : memref<192xi32, #tpu.memory_space<vmem>>, vector<16xi32>,
      %swap3A_146 = arith.constant 48 : index
      %swap3A_147 = tpu.vector_load %arg14[%swap3A_146] {strides = array<i32>} : memref<64xi32, #tpu.memory_space<vmem>>, vector<16xi32>,
      tpu.vector_store %arg14[%swap3A_146], %get3A_145 {strides = array<i32>} : memref<64xi32, #tpu.memory_space<vmem>>, vector<16xi32>,
      %dma_start3A_148 = arith.constant 0 : i32
      %dma_start3A_149 = arith.constant 0 : i32
      %dma_start3A_150 = tpu.memref_slice %arg11[%dma_start3A_148, %dma_start3A_149] : memref<128x128xf32, #tpu.memory_space<vmem>> -> memref<64x128xf32, #tpu.memory_space<vmem>>
      %dma_start3A_151 = arith.constant 0 : i32
      %dma_start3A_152 = arith.constant 0 : i32
      %dma_start3A_153 = tpu.memref_slice %arg6[%dma_start3A_151, %dma_start3A_152] : memref<10112x128xf32, #tpu.memory_space<vmem_shared>> -> memref<10112x128xf32, #tpu.memory_space<vmem_shared>>
      tpu.enqueue_indirect_dma source(%dma_start3A_150 : memref<64x128xf32, #tpu.memory_space<vmem>>) target(%dma_start3A_153 : memref<10112x128xf32, #tpu.memory_space<vmem_shared>>) offsets(%arg13 : memref<64xi32, #tpu.memory_space<vmem>>) semaphore(%arg21 : memref<!tpu.dma_semaphore, #tpu.memory_space<semaphore_mem>>) {add = true}
      %dma_start3A_154 = arith.constant 0 : i32
      %dma_start3A_155 = arith.constant 0 : i32
      %dma_start3A_156 = tpu.memref_slice %arg11[%dma_start3A_154, %dma_start3A_155] : memref<128x128xf32, #tpu.memory_space<vmem>> -> memref<64x128xf32, #tpu.memory_space<vmem>>
      %dma_start3A_157 = arith.constant 0 : i32
      %dma_start3A_158 = arith.constant 0 : i32
      %dma_start3A_159 = tpu.memref_slice %arg6[%dma_start3A_157, %dma_start3A_158] : memref<10112x128xf32, #tpu.memory_space<vmem_shared>> -> memref<10112x128xf32, #tpu.memory_space<vmem_shared>>
      tpu.enqueue_indirect_dma source(%dma_start3A_156 : memref<64x128xf32, #tpu.memory_space<vmem>>) target(%dma_start3A_159 : memref<10112x128xf32, #tpu.memory_space<vmem_shared>>) offsets(%arg14 : memref<64xi32, #tpu.memory_space<vmem>>) semaphore(%arg21 : memref<!tpu.dma_semaphore, #tpu.memory_space<semaphore_mem>>) {add = true}
      %lt3A = arith.constant 156 : i32
      %lt3A_160 = arith.cmpi slt, %add3A_86, %lt3A : i32
      %convert_element_type3A_161 = arith.extui %lt3A_160 : i1 to i32
      %cond3A_162 = arith.constant 0 : i32
      %cond3A_163 = arith.cmpi ne, %convert_element_type3A_161, %cond3A_162 : i32
      scf.if %cond3A_163 {
        %add3A_238 = arith.addi %mul3A_32, %add3A_86 : i32
        %add3A_239 = arith.constant 2 : i32
        %add3A_240 = arith.addi %add3A_238, %add3A_239 : i32
        %mul3A_241 = arith.constant 192 : i32
        %mul3A_242 = arith.muli %add3A_240, %mul3A_241 : i32
        %dma_start3A_243 = tpu.memref_slice %arg3[%mul3A_242] : memref<970752xi32, #tpu.memory_space<hbm>> -> memref<192xi32, #tpu.memory_space<hbm>>
        %dma_start3A_244 = tpu.memref_slice %arg3[%mul3A_242] : memref<970752xi32, #tpu.memory_space<hbm>> -> memref<192xi32, #tpu.memory_space<hbm>>
        tpu.enqueue_dma source(%dma_start3A_244 : memref<192xi32, #tpu.memory_space<hbm>>) target(%arg9 : memref<192xi32, #tpu.memory_space<vmem>>) target_semaphore(%arg17 : memref<!tpu.dma_semaphore, #tpu.memory_space<semaphore_mem>>)
      } else {
      }
      %add3A_164 = arith.constant 1 : i32
      %add3A_165 = arith.addi %add3A_84, %add3A_164 : i32
      %lt3A_166 = arith.constant 157 : i32
      %lt3A_167 = arith.cmpi slt, %add3A_165, %lt3A_166 : i32
      %convert_element_type3A_168 = arith.extui %lt3A_167 : i1 to i32
      %cond3A_169 = arith.constant 0 : i32
      %cond3A_170 = arith.cmpi ne, %convert_element_type3A_168, %cond3A_169 : i32
      scf.if %cond3A_170 {
        %dma_wait3A_238 = arith.constant 0 : i32
        %dma_wait3A_239 = arith.constant 0 : i32
        %dma_wait3A_240 = tpu.memref_slice %arg11[%dma_wait3A_238, %dma_wait3A_239] : memref<128x128xf32, #tpu.memory_space<vmem>> -> memref<64x128xf32, #tpu.memory_space<vmem>>
        %dma_wait3A_241 = arith.constant 0 : i32
        %dma_wait3A_242 = arith.constant 0 : i32
        %dma_wait3A_243 = tpu.memref_slice %arg6[%dma_wait3A_241, %dma_wait3A_242] : memref<10112x128xf32, #tpu.memory_space<vmem_shared>> -> memref<10112x128xf32, #tpu.memory_space<vmem_shared>>
        tpu.wait_indirect_dma semaphore(%arg21 : memref<!tpu.dma_semaphore, #tpu.memory_space<semaphore_mem>>) src(%dma_wait3A_240 : memref<64x128xf32, #tpu.memory_space<vmem>>) dst(%dma_wait3A_243 : memref<10112x128xf32, #tpu.memory_space<vmem_shared>>)
        %dma_wait3A_244 = arith.constant 0 : i32
        %dma_wait3A_245 = arith.constant 0 : i32
        %dma_wait3A_246 = tpu.memref_slice %arg11[%dma_wait3A_244, %dma_wait3A_245] : memref<128x128xf32, #tpu.memory_space<vmem>> -> memref<64x128xf32, #tpu.memory_space<vmem>>
        %dma_wait3A_247 = arith.constant 0 : i32
        %dma_wait3A_248 = arith.constant 0 : i32
        %dma_wait3A_249 = tpu.memref_slice %arg6[%dma_wait3A_247, %dma_wait3A_248] : memref<10112x128xf32, #tpu.memory_space<vmem_shared>> -> memref<10112x128xf32, #tpu.memory_space<vmem_shared>>
        tpu.wait_indirect_dma semaphore(%arg21 : memref<!tpu.dma_semaphore, #tpu.memory_space<semaphore_mem>>) src(%dma_wait3A_246 : memref<64x128xf32, #tpu.memory_space<vmem>>) dst(%dma_wait3A_249 : memref<10112x128xf32, #tpu.memory_space<vmem_shared>>)
        %add3A_250 = arith.addi %mul3A_32, %add3A_165 : i32
        %add3A_251 = arith.constant 1 : i32
        %add3A_252 = arith.addi %add3A_250, %add3A_251 : i32
        %mul3A_253 = arith.constant 192 : i32
        %mul3A_254 = arith.muli %add3A_252, %mul3A_253 : i32
        %dma_wait3A_255 = tpu.memref_slice %arg3[%mul3A_254] : memref<970752xi32, #tpu.memory_space<hbm>> -> memref<192xi32, #tpu.memory_space<hbm>>
        %dma_wait3A_256 = tpu.memref_slice %arg3[%mul3A_254] : memref<970752xi32, #tpu.memory_space<hbm>> -> memref<192xi32, #tpu.memory_space<hbm>>
        tpu.wait_dma2 semaphore(%arg17 : memref<!tpu.dma_semaphore, #tpu.memory_space<semaphore_mem>>) src(%dma_wait3A_256 : memref<192xi32, #tpu.memory_space<hbm>>) dst(%arg9 : memref<192xi32, #tpu.memory_space<vmem>>)
        %dma_start3A_257 = arith.constant 0 : i32
        %dma_start3A_258 = tpu.memref_slice %arg9[%dma_start3A_257] : memref<192xi32, #tpu.memory_space<vmem>> -> memref<128xi32, #tpu.memory_space<vmem>>
        %dma_start3A_259 = arith.constant 0 : i32
        %dma_start3A_260 = arith.constant 0 : i32
        %dma_start3A_261 = tpu.memref_slice %arg2[%dma_start3A_259, %dma_start3A_260] : memref<10000x128xf32, #tpu.memory_space<hbm>> -> memref<10000x128xf32, #tpu.memory_space<hbm>>
        tpu.enqueue_indirect_dma source(%dma_start3A_261 : memref<10000x128xf32, #tpu.memory_space<hbm>>) target(%arg11 : memref<128x128xf32, #tpu.memory_space<vmem>>) offsets(%dma_start3A_258 : memref<128xi32, #tpu.memory_space<vmem>>) semaphore(%arg19 : memref<!tpu.dma_semaphore, #tpu.memory_space<semaphore_mem>>)
      } else {
      }
      %dma_wait3A_171 = arith.constant 0 : i32
      %dma_wait3A_172 = tpu.memref_slice %arg10[%dma_wait3A_171] : memref<192xi32, #tpu.memory_space<vmem>> -> memref<128xi32, #tpu.memory_space<vmem>>
      %dma_wait3A_173 = arith.constant 0 : i32
      %dma_wait3A_174 = arith.constant 0 : i32
      %dma_wait3A_175 = tpu.memref_slice %arg2[%dma_wait3A_173, %dma_wait3A_174] : memref<10000x128xf32, #tpu.memory_space<hbm>> -> memref<10000x128xf32, #tpu.memory_space<hbm>>
      tpu.wait_indirect_dma semaphore(%arg20 : memref<!tpu.dma_semaphore, #tpu.memory_space<semaphore_mem>>) src(%dma_wait3A_175 : memref<10000x128xf32, #tpu.memory_space<hbm>>) dst(%arg12 : memref<128x128xf32, #tpu.memory_space<vmem>>)
      %scan3A_176 = arith.constant 0 : i32
      %scan3A_177 = arith.constant 4 : i32
      %scan3A_178 = arith.addi %scan3A_176, %scan3A_177 : i32
      %scan3A_179 = arith.constant 1 : i32
      scf.for %scan3A_238 = %scan3A_176 to %scan3A_178 step %scan3A_179  : i32 {
        %mul3A_239 = arith.constant 1 : i32
        %mul3A_240 = arith.muli %scan3A_238, %mul3A_239 : i32
        %add3A_241 = arith.constant 0 : i32
        %add3A_242 = arith.addi %add3A_241, %mul3A_240 : i32
        %mul3A_243 = arith.constant 16 : i32
        %mul3A_244 = arith.muli %add3A_242, %mul3A_243 : i32
        %multiple_of3A_245 = tpu.assume_multiple %mul3A_244, 16 : i32
        %mul3A_246 = arith.constant 16 : i32
        %mul3A_247 = arith.muli %add3A_242, %mul3A_246 : i32
        %add3A_248 = arith.constant 128 : i32
        %add3A_249 = arith.addi %add3A_248, %mul3A_247 : i32
        %multiple_of3A_250 = tpu.assume_multiple %add3A_249, 16 : i32
        %get3A_251 = arith.index_cast %multiple_of3A_250 : i32 to index
        %get3A_252 = tpu.vector_load %arg10[%get3A_251] {strides = array<i32>} : memref<192xi32, #tpu.memory_space<vmem>>, vector<16xi32>,
        %bitcast3A = vector.bitcast %get3A_252 : vector<16xi32> to vector<16xf32>
        %sub3A_253 = arith.constant 1.000000e+01 : f32
        %sub3A_254 = vector.broadcast %sub3A_253 : f32 to vector<16xf32>
        %sub3A_255 = arith.subf %bitcast3A, %sub3A_254 : vector<16xf32>
        %exp3A = math.exp %sub3A_255 : vector<16xf32>
        %swap3A_256 = arith.constant 0 : index
        %swap3A_257 = tpu.vector_load %arg8[%swap3A_256] {strides = array<i32>} : memref<16xf32, #tpu.memory_space<vmem>>, vector<16xf32>,
        tpu.vector_store %arg8[%swap3A_256], %exp3A {strides = array<i32>} : memref<16xf32, #tpu.memory_space<vmem>>, vector<16xf32>,
        %get3A_258 = arith.index_cast %multiple_of3A_245 : i32 to index
        %get3A_259 = tpu.vector_load %arg10[%get3A_258] {strides = array<i32>} : memref<192xi32, #tpu.memory_space<vmem>>, vector<16xi32>,
        %mul3A_260 = arith.constant 16 : i32
        %mul3A_261 = arith.muli %add3A_242, %mul3A_260 : i32
        %add3A_262 = arith.constant 64 : i32
        %add3A_263 = arith.addi %add3A_262, %mul3A_261 : i32
        %multiple_of3A_264 = tpu.assume_multiple %add3A_263, 16 : i32
        %get3A_265 = arith.index_cast %multiple_of3A_264 : i32 to index
        %get3A_266 = tpu.vector_load %arg10[%get3A_265] {strides = array<i32>} : memref<192xi32, #tpu.memory_space<vmem>>, vector<16xi32>,
        tpu.vector_store_idx %arg7[%get3A_259], %exp3A {add = true} : memref<10112xf32, #tpu.memory_space<vmem>>[vector<16xi32>], vector<16xf32>,
        tpu.vector_store_idx %arg7[%get3A_266], %exp3A {add = true} : memref<10112xf32, #tpu.memory_space<vmem>>[vector<16xi32>], vector<16xf32>,
        %mul3A_267 = arith.constant 16 : i32
        %mul3A_268 = arith.muli %add3A_242, %mul3A_267 : i32
        %add3A_269 = arith.constant 0 : i32
        %add3A_270 = arith.addi %mul3A_268, %add3A_269 : i32
        %broadcast_in_dim3A = arith.constant 0 : i32
        %broadcast_in_dim3A_271 = vector.broadcast %broadcast_in_dim3A : i32 to vector<16xi32>
        %gather3A = tpu.vector_load_idx %arg8[%broadcast_in_dim3A_271] : memref<16xf32, #tpu.memory_space<vmem>>[vector<16xi32>], vector<16xf32>,
        %get3A_272 = arith.index_cast %add3A_270 : i32 to index
        %get3A_273 = arith.constant 0 : index
        %get3A_274 = tpu.vector_load %arg12[%get3A_272, %get3A_273] {strides = array<i32>} : memref<128x128xf32, #tpu.memory_space<vmem>>, vector<16xf32>,
        %mul3A_275 = arith.mulf %gather3A, %get3A_274 : vector<16xf32>
        %add3A_276 = arith.constant 64 : i32
        %add3A_277 = arith.addi %add3A_276, %add3A_270 : i32
        %get3A_278 = arith.index_cast %add3A_277 : i32 to index
        %get3A_279 = arith.constant 0 : index
        %get3A_280 = tpu.vector_load %arg12[%get3A_278, %get3A_279] {strides = array<i32>} : memref<128x128xf32, #tpu.memory_space<vmem>>, vector<16xf32>,
        %mul3A_281 = arith.mulf %mul3A_275, %get3A_280 : vector<16xf32>
        %swap3A_282 = arith.index_cast %add3A_270 : i32 to index
        %swap3A_283 = arith.constant 0 : index
        %swap3A_284 = tpu.vector_load %arg12[%swap3A_282, %swap3A_283] {strides = array<i32>} : memref<128x128xf32, #tpu.memory_space<vmem>>, vector<16xf32>,
        tpu.vector_store %arg12[%swap3A_282, %swap3A_283], %mul3A_281 {strides = array<i32>} : memref<128x128xf32, #tpu.memory_space<vmem>>, vector<16xf32>,
        %get3A_285 = arith.index_cast %add3A_270 : i32 to index
        %get3A_286 = arith.constant 16 : index
        %get3A_287 = tpu.vector_load %arg12[%get3A_285, %get3A_286] {strides = array<i32>} : memref<128x128xf32, #tpu.memory_space<vmem>>, vector<16xf32>,
        %mul3A_288 = arith.mulf %gather3A, %get3A_287 : vector<16xf32>
        %add3A_289 = arith.constant 64 : i32
        %add3A_290 = arith.addi %add3A_289, %add3A_270 : i32
        %get3A_291 = arith.index_cast %add3A_290 : i32 to index
        %get3A_292 = arith.constant 16 : index
        %get3A_293 = tpu.vector_load %arg12[%get3A_291, %get3A_292] {strides = array<i32>} : memref<128x128xf32, #tpu.memory_space<vmem>>, vector<16xf32>,
        %mul3A_294 = arith.mulf %mul3A_288, %get3A_293 : vector<16xf32>
        %swap3A_295 = arith.index_cast %add3A_270 : i32 to index
        %swap3A_296 = arith.constant 16 : index
        %swap3A_297 = tpu.vector_load %arg12[%swap3A_295, %swap3A_296] {strides = array<i32>} : memref<128x128xf32, #tpu.memory_space<vmem>>, vector<16xf32>,
        tpu.vector_store %arg12[%swap3A_295, %swap3A_296], %mul3A_294 {strides = array<i32>} : memref<128x128xf32, #tpu.memory_space<vmem>>, vector<16xf32>,
        %get3A_298 = arith.index_cast %add3A_270 : i32 to index
        %get3A_299 = arith.constant 32 : index
        %get3A_300 = tpu.vector_load %arg12[%get3A_298, %get3A_299] {strides = array<i32>} : memref<128x128xf32, #tpu.memory_space<vmem>>, vector<16xf32>,
        %mul3A_301 = arith.mulf %gather3A, %get3A_300 : vector<16xf32>
        %add3A_302 = arith.constant 64 : i32
        %add3A_303 = arith.addi %add3A_302, %add3A_270 : i32
        %get3A_304 = arith.index_cast %add3A_303 : i32 to index
        %get3A_305 = arith.constant 32 : index
        %get3A_306 = tpu.vector_load %arg12[%get3A_304, %get3A_305] {strides = array<i32>} : memref<128x128xf32, #tpu.memory_space<vmem>>, vector<16xf32>,
        %mul3A_307 = arith.mulf %mul3A_301, %get3A_306 : vector<16xf32>
        %swap3A_308 = arith.index_cast %add3A_270 : i32 to index
        %swap3A_309 = arith.constant 32 : index
        %swap3A_310 = tpu.vector_load %arg12[%swap3A_308, %swap3A_309] {strides = array<i32>} : memref<128x128xf32, #tpu.memory_space<vmem>>, vector<16xf32>,
        tpu.vector_store %arg12[%swap3A_308, %swap3A_309], %mul3A_307 {strides = array<i32>} : memref<128x128xf32, #tpu.memory_space<vmem>>, vector<16xf32>,
        %get3A_311 = arith.index_cast %add3A_270 : i32 to index
        %get3A_312 = arith.constant 48 : index
        %get3A_313 = tpu.vector_load %arg12[%get3A_311, %get3A_312] {strides = array<i32>} : memref<128x128xf32, #tpu.memory_space<vmem>>, vector<16xf32>,
        %mul3A_314 = arith.mulf %gather3A, %get3A_313 : vector<16xf32>
        %add3A_315 = arith.constant 64 : i32
        %add3A_316 = arith.addi %add3A_315, %add3A_270 : i32
        %get3A_317 = arith.index_cast %add3A_316 : i32 to index
        %get3A_318 = arith.constant 48 : index
        %get3A_319 = tpu.vector_load %arg12[%get3A_317, %get3A_318] {strides = array<i32>} : memref<128x128xf32, #tpu.memory_space<vmem>>, vector<16xf32>,
        %mul3A_320 = arith.mulf %mul3A_314, %get3A_319 : vector<16xf32>
        %swap3A_321 = arith.index_cast %add3A_270 : i32 to index
        %swap3A_322 = arith.constant 48 : index
        %swap3A_323 = tpu.vector_load %arg12[%swap3A_321, %swap3A_322] {strides = array<i32>} : memref<128x128xf32, #tpu.memory_space<vmem>>, vector<16xf32>,
        tpu.vector_store %arg12[%swap3A_321, %swap3A_322], %mul3A_320 {strides = array<i32>} : memref<128x128xf32, #tpu.memory_space<vmem>>, vector<16xf32>,
        %get3A_324 = arith.index_cast %add3A_270 : i32 to index
        %get3A_325 = arith.constant 64 : index
        %get3A_326 = tpu.vector_load %arg12[%get3A_324, %get3A_325] {strides = array<i32>} : memref<128x128xf32, #tpu.memory_space<vmem>>, vector<16xf32>,
        %mul3A_327 = arith.mulf %gather3A, %get3A_326 : vector<16xf32>
        %add3A_328 = arith.constant 64 : i32
        %add3A_329 = arith.addi %add3A_328, %add3A_270 : i32
        %get3A_330 = arith.index_cast %add3A_329 : i32 to index
        %get3A_331 = arith.constant 64 : index
        %get3A_332 = tpu.vector_load %arg12[%get3A_330, %get3A_331] {strides = array<i32>} : memref<128x128xf32, #tpu.memory_space<vmem>>, vector<16xf32>,
        %mul3A_333 = arith.mulf %mul3A_327, %get3A_332 : vector<16xf32>
        %swap3A_334 = arith.index_cast %add3A_270 : i32 to index
        %swap3A_335 = arith.constant 64 : index
        %swap3A_336 = tpu.vector_load %arg12[%swap3A_334, %swap3A_335] {strides = array<i32>} : memref<128x128xf32, #tpu.memory_space<vmem>>, vector<16xf32>,
        tpu.vector_store %arg12[%swap3A_334, %swap3A_335], %mul3A_333 {strides = array<i32>} : memref<128x128xf32, #tpu.memory_space<vmem>>, vector<16xf32>,
        %get3A_337 = arith.index_cast %add3A_270 : i32 to index
        %get3A_338 = arith.constant 80 : index
        %get3A_339 = tpu.vector_load %arg12[%get3A_337, %get3A_338] {strides = array<i32>} : memref<128x128xf32, #tpu.memory_space<vmem>>, vector<16xf32>,
        %mul3A_340 = arith.mulf %gather3A, %get3A_339 : vector<16xf32>
        %add3A_341 = arith.constant 64 : i32
        %add3A_342 = arith.addi %add3A_341, %add3A_270 : i32
        %get3A_343 = arith.index_cast %add3A_342 : i32 to index
        %get3A_344 = arith.constant 80 : index
        %get3A_345 = tpu.vector_load %arg12[%get3A_343, %get3A_344] {strides = array<i32>} : memref<128x128xf32, #tpu.memory_space<vmem>>, vector<16xf32>,
        %mul3A_346 = arith.mulf %mul3A_340, %get3A_345 : vector<16xf32>
        %swap3A_347 = arith.index_cast %add3A_270 : i32 to index
        %swap3A_348 = arith.constant 80 : index
        %swap3A_349 = tpu.vector_load %arg12[%swap3A_347, %swap3A_348] {strides = array<i32>} : memref<128x128xf32, #tpu.memory_space<vmem>>, vector<16xf32>,
        tpu.vector_store %arg12[%swap3A_347, %swap3A_348], %mul3A_346 {strides = array<i32>} : memref<128x128xf32, #tpu.memory_space<vmem>>, vector<16xf32>,
        %get3A_350 = arith.index_cast %add3A_270 : i32 to index
        %get3A_351 = arith.constant 96 : index
        %get3A_352 = tpu.vector_load %arg12[%get3A_350, %get3A_351] {strides = array<i32>} : memref<128x128xf32, #tpu.memory_space<vmem>>, vector<16xf32>,
        %mul3A_353 = arith.mulf %gather3A, %get3A_352 : vector<16xf32>
        %add3A_354 = arith.constant 64 : i32
        %add3A_355 = arith.addi %add3A_354, %add3A_270 : i32
        %get3A_356 = arith.index_cast %add3A_355 : i32 to index
        %get3A_357 = arith.constant 96 : index
        %get3A_358 = tpu.vector_load %arg12[%get3A_356, %get3A_357] {strides = array<i32>} : memref<128x128xf32, #tpu.memory_space<vmem>>, vector<16xf32>,
        %mul3A_359 = arith.mulf %mul3A_353, %get3A_358 : vector<16xf32>
        %swap3A_360 = arith.index_cast %add3A_270 : i32 to index
        %swap3A_361 = arith.constant 96 : index
        %swap3A_362 = tpu.vector_load %arg12[%swap3A_360, %swap3A_361] {strides = array<i32>} : memref<128x128xf32, #tpu.memory_space<vmem>>, vector<16xf32>,
        tpu.vector_store %arg12[%swap3A_360, %swap3A_361], %mul3A_359 {strides = array<i32>} : memref<128x128xf32, #tpu.memory_space<vmem>>, vector<16xf32>,
        %get3A_363 = arith.index_cast %add3A_270 : i32 to index
        %get3A_364 = arith.constant 112 : index
        %get3A_365 = tpu.vector_load %arg12[%get3A_363, %get3A_364] {strides = array<i32>} : memref<128x128xf32, #tpu.memory_space<vmem>>, vector<16xf32>,
        %mul3A_366 = arith.mulf %gather3A, %get3A_365 : vector<16xf32>
        %add3A_367 = arith.constant 64 : i32
        %add3A_368 = arith.addi %add3A_367, %add3A_270 : i32
        %get3A_369 = arith.index_cast %add3A_368 : i32 to index
        %get3A_370 = arith.constant 112 : index
        %get3A_371 = tpu.vector_load %arg12[%get3A_369, %get3A_370] {strides = array<i32>} : memref<128x128xf32, #tpu.memory_space<vmem>>, vector<16xf32>,
        %mul3A_372 = arith.mulf %mul3A_366, %get3A_371 : vector<16xf32>
        %swap3A_373 = arith.index_cast %add3A_270 : i32 to index
        %swap3A_374 = arith.constant 112 : index
        %swap3A_375 = tpu.vector_load %arg12[%swap3A_373, %swap3A_374] {strides = array<i32>} : memref<128x128xf32, #tpu.memory_space<vmem>>, vector<16xf32>,
        tpu.vector_store %arg12[%swap3A_373, %swap3A_374], %mul3A_372 {strides = array<i32>} : memref<128x128xf32, #tpu.memory_space<vmem>>, vector<16xf32>,
        %mul3A_376 = arith.constant 16 : i32
        %mul3A_377 = arith.muli %add3A_242, %mul3A_376 : i32
        %add3A_378 = arith.constant 1 : i32
        %add3A_379 = arith.addi %mul3A_377, %add3A_378 : i32
        %broadcast_in_dim3A_380 = arith.constant 1 : i32
        %broadcast_in_dim3A_381 = vector.broadcast %broadcast_in_dim3A_380 : i32 to vector<16xi32>
        %gather3A_382 = tpu.vector_load_idx %arg8[%broadcast_in_dim3A_381] : memref<16xf32, #tpu.memory_space<vmem>>[vector<16xi32>], vector<16xf32>,
        %get3A_383 = arith.index_cast %add3A_379 : i32 to index
        %get3A_384 = arith.constant 0 : index
        %get3A_385 = tpu.vector_load %arg12[%get3A_383, %get3A_384] {strides = array<i32>} : memref<128x128xf32, #tpu.memory_space<vmem>>, vector<16xf32>,
        %mul3A_386 = arith.mulf %gather3A_382, %get3A_385 : vector<16xf32>
        %add3A_387 = arith.constant 64 : i32
        %add3A_388 = arith.addi %add3A_387, %add3A_379 : i32
        %get3A_389 = arith.index_cast %add3A_388 : i32 to index
        %get3A_390 = arith.constant 0 : index
        %get3A_391 = tpu.vector_load %arg12[%get3A_389, %get3A_390] {strides = array<i32>} : memref<128x128xf32, #tpu.memory_space<vmem>>, vector<16xf32>,
        %mul3A_392 = arith.mulf %mul3A_386, %get3A_391 : vector<16xf32>
        %swap3A_393 = arith.index_cast %add3A_379 : i32 to index
        %swap3A_394 = arith.constant 0 : index
        %swap3A_395 = tpu.vector_load %arg12[%swap3A_393, %swap3A_394] {strides = array<i32>} : memref<128x128xf32, #tpu.memory_space<vmem>>, vector<16xf32>,
        tpu.vector_store %arg12[%swap3A_393, %swap3A_394], %mul3A_392 {strides = array<i32>} : memref<128x128xf32, #tpu.memory_space<vmem>>, vector<16xf32>,
        %get3A_396 = arith.index_cast %add3A_379 : i32 to index
        %get3A_397 = arith.constant 16 : index
        %get3A_398 = tpu.vector_load %arg12[%get3A_396, %get3A_397] {strides = array<i32>} : memref<128x128xf32, #tpu.memory_space<vmem>>, vector<16xf32>,
        %mul3A_399 = arith.mulf %gather3A_382, %get3A_398 : vector<16xf32>
        %add3A_400 = arith.constant 64 : i32
        %add3A_401 = arith.addi %add3A_400, %add3A_379 : i32
        %get3A_402 = arith.index_cast %add3A_401 : i32 to index
        %get3A_403 = arith.constant 16 : index
        %get3A_404 = tpu.vector_load %arg12[%get3A_402, %get3A_403] {strides = array<i32>} : memref<128x128xf32, #tpu.memory_space<vmem>>, vector<16xf32>,
        %mul3A_405 = arith.mulf %mul3A_399, %get3A_404 : vector<16xf32>
        %swap3A_406 = arith.index_cast %add3A_379 : i32 to index
        %swap3A_407 = arith.constant 16 : index
        %swap3A_408 = tpu.vector_load %arg12[%swap3A_406, %swap3A_407] {strides = array<i32>} : memref<128x128xf32, #tpu.memory_space<vmem>>, vector<16xf32>,
        tpu.vector_store %arg12[%swap3A_406, %swap3A_407], %mul3A_405 {strides = array<i32>} : memref<128x128xf32, #tpu.memory_space<vmem>>, vector<16xf32>,
        %get3A_409 = arith.index_cast %add3A_379 : i32 to index
        %get3A_410 = arith.constant 32 : index
        %get3A_411 = tpu.vector_load %arg12[%get3A_409, %get3A_410] {strides = array<i32>} : memref<128x128xf32, #tpu.memory_space<vmem>>, vector<16xf32>,
        %mul3A_412 = arith.mulf %gather3A_382, %get3A_411 : vector<16xf32>
        %add3A_413 = arith.constant 64 : i32
        %add3A_414 = arith.addi %add3A_413, %add3A_379 : i32
        %get3A_415 = arith.index_cast %add3A_414 : i32 to index
        %get3A_416 = arith.constant 32 : index
        %get3A_417 = tpu.vector_load %arg12[%get3A_415, %get3A_416] {strides = array<i32>} : memref<128x128xf32, #tpu.memory_space<vmem>>, vector<16xf32>,
        %mul3A_418 = arith.mulf %mul3A_412, %get3A_417 : vector<16xf32>
        %swap3A_419 = arith.index_cast %add3A_379 : i32 to index
        %swap3A_420 = arith.constant 32 : index
        %swap3A_421 = tpu.vector_load %arg12[%swap3A_419, %swap3A_420] {strides = array<i32>} : memref<128x128xf32, #tpu.memory_space<vmem>>, vector<16xf32>,
        tpu.vector_store %arg12[%swap3A_419, %swap3A_420], %mul3A_418 {strides = array<i32>} : memref<128x128xf32, #tpu.memory_space<vmem>>, vector<16xf32>,
        %get3A_422 = arith.index_cast %add3A_379 : i32 to index
        %get3A_423 = arith.constant 48 : index
        %get3A_424 = tpu.vector_load %arg12[%get3A_422, %get3A_423] {strides = array<i32>} : memref<128x128xf32, #tpu.memory_space<vmem>>, vector<16xf32>,
        %mul3A_425 = arith.mulf %gather3A_382, %get3A_424 : vector<16xf32>
        %add3A_426 = arith.constant 64 : i32
        %add3A_427 = arith.addi %add3A_426, %add3A_379 : i32
        %get3A_428 = arith.index_cast %add3A_427 : i32 to index
        %get3A_429 = arith.constant 48 : index
        %get3A_430 = tpu.vector_load %arg12[%get3A_428, %get3A_429] {strides = array<i32>} : memref<128x128xf32, #tpu.memory_space<vmem>>, vector<16xf32>,
        %mul3A_431 = arith.mulf %mul3A_425, %get3A_430 : vector<16xf32>
        %swap3A_432 = arith.index_cast %add3A_379 : i32 to index
        %swap3A_433 = arith.constant 48 : index
        %swap3A_434 = tpu.vector_load %arg12[%swap3A_432, %swap3A_433] {strides = array<i32>} : memref<128x128xf32, #tpu.memory_space<vmem>>, vector<16xf32>,
        tpu.vector_store %arg12[%swap3A_432, %swap3A_433], %mul3A_431 {strides = array<i32>} : memref<128x128xf32, #tpu.memory_space<vmem>>, vector<16xf32>,
        %get3A_435 = arith.index_cast %add3A_379 : i32 to index
        %get3A_436 = arith.constant 64 : index
        %get3A_437 = tpu.vector_load %arg12[%get3A_435, %get3A_436] {strides = array<i32>} : memref<128x128xf32, #tpu.memory_space<vmem>>, vector<16xf32>,
        %mul3A_438 = arith.mulf %gather3A_382, %get3A_437 : vector<16xf32>
        %add3A_439 = arith.constant 64 : i32
        %add3A_440 = arith.addi %add3A_439, %add3A_379 : i32
        %get3A_441 = arith.index_cast %add3A_440 : i32 to index
        %get3A_442 = arith.constant 64 : index
        %get3A_443 = tpu.vector_load %arg12[%get3A_441, %get3A_442] {strides = array<i32>} : memref<128x128xf32, #tpu.memory_space<vmem>>, vector<16xf32>,
        %mul3A_444 = arith.mulf %mul3A_438, %get3A_443 : vector<16xf32>
        %swap3A_445 = arith.index_cast %add3A_379 : i32 to index
        %swap3A_446 = arith.constant 64 : index
        %swap3A_447 = tpu.vector_load %arg12[%swap3A_445, %swap3A_446] {strides = array<i32>} : memref<128x128xf32, #tpu.memory_space<vmem>>, vector<16xf32>,
        tpu.vector_store %arg12[%swap3A_445, %swap3A_446], %mul3A_444 {strides = array<i32>} : memref<128x128xf32, #tpu.memory_space<vmem>>, vector<16xf32>,
        %get3A_448 = arith.index_cast %add3A_379 : i32 to index
        %get3A_449 = arith.constant 80 : index
        %get3A_450 = tpu.vector_load %arg12[%get3A_448, %get3A_449] {strides = array<i32>} : memref<128x128xf32, #tpu.memory_space<vmem>>, vector<16xf32>,
        %mul3A_451 = arith.mulf %gather3A_382, %get3A_450 : vector<16xf32>
        %add3A_452 = arith.constant 64 : i32
        %add3A_453 = arith.addi %add3A_452, %add3A_379 : i32
        %get3A_454 = arith.index_cast %add3A_453 : i32 to index
        %get3A_455 = arith.constant 80 : index
        %get3A_456 = tpu.vector_load %arg12[%get3A_454, %get3A_455] {strides = array<i32>} : memref<128x128xf32, #tpu.memory_space<vmem>>, vector<16xf32>,
        %mul3A_457 = arith.mulf %mul3A_451, %get3A_456 : vector<16xf32>
        %swap3A_458 = arith.index_cast %add3A_379 : i32 to index
        %swap3A_459 = arith.constant 80 : index
        %swap3A_460 = tpu.vector_load %arg12[%swap3A_458, %swap3A_459] {strides = array<i32>} : memref<128x128xf32, #tpu.memory_space<vmem>>, vector<16xf32>,
        tpu.vector_store %arg12[%swap3A_458, %swap3A_459], %mul3A_457 {strides = array<i32>} : memref<128x128xf32, #tpu.memory_space<vmem>>, vector<16xf32>,
        %get3A_461 = arith.index_cast %add3A_379 : i32 to index
        %get3A_462 = arith.constant 96 : index
        %get3A_463 = tpu.vector_load %arg12[%get3A_461, %get3A_462] {strides = array<i32>} : memref<128x128xf32, #tpu.memory_space<vmem>>, vector<16xf32>,
        %mul3A_464 = arith.mulf %gather3A_382, %get3A_463 : vector<16xf32>
        %add3A_465 = arith.constant 64 : i32
        %add3A_466 = arith.addi %add3A_465, %add3A_379 : i32
        %get3A_467 = arith.index_cast %add3A_466 : i32 to index
        %get3A_468 = arith.constant 96 : index
        %get3A_469 = tpu.vector_load %arg12[%get3A_467, %get3A_468] {strides = array<i32>} : memref<128x128xf32, #tpu.memory_space<vmem>>, vector<16xf32>,
        %mul3A_470 = arith.mulf %mul3A_464, %get3A_469 : vector<16xf32>
        %swap3A_471 = arith.index_cast %add3A_379 : i32 to index
        %swap3A_472 = arith.constant 96 : index
        %swap3A_473 = tpu.vector_load %arg12[%swap3A_471, %swap3A_472] {strides = array<i32>} : memref<128x128xf32, #tpu.memory_space<vmem>>, vector<16xf32>,
        tpu.vector_store %arg12[%swap3A_471, %swap3A_472], %mul3A_470 {strides = array<i32>} : memref<128x128xf32, #tpu.memory_space<vmem>>, vector<16xf32>,
        %get3A_474 = arith.index_cast %add3A_379 : i32 to index
        %get3A_475 = arith.constant 112 : index
        %get3A_476 = tpu.vector_load %arg12[%get3A_474, %get3A_475] {strides = array<i32>} : memref<128x128xf32, #tpu.memory_space<vmem>>, vector<16xf32>,
        %mul3A_477 = arith.mulf %gather3A_382, %get3A_476 : vector<16xf32>
        %add3A_478 = arith.constant 64 : i32
        %add3A_479 = arith.addi %add3A_478, %add3A_379 : i32
        %get3A_480 = arith.index_cast %add3A_479 : i32 to index
        %get3A_481 = arith.constant 112 : index
        %get3A_482 = tpu.vector_load %arg12[%get3A_480, %get3A_481] {strides = array<i32>} : memref<128x128xf32, #tpu.memory_space<vmem>>, vector<16xf32>,
        %mul3A_483 = arith.mulf %mul3A_477, %get3A_482 : vector<16xf32>
        %swap3A_484 = arith.index_cast %add3A_379 : i32 to index
        %swap3A_485 = arith.constant 112 : index
        %swap3A_486 = tpu.vector_load %arg12[%swap3A_484, %swap3A_485] {strides = array<i32>} : memref<128x128xf32, #tpu.memory_space<vmem>>, vector<16xf32>,
        tpu.vector_store %arg12[%swap3A_484, %swap3A_485], %mul3A_483 {strides = array<i32>} : memref<128x128xf32, #tpu.memory_space<vmem>>, vector<16xf32>,
        %mul3A_487 = arith.constant 16 : i32
        %mul3A_488 = arith.muli %add3A_242, %mul3A_487 : i32
        %add3A_489 = arith.constant 2 : i32
        %add3A_490 = arith.addi %mul3A_488, %add3A_489 : i32
        %broadcast_in_dim3A_491 = arith.constant 2 : i32
        %broadcast_in_dim3A_492 = vector.broadcast %broadcast_in_dim3A_491 : i32 to vector<16xi32>
        %gather3A_493 = tpu.vector_load_idx %arg8[%broadcast_in_dim3A_492] : memref<16xf32, #tpu.memory_space<vmem>>[vector<16xi32>], vector<16xf32>,
        %get3A_494 = arith.index_cast %add3A_490 : i32 to index
        %get3A_495 = arith.constant 0 : index
        %get3A_496 = tpu.vector_load %arg12[%get3A_494, %get3A_495] {strides = array<i32>} : memref<128x128xf32, #tpu.memory_space<vmem>>, vector<16xf32>,
        %mul3A_497 = arith.mulf %gather3A_493, %get3A_496 : vector<16xf32>
        %add3A_498 = arith.constant 64 : i32
        %add3A_499 = arith.addi %add3A_498, %add3A_490 : i32
        %get3A_500 = arith.index_cast %add3A_499 : i32 to index
        %get3A_501 = arith.constant 0 : index
        %get3A_502 = tpu.vector_load %arg12[%get3A_500, %get3A_501] {strides = array<i32>} : memref<128x128xf32, #tpu.memory_space<vmem>>, vector<16xf32>,
        %mul3A_503 = arith.mulf %mul3A_497, %get3A_502 : vector<16xf32>
        %swap3A_504 = arith.index_cast %add3A_490 : i32 to index
        %swap3A_505 = arith.constant 0 : index
        %swap3A_506 = tpu.vector_load %arg12[%swap3A_504, %swap3A_505] {strides = array<i32>} : memref<128x128xf32, #tpu.memory_space<vmem>>, vector<16xf32>,
        tpu.vector_store %arg12[%swap3A_504, %swap3A_505], %mul3A_503 {strides = array<i32>} : memref<128x128xf32, #tpu.memory_space<vmem>>, vector<16xf32>,
        %get3A_507 = arith.index_cast %add3A_490 : i32 to index
        %get3A_508 = arith.constant 16 : index
        %get3A_509 = tpu.vector_load %arg12[%get3A_507, %get3A_508] {strides = array<i32>} : memref<128x128xf32, #tpu.memory_space<vmem>>, vector<16xf32>,
        %mul3A_510 = arith.mulf %gather3A_493, %get3A_509 : vector<16xf32>
        %add3A_511 = arith.constant 64 : i32
        %add3A_512 = arith.addi %add3A_511, %add3A_490 : i32
        %get3A_513 = arith.index_cast %add3A_512 : i32 to index
        %get3A_514 = arith.constant 16 : index
        %get3A_515 = tpu.vector_load %arg12[%get3A_513, %get3A_514] {strides = array<i32>} : memref<128x128xf32, #tpu.memory_space<vmem>>, vector<16xf32>,
        %mul3A_516 = arith.mulf %mul3A_510, %get3A_515 : vector<16xf32>
        %swap3A_517 = arith.index_cast %add3A_490 : i32 to index
        %swap3A_518 = arith.constant 16 : index
        %swap3A_519 = tpu.vector_load %arg12[%swap3A_517, %swap3A_518] {strides = array<i32>} : memref<128x128xf32, #tpu.memory_space<vmem>>, vector<16xf32>,
        tpu.vector_store %arg12[%swap3A_517, %swap3A_518], %mul3A_516 {strides = array<i32>} : memref<128x128xf32, #tpu.memory_space<vmem>>, vector<16xf32>,
        %get3A_520 = arith.index_cast %add3A_490 : i32 to index
        %get3A_521 = arith.constant 32 : index
        %get3A_522 = tpu.vector_load %arg12[%get3A_520, %get3A_521] {strides = array<i32>} : memref<128x128xf32, #tpu.memory_space<vmem>>, vector<16xf32>,
        %mul3A_523 = arith.mulf %gather3A_493, %get3A_522 : vector<16xf32>
        %add3A_524 = arith.constant 64 : i32
        %add3A_525 = arith.addi %add3A_524, %add3A_490 : i32
        %get3A_526 = arith.index_cast %add3A_525 : i32 to index
        %get3A_527 = arith.constant 32 : index
        %get3A_528 = tpu.vector_load %arg12[%get3A_526, %get3A_527] {strides = array<i32>} : memref<128x128xf32, #tpu.memory_space<vmem>>, vector<16xf32>,
        %mul3A_529 = arith.mulf %mul3A_523, %get3A_528 : vector<16xf32>
        %swap3A_530 = arith.index_cast %add3A_490 : i32 to index
        %swap3A_531 = arith.constant 32 : index
        %swap3A_532 = tpu.vector_load %arg12[%swap3A_530, %swap3A_531] {strides = array<i32>} : memref<128x128xf32, #tpu.memory_space<vmem>>, vector<16xf32>,
        tpu.vector_store %arg12[%swap3A_530, %swap3A_531], %mul3A_529 {strides = array<i32>} : memref<128x128xf32, #tpu.memory_space<vmem>>, vector<16xf32>,
        %get3A_533 = arith.index_cast %add3A_490 : i32 to index
        %get3A_534 = arith.constant 48 : index
        %get3A_535 = tpu.vector_load %arg12[%get3A_533, %get3A_534] {strides = array<i32>} : memref<128x128xf32, #tpu.memory_space<vmem>>, vector<16xf32>,
        %mul3A_536 = arith.mulf %gather3A_493, %get3A_535 : vector<16xf32>
        %add3A_537 = arith.constant 64 : i32
        %add3A_538 = arith.addi %add3A_537, %add3A_490 : i32
        %get3A_539 = arith.index_cast %add3A_538 : i32 to index
        %get3A_540 = arith.constant 48 : index
        %get3A_541 = tpu.vector_load %arg12[%get3A_539, %get3A_540] {strides = array<i32>} : memref<128x128xf32, #tpu.memory_space<vmem>>, vector<16xf32>,
        %mul3A_542 = arith.mulf %mul3A_536, %get3A_541 : vector<16xf32>
        %swap3A_543 = arith.index_cast %add3A_490 : i32 to index
        %swap3A_544 = arith.constant 48 : index
        %swap3A_545 = tpu.vector_load %arg12[%swap3A_543, %swap3A_544] {strides = array<i32>} : memref<128x128xf32, #tpu.memory_space<vmem>>, vector<16xf32>,
        tpu.vector_store %arg12[%swap3A_543, %swap3A_544], %mul3A_542 {strides = array<i32>} : memref<128x128xf32, #tpu.memory_space<vmem>>, vector<16xf32>,
        %get3A_546 = arith.index_cast %add3A_490 : i32 to index
        %get3A_547 = arith.constant 64 : index
        %get3A_548 = tpu.vector_load %arg12[%get3A_546, %get3A_547] {strides = array<i32>} : memref<128x128xf32, #tpu.memory_space<vmem>>, vector<16xf32>,
        %mul3A_549 = arith.mulf %gather3A_493, %get3A_548 : vector<16xf32>
        %add3A_550 = arith.constant 64 : i32
        %add3A_551 = arith.addi %add3A_550, %add3A_490 : i32
        %get3A_552 = arith.index_cast %add3A_551 : i32 to index
        %get3A_553 = arith.constant 64 : index
        %get3A_554 = tpu.vector_load %arg12[%get3A_552, %get3A_553] {strides = array<i32>} : memref<128x128xf32, #tpu.memory_space<vmem>>, vector<16xf32>,
        %mul3A_555 = arith.mulf %mul3A_549, %get3A_554 : vector<16xf32>
        %swap3A_556 = arith.index_cast %add3A_490 : i32 to index
        %swap3A_557 = arith.constant 64 : index
        %swap3A_558 = tpu.vector_load %arg12[%swap3A_556, %swap3A_557] {strides = array<i32>} : memref<128x128xf32, #tpu.memory_space<vmem>>, vector<16xf32>,
        tpu.vector_store %arg12[%swap3A_556, %swap3A_557], %mul3A_555 {strides = array<i32>} : memref<128x128xf32, #tpu.memory_space<vmem>>, vector<16xf32>,
        %get3A_559 = arith.index_cast %add3A_490 : i32 to index
        %get3A_560 = arith.constant 80 : index
        %get3A_561 = tpu.vector_load %arg12[%get3A_559, %get3A_560] {strides = array<i32>} : memref<128x128xf32, #tpu.memory_space<vmem>>, vector<16xf32>,
        %mul3A_562 = arith.mulf %gather3A_493, %get3A_561 : vector<16xf32>
        %add3A_563 = arith.constant 64 : i32
        %add3A_564 = arith.addi %add3A_563, %add3A_490 : i32
        %get3A_565 = arith.index_cast %add3A_564 : i32 to index
        %get3A_566 = arith.constant 80 : index
        %get3A_567 = tpu.vector_load %arg12[%get3A_565, %get3A_566] {strides = array<i32>} : memref<128x128xf32, #tpu.memory_space<vmem>>, vector<16xf32>,
        %mul3A_568 = arith.mulf %mul3A_562, %get3A_567 : vector<16xf32>
        %swap3A_569 = arith.index_cast %add3A_490 : i32 to index
        %swap3A_570 = arith.constant 80 : index
        %swap3A_571 = tpu.vector_load %arg12[%swap3A_569, %swap3A_570] {strides = array<i32>} : memref<128x128xf32, #tpu.memory_space<vmem>>, vector<16xf32>,
        tpu.vector_store %arg12[%swap3A_569, %swap3A_570], %mul3A_568 {strides = array<i32>} : memref<128x128xf32, #tpu.memory_space<vmem>>, vector<16xf32>,
        %get3A_572 = arith.index_cast %add3A_490 : i32 to index
        %get3A_573 = arith.constant 96 : index
        %get3A_574 = tpu.vector_load %arg12[%get3A_572, %get3A_573] {strides = array<i32>} : memref<128x128xf32, #tpu.memory_space<vmem>>, vector<16xf32>,
        %mul3A_575 = arith.mulf %gather3A_493, %get3A_574 : vector<16xf32>
        %add3A_576 = arith.constant 64 : i32
        %add3A_577 = arith.addi %add3A_576, %add3A_490 : i32
        %get3A_578 = arith.index_cast %add3A_577 : i32 to index
        %get3A_579 = arith.constant 96 : index
        %get3A_580 = tpu.vector_load %arg12[%get3A_578, %get3A_579] {strides = array<i32>} : memref<128x128xf32, #tpu.memory_space<vmem>>, vector<16xf32>,
        %mul3A_581 = arith.mulf %mul3A_575, %get3A_580 : vector<16xf32>
        %swap3A_582 = arith.index_cast %add3A_490 : i32 to index
        %swap3A_583 = arith.constant 96 : index
        %swap3A_584 = tpu.vector_load %arg12[%swap3A_582, %swap3A_583] {strides = array<i32>} : memref<128x128xf32, #tpu.memory_space<vmem>>, vector<16xf32>,
        tpu.vector_store %arg12[%swap3A_582, %swap3A_583], %mul3A_581 {strides = array<i32>} : memref<128x128xf32, #tpu.memory_space<vmem>>, vector<16xf32>,
        %get3A_585 = arith.index_cast %add3A_490 : i32 to index
        %get3A_586 = arith.constant 112 : index
        %get3A_587 = tpu.vector_load %arg12[%get3A_585, %get3A_586] {strides = array<i32>} : memref<128x128xf32, #tpu.memory_space<vmem>>, vector<16xf32>,
        %mul3A_588 = arith.mulf %gather3A_493, %get3A_587 : vector<16xf32>
        %add3A_589 = arith.constant 64 : i32
        %add3A_590 = arith.addi %add3A_589, %add3A_490 : i32
        %get3A_591 = arith.index_cast %add3A_590 : i32 to index
        %get3A_592 = arith.constant 112 : index
        %get3A_593 = tpu.vector_load %arg12[%get3A_591, %get3A_592] {strides = array<i32>} : memref<128x128xf32, #tpu.memory_space<vmem>>, vector<16xf32>,
        %mul3A_594 = arith.mulf %mul3A_588, %get3A_593 : vector<16xf32>
        %swap3A_595 = arith.index_cast %add3A_490 : i32 to index
        %swap3A_596 = arith.constant 112 : index
        %swap3A_597 = tpu.vector_load %arg12[%swap3A_595, %swap3A_596] {strides = array<i32>} : memref<128x128xf32, #tpu.memory_space<vmem>>, vector<16xf32>,
        tpu.vector_store %arg12[%swap3A_595, %swap3A_596], %mul3A_594 {strides = array<i32>} : memref<128x128xf32, #tpu.memory_space<vmem>>, vector<16xf32>,
        %mul3A_598 = arith.constant 16 : i32
        %mul3A_599 = arith.muli %add3A_242, %mul3A_598 : i32
        %add3A_600 = arith.constant 3 : i32
        %add3A_601 = arith.addi %mul3A_599, %add3A_600 : i32
        %broadcast_in_dim3A_602 = arith.constant 3 : i32
        %broadcast_in_dim3A_603 = vector.broadcast %broadcast_in_dim3A_602 : i32 to vector<16xi32>
        %gather3A_604 = tpu.vector_load_idx %arg8[%broadcast_in_dim3A_603] : memref<16xf32, #tpu.memory_space<vmem>>[vector<16xi32>], vector<16xf32>,
        %get3A_605 = arith.index_cast %add3A_601 : i32 to index
        %get3A_606 = arith.constant 0 : index
        %get3A_607 = tpu.vector_load %arg12[%get3A_605, %get3A_606] {strides = array<i32>} : memref<128x128xf32, #tpu.memory_space<vmem>>, vector<16xf32>,
        %mul3A_608 = arith.mulf %gather3A_604, %get3A_607 : vector<16xf32>
        %add3A_609 = arith.constant 64 : i32
        %add3A_610 = arith.addi %add3A_609, %add3A_601 : i32
        %get3A_611 = arith.index_cast %add3A_610 : i32 to index
        %get3A_612 = arith.constant 0 : index
        %get3A_613 = tpu.vector_load %arg12[%get3A_611, %get3A_612] {strides = array<i32>} : memref<128x128xf32, #tpu.memory_space<vmem>>, vector<16xf32>,
        %mul3A_614 = arith.mulf %mul3A_608, %get3A_613 : vector<16xf32>
        %swap3A_615 = arith.index_cast %add3A_601 : i32 to index
        %swap3A_616 = arith.constant 0 : index
        %swap3A_617 = tpu.vector_load %arg12[%swap3A_615, %swap3A_616] {strides = array<i32>} : memref<128x128xf32, #tpu.memory_space<vmem>>, vector<16xf32>,
        tpu.vector_store %arg12[%swap3A_615, %swap3A_616], %mul3A_614 {strides = array<i32>} : memref<128x128xf32, #tpu.memory_space<vmem>>, vector<16xf32>,
        %get3A_618 = arith.index_cast %add3A_601 : i32 to index
        %get3A_619 = arith.constant 16 : index
        %get3A_620 = tpu.vector_load %arg12[%get3A_618, %get3A_619] {strides = array<i32>} : memref<128x128xf32, #tpu.memory_space<vmem>>, vector<16xf32>,
        %mul3A_621 = arith.mulf %gather3A_604, %get3A_620 : vector<16xf32>
        %add3A_622 = arith.constant 64 : i32
        %add3A_623 = arith.addi %add3A_622, %add3A_601 : i32
        %get3A_624 = arith.index_cast %add3A_623 : i32 to index
        %get3A_625 = arith.constant 16 : index
        %get3A_626 = tpu.vector_load %arg12[%get3A_624, %get3A_625] {strides = array<i32>} : memref<128x128xf32, #tpu.memory_space<vmem>>, vector<16xf32>,
        %mul3A_627 = arith.mulf %mul3A_621, %get3A_626 : vector<16xf32>
        %swap3A_628 = arith.index_cast %add3A_601 : i32 to index
        %swap3A_629 = arith.constant 16 : index
        %swap3A_630 = tpu.vector_load %arg12[%swap3A_628, %swap3A_629] {strides = array<i32>} : memref<128x128xf32, #tpu.memory_space<vmem>>, vector<16xf32>,
        tpu.vector_store %arg12[%swap3A_628, %swap3A_629], %mul3A_627 {strides = array<i32>} : memref<128x128xf32, #tpu.memory_space<vmem>>, vector<16xf32>,
        %get3A_631 = arith.index_cast %add3A_601 : i32 to index
        %get3A_632 = arith.constant 32 : index
        %get3A_633 = tpu.vector_load %arg12[%get3A_631, %get3A_632] {strides = array<i32>} : memref<128x128xf32, #tpu.memory_space<vmem>>, vector<16xf32>,
        %mul3A_634 = arith.mulf %gather3A_604, %get3A_633 : vector<16xf32>
        %add3A_635 = arith.constant 64 : i32
        %add3A_636 = arith.addi %add3A_635, %add3A_601 : i32
        %get3A_637 = arith.index_cast %add3A_636 : i32 to index
        %get3A_638 = arith.constant 32 : index
        %get3A_639 = tpu.vector_load %arg12[%get3A_637, %get3A_638] {strides = array<i32>} : memref<128x128xf32, #tpu.memory_space<vmem>>, vector<16xf32>,
        %mul3A_640 = arith.mulf %mul3A_634, %get3A_639 : vector<16xf32>
        %swap3A_641 = arith.index_cast %add3A_601 : i32 to index
        %swap3A_642 = arith.constant 32 : index
        %swap3A_643 = tpu.vector_load %arg12[%swap3A_641, %swap3A_642] {strides = array<i32>} : memref<128x128xf32, #tpu.memory_space<vmem>>, vector<16xf32>,
        tpu.vector_store %arg12[%swap3A_641, %swap3A_642], %mul3A_640 {strides = array<i32>} : memref<128x128xf32, #tpu.memory_space<vmem>>, vector<16xf32>,
        %get3A_644 = arith.index_cast %add3A_601 : i32 to index
        %get3A_645 = arith.constant 48 : index
        %get3A_646 = tpu.vector_load %arg12[%get3A_644, %get3A_645] {strides = array<i32>} : memref<128x128xf32, #tpu.memory_space<vmem>>, vector<16xf32>,
        %mul3A_647 = arith.mulf %gather3A_604, %get3A_646 : vector<16xf32>
        %add3A_648 = arith.constant 64 : i32
        %add3A_649 = arith.addi %add3A_648, %add3A_601 : i32
        %get3A_650 = arith.index_cast %add3A_649 : i32 to index
        %get3A_651 = arith.constant 48 : index
        %get3A_652 = tpu.vector_load %arg12[%get3A_650, %get3A_651] {strides = array<i32>} : memref<128x128xf32, #tpu.memory_space<vmem>>, vector<16xf32>,
        %mul3A_653 = arith.mulf %mul3A_647, %get3A_652 : vector<16xf32>
        %swap3A_654 = arith.index_cast %add3A_601 : i32 to index
        %swap3A_655 = arith.constant 48 : index
        %swap3A_656 = tpu.vector_load %arg12[%swap3A_654, %swap3A_655] {strides = array<i32>} : memref<128x128xf32, #tpu.memory_space<vmem>>, vector<16xf32>,
        tpu.vector_store %arg12[%swap3A_654, %swap3A_655], %mul3A_653 {strides = array<i32>} : memref<128x128xf32, #tpu.memory_space<vmem>>, vector<16xf32>,
        %get3A_657 = arith.index_cast %add3A_601 : i32 to index
        %get3A_658 = arith.constant 64 : index
        %get3A_659 = tpu.vector_load %arg12[%get3A_657, %get3A_658] {strides = array<i32>} : memref<128x128xf32, #tpu.memory_space<vmem>>, vector<16xf32>,
        %mul3A_660 = arith.mulf %gather3A_604, %get3A_659 : vector<16xf32>
        %add3A_661 = arith.constant 64 : i32
        %add3A_662 = arith.addi %add3A_661, %add3A_601 : i32
        %get3A_663 = arith.index_cast %add3A_662 : i32 to index
        %get3A_664 = arith.constant 64 : index
        %get3A_665 = tpu.vector_load %arg12[%get3A_663, %get3A_664] {strides = array<i32>} : memref<128x128xf32, #tpu.memory_space<vmem>>, vector<16xf32>,
        %mul3A_666 = arith.mulf %mul3A_660, %get3A_665 : vector<16xf32>
        %swap3A_667 = arith.index_cast %add3A_601 : i32 to index
        %swap3A_668 = arith.constant 64 : index
        %swap3A_669 = tpu.vector_load %arg12[%swap3A_667, %swap3A_668] {strides = array<i32>} : memref<128x128xf32, #tpu.memory_space<vmem>>, vector<16xf32>,
        tpu.vector_store %arg12[%swap3A_667, %swap3A_668], %mul3A_666 {strides = array<i32>} : memref<128x128xf32, #tpu.memory_space<vmem>>, vector<16xf32>,
        %get3A_670 = arith.index_cast %add3A_601 : i32 to index
        %get3A_671 = arith.constant 80 : index
        %get3A_672 = tpu.vector_load %arg12[%get3A_670, %get3A_671] {strides = array<i32>} : memref<128x128xf32, #tpu.memory_space<vmem>>, vector<16xf32>,
        %mul3A_673 = arith.mulf %gather3A_604, %get3A_672 : vector<16xf32>
        %add3A_674 = arith.constant 64 : i32
        %add3A_675 = arith.addi %add3A_674, %add3A_601 : i32
        %get3A_676 = arith.index_cast %add3A_675 : i32 to index
        %get3A_677 = arith.constant 80 : index
        %get3A_678 = tpu.vector_load %arg12[%get3A_676, %get3A_677] {strides = array<i32>} : memref<128x128xf32, #tpu.memory_space<vmem>>, vector<16xf32>,
        %mul3A_679 = arith.mulf %mul3A_673, %get3A_678 : vector<16xf32>
        %swap3A_680 = arith.index_cast %add3A_601 : i32 to index
        %swap3A_681 = arith.constant 80 : index
        %swap3A_682 = tpu.vector_load %arg12[%swap3A_680, %swap3A_681] {strides = array<i32>} : memref<128x128xf32, #tpu.memory_space<vmem>>, vector<16xf32>,
        tpu.vector_store %arg12[%swap3A_680, %swap3A_681], %mul3A_679 {strides = array<i32>} : memref<128x128xf32, #tpu.memory_space<vmem>>, vector<16xf32>,
        %get3A_683 = arith.index_cast %add3A_601 : i32 to index
        %get3A_684 = arith.constant 96 : index
        %get3A_685 = tpu.vector_load %arg12[%get3A_683, %get3A_684] {strides = array<i32>} : memref<128x128xf32, #tpu.memory_space<vmem>>, vector<16xf32>,
        %mul3A_686 = arith.mulf %gather3A_604, %get3A_685 : vector<16xf32>
        %add3A_687 = arith.constant 64 : i32
        %add3A_688 = arith.addi %add3A_687, %add3A_601 : i32
        %get3A_689 = arith.index_cast %add3A_688 : i32 to index
        %get3A_690 = arith.constant 96 : index
        %get3A_691 = tpu.vector_load %arg12[%get3A_689, %get3A_690] {strides = array<i32>} : memref<128x128xf32, #tpu.memory_space<vmem>>, vector<16xf32>,
        %mul3A_692 = arith.mulf %mul3A_686, %get3A_691 : vector<16xf32>
        %swap3A_693 = arith.index_cast %add3A_601 : i32 to index
        %swap3A_694 = arith.constant 96 : index
        %swap3A_695 = tpu.vector_load %arg12[%swap3A_693, %swap3A_694] {strides = array<i32>} : memref<128x128xf32, #tpu.memory_space<vmem>>, vector<16xf32>,
        tpu.vector_store %arg12[%swap3A_693, %swap3A_694], %mul3A_692 {strides = array<i32>} : memref<128x128xf32, #tpu.memory_space<vmem>>, vector<16xf32>,
        %get3A_696 = arith.index_cast %add3A_601 : i32 to index
        %get3A_697 = arith.constant 112 : index
        %get3A_698 = tpu.vector_load %arg12[%get3A_696, %get3A_697] {strides = array<i32>} : memref<128x128xf32, #tpu.memory_space<vmem>>, vector<16xf32>,
        %mul3A_699 = arith.mulf %gather3A_604, %get3A_698 : vector<16xf32>
        %add3A_700 = arith.constant 64 : i32
        %add3A_701 = arith.addi %add3A_700, %add3A_601 : i32
        %get3A_702 = arith.index_cast %add3A_701 : i32 to index
        %get3A_703 = arith.constant 112 : index
        %get3A_704 = tpu.vector_load %arg12[%get3A_702, %get3A_703] {strides = array<i32>} : memref<128x128xf32, #tpu.memory_space<vmem>>, vector<16xf32>,
        %mul3A_705 = arith.mulf %mul3A_699, %get3A_704 : vector<16xf32>
        %swap3A_706 = arith.index_cast %add3A_601 : i32 to index
        %swap3A_707 = arith.constant 112 : index
        %swap3A_708 = tpu.vector_load %arg12[%swap3A_706, %swap3A_707] {strides = array<i32>} : memref<128x128xf32, #tpu.memory_space<vmem>>, vector<16xf32>,
        tpu.vector_store %arg12[%swap3A_706, %swap3A_707], %mul3A_705 {strides = array<i32>} : memref<128x128xf32, #tpu.memory_space<vmem>>, vector<16xf32>,
        %mul3A_709 = arith.constant 16 : i32
        %mul3A_710 = arith.muli %add3A_242, %mul3A_709 : i32
        %add3A_711 = arith.constant 4 : i32
        %add3A_712 = arith.addi %mul3A_710, %add3A_711 : i32
        %broadcast_in_dim3A_713 = arith.constant 4 : i32
        %broadcast_in_dim3A_714 = vector.broadcast %broadcast_in_dim3A_713 : i32 to vector<16xi32>
        %gather3A_715 = tpu.vector_load_idx %arg8[%broadcast_in_dim3A_714] : memref<16xf32, #tpu.memory_space<vmem>>[vector<16xi32>], vector<16xf32>,
        %get3A_716 = arith.index_cast %add3A_712 : i32 to index
        %get3A_717 = arith.constant 0 : index
        %get3A_718 = tpu.vector_load %arg12[%get3A_716, %get3A_717] {strides = array<i32>} : memref<128x128xf32, #tpu.memory_space<vmem>>, vector<16xf32>,
        %mul3A_719 = arith.mulf %gather3A_715, %get3A_718 : vector<16xf32>
        %add3A_720 = arith.constant 64 : i32
        %add3A_721 = arith.addi %add3A_720, %add3A_712 : i32
        %get3A_722 = arith.index_cast %add3A_721 : i32 to index
        %get3A_723 = arith.constant 0 : index
        %get3A_724 = tpu.vector_load %arg12[%get3A_722, %get3A_723] {strides = array<i32>} : memref<128x128xf32, #tpu.memory_space<vmem>>, vector<16xf32>,
        %mul3A_725 = arith.mulf %mul3A_719, %get3A_724 : vector<16xf32>
        %swap3A_726 = arith.index_cast %add3A_712 : i32 to index
        %swap3A_727 = arith.constant 0 : index
        %swap3A_728 = tpu.vector_load %arg12[%swap3A_726, %swap3A_727] {strides = array<i32>} : memref<128x128xf32, #tpu.memory_space<vmem>>, vector<16xf32>,
        tpu.vector_store %arg12[%swap3A_726, %swap3A_727], %mul3A_725 {strides = array<i32>} : memref<128x128xf32, #tpu.memory_space<vmem>>, vector<16xf32>,
        %get3A_729 = arith.index_cast %add3A_712 : i32 to index
        %get3A_730 = arith.constant 16 : index
        %get3A_731 = tpu.vector_load %arg12[%get3A_729, %get3A_730] {strides = array<i32>} : memref<128x128xf32, #tpu.memory_space<vmem>>, vector<16xf32>,
        %mul3A_732 = arith.mulf %gather3A_715, %get3A_731 : vector<16xf32>
        %add3A_733 = arith.constant 64 : i32
        %add3A_734 = arith.addi %add3A_733, %add3A_712 : i32
        %get3A_735 = arith.index_cast %add3A_734 : i32 to index
        %get3A_736 = arith.constant 16 : index
        %get3A_737 = tpu.vector_load %arg12[%get3A_735, %get3A_736] {strides = array<i32>} : memref<128x128xf32, #tpu.memory_space<vmem>>, vector<16xf32>,
        %mul3A_738 = arith.mulf %mul3A_732, %get3A_737 : vector<16xf32>
        %swap3A_739 = arith.index_cast %add3A_712 : i32 to index
        %swap3A_740 = arith.constant 16 : index
        %swap3A_741 = tpu.vector_load %arg12[%swap3A_739, %swap3A_740] {strides = array<i32>} : memref<128x128xf32, #tpu.memory_space<vmem>>, vector<16xf32>,
        tpu.vector_store %arg12[%swap3A_739, %swap3A_740], %mul3A_738 {strides = array<i32>} : memref<128x128xf32, #tpu.memory_space<vmem>>, vector<16xf32>,
        %get3A_742 = arith.index_cast %add3A_712 : i32 to index
        %get3A_743 = arith.constant 32 : index
        %get3A_744 = tpu.vector_load %arg12[%get3A_742, %get3A_743] {strides = array<i32>} : memref<128x128xf32, #tpu.memory_space<vmem>>, vector<16xf32>,
        %mul3A_745 = arith.mulf %gather3A_715, %get3A_744 : vector<16xf32>
        %add3A_746 = arith.constant 64 : i32
        %add3A_747 = arith.addi %add3A_746, %add3A_712 : i32
        %get3A_748 = arith.index_cast %add3A_747 : i32 to index
        %get3A_749 = arith.constant 32 : index
        %get3A_750 = tpu.vector_load %arg12[%get3A_748, %get3A_749] {strides = array<i32>} : memref<128x128xf32, #tpu.memory_space<vmem>>, vector<16xf32>,
        %mul3A_751 = arith.mulf %mul3A_745, %get3A_750 : vector<16xf32>
        %swap3A_752 = arith.index_cast %add3A_712 : i32 to index
        %swap3A_753 = arith.constant 32 : index
        %swap3A_754 = tpu.vector_load %arg12[%swap3A_752, %swap3A_753] {strides = array<i32>} : memref<128x128xf32, #tpu.memory_space<vmem>>, vector<16xf32>,
        tpu.vector_store %arg12[%swap3A_752, %swap3A_753], %mul3A_751 {strides = array<i32>} : memref<128x128xf32, #tpu.memory_space<vmem>>, vector<16xf32>,
        %get3A_755 = arith.index_cast %add3A_712 : i32 to index
        %get3A_756 = arith.constant 48 : index
        %get3A_757 = tpu.vector_load %arg12[%get3A_755, %get3A_756] {strides = array<i32>} : memref<128x128xf32, #tpu.memory_space<vmem>>, vector<16xf32>,
        %mul3A_758 = arith.mulf %gather3A_715, %get3A_757 : vector<16xf32>
        %add3A_759 = arith.constant 64 : i32
        %add3A_760 = arith.addi %add3A_759, %add3A_712 : i32
        %get3A_761 = arith.index_cast %add3A_760 : i32 to index
        %get3A_762 = arith.constant 48 : index
        %get3A_763 = tpu.vector_load %arg12[%get3A_761, %get3A_762] {strides = array<i32>} : memref<128x128xf32, #tpu.memory_space<vmem>>, vector<16xf32>,
        %mul3A_764 = arith.mulf %mul3A_758, %get3A_763 : vector<16xf32>
        %swap3A_765 = arith.index_cast %add3A_712 : i32 to index
        %swap3A_766 = arith.constant 48 : index
        %swap3A_767 = tpu.vector_load %arg12[%swap3A_765, %swap3A_766] {strides = array<i32>} : memref<128x128xf32, #tpu.memory_space<vmem>>, vector<16xf32>,
        tpu.vector_store %arg12[%swap3A_765, %swap3A_766], %mul3A_764 {strides = array<i32>} : memref<128x128xf32, #tpu.memory_space<vmem>>, vector<16xf32>,
        %get3A_768 = arith.index_cast %add3A_712 : i32 to index
        %get3A_769 = arith.constant 64 : index
        %get3A_770 = tpu.vector_load %arg12[%get3A_768, %get3A_769] {strides = array<i32>} : memref<128x128xf32, #tpu.memory_space<vmem>>, vector<16xf32>,
        %mul3A_771 = arith.mulf %gather3A_715, %get3A_770 : vector<16xf32>
        %add3A_772 = arith.constant 64 : i32
        %add3A_773 = arith.addi %add3A_772, %add3A_712 : i32
        %get3A_774 = arith.index_cast %add3A_773 : i32 to index
        %get3A_775 = arith.constant 64 : index
        %get3A_776 = tpu.vector_load %arg12[%get3A_774, %get3A_775] {strides = array<i32>} : memref<128x128xf32, #tpu.memory_space<vmem>>, vector<16xf32>,
        %mul3A_777 = arith.mulf %mul3A_771, %get3A_776 : vector<16xf32>
        %swap3A_778 = arith.index_cast %add3A_712 : i32 to index
        %swap3A_779 = arith.constant 64 : index
        %swap3A_780 = tpu.vector_load %arg12[%swap3A_778, %swap3A_779] {strides = array<i32>} : memref<128x128xf32, #tpu.memory_space<vmem>>, vector<16xf32>,
        tpu.vector_store %arg12[%swap3A_778, %swap3A_779], %mul3A_777 {strides = array<i32>} : memref<128x128xf32, #tpu.memory_space<vmem>>, vector<16xf32>,
        %get3A_781 = arith.index_cast %add3A_712 : i32 to index
        %get3A_782 = arith.constant 80 : index
        %get3A_783 = tpu.vector_load %arg12[%get3A_781, %get3A_782] {strides = array<i32>} : memref<128x128xf32, #tpu.memory_space<vmem>>, vector<16xf32>,
        %mul3A_784 = arith.mulf %gather3A_715, %get3A_783 : vector<16xf32>
        %add3A_785 = arith.constant 64 : i32
        %add3A_786 = arith.addi %add3A_785, %add3A_712 : i32
        %get3A_787 = arith.index_cast %add3A_786 : i32 to index
        %get3A_788 = arith.constant 80 : index
        %get3A_789 = tpu.vector_load %arg12[%get3A_787, %get3A_788] {strides = array<i32>} : memref<128x128xf32, #tpu.memory_space<vmem>>, vector<16xf32>,
        %mul3A_790 = arith.mulf %mul3A_784, %get3A_789 : vector<16xf32>
        %swap3A_791 = arith.index_cast %add3A_712 : i32 to index
        %swap3A_792 = arith.constant 80 : index
        %swap3A_793 = tpu.vector_load %arg12[%swap3A_791, %swap3A_792] {strides = array<i32>} : memref<128x128xf32, #tpu.memory_space<vmem>>, vector<16xf32>,
        tpu.vector_store %arg12[%swap3A_791, %swap3A_792], %mul3A_790 {strides = array<i32>} : memref<128x128xf32, #tpu.memory_space<vmem>>, vector<16xf32>,
        %get3A_794 = arith.index_cast %add3A_712 : i32 to index
        %get3A_795 = arith.constant 96 : index
        %get3A_796 = tpu.vector_load %arg12[%get3A_794, %get3A_795] {strides = array<i32>} : memref<128x128xf32, #tpu.memory_space<vmem>>, vector<16xf32>,
        %mul3A_797 = arith.mulf %gather3A_715, %get3A_796 : vector<16xf32>
        %add3A_798 = arith.constant 64 : i32
        %add3A_799 = arith.addi %add3A_798, %add3A_712 : i32
        %get3A_800 = arith.index_cast %add3A_799 : i32 to index
        %get3A_801 = arith.constant 96 : index
        %get3A_802 = tpu.vector_load %arg12[%get3A_800, %get3A_801] {strides = array<i32>} : memref<128x128xf32, #tpu.memory_space<vmem>>, vector<16xf32>,
        %mul3A_803 = arith.mulf %mul3A_797, %get3A_802 : vector<16xf32>
        %swap3A_804 = arith.index_cast %add3A_712 : i32 to index
        %swap3A_805 = arith.constant 96 : index
        %swap3A_806 = tpu.vector_load %arg12[%swap3A_804, %swap3A_805] {strides = array<i32>} : memref<128x128xf32, #tpu.memory_space<vmem>>, vector<16xf32>,
        tpu.vector_store %arg12[%swap3A_804, %swap3A_805], %mul3A_803 {strides = array<i32>} : memref<128x128xf32, #tpu.memory_space<vmem>>, vector<16xf32>,
        %get3A_807 = arith.index_cast %add3A_712 : i32 to index
        %get3A_808 = arith.constant 112 : index
        %get3A_809 = tpu.vector_load %arg12[%get3A_807, %get3A_808] {strides = array<i32>} : memref<128x128xf32, #tpu.memory_space<vmem>>, vector<16xf32>,
        %mul3A_810 = arith.mulf %gather3A_715, %get3A_809 : vector<16xf32>
        %add3A_811 = arith.constant 64 : i32
        %add3A_812 = arith.addi %add3A_811, %add3A_712 : i32
        %get3A_813 = arith.index_cast %add3A_812 : i32 to index
        %get3A_814 = arith.constant 112 : index
        %get3A_815 = tpu.vector_load %arg12[%get3A_813, %get3A_814] {strides = array<i32>} : memref<128x128xf32, #tpu.memory_space<vmem>>, vector<16xf32>,
        %mul3A_816 = arith.mulf %mul3A_810, %get3A_815 : vector<16xf32>
        %swap3A_817 = arith.index_cast %add3A_712 : i32 to index
        %swap3A_818 = arith.constant 112 : index
        %swap3A_819 = tpu.vector_load %arg12[%swap3A_817, %swap3A_818] {strides = array<i32>} : memref<128x128xf32, #tpu.memory_space<vmem>>, vector<16xf32>,
        tpu.vector_store %arg12[%swap3A_817, %swap3A_818], %mul3A_816 {strides = array<i32>} : memref<128x128xf32, #tpu.memory_space<vmem>>, vector<16xf32>,
        %mul3A_820 = arith.constant 16 : i32
        %mul3A_821 = arith.muli %add3A_242, %mul3A_820 : i32
        %add3A_822 = arith.constant 5 : i32
        %add3A_823 = arith.addi %mul3A_821, %add3A_822 : i32
        %broadcast_in_dim3A_824 = arith.constant 5 : i32
        %broadcast_in_dim3A_825 = vector.broadcast %broadcast_in_dim3A_824 : i32 to vector<16xi32>
        %gather3A_826 = tpu.vector_load_idx %arg8[%broadcast_in_dim3A_825] : memref<16xf32, #tpu.memory_space<vmem>>[vector<16xi32>], vector<16xf32>,
        %get3A_827 = arith.index_cast %add3A_823 : i32 to index
        %get3A_828 = arith.constant 0 : index
        %get3A_829 = tpu.vector_load %arg12[%get3A_827, %get3A_828] {strides = array<i32>} : memref<128x128xf32, #tpu.memory_space<vmem>>, vector<16xf32>,
        %mul3A_830 = arith.mulf %gather3A_826, %get3A_829 : vector<16xf32>
        %add3A_831 = arith.constant 64 : i32
        %add3A_832 = arith.addi %add3A_831, %add3A_823 : i32
        %get3A_833 = arith.index_cast %add3A_832 : i32 to index
        %get3A_834 = arith.constant 0 : index
        %get3A_835 = tpu.vector_load %arg12[%get3A_833, %get3A_834] {strides = array<i32>} : memref<128x128xf32, #tpu.memory_space<vmem>>, vector<16xf32>,
        %mul3A_836 = arith.mulf %mul3A_830, %get3A_835 : vector<16xf32>
        %swap3A_837 = arith.index_cast %add3A_823 : i32 to index
        %swap3A_838 = arith.constant 0 : index
        %swap3A_839 = tpu.vector_load %arg12[%swap3A_837, %swap3A_838] {strides = array<i32>} : memref<128x128xf32, #tpu.memory_space<vmem>>, vector<16xf32>,
        tpu.vector_store %arg12[%swap3A_837, %swap3A_838], %mul3A_836 {strides = array<i32>} : memref<128x128xf32, #tpu.memory_space<vmem>>, vector<16xf32>,
        %get3A_840 = arith.index_cast %add3A_823 : i32 to index
        %get3A_841 = arith.constant 16 : index
        %get3A_842 = tpu.vector_load %arg12[%get3A_840, %get3A_841] {strides = array<i32>} : memref<128x128xf32, #tpu.memory_space<vmem>>, vector<16xf32>,
        %mul3A_843 = arith.mulf %gather3A_826, %get3A_842 : vector<16xf32>
        %add3A_844 = arith.constant 64 : i32
        %add3A_845 = arith.addi %add3A_844, %add3A_823 : i32
        %get3A_846 = arith.index_cast %add3A_845 : i32 to index
        %get3A_847 = arith.constant 16 : index
        %get3A_848 = tpu.vector_load %arg12[%get3A_846, %get3A_847] {strides = array<i32>} : memref<128x128xf32, #tpu.memory_space<vmem>>, vector<16xf32>,
        %mul3A_849 = arith.mulf %mul3A_843, %get3A_848 : vector<16xf32>
        %swap3A_850 = arith.index_cast %add3A_823 : i32 to index
        %swap3A_851 = arith.constant 16 : index
        %swap3A_852 = tpu.vector_load %arg12[%swap3A_850, %swap3A_851] {strides = array<i32>} : memref<128x128xf32, #tpu.memory_space<vmem>>, vector<16xf32>,
        tpu.vector_store %arg12[%swap3A_850, %swap3A_851], %mul3A_849 {strides = array<i32>} : memref<128x128xf32, #tpu.memory_space<vmem>>, vector<16xf32>,
        %get3A_853 = arith.index_cast %add3A_823 : i32 to index
        %get3A_854 = arith.constant 32 : index
        %get3A_855 = tpu.vector_load %arg12[%get3A_853, %get3A_854] {strides = array<i32>} : memref<128x128xf32, #tpu.memory_space<vmem>>, vector<16xf32>,
        %mul3A_856 = arith.mulf %gather3A_826, %get3A_855 : vector<16xf32>
        %add3A_857 = arith.constant 64 : i32
        %add3A_858 = arith.addi %add3A_857, %add3A_823 : i32
        %get3A_859 = arith.index_cast %add3A_858 : i32 to index
        %get3A_860 = arith.constant 32 : index
        %get3A_861 = tpu.vector_load %arg12[%get3A_859, %get3A_860] {strides = array<i32>} : memref<128x128xf32, #tpu.memory_space<vmem>>, vector<16xf32>,
        %mul3A_862 = arith.mulf %mul3A_856, %get3A_861 : vector<16xf32>
        %swap3A_863 = arith.index_cast %add3A_823 : i32 to index
        %swap3A_864 = arith.constant 32 : index
        %swap3A_865 = tpu.vector_load %arg12[%swap3A_863, %swap3A_864] {strides = array<i32>} : memref<128x128xf32, #tpu.memory_space<vmem>>, vector<16xf32>,
        tpu.vector_store %arg12[%swap3A_863, %swap3A_864], %mul3A_862 {strides = array<i32>} : memref<128x128xf32, #tpu.memory_space<vmem>>, vector<16xf32>,
        %get3A_866 = arith.index_cast %add3A_823 : i32 to index
        %get3A_867 = arith.constant 48 : index
        %get3A_868 = tpu.vector_load %arg12[%get3A_866, %get3A_867] {strides = array<i32>} : memref<128x128xf32, #tpu.memory_space<vmem>>, vector<16xf32>,
        %mul3A_869 = arith.mulf %gather3A_826, %get3A_868 : vector<16xf32>
        %add3A_870 = arith.constant 64 : i32
        %add3A_871 = arith.addi %add3A_870, %add3A_823 : i32
        %get3A_872 = arith.index_cast %add3A_871 : i32 to index
        %get3A_873 = arith.constant 48 : index
        %get3A_874 = tpu.vector_load %arg12[%get3A_872, %get3A_873] {strides = array<i32>} : memref<128x128xf32, #tpu.memory_space<vmem>>, vector<16xf32>,
        %mul3A_875 = arith.mulf %mul3A_869, %get3A_874 : vector<16xf32>
        %swap3A_876 = arith.index_cast %add3A_823 : i32 to index
        %swap3A_877 = arith.constant 48 : index
        %swap3A_878 = tpu.vector_load %arg12[%swap3A_876, %swap3A_877] {strides = array<i32>} : memref<128x128xf32, #tpu.memory_space<vmem>>, vector<16xf32>,
        tpu.vector_store %arg12[%swap3A_876, %swap3A_877], %mul3A_875 {strides = array<i32>} : memref<128x128xf32, #tpu.memory_space<vmem>>, vector<16xf32>,
        %get3A_879 = arith.index_cast %add3A_823 : i32 to index
        %get3A_880 = arith.constant 64 : index
        %get3A_881 = tpu.vector_load %arg12[%get3A_879, %get3A_880] {strides = array<i32>} : memref<128x128xf32, #tpu.memory_space<vmem>>, vector<16xf32>,
        %mul3A_882 = arith.mulf %gather3A_826, %get3A_881 : vector<16xf32>
        %add3A_883 = arith.constant 64 : i32
        %add3A_884 = arith.addi %add3A_883, %add3A_823 : i32
        %get3A_885 = arith.index_cast %add3A_884 : i32 to index
        %get3A_886 = arith.constant 64 : index
        %get3A_887 = tpu.vector_load %arg12[%get3A_885, %get3A_886] {strides = array<i32>} : memref<128x128xf32, #tpu.memory_space<vmem>>, vector<16xf32>,
        %mul3A_888 = arith.mulf %mul3A_882, %get3A_887 : vector<16xf32>
        %swap3A_889 = arith.index_cast %add3A_823 : i32 to index
        %swap3A_890 = arith.constant 64 : index
        %swap3A_891 = tpu.vector_load %arg12[%swap3A_889, %swap3A_890] {strides = array<i32>} : memref<128x128xf32, #tpu.memory_space<vmem>>, vector<16xf32>,
        tpu.vector_store %arg12[%swap3A_889, %swap3A_890], %mul3A_888 {strides = array<i32>} : memref<128x128xf32, #tpu.memory_space<vmem>>, vector<16xf32>,
        %get3A_892 = arith.index_cast %add3A_823 : i32 to index
        %get3A_893 = arith.constant 80 : index
        %get3A_894 = tpu.vector_load %arg12[%get3A_892, %get3A_893] {strides = array<i32>} : memref<128x128xf32, #tpu.memory_space<vmem>>, vector<16xf32>,
        %mul3A_895 = arith.mulf %gather3A_826, %get3A_894 : vector<16xf32>
        %add3A_896 = arith.constant 64 : i32
        %add3A_897 = arith.addi %add3A_896, %add3A_823 : i32
        %get3A_898 = arith.index_cast %add3A_897 : i32 to index
        %get3A_899 = arith.constant 80 : index
        %get3A_900 = tpu.vector_load %arg12[%get3A_898, %get3A_899] {strides = array<i32>} : memref<128x128xf32, #tpu.memory_space<vmem>>, vector<16xf32>,
        %mul3A_901 = arith.mulf %mul3A_895, %get3A_900 : vector<16xf32>
        %swap3A_902 = arith.index_cast %add3A_823 : i32 to index
        %swap3A_903 = arith.constant 80 : index
        %swap3A_904 = tpu.vector_load %arg12[%swap3A_902, %swap3A_903] {strides = array<i32>} : memref<128x128xf32, #tpu.memory_space<vmem>>, vector<16xf32>,
        tpu.vector_store %arg12[%swap3A_902, %swap3A_903], %mul3A_901 {strides = array<i32>} : memref<128x128xf32, #tpu.memory_space<vmem>>, vector<16xf32>,
        %get3A_905 = arith.index_cast %add3A_823 : i32 to index
        %get3A_906 = arith.constant 96 : index
        %get3A_907 = tpu.vector_load %arg12[%get3A_905, %get3A_906] {strides = array<i32>} : memref<128x128xf32, #tpu.memory_space<vmem>>, vector<16xf32>,
        %mul3A_908 = arith.mulf %gather3A_826, %get3A_907 : vector<16xf32>
        %add3A_909 = arith.constant 64 : i32
        %add3A_910 = arith.addi %add3A_909, %add3A_823 : i32
        %get3A_911 = arith.index_cast %add3A_910 : i32 to index
        %get3A_912 = arith.constant 96 : index
        %get3A_913 = tpu.vector_load %arg12[%get3A_911, %get3A_912] {strides = array<i32>} : memref<128x128xf32, #tpu.memory_space<vmem>>, vector<16xf32>,
        %mul3A_914 = arith.mulf %mul3A_908, %get3A_913 : vector<16xf32>
        %swap3A_915 = arith.index_cast %add3A_823 : i32 to index
        %swap3A_916 = arith.constant 96 : index
        %swap3A_917 = tpu.vector_load %arg12[%swap3A_915, %swap3A_916] {strides = array<i32>} : memref<128x128xf32, #tpu.memory_space<vmem>>, vector<16xf32>,
        tpu.vector_store %arg12[%swap3A_915, %swap3A_916], %mul3A_914 {strides = array<i32>} : memref<128x128xf32, #tpu.memory_space<vmem>>, vector<16xf32>,
        %get3A_918 = arith.index_cast %add3A_823 : i32 to index
        %get3A_919 = arith.constant 112 : index
        %get3A_920 = tpu.vector_load %arg12[%get3A_918, %get3A_919] {strides = array<i32>} : memref<128x128xf32, #tpu.memory_space<vmem>>, vector<16xf32>,
        %mul3A_921 = arith.mulf %gather3A_826, %get3A_920 : vector<16xf32>
        %add3A_922 = arith.constant 64 : i32
        %add3A_923 = arith.addi %add3A_922, %add3A_823 : i32
        %get3A_924 = arith.index_cast %add3A_923 : i32 to index
        %get3A_925 = arith.constant 112 : index
        %get3A_926 = tpu.vector_load %arg12[%get3A_924, %get3A_925] {strides = array<i32>} : memref<128x128xf32, #tpu.memory_space<vmem>>, vector<16xf32>,
        %mul3A_927 = arith.mulf %mul3A_921, %get3A_926 : vector<16xf32>
        %swap3A_928 = arith.index_cast %add3A_823 : i32 to index
        %swap3A_929 = arith.constant 112 : index
        %swap3A_930 = tpu.vector_load %arg12[%swap3A_928, %swap3A_929] {strides = array<i32>} : memref<128x128xf32, #tpu.memory_space<vmem>>, vector<16xf32>,
        tpu.vector_store %arg12[%swap3A_928, %swap3A_929], %mul3A_927 {strides = array<i32>} : memref<128x128xf32, #tpu.memory_space<vmem>>, vector<16xf32>,
        %mul3A_931 = arith.constant 16 : i32
        %mul3A_932 = arith.muli %add3A_242, %mul3A_931 : i32
        %add3A_933 = arith.constant 6 : i32
        %add3A_934 = arith.addi %mul3A_932, %add3A_933 : i32
        %broadcast_in_dim3A_935 = arith.constant 6 : i32
        %broadcast_in_dim3A_936 = vector.broadcast %broadcast_in_dim3A_935 : i32 to vector<16xi32>
        %gather3A_937 = tpu.vector_load_idx %arg8[%broadcast_in_dim3A_936] : memref<16xf32, #tpu.memory_space<vmem>>[vector<16xi32>], vector<16xf32>,
        %get3A_938 = arith.index_cast %add3A_934 : i32 to index
        %get3A_939 = arith.constant 0 : index
        %get3A_940 = tpu.vector_load %arg12[%get3A_938, %get3A_939] {strides = array<i32>} : memref<128x128xf32, #tpu.memory_space<vmem>>, vector<16xf32>,
        %mul3A_941 = arith.mulf %gather3A_937, %get3A_940 : vector<16xf32>
        %add3A_942 = arith.constant 64 : i32
        %add3A_943 = arith.addi %add3A_942, %add3A_934 : i32
        %get3A_944 = arith.index_cast %add3A_943 : i32 to index
        %get3A_945 = arith.constant 0 : index
        %get3A_946 = tpu.vector_load %arg12[%get3A_944, %get3A_945] {strides = array<i32>} : memref<128x128xf32, #tpu.memory_space<vmem>>, vector<16xf32>,
        %mul3A_947 = arith.mulf %mul3A_941, %get3A_946 : vector<16xf32>
        %swap3A_948 = arith.index_cast %add3A_934 : i32 to index
        %swap3A_949 = arith.constant 0 : index
        %swap3A_950 = tpu.vector_load %arg12[%swap3A_948, %swap3A_949] {strides = array<i32>} : memref<128x128xf32, #tpu.memory_space<vmem>>, vector<16xf32>,
        tpu.vector_store %arg12[%swap3A_948, %swap3A_949], %mul3A_947 {strides = array<i32>} : memref<128x128xf32, #tpu.memory_space<vmem>>, vector<16xf32>,
        %get3A_951 = arith.index_cast %add3A_934 : i32 to index
        %get3A_952 = arith.constant 16 : index
        %get3A_953 = tpu.vector_load %arg12[%get3A_951, %get3A_952] {strides = array<i32>} : memref<128x128xf32, #tpu.memory_space<vmem>>, vector<16xf32>,
        %mul3A_954 = arith.mulf %gather3A_937, %get3A_953 : vector<16xf32>
        %add3A_955 = arith.constant 64 : i32
        %add3A_956 = arith.addi %add3A_955, %add3A_934 : i32
        %get3A_957 = arith.index_cast %add3A_956 : i32 to index
        %get3A_958 = arith.constant 16 : index
        %get3A_959 = tpu.vector_load %arg12[%get3A_957, %get3A_958] {strides = array<i32>} : memref<128x128xf32, #tpu.memory_space<vmem>>, vector<16xf32>,
        %mul3A_960 = arith.mulf %mul3A_954, %get3A_959 : vector<16xf32>
        %swap3A_961 = arith.index_cast %add3A_934 : i32 to index
        %swap3A_962 = arith.constant 16 : index
        %swap3A_963 = tpu.vector_load %arg12[%swap3A_961, %swap3A_962] {strides = array<i32>} : memref<128x128xf32, #tpu.memory_space<vmem>>, vector<16xf32>,
        tpu.vector_store %arg12[%swap3A_961, %swap3A_962], %mul3A_960 {strides = array<i32>} : memref<128x128xf32, #tpu.memory_space<vmem>>, vector<16xf32>,
        %get3A_964 = arith.index_cast %add3A_934 : i32 to index
        %get3A_965 = arith.constant 32 : index
        %get3A_966 = tpu.vector_load %arg12[%get3A_964, %get3A_965] {strides = array<i32>} : memref<128x128xf32, #tpu.memory_space<vmem>>, vector<16xf32>,
        %mul3A_967 = arith.mulf %gather3A_937, %get3A_966 : vector<16xf32>
        %add3A_968 = arith.constant 64 : i32
        %add3A_969 = arith.addi %add3A_968, %add3A_934 : i32
        %get3A_970 = arith.index_cast %add3A_969 : i32 to index
        %get3A_971 = arith.constant 32 : index
        %get3A_972 = tpu.vector_load %arg12[%get3A_970, %get3A_971] {strides = array<i32>} : memref<128x128xf32, #tpu.memory_space<vmem>>, vector<16xf32>,
        %mul3A_973 = arith.mulf %mul3A_967, %get3A_972 : vector<16xf32>
        %swap3A_974 = arith.index_cast %add3A_934 : i32 to index
        %swap3A_975 = arith.constant 32 : index
        %swap3A_976 = tpu.vector_load %arg12[%swap3A_974, %swap3A_975] {strides = array<i32>} : memref<128x128xf32, #tpu.memory_space<vmem>>, vector<16xf32>,
        tpu.vector_store %arg12[%swap3A_974, %swap3A_975], %mul3A_973 {strides = array<i32>} : memref<128x128xf32, #tpu.memory_space<vmem>>, vector<16xf32>,
        %get3A_977 = arith.index_cast %add3A_934 : i32 to index
        %get3A_978 = arith.constant 48 : index
        %get3A_979 = tpu.vector_load %arg12[%get3A_977, %get3A_978] {strides = array<i32>} : memref<128x128xf32, #tpu.memory_space<vmem>>, vector<16xf32>,
        %mul3A_980 = arith.mulf %gather3A_937, %get3A_979 : vector<16xf32>
        %add3A_981 = arith.constant 64 : i32
        %add3A_982 = arith.addi %add3A_981, %add3A_934 : i32
        %get3A_983 = arith.index_cast %add3A_982 : i32 to index
        %get3A_984 = arith.constant 48 : index
        %get3A_985 = tpu.vector_load %arg12[%get3A_983, %get3A_984] {strides = array<i32>} : memref<128x128xf32, #tpu.memory_space<vmem>>, vector<16xf32>,
        %mul3A_986 = arith.mulf %mul3A_980, %get3A_985 : vector<16xf32>
        %swap3A_987 = arith.index_cast %add3A_934 : i32 to index
        %swap3A_988 = arith.constant 48 : index
        %swap3A_989 = tpu.vector_load %arg12[%swap3A_987, %swap3A_988] {strides = array<i32>} : memref<128x128xf32, #tpu.memory_space<vmem>>, vector<16xf32>,
        tpu.vector_store %arg12[%swap3A_987, %swap3A_988], %mul3A_986 {strides = array<i32>} : memref<128x128xf32, #tpu.memory_space<vmem>>, vector<16xf32>,
        %get3A_990 = arith.index_cast %add3A_934 : i32 to index
        %get3A_991 = arith.constant 64 : index
        %get3A_992 = tpu.vector_load %arg12[%get3A_990, %get3A_991] {strides = array<i32>} : memref<128x128xf32, #tpu.memory_space<vmem>>, vector<16xf32>,
        %mul3A_993 = arith.mulf %gather3A_937, %get3A_992 : vector<16xf32>
        %add3A_994 = arith.constant 64 : i32
        %add3A_995 = arith.addi %add3A_994, %add3A_934 : i32
        %get3A_996 = arith.index_cast %add3A_995 : i32 to index
        %get3A_997 = arith.constant 64 : index
        %get3A_998 = tpu.vector_load %arg12[%get3A_996, %get3A_997] {strides = array<i32>} : memref<128x128xf32, #tpu.memory_space<vmem>>, vector<16xf32>,
        %mul3A_999 = arith.mulf %mul3A_993, %get3A_998 : vector<16xf32>
        %swap3A_1000 = arith.index_cast %add3A_934 : i32 to index
        %swap3A_1001 = arith.constant 64 : index
        %swap3A_1002 = tpu.vector_load %arg12[%swap3A_1000, %swap3A_1001] {strides = array<i32>} : memref<128x128xf32, #tpu.memory_space<vmem>>, vector<16xf32>,
        tpu.vector_store %arg12[%swap3A_1000, %swap3A_1001], %mul3A_999 {strides = array<i32>} : memref<128x128xf32, #tpu.memory_space<vmem>>, vector<16xf32>,
        %get3A_1003 = arith.index_cast %add3A_934 : i32 to index
        %get3A_1004 = arith.constant 80 : index
        %get3A_1005 = tpu.vector_load %arg12[%get3A_1003, %get3A_1004] {strides = array<i32>} : memref<128x128xf32, #tpu.memory_space<vmem>>, vector<16xf32>,
        %mul3A_1006 = arith.mulf %gather3A_937, %get3A_1005 : vector<16xf32>
        %add3A_1007 = arith.constant 64 : i32
        %add3A_1008 = arith.addi %add3A_1007, %add3A_934 : i32
        %get3A_1009 = arith.index_cast %add3A_1008 : i32 to index
        %get3A_1010 = arith.constant 80 : index
        %get3A_1011 = tpu.vector_load %arg12[%get3A_1009, %get3A_1010] {strides = array<i32>} : memref<128x128xf32, #tpu.memory_space<vmem>>, vector<16xf32>,
        %mul3A_1012 = arith.mulf %mul3A_1006, %get3A_1011 : vector<16xf32>
        %swap3A_1013 = arith.index_cast %add3A_934 : i32 to index
        %swap3A_1014 = arith.constant 80 : index
        %swap3A_1015 = tpu.vector_load %arg12[%swap3A_1013, %swap3A_1014] {strides = array<i32>} : memref<128x128xf32, #tpu.memory_space<vmem>>, vector<16xf32>,
        tpu.vector_store %arg12[%swap3A_1013, %swap3A_1014], %mul3A_1012 {strides = array<i32>} : memref<128x128xf32, #tpu.memory_space<vmem>>, vector<16xf32>,
        %get3A_1016 = arith.index_cast %add3A_934 : i32 to index
        %get3A_1017 = arith.constant 96 : index
        %get3A_1018 = tpu.vector_load %arg12[%get3A_1016, %get3A_1017] {strides = array<i32>} : memref<128x128xf32, #tpu.memory_space<vmem>>, vector<16xf32>,
        %mul3A_1019 = arith.mulf %gather3A_937, %get3A_1018 : vector<16xf32>
        %add3A_1020 = arith.constant 64 : i32
        %add3A_1021 = arith.addi %add3A_1020, %add3A_934 : i32
        %get3A_1022 = arith.index_cast %add3A_1021 : i32 to index
        %get3A_1023 = arith.constant 96 : index
        %get3A_1024 = tpu.vector_load %arg12[%get3A_1022, %get3A_1023] {strides = array<i32>} : memref<128x128xf32, #tpu.memory_space<vmem>>, vector<16xf32>,
        %mul3A_1025 = arith.mulf %mul3A_1019, %get3A_1024 : vector<16xf32>
        %swap3A_1026 = arith.index_cast %add3A_934 : i32 to index
        %swap3A_1027 = arith.constant 96 : index
        %swap3A_1028 = tpu.vector_load %arg12[%swap3A_1026, %swap3A_1027] {strides = array<i32>} : memref<128x128xf32, #tpu.memory_space<vmem>>, vector<16xf32>,
        tpu.vector_store %arg12[%swap3A_1026, %swap3A_1027], %mul3A_1025 {strides = array<i32>} : memref<128x128xf32, #tpu.memory_space<vmem>>, vector<16xf32>,
        %get3A_1029 = arith.index_cast %add3A_934 : i32 to index
        %get3A_1030 = arith.constant 112 : index
        %get3A_1031 = tpu.vector_load %arg12[%get3A_1029, %get3A_1030] {strides = array<i32>} : memref<128x128xf32, #tpu.memory_space<vmem>>, vector<16xf32>,
        %mul3A_1032 = arith.mulf %gather3A_937, %get3A_1031 : vector<16xf32>
        %add3A_1033 = arith.constant 64 : i32
        %add3A_1034 = arith.addi %add3A_1033, %add3A_934 : i32
        %get3A_1035 = arith.index_cast %add3A_1034 : i32 to index
        %get3A_1036 = arith.constant 112 : index
        %get3A_1037 = tpu.vector_load %arg12[%get3A_1035, %get3A_1036] {strides = array<i32>} : memref<128x128xf32, #tpu.memory_space<vmem>>, vector<16xf32>,
        %mul3A_1038 = arith.mulf %mul3A_1032, %get3A_1037 : vector<16xf32>
        %swap3A_1039 = arith.index_cast %add3A_934 : i32 to index
        %swap3A_1040 = arith.constant 112 : index
        %swap3A_1041 = tpu.vector_load %arg12[%swap3A_1039, %swap3A_1040] {strides = array<i32>} : memref<128x128xf32, #tpu.memory_space<vmem>>, vector<16xf32>,
        tpu.vector_store %arg12[%swap3A_1039, %swap3A_1040], %mul3A_1038 {strides = array<i32>} : memref<128x128xf32, #tpu.memory_space<vmem>>, vector<16xf32>,
        %mul3A_1042 = arith.constant 16 : i32
        %mul3A_1043 = arith.muli %add3A_242, %mul3A_1042 : i32
        %add3A_1044 = arith.constant 7 : i32
        %add3A_1045 = arith.addi %mul3A_1043, %add3A_1044 : i32
        %broadcast_in_dim3A_1046 = arith.constant 7 : i32
        %broadcast_in_dim3A_1047 = vector.broadcast %broadcast_in_dim3A_1046 : i32 to vector<16xi32>
        %gather3A_1048 = tpu.vector_load_idx %arg8[%broadcast_in_dim3A_1047] : memref<16xf32, #tpu.memory_space<vmem>>[vector<16xi32>], vector<16xf32>,
        %get3A_1049 = arith.index_cast %add3A_1045 : i32 to index
        %get3A_1050 = arith.constant 0 : index
        %get3A_1051 = tpu.vector_load %arg12[%get3A_1049, %get3A_1050] {strides = array<i32>} : memref<128x128xf32, #tpu.memory_space<vmem>>, vector<16xf32>,
        %mul3A_1052 = arith.mulf %gather3A_1048, %get3A_1051 : vector<16xf32>
        %add3A_1053 = arith.constant 64 : i32
        %add3A_1054 = arith.addi %add3A_1053, %add3A_1045 : i32
        %get3A_1055 = arith.index_cast %add3A_1054 : i32 to index
        %get3A_1056 = arith.constant 0 : index
        %get3A_1057 = tpu.vector_load %arg12[%get3A_1055, %get3A_1056] {strides = array<i32>} : memref<128x128xf32, #tpu.memory_space<vmem>>, vector<16xf32>,
        %mul3A_1058 = arith.mulf %mul3A_1052, %get3A_1057 : vector<16xf32>
        %swap3A_1059 = arith.index_cast %add3A_1045 : i32 to index
        %swap3A_1060 = arith.constant 0 : index
        %swap3A_1061 = tpu.vector_load %arg12[%swap3A_1059, %swap3A_1060] {strides = array<i32>} : memref<128x128xf32, #tpu.memory_space<vmem>>, vector<16xf32>,
        tpu.vector_store %arg12[%swap3A_1059, %swap3A_1060], %mul3A_1058 {strides = array<i32>} : memref<128x128xf32, #tpu.memory_space<vmem>>, vector<16xf32>,
        %get3A_1062 = arith.index_cast %add3A_1045 : i32 to index
        %get3A_1063 = arith.constant 16 : index
        %get3A_1064 = tpu.vector_load %arg12[%get3A_1062, %get3A_1063] {strides = array<i32>} : memref<128x128xf32, #tpu.memory_space<vmem>>, vector<16xf32>,
        %mul3A_1065 = arith.mulf %gather3A_1048, %get3A_1064 : vector<16xf32>
        %add3A_1066 = arith.constant 64 : i32
        %add3A_1067 = arith.addi %add3A_1066, %add3A_1045 : i32
        %get3A_1068 = arith.index_cast %add3A_1067 : i32 to index
        %get3A_1069 = arith.constant 16 : index
        %get3A_1070 = tpu.vector_load %arg12[%get3A_1068, %get3A_1069] {strides = array<i32>} : memref<128x128xf32, #tpu.memory_space<vmem>>, vector<16xf32>,
        %mul3A_1071 = arith.mulf %mul3A_1065, %get3A_1070 : vector<16xf32>
        %swap3A_1072 = arith.index_cast %add3A_1045 : i32 to index
        %swap3A_1073 = arith.constant 16 : index
        %swap3A_1074 = tpu.vector_load %arg12[%swap3A_1072, %swap3A_1073] {strides = array<i32>} : memref<128x128xf32, #tpu.memory_space<vmem>>, vector<16xf32>,
        tpu.vector_store %arg12[%swap3A_1072, %swap3A_1073], %mul3A_1071 {strides = array<i32>} : memref<128x128xf32, #tpu.memory_space<vmem>>, vector<16xf32>,
        %get3A_1075 = arith.index_cast %add3A_1045 : i32 to index
        %get3A_1076 = arith.constant 32 : index
        %get3A_1077 = tpu.vector_load %arg12[%get3A_1075, %get3A_1076] {strides = array<i32>} : memref<128x128xf32, #tpu.memory_space<vmem>>, vector<16xf32>,
        %mul3A_1078 = arith.mulf %gather3A_1048, %get3A_1077 : vector<16xf32>
        %add3A_1079 = arith.constant 64 : i32
        %add3A_1080 = arith.addi %add3A_1079, %add3A_1045 : i32
        %get3A_1081 = arith.index_cast %add3A_1080 : i32 to index
        %get3A_1082 = arith.constant 32 : index
        %get3A_1083 = tpu.vector_load %arg12[%get3A_1081, %get3A_1082] {strides = array<i32>} : memref<128x128xf32, #tpu.memory_space<vmem>>, vector<16xf32>,
        %mul3A_1084 = arith.mulf %mul3A_1078, %get3A_1083 : vector<16xf32>
        %swap3A_1085 = arith.index_cast %add3A_1045 : i32 to index
        %swap3A_1086 = arith.constant 32 : index
        %swap3A_1087 = tpu.vector_load %arg12[%swap3A_1085, %swap3A_1086] {strides = array<i32>} : memref<128x128xf32, #tpu.memory_space<vmem>>, vector<16xf32>,
        tpu.vector_store %arg12[%swap3A_1085, %swap3A_1086], %mul3A_1084 {strides = array<i32>} : memref<128x128xf32, #tpu.memory_space<vmem>>, vector<16xf32>,
        %get3A_1088 = arith.index_cast %add3A_1045 : i32 to index
        %get3A_1089 = arith.constant 48 : index
        %get3A_1090 = tpu.vector_load %arg12[%get3A_1088, %get3A_1089] {strides = array<i32>} : memref<128x128xf32, #tpu.memory_space<vmem>>, vector<16xf32>,
        %mul3A_1091 = arith.mulf %gather3A_1048, %get3A_1090 : vector<16xf32>
        %add3A_1092 = arith.constant 64 : i32
        %add3A_1093 = arith.addi %add3A_1092, %add3A_1045 : i32
        %get3A_1094 = arith.index_cast %add3A_1093 : i32 to index
        %get3A_1095 = arith.constant 48 : index
        %get3A_1096 = tpu.vector_load %arg12[%get3A_1094, %get3A_1095] {strides = array<i32>} : memref<128x128xf32, #tpu.memory_space<vmem>>, vector<16xf32>,
        %mul3A_1097 = arith.mulf %mul3A_1091, %get3A_1096 : vector<16xf32>
        %swap3A_1098 = arith.index_cast %add3A_1045 : i32 to index
        %swap3A_1099 = arith.constant 48 : index
        %swap3A_1100 = tpu.vector_load %arg12[%swap3A_1098, %swap3A_1099] {strides = array<i32>} : memref<128x128xf32, #tpu.memory_space<vmem>>, vector<16xf32>,
        tpu.vector_store %arg12[%swap3A_1098, %swap3A_1099], %mul3A_1097 {strides = array<i32>} : memref<128x128xf32, #tpu.memory_space<vmem>>, vector<16xf32>,
        %get3A_1101 = arith.index_cast %add3A_1045 : i32 to index
        %get3A_1102 = arith.constant 64 : index
        %get3A_1103 = tpu.vector_load %arg12[%get3A_1101, %get3A_1102] {strides = array<i32>} : memref<128x128xf32, #tpu.memory_space<vmem>>, vector<16xf32>,
        %mul3A_1104 = arith.mulf %gather3A_1048, %get3A_1103 : vector<16xf32>
        %add3A_1105 = arith.constant 64 : i32
        %add3A_1106 = arith.addi %add3A_1105, %add3A_1045 : i32
        %get3A_1107 = arith.index_cast %add3A_1106 : i32 to index
        %get3A_1108 = arith.constant 64 : index
        %get3A_1109 = tpu.vector_load %arg12[%get3A_1107, %get3A_1108] {strides = array<i32>} : memref<128x128xf32, #tpu.memory_space<vmem>>, vector<16xf32>,
        %mul3A_1110 = arith.mulf %mul3A_1104, %get3A_1109 : vector<16xf32>
        %swap3A_1111 = arith.index_cast %add3A_1045 : i32 to index
        %swap3A_1112 = arith.constant 64 : index
        %swap3A_1113 = tpu.vector_load %arg12[%swap3A_1111, %swap3A_1112] {strides = array<i32>} : memref<128x128xf32, #tpu.memory_space<vmem>>, vector<16xf32>,
        tpu.vector_store %arg12[%swap3A_1111, %swap3A_1112], %mul3A_1110 {strides = array<i32>} : memref<128x128xf32, #tpu.memory_space<vmem>>, vector<16xf32>,
        %get3A_1114 = arith.index_cast %add3A_1045 : i32 to index
        %get3A_1115 = arith.constant 80 : index
        %get3A_1116 = tpu.vector_load %arg12[%get3A_1114, %get3A_1115] {strides = array<i32>} : memref<128x128xf32, #tpu.memory_space<vmem>>, vector<16xf32>,
        %mul3A_1117 = arith.mulf %gather3A_1048, %get3A_1116 : vector<16xf32>
        %add3A_1118 = arith.constant 64 : i32
        %add3A_1119 = arith.addi %add3A_1118, %add3A_1045 : i32
        %get3A_1120 = arith.index_cast %add3A_1119 : i32 to index
        %get3A_1121 = arith.constant 80 : index
        %get3A_1122 = tpu.vector_load %arg12[%get3A_1120, %get3A_1121] {strides = array<i32>} : memref<128x128xf32, #tpu.memory_space<vmem>>, vector<16xf32>,
        %mul3A_1123 = arith.mulf %mul3A_1117, %get3A_1122 : vector<16xf32>
        %swap3A_1124 = arith.index_cast %add3A_1045 : i32 to index
        %swap3A_1125 = arith.constant 80 : index
        %swap3A_1126 = tpu.vector_load %arg12[%swap3A_1124, %swap3A_1125] {strides = array<i32>} : memref<128x128xf32, #tpu.memory_space<vmem>>, vector<16xf32>,
        tpu.vector_store %arg12[%swap3A_1124, %swap3A_1125], %mul3A_1123 {strides = array<i32>} : memref<128x128xf32, #tpu.memory_space<vmem>>, vector<16xf32>,
        %get3A_1127 = arith.index_cast %add3A_1045 : i32 to index
        %get3A_1128 = arith.constant 96 : index
        %get3A_1129 = tpu.vector_load %arg12[%get3A_1127, %get3A_1128] {strides = array<i32>} : memref<128x128xf32, #tpu.memory_space<vmem>>, vector<16xf32>,
        %mul3A_1130 = arith.mulf %gather3A_1048, %get3A_1129 : vector<16xf32>
        %add3A_1131 = arith.constant 64 : i32
        %add3A_1132 = arith.addi %add3A_1131, %add3A_1045 : i32
        %get3A_1133 = arith.index_cast %add3A_1132 : i32 to index
        %get3A_1134 = arith.constant 96 : index
        %get3A_1135 = tpu.vector_load %arg12[%get3A_1133, %get3A_1134] {strides = array<i32>} : memref<128x128xf32, #tpu.memory_space<vmem>>, vector<16xf32>,
        %mul3A_1136 = arith.mulf %mul3A_1130, %get3A_1135 : vector<16xf32>
        %swap3A_1137 = arith.index_cast %add3A_1045 : i32 to index
        %swap3A_1138 = arith.constant 96 : index
        %swap3A_1139 = tpu.vector_load %arg12[%swap3A_1137, %swap3A_1138] {strides = array<i32>} : memref<128x128xf32, #tpu.memory_space<vmem>>, vector<16xf32>,
        tpu.vector_store %arg12[%swap3A_1137, %swap3A_1138], %mul3A_1136 {strides = array<i32>} : memref<128x128xf32, #tpu.memory_space<vmem>>, vector<16xf32>,
        %get3A_1140 = arith.index_cast %add3A_1045 : i32 to index
        %get3A_1141 = arith.constant 112 : index
        %get3A_1142 = tpu.vector_load %arg12[%get3A_1140, %get3A_1141] {strides = array<i32>} : memref<128x128xf32, #tpu.memory_space<vmem>>, vector<16xf32>,
        %mul3A_1143 = arith.mulf %gather3A_1048, %get3A_1142 : vector<16xf32>
        %add3A_1144 = arith.constant 64 : i32
        %add3A_1145 = arith.addi %add3A_1144, %add3A_1045 : i32
        %get3A_1146 = arith.index_cast %add3A_1145 : i32 to index
        %get3A_1147 = arith.constant 112 : index
        %get3A_1148 = tpu.vector_load %arg12[%get3A_1146, %get3A_1147] {strides = array<i32>} : memref<128x128xf32, #tpu.memory_space<vmem>>, vector<16xf32>,
        %mul3A_1149 = arith.mulf %mul3A_1143, %get3A_1148 : vector<16xf32>
        %swap3A_1150 = arith.index_cast %add3A_1045 : i32 to index
        %swap3A_1151 = arith.constant 112 : index
        %swap3A_1152 = tpu.vector_load %arg12[%swap3A_1150, %swap3A_1151] {strides = array<i32>} : memref<128x128xf32, #tpu.memory_space<vmem>>, vector<16xf32>,
        tpu.vector_store %arg12[%swap3A_1150, %swap3A_1151], %mul3A_1149 {strides = array<i32>} : memref<128x128xf32, #tpu.memory_space<vmem>>, vector<16xf32>,
        %mul3A_1153 = arith.constant 16 : i32
        %mul3A_1154 = arith.muli %add3A_242, %mul3A_1153 : i32
        %add3A_1155 = arith.constant 8 : i32
        %add3A_1156 = arith.addi %mul3A_1154, %add3A_1155 : i32
        %broadcast_in_dim3A_1157 = arith.constant 8 : i32
        %broadcast_in_dim3A_1158 = vector.broadcast %broadcast_in_dim3A_1157 : i32 to vector<16xi32>
        %gather3A_1159 = tpu.vector_load_idx %arg8[%broadcast_in_dim3A_1158] : memref<16xf32, #tpu.memory_space<vmem>>[vector<16xi32>], vector<16xf32>,
        %get3A_1160 = arith.index_cast %add3A_1156 : i32 to index
        %get3A_1161 = arith.constant 0 : index
        %get3A_1162 = tpu.vector_load %arg12[%get3A_1160, %get3A_1161] {strides = array<i32>} : memref<128x128xf32, #tpu.memory_space<vmem>>, vector<16xf32>,
        %mul3A_1163 = arith.mulf %gather3A_1159, %get3A_1162 : vector<16xf32>
        %add3A_1164 = arith.constant 64 : i32
        %add3A_1165 = arith.addi %add3A_1164, %add3A_1156 : i32
        %get3A_1166 = arith.index_cast %add3A_1165 : i32 to index
        %get3A_1167 = arith.constant 0 : index
        %get3A_1168 = tpu.vector_load %arg12[%get3A_1166, %get3A_1167] {strides = array<i32>} : memref<128x128xf32, #tpu.memory_space<vmem>>, vector<16xf32>,
        %mul3A_1169 = arith.mulf %mul3A_1163, %get3A_1168 : vector<16xf32>
        %swap3A_1170 = arith.index_cast %add3A_1156 : i32 to index
        %swap3A_1171 = arith.constant 0 : index
        %swap3A_1172 = tpu.vector_load %arg12[%swap3A_1170, %swap3A_1171] {strides = array<i32>} : memref<128x128xf32, #tpu.memory_space<vmem>>, vector<16xf32>,
        tpu.vector_store %arg12[%swap3A_1170, %swap3A_1171], %mul3A_1169 {strides = array<i32>} : memref<128x128xf32, #tpu.memory_space<vmem>>, vector<16xf32>,
        %get3A_1173 = arith.index_cast %add3A_1156 : i32 to index
        %get3A_1174 = arith.constant 16 : index
        %get3A_1175 = tpu.vector_load %arg12[%get3A_1173, %get3A_1174] {strides = array<i32>} : memref<128x128xf32, #tpu.memory_space<vmem>>, vector<16xf32>,
        %mul3A_1176 = arith.mulf %gather3A_1159, %get3A_1175 : vector<16xf32>
        %add3A_1177 = arith.constant 64 : i32
        %add3A_1178 = arith.addi %add3A_1177, %add3A_1156 : i32
        %get3A_1179 = arith.index_cast %add3A_1178 : i32 to index
        %get3A_1180 = arith.constant 16 : index
        %get3A_1181 = tpu.vector_load %arg12[%get3A_1179, %get3A_1180] {strides = array<i32>} : memref<128x128xf32, #tpu.memory_space<vmem>>, vector<16xf32>,
        %mul3A_1182 = arith.mulf %mul3A_1176, %get3A_1181 : vector<16xf32>
        %swap3A_1183 = arith.index_cast %add3A_1156 : i32 to index
        %swap3A_1184 = arith.constant 16 : index
        %swap3A_1185 = tpu.vector_load %arg12[%swap3A_1183, %swap3A_1184] {strides = array<i32>} : memref<128x128xf32, #tpu.memory_space<vmem>>, vector<16xf32>,
        tpu.vector_store %arg12[%swap3A_1183, %swap3A_1184], %mul3A_1182 {strides = array<i32>} : memref<128x128xf32, #tpu.memory_space<vmem>>, vector<16xf32>,
        %get3A_1186 = arith.index_cast %add3A_1156 : i32 to index
        %get3A_1187 = arith.constant 32 : index
        %get3A_1188 = tpu.vector_load %arg12[%get3A_1186, %get3A_1187] {strides = array<i32>} : memref<128x128xf32, #tpu.memory_space<vmem>>, vector<16xf32>,
        %mul3A_1189 = arith.mulf %gather3A_1159, %get3A_1188 : vector<16xf32>
        %add3A_1190 = arith.constant 64 : i32
        %add3A_1191 = arith.addi %add3A_1190, %add3A_1156 : i32
        %get3A_1192 = arith.index_cast %add3A_1191 : i32 to index
        %get3A_1193 = arith.constant 32 : index
        %get3A_1194 = tpu.vector_load %arg12[%get3A_1192, %get3A_1193] {strides = array<i32>} : memref<128x128xf32, #tpu.memory_space<vmem>>, vector<16xf32>,
        %mul3A_1195 = arith.mulf %mul3A_1189, %get3A_1194 : vector<16xf32>
        %swap3A_1196 = arith.index_cast %add3A_1156 : i32 to index
        %swap3A_1197 = arith.constant 32 : index
        %swap3A_1198 = tpu.vector_load %arg12[%swap3A_1196, %swap3A_1197] {strides = array<i32>} : memref<128x128xf32, #tpu.memory_space<vmem>>, vector<16xf32>,
        tpu.vector_store %arg12[%swap3A_1196, %swap3A_1197], %mul3A_1195 {strides = array<i32>} : memref<128x128xf32, #tpu.memory_space<vmem>>, vector<16xf32>,
        %get3A_1199 = arith.index_cast %add3A_1156 : i32 to index
        %get3A_1200 = arith.constant 48 : index
        %get3A_1201 = tpu.vector_load %arg12[%get3A_1199, %get3A_1200] {strides = array<i32>} : memref<128x128xf32, #tpu.memory_space<vmem>>, vector<16xf32>,
        %mul3A_1202 = arith.mulf %gather3A_1159, %get3A_1201 : vector<16xf32>
        %add3A_1203 = arith.constant 64 : i32
        %add3A_1204 = arith.addi %add3A_1203, %add3A_1156 : i32
        %get3A_1205 = arith.index_cast %add3A_1204 : i32 to index
        %get3A_1206 = arith.constant 48 : index
        %get3A_1207 = tpu.vector_load %arg12[%get3A_1205, %get3A_1206] {strides = array<i32>} : memref<128x128xf32, #tpu.memory_space<vmem>>, vector<16xf32>,
        %mul3A_1208 = arith.mulf %mul3A_1202, %get3A_1207 : vector<16xf32>
        %swap3A_1209 = arith.index_cast %add3A_1156 : i32 to index
        %swap3A_1210 = arith.constant 48 : index
        %swap3A_1211 = tpu.vector_load %arg12[%swap3A_1209, %swap3A_1210] {strides = array<i32>} : memref<128x128xf32, #tpu.memory_space<vmem>>, vector<16xf32>,
        tpu.vector_store %arg12[%swap3A_1209, %swap3A_1210], %mul3A_1208 {strides = array<i32>} : memref<128x128xf32, #tpu.memory_space<vmem>>, vector<16xf32>,
        %get3A_1212 = arith.index_cast %add3A_1156 : i32 to index
        %get3A_1213 = arith.constant 64 : index
        %get3A_1214 = tpu.vector_load %arg12[%get3A_1212, %get3A_1213] {strides = array<i32>} : memref<128x128xf32, #tpu.memory_space<vmem>>, vector<16xf32>,
        %mul3A_1215 = arith.mulf %gather3A_1159, %get3A_1214 : vector<16xf32>
        %add3A_1216 = arith.constant 64 : i32
        %add3A_1217 = arith.addi %add3A_1216, %add3A_1156 : i32
        %get3A_1218 = arith.index_cast %add3A_1217 : i32 to index
        %get3A_1219 = arith.constant 64 : index
        %get3A_1220 = tpu.vector_load %arg12[%get3A_1218, %get3A_1219] {strides = array<i32>} : memref<128x128xf32, #tpu.memory_space<vmem>>, vector<16xf32>,
        %mul3A_1221 = arith.mulf %mul3A_1215, %get3A_1220 : vector<16xf32>
        %swap3A_1222 = arith.index_cast %add3A_1156 : i32 to index
        %swap3A_1223 = arith.constant 64 : index
        %swap3A_1224 = tpu.vector_load %arg12[%swap3A_1222, %swap3A_1223] {strides = array<i32>} : memref<128x128xf32, #tpu.memory_space<vmem>>, vector<16xf32>,
        tpu.vector_store %arg12[%swap3A_1222, %swap3A_1223], %mul3A_1221 {strides = array<i32>} : memref<128x128xf32, #tpu.memory_space<vmem>>, vector<16xf32>,
        %get3A_1225 = arith.index_cast %add3A_1156 : i32 to index
        %get3A_1226 = arith.constant 80 : index
        %get3A_1227 = tpu.vector_load %arg12[%get3A_1225, %get3A_1226] {strides = array<i32>} : memref<128x128xf32, #tpu.memory_space<vmem>>, vector<16xf32>,
        %mul3A_1228 = arith.mulf %gather3A_1159, %get3A_1227 : vector<16xf32>
        %add3A_1229 = arith.constant 64 : i32
        %add3A_1230 = arith.addi %add3A_1229, %add3A_1156 : i32
        %get3A_1231 = arith.index_cast %add3A_1230 : i32 to index
        %get3A_1232 = arith.constant 80 : index
        %get3A_1233 = tpu.vector_load %arg12[%get3A_1231, %get3A_1232] {strides = array<i32>} : memref<128x128xf32, #tpu.memory_space<vmem>>, vector<16xf32>,
        %mul3A_1234 = arith.mulf %mul3A_1228, %get3A_1233 : vector<16xf32>
        %swap3A_1235 = arith.index_cast %add3A_1156 : i32 to index
        %swap3A_1236 = arith.constant 80 : index
        %swap3A_1237 = tpu.vector_load %arg12[%swap3A_1235, %swap3A_1236] {strides = array<i32>} : memref<128x128xf32, #tpu.memory_space<vmem>>, vector<16xf32>,
        tpu.vector_store %arg12[%swap3A_1235, %swap3A_1236], %mul3A_1234 {strides = array<i32>} : memref<128x128xf32, #tpu.memory_space<vmem>>, vector<16xf32>,
        %get3A_1238 = arith.index_cast %add3A_1156 : i32 to index
        %get3A_1239 = arith.constant 96 : index
        %get3A_1240 = tpu.vector_load %arg12[%get3A_1238, %get3A_1239] {strides = array<i32>} : memref<128x128xf32, #tpu.memory_space<vmem>>, vector<16xf32>,
        %mul3A_1241 = arith.mulf %gather3A_1159, %get3A_1240 : vector<16xf32>
        %add3A_1242 = arith.constant 64 : i32
        %add3A_1243 = arith.addi %add3A_1242, %add3A_1156 : i32
        %get3A_1244 = arith.index_cast %add3A_1243 : i32 to index
        %get3A_1245 = arith.constant 96 : index
        %get3A_1246 = tpu.vector_load %arg12[%get3A_1244, %get3A_1245] {strides = array<i32>} : memref<128x128xf32, #tpu.memory_space<vmem>>, vector<16xf32>,
        %mul3A_1247 = arith.mulf %mul3A_1241, %get3A_1246 : vector<16xf32>
        %swap3A_1248 = arith.index_cast %add3A_1156 : i32 to index
        %swap3A_1249 = arith.constant 96 : index
        %swap3A_1250 = tpu.vector_load %arg12[%swap3A_1248, %swap3A_1249] {strides = array<i32>} : memref<128x128xf32, #tpu.memory_space<vmem>>, vector<16xf32>,
        tpu.vector_store %arg12[%swap3A_1248, %swap3A_1249], %mul3A_1247 {strides = array<i32>} : memref<128x128xf32, #tpu.memory_space<vmem>>, vector<16xf32>,
        %get3A_1251 = arith.index_cast %add3A_1156 : i32 to index
        %get3A_1252 = arith.constant 112 : index
        %get3A_1253 = tpu.vector_load %arg12[%get3A_1251, %get3A_1252] {strides = array<i32>} : memref<128x128xf32, #tpu.memory_space<vmem>>, vector<16xf32>,
        %mul3A_1254 = arith.mulf %gather3A_1159, %get3A_1253 : vector<16xf32>
        %add3A_1255 = arith.constant 64 : i32
        %add3A_1256 = arith.addi %add3A_1255, %add3A_1156 : i32
        %get3A_1257 = arith.index_cast %add3A_1256 : i32 to index
        %get3A_1258 = arith.constant 112 : index
        %get3A_1259 = tpu.vector_load %arg12[%get3A_1257, %get3A_1258] {strides = array<i32>} : memref<128x128xf32, #tpu.memory_space<vmem>>, vector<16xf32>,
        %mul3A_1260 = arith.mulf %mul3A_1254, %get3A_1259 : vector<16xf32>
        %swap3A_1261 = arith.index_cast %add3A_1156 : i32 to index
        %swap3A_1262 = arith.constant 112 : index
        %swap3A_1263 = tpu.vector_load %arg12[%swap3A_1261, %swap3A_1262] {strides = array<i32>} : memref<128x128xf32, #tpu.memory_space<vmem>>, vector<16xf32>,
        tpu.vector_store %arg12[%swap3A_1261, %swap3A_1262], %mul3A_1260 {strides = array<i32>} : memref<128x128xf32, #tpu.memory_space<vmem>>, vector<16xf32>,
        %mul3A_1264 = arith.constant 16 : i32
        %mul3A_1265 = arith.muli %add3A_242, %mul3A_1264 : i32
        %add3A_1266 = arith.constant 9 : i32
        %add3A_1267 = arith.addi %mul3A_1265, %add3A_1266 : i32
        %broadcast_in_dim3A_1268 = arith.constant 9 : i32
        %broadcast_in_dim3A_1269 = vector.broadcast %broadcast_in_dim3A_1268 : i32 to vector<16xi32>
        %gather3A_1270 = tpu.vector_load_idx %arg8[%broadcast_in_dim3A_1269] : memref<16xf32, #tpu.memory_space<vmem>>[vector<16xi32>], vector<16xf32>,
        %get3A_1271 = arith.index_cast %add3A_1267 : i32 to index
        %get3A_1272 = arith.constant 0 : index
        %get3A_1273 = tpu.vector_load %arg12[%get3A_1271, %get3A_1272] {strides = array<i32>} : memref<128x128xf32, #tpu.memory_space<vmem>>, vector<16xf32>,
        %mul3A_1274 = arith.mulf %gather3A_1270, %get3A_1273 : vector<16xf32>
        %add3A_1275 = arith.constant 64 : i32
        %add3A_1276 = arith.addi %add3A_1275, %add3A_1267 : i32
        %get3A_1277 = arith.index_cast %add3A_1276 : i32 to index
        %get3A_1278 = arith.constant 0 : index
        %get3A_1279 = tpu.vector_load %arg12[%get3A_1277, %get3A_1278] {strides = array<i32>} : memref<128x128xf32, #tpu.memory_space<vmem>>, vector<16xf32>,
        %mul3A_1280 = arith.mulf %mul3A_1274, %get3A_1279 : vector<16xf32>
        %swap3A_1281 = arith.index_cast %add3A_1267 : i32 to index
        %swap3A_1282 = arith.constant 0 : index
        %swap3A_1283 = tpu.vector_load %arg12[%swap3A_1281, %swap3A_1282] {strides = array<i32>} : memref<128x128xf32, #tpu.memory_space<vmem>>, vector<16xf32>,
        tpu.vector_store %arg12[%swap3A_1281, %swap3A_1282], %mul3A_1280 {strides = array<i32>} : memref<128x128xf32, #tpu.memory_space<vmem>>, vector<16xf32>,
        %get3A_1284 = arith.index_cast %add3A_1267 : i32 to index
        %get3A_1285 = arith.constant 16 : index
        %get3A_1286 = tpu.vector_load %arg12[%get3A_1284, %get3A_1285] {strides = array<i32>} : memref<128x128xf32, #tpu.memory_space<vmem>>, vector<16xf32>,
        %mul3A_1287 = arith.mulf %gather3A_1270, %get3A_1286 : vector<16xf32>
        %add3A_1288 = arith.constant 64 : i32
        %add3A_1289 = arith.addi %add3A_1288, %add3A_1267 : i32
        %get3A_1290 = arith.index_cast %add3A_1289 : i32 to index
        %get3A_1291 = arith.constant 16 : index
        %get3A_1292 = tpu.vector_load %arg12[%get3A_1290, %get3A_1291] {strides = array<i32>} : memref<128x128xf32, #tpu.memory_space<vmem>>, vector<16xf32>,
        %mul3A_1293 = arith.mulf %mul3A_1287, %get3A_1292 : vector<16xf32>
        %swap3A_1294 = arith.index_cast %add3A_1267 : i32 to index
        %swap3A_1295 = arith.constant 16 : index
        %swap3A_1296 = tpu.vector_load %arg12[%swap3A_1294, %swap3A_1295] {strides = array<i32>} : memref<128x128xf32, #tpu.memory_space<vmem>>, vector<16xf32>,
        tpu.vector_store %arg12[%swap3A_1294, %swap3A_1295], %mul3A_1293 {strides = array<i32>} : memref<128x128xf32, #tpu.memory_space<vmem>>, vector<16xf32>,
        %get3A_1297 = arith.index_cast %add3A_1267 : i32 to index
        %get3A_1298 = arith.constant 32 : index
        %get3A_1299 = tpu.vector_load %arg12[%get3A_1297, %get3A_1298] {strides = array<i32>} : memref<128x128xf32, #tpu.memory_space<vmem>>, vector<16xf32>,
        %mul3A_1300 = arith.mulf %gather3A_1270, %get3A_1299 : vector<16xf32>
        %add3A_1301 = arith.constant 64 : i32
        %add3A_1302 = arith.addi %add3A_1301, %add3A_1267 : i32
        %get3A_1303 = arith.index_cast %add3A_1302 : i32 to index
        %get3A_1304 = arith.constant 32 : index
        %get3A_1305 = tpu.vector_load %arg12[%get3A_1303, %get3A_1304] {strides = array<i32>} : memref<128x128xf32, #tpu.memory_space<vmem>>, vector<16xf32>,
        %mul3A_1306 = arith.mulf %mul3A_1300, %get3A_1305 : vector<16xf32>
        %swap3A_1307 = arith.index_cast %add3A_1267 : i32 to index
        %swap3A_1308 = arith.constant 32 : index
        %swap3A_1309 = tpu.vector_load %arg12[%swap3A_1307, %swap3A_1308] {strides = array<i32>} : memref<128x128xf32, #tpu.memory_space<vmem>>, vector<16xf32>,
        tpu.vector_store %arg12[%swap3A_1307, %swap3A_1308], %mul3A_1306 {strides = array<i32>} : memref<128x128xf32, #tpu.memory_space<vmem>>, vector<16xf32>,
        %get3A_1310 = arith.index_cast %add3A_1267 : i32 to index
        %get3A_1311 = arith.constant 48 : index
        %get3A_1312 = tpu.vector_load %arg12[%get3A_1310, %get3A_1311] {strides = array<i32>} : memref<128x128xf32, #tpu.memory_space<vmem>>, vector<16xf32>,
        %mul3A_1313 = arith.mulf %gather3A_1270, %get3A_1312 : vector<16xf32>
        %add3A_1314 = arith.constant 64 : i32
        %add3A_1315 = arith.addi %add3A_1314, %add3A_1267 : i32
        %get3A_1316 = arith.index_cast %add3A_1315 : i32 to index
        %get3A_1317 = arith.constant 48 : index
        %get3A_1318 = tpu.vector_load %arg12[%get3A_1316, %get3A_1317] {strides = array<i32>} : memref<128x128xf32, #tpu.memory_space<vmem>>, vector<16xf32>,
        %mul3A_1319 = arith.mulf %mul3A_1313, %get3A_1318 : vector<16xf32>
        %swap3A_1320 = arith.index_cast %add3A_1267 : i32 to index
        %swap3A_1321 = arith.constant 48 : index
        %swap3A_1322 = tpu.vector_load %arg12[%swap3A_1320, %swap3A_1321] {strides = array<i32>} : memref<128x128xf32, #tpu.memory_space<vmem>>, vector<16xf32>,
        tpu.vector_store %arg12[%swap3A_1320, %swap3A_1321], %mul3A_1319 {strides = array<i32>} : memref<128x128xf32, #tpu.memory_space<vmem>>, vector<16xf32>,
        %get3A_1323 = arith.index_cast %add3A_1267 : i32 to index
        %get3A_1324 = arith.constant 64 : index
        %get3A_1325 = tpu.vector_load %arg12[%get3A_1323, %get3A_1324] {strides = array<i32>} : memref<128x128xf32, #tpu.memory_space<vmem>>, vector<16xf32>,
        %mul3A_1326 = arith.mulf %gather3A_1270, %get3A_1325 : vector<16xf32>
        %add3A_1327 = arith.constant 64 : i32
        %add3A_1328 = arith.addi %add3A_1327, %add3A_1267 : i32
        %get3A_1329 = arith.index_cast %add3A_1328 : i32 to index
        %get3A_1330 = arith.constant 64 : index
        %get3A_1331 = tpu.vector_load %arg12[%get3A_1329, %get3A_1330] {strides = array<i32>} : memref<128x128xf32, #tpu.memory_space<vmem>>, vector<16xf32>,
        %mul3A_1332 = arith.mulf %mul3A_1326, %get3A_1331 : vector<16xf32>
        %swap3A_1333 = arith.index_cast %add3A_1267 : i32 to index
        %swap3A_1334 = arith.constant 64 : index
        %swap3A_1335 = tpu.vector_load %arg12[%swap3A_1333, %swap3A_1334] {strides = array<i32>} : memref<128x128xf32, #tpu.memory_space<vmem>>, vector<16xf32>,
        tpu.vector_store %arg12[%swap3A_1333, %swap3A_1334], %mul3A_1332 {strides = array<i32>} : memref<128x128xf32, #tpu.memory_space<vmem>>, vector<16xf32>,
        %get3A_1336 = arith.index_cast %add3A_1267 : i32 to index
        %get3A_1337 = arith.constant 80 : index
        %get3A_1338 = tpu.vector_load %arg12[%get3A_1336, %get3A_1337] {strides = array<i32>} : memref<128x128xf32, #tpu.memory_space<vmem>>, vector<16xf32>,
        %mul3A_1339 = arith.mulf %gather3A_1270, %get3A_1338 : vector<16xf32>
        %add3A_1340 = arith.constant 64 : i32
        %add3A_1341 = arith.addi %add3A_1340, %add3A_1267 : i32
        %get3A_1342 = arith.index_cast %add3A_1341 : i32 to index
        %get3A_1343 = arith.constant 80 : index
        %get3A_1344 = tpu.vector_load %arg12[%get3A_1342, %get3A_1343] {strides = array<i32>} : memref<128x128xf32, #tpu.memory_space<vmem>>, vector<16xf32>,
        %mul3A_1345 = arith.mulf %mul3A_1339, %get3A_1344 : vector<16xf32>
        %swap3A_1346 = arith.index_cast %add3A_1267 : i32 to index
        %swap3A_1347 = arith.constant 80 : index
        %swap3A_1348 = tpu.vector_load %arg12[%swap3A_1346, %swap3A_1347] {strides = array<i32>} : memref<128x128xf32, #tpu.memory_space<vmem>>, vector<16xf32>,
        tpu.vector_store %arg12[%swap3A_1346, %swap3A_1347], %mul3A_1345 {strides = array<i32>} : memref<128x128xf32, #tpu.memory_space<vmem>>, vector<16xf32>,
        %get3A_1349 = arith.index_cast %add3A_1267 : i32 to index
        %get3A_1350 = arith.constant 96 : index
        %get3A_1351 = tpu.vector_load %arg12[%get3A_1349, %get3A_1350] {strides = array<i32>} : memref<128x128xf32, #tpu.memory_space<vmem>>, vector<16xf32>,
        %mul3A_1352 = arith.mulf %gather3A_1270, %get3A_1351 : vector<16xf32>
        %add3A_1353 = arith.constant 64 : i32
        %add3A_1354 = arith.addi %add3A_1353, %add3A_1267 : i32
        %get3A_1355 = arith.index_cast %add3A_1354 : i32 to index
        %get3A_1356 = arith.constant 96 : index
        %get3A_1357 = tpu.vector_load %arg12[%get3A_1355, %get3A_1356] {strides = array<i32>} : memref<128x128xf32, #tpu.memory_space<vmem>>, vector<16xf32>,
        %mul3A_1358 = arith.mulf %mul3A_1352, %get3A_1357 : vector<16xf32>
        %swap3A_1359 = arith.index_cast %add3A_1267 : i32 to index
        %swap3A_1360 = arith.constant 96 : index
        %swap3A_1361 = tpu.vector_load %arg12[%swap3A_1359, %swap3A_1360] {strides = array<i32>} : memref<128x128xf32, #tpu.memory_space<vmem>>, vector<16xf32>,
        tpu.vector_store %arg12[%swap3A_1359, %swap3A_1360], %mul3A_1358 {strides = array<i32>} : memref<128x128xf32, #tpu.memory_space<vmem>>, vector<16xf32>,
        %get3A_1362 = arith.index_cast %add3A_1267 : i32 to index
        %get3A_1363 = arith.constant 112 : index
        %get3A_1364 = tpu.vector_load %arg12[%get3A_1362, %get3A_1363] {strides = array<i32>} : memref<128x128xf32, #tpu.memory_space<vmem>>, vector<16xf32>,
        %mul3A_1365 = arith.mulf %gather3A_1270, %get3A_1364 : vector<16xf32>
        %add3A_1366 = arith.constant 64 : i32
        %add3A_1367 = arith.addi %add3A_1366, %add3A_1267 : i32
        %get3A_1368 = arith.index_cast %add3A_1367 : i32 to index
        %get3A_1369 = arith.constant 112 : index
        %get3A_1370 = tpu.vector_load %arg12[%get3A_1368, %get3A_1369] {strides = array<i32>} : memref<128x128xf32, #tpu.memory_space<vmem>>, vector<16xf32>,
        %mul3A_1371 = arith.mulf %mul3A_1365, %get3A_1370 : vector<16xf32>
        %swap3A_1372 = arith.index_cast %add3A_1267 : i32 to index
        %swap3A_1373 = arith.constant 112 : index
        %swap3A_1374 = tpu.vector_load %arg12[%swap3A_1372, %swap3A_1373] {strides = array<i32>} : memref<128x128xf32, #tpu.memory_space<vmem>>, vector<16xf32>,
        tpu.vector_store %arg12[%swap3A_1372, %swap3A_1373], %mul3A_1371 {strides = array<i32>} : memref<128x128xf32, #tpu.memory_space<vmem>>, vector<16xf32>,
        %mul3A_1375 = arith.constant 16 : i32
        %mul3A_1376 = arith.muli %add3A_242, %mul3A_1375 : i32
        %add3A_1377 = arith.constant 10 : i32
        %add3A_1378 = arith.addi %mul3A_1376, %add3A_1377 : i32
        %broadcast_in_dim3A_1379 = arith.constant 10 : i32
        %broadcast_in_dim3A_1380 = vector.broadcast %broadcast_in_dim3A_1379 : i32 to vector<16xi32>
        %gather3A_1381 = tpu.vector_load_idx %arg8[%broadcast_in_dim3A_1380] : memref<16xf32, #tpu.memory_space<vmem>>[vector<16xi32>], vector<16xf32>,
        %get3A_1382 = arith.index_cast %add3A_1378 : i32 to index
        %get3A_1383 = arith.constant 0 : index
        %get3A_1384 = tpu.vector_load %arg12[%get3A_1382, %get3A_1383] {strides = array<i32>} : memref<128x128xf32, #tpu.memory_space<vmem>>, vector<16xf32>,
        %mul3A_1385 = arith.mulf %gather3A_1381, %get3A_1384 : vector<16xf32>
        %add3A_1386 = arith.constant 64 : i32
        %add3A_1387 = arith.addi %add3A_1386, %add3A_1378 : i32
        %get3A_1388 = arith.index_cast %add3A_1387 : i32 to index
        %get3A_1389 = arith.constant 0 : index
        %get3A_1390 = tpu.vector_load %arg12[%get3A_1388, %get3A_1389] {strides = array<i32>} : memref<128x128xf32, #tpu.memory_space<vmem>>, vector<16xf32>,
        %mul3A_1391 = arith.mulf %mul3A_1385, %get3A_1390 : vector<16xf32>
        %swap3A_1392 = arith.index_cast %add3A_1378 : i32 to index
        %swap3A_1393 = arith.constant 0 : index
        %swap3A_1394 = tpu.vector_load %arg12[%swap3A_1392, %swap3A_1393] {strides = array<i32>} : memref<128x128xf32, #tpu.memory_space<vmem>>, vector<16xf32>,
        tpu.vector_store %arg12[%swap3A_1392, %swap3A_1393], %mul3A_1391 {strides = array<i32>} : memref<128x128xf32, #tpu.memory_space<vmem>>, vector<16xf32>,
        %get3A_1395 = arith.index_cast %add3A_1378 : i32 to index
        %get3A_1396 = arith.constant 16 : index
        %get3A_1397 = tpu.vector_load %arg12[%get3A_1395, %get3A_1396] {strides = array<i32>} : memref<128x128xf32, #tpu.memory_space<vmem>>, vector<16xf32>,
        %mul3A_1398 = arith.mulf %gather3A_1381, %get3A_1397 : vector<16xf32>
        %add3A_1399 = arith.constant 64 : i32
        %add3A_1400 = arith.addi %add3A_1399, %add3A_1378 : i32
        %get3A_1401 = arith.index_cast %add3A_1400 : i32 to index
        %get3A_1402 = arith.constant 16 : index
        %get3A_1403 = tpu.vector_load %arg12[%get3A_1401, %get3A_1402] {strides = array<i32>} : memref<128x128xf32, #tpu.memory_space<vmem>>, vector<16xf32>,
        %mul3A_1404 = arith.mulf %mul3A_1398, %get3A_1403 : vector<16xf32>
        %swap3A_1405 = arith.index_cast %add3A_1378 : i32 to index
        %swap3A_1406 = arith.constant 16 : index
        %swap3A_1407 = tpu.vector_load %arg12[%swap3A_1405, %swap3A_1406] {strides = array<i32>} : memref<128x128xf32, #tpu.memory_space<vmem>>, vector<16xf32>,
        tpu.vector_store %arg12[%swap3A_1405, %swap3A_1406], %mul3A_1404 {strides = array<i32>} : memref<128x128xf32, #tpu.memory_space<vmem>>, vector<16xf32>,
        %get3A_1408 = arith.index_cast %add3A_1378 : i32 to index
        %get3A_1409 = arith.constant 32 : index
        %get3A_1410 = tpu.vector_load %arg12[%get3A_1408, %get3A_1409] {strides = array<i32>} : memref<128x128xf32, #tpu.memory_space<vmem>>, vector<16xf32>,
        %mul3A_1411 = arith.mulf %gather3A_1381, %get3A_1410 : vector<16xf32>
        %add3A_1412 = arith.constant 64 : i32
        %add3A_1413 = arith.addi %add3A_1412, %add3A_1378 : i32
        %get3A_1414 = arith.index_cast %add3A_1413 : i32 to index
        %get3A_1415 = arith.constant 32 : index
        %get3A_1416 = tpu.vector_load %arg12[%get3A_1414, %get3A_1415] {strides = array<i32>} : memref<128x128xf32, #tpu.memory_space<vmem>>, vector<16xf32>,
        %mul3A_1417 = arith.mulf %mul3A_1411, %get3A_1416 : vector<16xf32>
        %swap3A_1418 = arith.index_cast %add3A_1378 : i32 to index
        %swap3A_1419 = arith.constant 32 : index
        %swap3A_1420 = tpu.vector_load %arg12[%swap3A_1418, %swap3A_1419] {strides = array<i32>} : memref<128x128xf32, #tpu.memory_space<vmem>>, vector<16xf32>,
        tpu.vector_store %arg12[%swap3A_1418, %swap3A_1419], %mul3A_1417 {strides = array<i32>} : memref<128x128xf32, #tpu.memory_space<vmem>>, vector<16xf32>,
        %get3A_1421 = arith.index_cast %add3A_1378 : i32 to index
        %get3A_1422 = arith.constant 48 : index
        %get3A_1423 = tpu.vector_load %arg12[%get3A_1421, %get3A_1422] {strides = array<i32>} : memref<128x128xf32, #tpu.memory_space<vmem>>, vector<16xf32>,
        %mul3A_1424 = arith.mulf %gather3A_1381, %get3A_1423 : vector<16xf32>
        %add3A_1425 = arith.constant 64 : i32
        %add3A_1426 = arith.addi %add3A_1425, %add3A_1378 : i32
        %get3A_1427 = arith.index_cast %add3A_1426 : i32 to index
        %get3A_1428 = arith.constant 48 : index
        %get3A_1429 = tpu.vector_load %arg12[%get3A_1427, %get3A_1428] {strides = array<i32>} : memref<128x128xf32, #tpu.memory_space<vmem>>, vector<16xf32>,
        %mul3A_1430 = arith.mulf %mul3A_1424, %get3A_1429 : vector<16xf32>
        %swap3A_1431 = arith.index_cast %add3A_1378 : i32 to index
        %swap3A_1432 = arith.constant 48 : index
        %swap3A_1433 = tpu.vector_load %arg12[%swap3A_1431, %swap3A_1432] {strides = array<i32>} : memref<128x128xf32, #tpu.memory_space<vmem>>, vector<16xf32>,
        tpu.vector_store %arg12[%swap3A_1431, %swap3A_1432], %mul3A_1430 {strides = array<i32>} : memref<128x128xf32, #tpu.memory_space<vmem>>, vector<16xf32>,
        %get3A_1434 = arith.index_cast %add3A_1378 : i32 to index
        %get3A_1435 = arith.constant 64 : index
        %get3A_1436 = tpu.vector_load %arg12[%get3A_1434, %get3A_1435] {strides = array<i32>} : memref<128x128xf32, #tpu.memory_space<vmem>>, vector<16xf32>,
        %mul3A_1437 = arith.mulf %gather3A_1381, %get3A_1436 : vector<16xf32>
        %add3A_1438 = arith.constant 64 : i32
        %add3A_1439 = arith.addi %add3A_1438, %add3A_1378 : i32
        %get3A_1440 = arith.index_cast %add3A_1439 : i32 to index
        %get3A_1441 = arith.constant 64 : index
        %get3A_1442 = tpu.vector_load %arg12[%get3A_1440, %get3A_1441] {strides = array<i32>} : memref<128x128xf32, #tpu.memory_space<vmem>>, vector<16xf32>,
        %mul3A_1443 = arith.mulf %mul3A_1437, %get3A_1442 : vector<16xf32>
        %swap3A_1444 = arith.index_cast %add3A_1378 : i32 to index
        %swap3A_1445 = arith.constant 64 : index
        %swap3A_1446 = tpu.vector_load %arg12[%swap3A_1444, %swap3A_1445] {strides = array<i32>} : memref<128x128xf32, #tpu.memory_space<vmem>>, vector<16xf32>,
        tpu.vector_store %arg12[%swap3A_1444, %swap3A_1445], %mul3A_1443 {strides = array<i32>} : memref<128x128xf32, #tpu.memory_space<vmem>>, vector<16xf32>,
        %get3A_1447 = arith.index_cast %add3A_1378 : i32 to index
        %get3A_1448 = arith.constant 80 : index
        %get3A_1449 = tpu.vector_load %arg12[%get3A_1447, %get3A_1448] {strides = array<i32>} : memref<128x128xf32, #tpu.memory_space<vmem>>, vector<16xf32>,
        %mul3A_1450 = arith.mulf %gather3A_1381, %get3A_1449 : vector<16xf32>
        %add3A_1451 = arith.constant 64 : i32
        %add3A_1452 = arith.addi %add3A_1451, %add3A_1378 : i32
        %get3A_1453 = arith.index_cast %add3A_1452 : i32 to index
        %get3A_1454 = arith.constant 80 : index
        %get3A_1455 = tpu.vector_load %arg12[%get3A_1453, %get3A_1454] {strides = array<i32>} : memref<128x128xf32, #tpu.memory_space<vmem>>, vector<16xf32>,
        %mul3A_1456 = arith.mulf %mul3A_1450, %get3A_1455 : vector<16xf32>
        %swap3A_1457 = arith.index_cast %add3A_1378 : i32 to index
        %swap3A_1458 = arith.constant 80 : index
        %swap3A_1459 = tpu.vector_load %arg12[%swap3A_1457, %swap3A_1458] {strides = array<i32>} : memref<128x128xf32, #tpu.memory_space<vmem>>, vector<16xf32>,
        tpu.vector_store %arg12[%swap3A_1457, %swap3A_1458], %mul3A_1456 {strides = array<i32>} : memref<128x128xf32, #tpu.memory_space<vmem>>, vector<16xf32>,
        %get3A_1460 = arith.index_cast %add3A_1378 : i32 to index
        %get3A_1461 = arith.constant 96 : index
        %get3A_1462 = tpu.vector_load %arg12[%get3A_1460, %get3A_1461] {strides = array<i32>} : memref<128x128xf32, #tpu.memory_space<vmem>>, vector<16xf32>,
        %mul3A_1463 = arith.mulf %gather3A_1381, %get3A_1462 : vector<16xf32>
        %add3A_1464 = arith.constant 64 : i32
        %add3A_1465 = arith.addi %add3A_1464, %add3A_1378 : i32
        %get3A_1466 = arith.index_cast %add3A_1465 : i32 to index
        %get3A_1467 = arith.constant 96 : index
        %get3A_1468 = tpu.vector_load %arg12[%get3A_1466, %get3A_1467] {strides = array<i32>} : memref<128x128xf32, #tpu.memory_space<vmem>>, vector<16xf32>,
        %mul3A_1469 = arith.mulf %mul3A_1463, %get3A_1468 : vector<16xf32>
        %swap3A_1470 = arith.index_cast %add3A_1378 : i32 to index
        %swap3A_1471 = arith.constant 96 : index
        %swap3A_1472 = tpu.vector_load %arg12[%swap3A_1470, %swap3A_1471] {strides = array<i32>} : memref<128x128xf32, #tpu.memory_space<vmem>>, vector<16xf32>,
        tpu.vector_store %arg12[%swap3A_1470, %swap3A_1471], %mul3A_1469 {strides = array<i32>} : memref<128x128xf32, #tpu.memory_space<vmem>>, vector<16xf32>,
        %get3A_1473 = arith.index_cast %add3A_1378 : i32 to index
        %get3A_1474 = arith.constant 112 : index
        %get3A_1475 = tpu.vector_load %arg12[%get3A_1473, %get3A_1474] {strides = array<i32>} : memref<128x128xf32, #tpu.memory_space<vmem>>, vector<16xf32>,
        %mul3A_1476 = arith.mulf %gather3A_1381, %get3A_1475 : vector<16xf32>
        %add3A_1477 = arith.constant 64 : i32
        %add3A_1478 = arith.addi %add3A_1477, %add3A_1378 : i32
        %get3A_1479 = arith.index_cast %add3A_1478 : i32 to index
        %get3A_1480 = arith.constant 112 : index
        %get3A_1481 = tpu.vector_load %arg12[%get3A_1479, %get3A_1480] {strides = array<i32>} : memref<128x128xf32, #tpu.memory_space<vmem>>, vector<16xf32>,
        %mul3A_1482 = arith.mulf %mul3A_1476, %get3A_1481 : vector<16xf32>
        %swap3A_1483 = arith.index_cast %add3A_1378 : i32 to index
        %swap3A_1484 = arith.constant 112 : index
        %swap3A_1485 = tpu.vector_load %arg12[%swap3A_1483, %swap3A_1484] {strides = array<i32>} : memref<128x128xf32, #tpu.memory_space<vmem>>, vector<16xf32>,
        tpu.vector_store %arg12[%swap3A_1483, %swap3A_1484], %mul3A_1482 {strides = array<i32>} : memref<128x128xf32, #tpu.memory_space<vmem>>, vector<16xf32>,
        %mul3A_1486 = arith.constant 16 : i32
        %mul3A_1487 = arith.muli %add3A_242, %mul3A_1486 : i32
        %add3A_1488 = arith.constant 11 : i32
        %add3A_1489 = arith.addi %mul3A_1487, %add3A_1488 : i32
        %broadcast_in_dim3A_1490 = arith.constant 11 : i32
        %broadcast_in_dim3A_1491 = vector.broadcast %broadcast_in_dim3A_1490 : i32 to vector<16xi32>
        %gather3A_1492 = tpu.vector_load_idx %arg8[%broadcast_in_dim3A_1491] : memref<16xf32, #tpu.memory_space<vmem>>[vector<16xi32>], vector<16xf32>,
        %get3A_1493 = arith.index_cast %add3A_1489 : i32 to index
        %get3A_1494 = arith.constant 0 : index
        %get3A_1495 = tpu.vector_load %arg12[%get3A_1493, %get3A_1494] {strides = array<i32>} : memref<128x128xf32, #tpu.memory_space<vmem>>, vector<16xf32>,
        %mul3A_1496 = arith.mulf %gather3A_1492, %get3A_1495 : vector<16xf32>
        %add3A_1497 = arith.constant 64 : i32
        %add3A_1498 = arith.addi %add3A_1497, %add3A_1489 : i32
        %get3A_1499 = arith.index_cast %add3A_1498 : i32 to index
        %get3A_1500 = arith.constant 0 : index
        %get3A_1501 = tpu.vector_load %arg12[%get3A_1499, %get3A_1500] {strides = array<i32>} : memref<128x128xf32, #tpu.memory_space<vmem>>, vector<16xf32>,
        %mul3A_1502 = arith.mulf %mul3A_1496, %get3A_1501 : vector<16xf32>
        %swap3A_1503 = arith.index_cast %add3A_1489 : i32 to index
        %swap3A_1504 = arith.constant 0 : index
        %swap3A_1505 = tpu.vector_load %arg12[%swap3A_1503, %swap3A_1504] {strides = array<i32>} : memref<128x128xf32, #tpu.memory_space<vmem>>, vector<16xf32>,
        tpu.vector_store %arg12[%swap3A_1503, %swap3A_1504], %mul3A_1502 {strides = array<i32>} : memref<128x128xf32, #tpu.memory_space<vmem>>, vector<16xf32>,
        %get3A_1506 = arith.index_cast %add3A_1489 : i32 to index
        %get3A_1507 = arith.constant 16 : index
        %get3A_1508 = tpu.vector_load %arg12[%get3A_1506, %get3A_1507] {strides = array<i32>} : memref<128x128xf32, #tpu.memory_space<vmem>>, vector<16xf32>,
        %mul3A_1509 = arith.mulf %gather3A_1492, %get3A_1508 : vector<16xf32>
        %add3A_1510 = arith.constant 64 : i32
        %add3A_1511 = arith.addi %add3A_1510, %add3A_1489 : i32
        %get3A_1512 = arith.index_cast %add3A_1511 : i32 to index
        %get3A_1513 = arith.constant 16 : index
        %get3A_1514 = tpu.vector_load %arg12[%get3A_1512, %get3A_1513] {strides = array<i32>} : memref<128x128xf32, #tpu.memory_space<vmem>>, vector<16xf32>,
        %mul3A_1515 = arith.mulf %mul3A_1509, %get3A_1514 : vector<16xf32>
        %swap3A_1516 = arith.index_cast %add3A_1489 : i32 to index
        %swap3A_1517 = arith.constant 16 : index
        %swap3A_1518 = tpu.vector_load %arg12[%swap3A_1516, %swap3A_1517] {strides = array<i32>} : memref<128x128xf32, #tpu.memory_space<vmem>>, vector<16xf32>,
        tpu.vector_store %arg12[%swap3A_1516, %swap3A_1517], %mul3A_1515 {strides = array<i32>} : memref<128x128xf32, #tpu.memory_space<vmem>>, vector<16xf32>,
        %get3A_1519 = arith.index_cast %add3A_1489 : i32 to index
        %get3A_1520 = arith.constant 32 : index
        %get3A_1521 = tpu.vector_load %arg12[%get3A_1519, %get3A_1520] {strides = array<i32>} : memref<128x128xf32, #tpu.memory_space<vmem>>, vector<16xf32>,
        %mul3A_1522 = arith.mulf %gather3A_1492, %get3A_1521 : vector<16xf32>
        %add3A_1523 = arith.constant 64 : i32
        %add3A_1524 = arith.addi %add3A_1523, %add3A_1489 : i32
        %get3A_1525 = arith.index_cast %add3A_1524 : i32 to index
        %get3A_1526 = arith.constant 32 : index
        %get3A_1527 = tpu.vector_load %arg12[%get3A_1525, %get3A_1526] {strides = array<i32>} : memref<128x128xf32, #tpu.memory_space<vmem>>, vector<16xf32>,
        %mul3A_1528 = arith.mulf %mul3A_1522, %get3A_1527 : vector<16xf32>
        %swap3A_1529 = arith.index_cast %add3A_1489 : i32 to index
        %swap3A_1530 = arith.constant 32 : index
        %swap3A_1531 = tpu.vector_load %arg12[%swap3A_1529, %swap3A_1530] {strides = array<i32>} : memref<128x128xf32, #tpu.memory_space<vmem>>, vector<16xf32>,
        tpu.vector_store %arg12[%swap3A_1529, %swap3A_1530], %mul3A_1528 {strides = array<i32>} : memref<128x128xf32, #tpu.memory_space<vmem>>, vector<16xf32>,
        %get3A_1532 = arith.index_cast %add3A_1489 : i32 to index
        %get3A_1533 = arith.constant 48 : index
        %get3A_1534 = tpu.vector_load %arg12[%get3A_1532, %get3A_1533] {strides = array<i32>} : memref<128x128xf32, #tpu.memory_space<vmem>>, vector<16xf32>,
        %mul3A_1535 = arith.mulf %gather3A_1492, %get3A_1534 : vector<16xf32>
        %add3A_1536 = arith.constant 64 : i32
        %add3A_1537 = arith.addi %add3A_1536, %add3A_1489 : i32
        %get3A_1538 = arith.index_cast %add3A_1537 : i32 to index
        %get3A_1539 = arith.constant 48 : index
        %get3A_1540 = tpu.vector_load %arg12[%get3A_1538, %get3A_1539] {strides = array<i32>} : memref<128x128xf32, #tpu.memory_space<vmem>>, vector<16xf32>,
        %mul3A_1541 = arith.mulf %mul3A_1535, %get3A_1540 : vector<16xf32>
        %swap3A_1542 = arith.index_cast %add3A_1489 : i32 to index
        %swap3A_1543 = arith.constant 48 : index
        %swap3A_1544 = tpu.vector_load %arg12[%swap3A_1542, %swap3A_1543] {strides = array<i32>} : memref<128x128xf32, #tpu.memory_space<vmem>>, vector<16xf32>,
        tpu.vector_store %arg12[%swap3A_1542, %swap3A_1543], %mul3A_1541 {strides = array<i32>} : memref<128x128xf32, #tpu.memory_space<vmem>>, vector<16xf32>,
        %get3A_1545 = arith.index_cast %add3A_1489 : i32 to index
        %get3A_1546 = arith.constant 64 : index
        %get3A_1547 = tpu.vector_load %arg12[%get3A_1545, %get3A_1546] {strides = array<i32>} : memref<128x128xf32, #tpu.memory_space<vmem>>, vector<16xf32>,
        %mul3A_1548 = arith.mulf %gather3A_1492, %get3A_1547 : vector<16xf32>
        %add3A_1549 = arith.constant 64 : i32
        %add3A_1550 = arith.addi %add3A_1549, %add3A_1489 : i32
        %get3A_1551 = arith.index_cast %add3A_1550 : i32 to index
        %get3A_1552 = arith.constant 64 : index
        %get3A_1553 = tpu.vector_load %arg12[%get3A_1551, %get3A_1552] {strides = array<i32>} : memref<128x128xf32, #tpu.memory_space<vmem>>, vector<16xf32>,
        %mul3A_1554 = arith.mulf %mul3A_1548, %get3A_1553 : vector<16xf32>
        %swap3A_1555 = arith.index_cast %add3A_1489 : i32 to index
        %swap3A_1556 = arith.constant 64 : index
        %swap3A_1557 = tpu.vector_load %arg12[%swap3A_1555, %swap3A_1556] {strides = array<i32>} : memref<128x128xf32, #tpu.memory_space<vmem>>, vector<16xf32>,
        tpu.vector_store %arg12[%swap3A_1555, %swap3A_1556], %mul3A_1554 {strides = array<i32>} : memref<128x128xf32, #tpu.memory_space<vmem>>, vector<16xf32>,
        %get3A_1558 = arith.index_cast %add3A_1489 : i32 to index
        %get3A_1559 = arith.constant 80 : index
        %get3A_1560 = tpu.vector_load %arg12[%get3A_1558, %get3A_1559] {strides = array<i32>} : memref<128x128xf32, #tpu.memory_space<vmem>>, vector<16xf32>,
        %mul3A_1561 = arith.mulf %gather3A_1492, %get3A_1560 : vector<16xf32>
        %add3A_1562 = arith.constant 64 : i32
        %add3A_1563 = arith.addi %add3A_1562, %add3A_1489 : i32
        %get3A_1564 = arith.index_cast %add3A_1563 : i32 to index
        %get3A_1565 = arith.constant 80 : index
        %get3A_1566 = tpu.vector_load %arg12[%get3A_1564, %get3A_1565] {strides = array<i32>} : memref<128x128xf32, #tpu.memory_space<vmem>>, vector<16xf32>,
        %mul3A_1567 = arith.mulf %mul3A_1561, %get3A_1566 : vector<16xf32>
        %swap3A_1568 = arith.index_cast %add3A_1489 : i32 to index
        %swap3A_1569 = arith.constant 80 : index
        %swap3A_1570 = tpu.vector_load %arg12[%swap3A_1568, %swap3A_1569] {strides = array<i32>} : memref<128x128xf32, #tpu.memory_space<vmem>>, vector<16xf32>,
        tpu.vector_store %arg12[%swap3A_1568, %swap3A_1569], %mul3A_1567 {strides = array<i32>} : memref<128x128xf32, #tpu.memory_space<vmem>>, vector<16xf32>,
        %get3A_1571 = arith.index_cast %add3A_1489 : i32 to index
        %get3A_1572 = arith.constant 96 : index
        %get3A_1573 = tpu.vector_load %arg12[%get3A_1571, %get3A_1572] {strides = array<i32>} : memref<128x128xf32, #tpu.memory_space<vmem>>, vector<16xf32>,
        %mul3A_1574 = arith.mulf %gather3A_1492, %get3A_1573 : vector<16xf32>
        %add3A_1575 = arith.constant 64 : i32
        %add3A_1576 = arith.addi %add3A_1575, %add3A_1489 : i32
        %get3A_1577 = arith.index_cast %add3A_1576 : i32 to index
        %get3A_1578 = arith.constant 96 : index
        %get3A_1579 = tpu.vector_load %arg12[%get3A_1577, %get3A_1578] {strides = array<i32>} : memref<128x128xf32, #tpu.memory_space<vmem>>, vector<16xf32>,
        %mul3A_1580 = arith.mulf %mul3A_1574, %get3A_1579 : vector<16xf32>
        %swap3A_1581 = arith.index_cast %add3A_1489 : i32 to index
        %swap3A_1582 = arith.constant 96 : index
        %swap3A_1583 = tpu.vector_load %arg12[%swap3A_1581, %swap3A_1582] {strides = array<i32>} : memref<128x128xf32, #tpu.memory_space<vmem>>, vector<16xf32>,
        tpu.vector_store %arg12[%swap3A_1581, %swap3A_1582], %mul3A_1580 {strides = array<i32>} : memref<128x128xf32, #tpu.memory_space<vmem>>, vector<16xf32>,
        %get3A_1584 = arith.index_cast %add3A_1489 : i32 to index
        %get3A_1585 = arith.constant 112 : index
        %get3A_1586 = tpu.vector_load %arg12[%get3A_1584, %get3A_1585] {strides = array<i32>} : memref<128x128xf32, #tpu.memory_space<vmem>>, vector<16xf32>,
        %mul3A_1587 = arith.mulf %gather3A_1492, %get3A_1586 : vector<16xf32>
        %add3A_1588 = arith.constant 64 : i32
        %add3A_1589 = arith.addi %add3A_1588, %add3A_1489 : i32
        %get3A_1590 = arith.index_cast %add3A_1589 : i32 to index
        %get3A_1591 = arith.constant 112 : index
        %get3A_1592 = tpu.vector_load %arg12[%get3A_1590, %get3A_1591] {strides = array<i32>} : memref<128x128xf32, #tpu.memory_space<vmem>>, vector<16xf32>,
        %mul3A_1593 = arith.mulf %mul3A_1587, %get3A_1592 : vector<16xf32>
        %swap3A_1594 = arith.index_cast %add3A_1489 : i32 to index
        %swap3A_1595 = arith.constant 112 : index
        %swap3A_1596 = tpu.vector_load %arg12[%swap3A_1594, %swap3A_1595] {strides = array<i32>} : memref<128x128xf32, #tpu.memory_space<vmem>>, vector<16xf32>,
        tpu.vector_store %arg12[%swap3A_1594, %swap3A_1595], %mul3A_1593 {strides = array<i32>} : memref<128x128xf32, #tpu.memory_space<vmem>>, vector<16xf32>,
        %mul3A_1597 = arith.constant 16 : i32
        %mul3A_1598 = arith.muli %add3A_242, %mul3A_1597 : i32
        %add3A_1599 = arith.constant 12 : i32
        %add3A_1600 = arith.addi %mul3A_1598, %add3A_1599 : i32
        %broadcast_in_dim3A_1601 = arith.constant 12 : i32
        %broadcast_in_dim3A_1602 = vector.broadcast %broadcast_in_dim3A_1601 : i32 to vector<16xi32>
        %gather3A_1603 = tpu.vector_load_idx %arg8[%broadcast_in_dim3A_1602] : memref<16xf32, #tpu.memory_space<vmem>>[vector<16xi32>], vector<16xf32>,
        %get3A_1604 = arith.index_cast %add3A_1600 : i32 to index
        %get3A_1605 = arith.constant 0 : index
        %get3A_1606 = tpu.vector_load %arg12[%get3A_1604, %get3A_1605] {strides = array<i32>} : memref<128x128xf32, #tpu.memory_space<vmem>>, vector<16xf32>,
        %mul3A_1607 = arith.mulf %gather3A_1603, %get3A_1606 : vector<16xf32>
        %add3A_1608 = arith.constant 64 : i32
        %add3A_1609 = arith.addi %add3A_1608, %add3A_1600 : i32
        %get3A_1610 = arith.index_cast %add3A_1609 : i32 to index
        %get3A_1611 = arith.constant 0 : index
        %get3A_1612 = tpu.vector_load %arg12[%get3A_1610, %get3A_1611] {strides = array<i32>} : memref<128x128xf32, #tpu.memory_space<vmem>>, vector<16xf32>,
        %mul3A_1613 = arith.mulf %mul3A_1607, %get3A_1612 : vector<16xf32>
        %swap3A_1614 = arith.index_cast %add3A_1600 : i32 to index
        %swap3A_1615 = arith.constant 0 : index
        %swap3A_1616 = tpu.vector_load %arg12[%swap3A_1614, %swap3A_1615] {strides = array<i32>} : memref<128x128xf32, #tpu.memory_space<vmem>>, vector<16xf32>,
        tpu.vector_store %arg12[%swap3A_1614, %swap3A_1615], %mul3A_1613 {strides = array<i32>} : memref<128x128xf32, #tpu.memory_space<vmem>>, vector<16xf32>,
        %get3A_1617 = arith.index_cast %add3A_1600 : i32 to index
        %get3A_1618 = arith.constant 16 : index
        %get3A_1619 = tpu.vector_load %arg12[%get3A_1617, %get3A_1618] {strides = array<i32>} : memref<128x128xf32, #tpu.memory_space<vmem>>, vector<16xf32>,
        %mul3A_1620 = arith.mulf %gather3A_1603, %get3A_1619 : vector<16xf32>
        %add3A_1621 = arith.constant 64 : i32
        %add3A_1622 = arith.addi %add3A_1621, %add3A_1600 : i32
        %get3A_1623 = arith.index_cast %add3A_1622 : i32 to index
        %get3A_1624 = arith.constant 16 : index
        %get3A_1625 = tpu.vector_load %arg12[%get3A_1623, %get3A_1624] {strides = array<i32>} : memref<128x128xf32, #tpu.memory_space<vmem>>, vector<16xf32>,
        %mul3A_1626 = arith.mulf %mul3A_1620, %get3A_1625 : vector<16xf32>
        %swap3A_1627 = arith.index_cast %add3A_1600 : i32 to index
        %swap3A_1628 = arith.constant 16 : index
        %swap3A_1629 = tpu.vector_load %arg12[%swap3A_1627, %swap3A_1628] {strides = array<i32>} : memref<128x128xf32, #tpu.memory_space<vmem>>, vector<16xf32>,
        tpu.vector_store %arg12[%swap3A_1627, %swap3A_1628], %mul3A_1626 {strides = array<i32>} : memref<128x128xf32, #tpu.memory_space<vmem>>, vector<16xf32>,
        %get3A_1630 = arith.index_cast %add3A_1600 : i32 to index
        %get3A_1631 = arith.constant 32 : index
        %get3A_1632 = tpu.vector_load %arg12[%get3A_1630, %get3A_1631] {strides = array<i32>} : memref<128x128xf32, #tpu.memory_space<vmem>>, vector<16xf32>,
        %mul3A_1633 = arith.mulf %gather3A_1603, %get3A_1632 : vector<16xf32>
        %add3A_1634 = arith.constant 64 : i32
        %add3A_1635 = arith.addi %add3A_1634, %add3A_1600 : i32
        %get3A_1636 = arith.index_cast %add3A_1635 : i32 to index
        %get3A_1637 = arith.constant 32 : index
        %get3A_1638 = tpu.vector_load %arg12[%get3A_1636, %get3A_1637] {strides = array<i32>} : memref<128x128xf32, #tpu.memory_space<vmem>>, vector<16xf32>,
        %mul3A_1639 = arith.mulf %mul3A_1633, %get3A_1638 : vector<16xf32>
        %swap3A_1640 = arith.index_cast %add3A_1600 : i32 to index
        %swap3A_1641 = arith.constant 32 : index
        %swap3A_1642 = tpu.vector_load %arg12[%swap3A_1640, %swap3A_1641] {strides = array<i32>} : memref<128x128xf32, #tpu.memory_space<vmem>>, vector<16xf32>,
        tpu.vector_store %arg12[%swap3A_1640, %swap3A_1641], %mul3A_1639 {strides = array<i32>} : memref<128x128xf32, #tpu.memory_space<vmem>>, vector<16xf32>,
        %get3A_1643 = arith.index_cast %add3A_1600 : i32 to index
        %get3A_1644 = arith.constant 48 : index
        %get3A_1645 = tpu.vector_load %arg12[%get3A_1643, %get3A_1644] {strides = array<i32>} : memref<128x128xf32, #tpu.memory_space<vmem>>, vector<16xf32>,
        %mul3A_1646 = arith.mulf %gather3A_1603, %get3A_1645 : vector<16xf32>
        %add3A_1647 = arith.constant 64 : i32
        %add3A_1648 = arith.addi %add3A_1647, %add3A_1600 : i32
        %get3A_1649 = arith.index_cast %add3A_1648 : i32 to index
        %get3A_1650 = arith.constant 48 : index
        %get3A_1651 = tpu.vector_load %arg12[%get3A_1649, %get3A_1650] {strides = array<i32>} : memref<128x128xf32, #tpu.memory_space<vmem>>, vector<16xf32>,
        %mul3A_1652 = arith.mulf %mul3A_1646, %get3A_1651 : vector<16xf32>
        %swap3A_1653 = arith.index_cast %add3A_1600 : i32 to index
        %swap3A_1654 = arith.constant 48 : index
        %swap3A_1655 = tpu.vector_load %arg12[%swap3A_1653, %swap3A_1654] {strides = array<i32>} : memref<128x128xf32, #tpu.memory_space<vmem>>, vector<16xf32>,
        tpu.vector_store %arg12[%swap3A_1653, %swap3A_1654], %mul3A_1652 {strides = array<i32>} : memref<128x128xf32, #tpu.memory_space<vmem>>, vector<16xf32>,
        %get3A_1656 = arith.index_cast %add3A_1600 : i32 to index
        %get3A_1657 = arith.constant 64 : index
        %get3A_1658 = tpu.vector_load %arg12[%get3A_1656, %get3A_1657] {strides = array<i32>} : memref<128x128xf32, #tpu.memory_space<vmem>>, vector<16xf32>,
        %mul3A_1659 = arith.mulf %gather3A_1603, %get3A_1658 : vector<16xf32>
        %add3A_1660 = arith.constant 64 : i32
        %add3A_1661 = arith.addi %add3A_1660, %add3A_1600 : i32
        %get3A_1662 = arith.index_cast %add3A_1661 : i32 to index
        %get3A_1663 = arith.constant 64 : index
        %get3A_1664 = tpu.vector_load %arg12[%get3A_1662, %get3A_1663] {strides = array<i32>} : memref<128x128xf32, #tpu.memory_space<vmem>>, vector<16xf32>,
        %mul3A_1665 = arith.mulf %mul3A_1659, %get3A_1664 : vector<16xf32>
        %swap3A_1666 = arith.index_cast %add3A_1600 : i32 to index
        %swap3A_1667 = arith.constant 64 : index
        %swap3A_1668 = tpu.vector_load %arg12[%swap3A_1666, %swap3A_1667] {strides = array<i32>} : memref<128x128xf32, #tpu.memory_space<vmem>>, vector<16xf32>,
        tpu.vector_store %arg12[%swap3A_1666, %swap3A_1667], %mul3A_1665 {strides = array<i32>} : memref<128x128xf32, #tpu.memory_space<vmem>>, vector<16xf32>,
        %get3A_1669 = arith.index_cast %add3A_1600 : i32 to index
        %get3A_1670 = arith.constant 80 : index
        %get3A_1671 = tpu.vector_load %arg12[%get3A_1669, %get3A_1670] {strides = array<i32>} : memref<128x128xf32, #tpu.memory_space<vmem>>, vector<16xf32>,
        %mul3A_1672 = arith.mulf %gather3A_1603, %get3A_1671 : vector<16xf32>
        %add3A_1673 = arith.constant 64 : i32
        %add3A_1674 = arith.addi %add3A_1673, %add3A_1600 : i32
        %get3A_1675 = arith.index_cast %add3A_1674 : i32 to index
        %get3A_1676 = arith.constant 80 : index
        %get3A_1677 = tpu.vector_load %arg12[%get3A_1675, %get3A_1676] {strides = array<i32>} : memref<128x128xf32, #tpu.memory_space<vmem>>, vector<16xf32>,
        %mul3A_1678 = arith.mulf %mul3A_1672, %get3A_1677 : vector<16xf32>
        %swap3A_1679 = arith.index_cast %add3A_1600 : i32 to index
        %swap3A_1680 = arith.constant 80 : index
        %swap3A_1681 = tpu.vector_load %arg12[%swap3A_1679, %swap3A_1680] {strides = array<i32>} : memref<128x128xf32, #tpu.memory_space<vmem>>, vector<16xf32>,
        tpu.vector_store %arg12[%swap3A_1679, %swap3A_1680], %mul3A_1678 {strides = array<i32>} : memref<128x128xf32, #tpu.memory_space<vmem>>, vector<16xf32>,
        %get3A_1682 = arith.index_cast %add3A_1600 : i32 to index
        %get3A_1683 = arith.constant 96 : index
        %get3A_1684 = tpu.vector_load %arg12[%get3A_1682, %get3A_1683] {strides = array<i32>} : memref<128x128xf32, #tpu.memory_space<vmem>>, vector<16xf32>,
        %mul3A_1685 = arith.mulf %gather3A_1603, %get3A_1684 : vector<16xf32>
        %add3A_1686 = arith.constant 64 : i32
        %add3A_1687 = arith.addi %add3A_1686, %add3A_1600 : i32
        %get3A_1688 = arith.index_cast %add3A_1687 : i32 to index
        %get3A_1689 = arith.constant 96 : index
        %get3A_1690 = tpu.vector_load %arg12[%get3A_1688, %get3A_1689] {strides = array<i32>} : memref<128x128xf32, #tpu.memory_space<vmem>>, vector<16xf32>,
        %mul3A_1691 = arith.mulf %mul3A_1685, %get3A_1690 : vector<16xf32>
        %swap3A_1692 = arith.index_cast %add3A_1600 : i32 to index
        %swap3A_1693 = arith.constant 96 : index
        %swap3A_1694 = tpu.vector_load %arg12[%swap3A_1692, %swap3A_1693] {strides = array<i32>} : memref<128x128xf32, #tpu.memory_space<vmem>>, vector<16xf32>,
        tpu.vector_store %arg12[%swap3A_1692, %swap3A_1693], %mul3A_1691 {strides = array<i32>} : memref<128x128xf32, #tpu.memory_space<vmem>>, vector<16xf32>,
        %get3A_1695 = arith.index_cast %add3A_1600 : i32 to index
        %get3A_1696 = arith.constant 112 : index
        %get3A_1697 = tpu.vector_load %arg12[%get3A_1695, %get3A_1696] {strides = array<i32>} : memref<128x128xf32, #tpu.memory_space<vmem>>, vector<16xf32>,
        %mul3A_1698 = arith.mulf %gather3A_1603, %get3A_1697 : vector<16xf32>
        %add3A_1699 = arith.constant 64 : i32
        %add3A_1700 = arith.addi %add3A_1699, %add3A_1600 : i32
        %get3A_1701 = arith.index_cast %add3A_1700 : i32 to index
        %get3A_1702 = arith.constant 112 : index
        %get3A_1703 = tpu.vector_load %arg12[%get3A_1701, %get3A_1702] {strides = array<i32>} : memref<128x128xf32, #tpu.memory_space<vmem>>, vector<16xf32>,
        %mul3A_1704 = arith.mulf %mul3A_1698, %get3A_1703 : vector<16xf32>
        %swap3A_1705 = arith.index_cast %add3A_1600 : i32 to index
        %swap3A_1706 = arith.constant 112 : index
        %swap3A_1707 = tpu.vector_load %arg12[%swap3A_1705, %swap3A_1706] {strides = array<i32>} : memref<128x128xf32, #tpu.memory_space<vmem>>, vector<16xf32>,
        tpu.vector_store %arg12[%swap3A_1705, %swap3A_1706], %mul3A_1704 {strides = array<i32>} : memref<128x128xf32, #tpu.memory_space<vmem>>, vector<16xf32>,
        %mul3A_1708 = arith.constant 16 : i32
        %mul3A_1709 = arith.muli %add3A_242, %mul3A_1708 : i32
        %add3A_1710 = arith.constant 13 : i32
        %add3A_1711 = arith.addi %mul3A_1709, %add3A_1710 : i32
        %broadcast_in_dim3A_1712 = arith.constant 13 : i32
        %broadcast_in_dim3A_1713 = vector.broadcast %broadcast_in_dim3A_1712 : i32 to vector<16xi32>
        %gather3A_1714 = tpu.vector_load_idx %arg8[%broadcast_in_dim3A_1713] : memref<16xf32, #tpu.memory_space<vmem>>[vector<16xi32>], vector<16xf32>,
        %get3A_1715 = arith.index_cast %add3A_1711 : i32 to index
        %get3A_1716 = arith.constant 0 : index
        %get3A_1717 = tpu.vector_load %arg12[%get3A_1715, %get3A_1716] {strides = array<i32>} : memref<128x128xf32, #tpu.memory_space<vmem>>, vector<16xf32>,
        %mul3A_1718 = arith.mulf %gather3A_1714, %get3A_1717 : vector<16xf32>
        %add3A_1719 = arith.constant 64 : i32
        %add3A_1720 = arith.addi %add3A_1719, %add3A_1711 : i32
        %get3A_1721 = arith.index_cast %add3A_1720 : i32 to index
        %get3A_1722 = arith.constant 0 : index
        %get3A_1723 = tpu.vector_load %arg12[%get3A_1721, %get3A_1722] {strides = array<i32>} : memref<128x128xf32, #tpu.memory_space<vmem>>, vector<16xf32>,
        %mul3A_1724 = arith.mulf %mul3A_1718, %get3A_1723 : vector<16xf32>
        %swap3A_1725 = arith.index_cast %add3A_1711 : i32 to index
        %swap3A_1726 = arith.constant 0 : index
        %swap3A_1727 = tpu.vector_load %arg12[%swap3A_1725, %swap3A_1726] {strides = array<i32>} : memref<128x128xf32, #tpu.memory_space<vmem>>, vector<16xf32>,
        tpu.vector_store %arg12[%swap3A_1725, %swap3A_1726], %mul3A_1724 {strides = array<i32>} : memref<128x128xf32, #tpu.memory_space<vmem>>, vector<16xf32>,
        %get3A_1728 = arith.index_cast %add3A_1711 : i32 to index
        %get3A_1729 = arith.constant 16 : index
        %get3A_1730 = tpu.vector_load %arg12[%get3A_1728, %get3A_1729] {strides = array<i32>} : memref<128x128xf32, #tpu.memory_space<vmem>>, vector<16xf32>,
        %mul3A_1731 = arith.mulf %gather3A_1714, %get3A_1730 : vector<16xf32>
        %add3A_1732 = arith.constant 64 : i32
        %add3A_1733 = arith.addi %add3A_1732, %add3A_1711 : i32
        %get3A_1734 = arith.index_cast %add3A_1733 : i32 to index
        %get3A_1735 = arith.constant 16 : index
        %get3A_1736 = tpu.vector_load %arg12[%get3A_1734, %get3A_1735] {strides = array<i32>} : memref<128x128xf32, #tpu.memory_space<vmem>>, vector<16xf32>,
        %mul3A_1737 = arith.mulf %mul3A_1731, %get3A_1736 : vector<16xf32>
        %swap3A_1738 = arith.index_cast %add3A_1711 : i32 to index
        %swap3A_1739 = arith.constant 16 : index
        %swap3A_1740 = tpu.vector_load %arg12[%swap3A_1738, %swap3A_1739] {strides = array<i32>} : memref<128x128xf32, #tpu.memory_space<vmem>>, vector<16xf32>,
        tpu.vector_store %arg12[%swap3A_1738, %swap3A_1739], %mul3A_1737 {strides = array<i32>} : memref<128x128xf32, #tpu.memory_space<vmem>>, vector<16xf32>,
        %get3A_1741 = arith.index_cast %add3A_1711 : i32 to index
        %get3A_1742 = arith.constant 32 : index
        %get3A_1743 = tpu.vector_load %arg12[%get3A_1741, %get3A_1742] {strides = array<i32>} : memref<128x128xf32, #tpu.memory_space<vmem>>, vector<16xf32>,
        %mul3A_1744 = arith.mulf %gather3A_1714, %get3A_1743 : vector<16xf32>
        %add3A_1745 = arith.constant 64 : i32
        %add3A_1746 = arith.addi %add3A_1745, %add3A_1711 : i32
        %get3A_1747 = arith.index_cast %add3A_1746 : i32 to index
        %get3A_1748 = arith.constant 32 : index
        %get3A_1749 = tpu.vector_load %arg12[%get3A_1747, %get3A_1748] {strides = array<i32>} : memref<128x128xf32, #tpu.memory_space<vmem>>, vector<16xf32>,
        %mul3A_1750 = arith.mulf %mul3A_1744, %get3A_1749 : vector<16xf32>
        %swap3A_1751 = arith.index_cast %add3A_1711 : i32 to index
        %swap3A_1752 = arith.constant 32 : index
        %swap3A_1753 = tpu.vector_load %arg12[%swap3A_1751, %swap3A_1752] {strides = array<i32>} : memref<128x128xf32, #tpu.memory_space<vmem>>, vector<16xf32>,
        tpu.vector_store %arg12[%swap3A_1751, %swap3A_1752], %mul3A_1750 {strides = array<i32>} : memref<128x128xf32, #tpu.memory_space<vmem>>, vector<16xf32>,
        %get3A_1754 = arith.index_cast %add3A_1711 : i32 to index
        %get3A_1755 = arith.constant 48 : index
        %get3A_1756 = tpu.vector_load %arg12[%get3A_1754, %get3A_1755] {strides = array<i32>} : memref<128x128xf32, #tpu.memory_space<vmem>>, vector<16xf32>,
        %mul3A_1757 = arith.mulf %gather3A_1714, %get3A_1756 : vector<16xf32>
        %add3A_1758 = arith.constant 64 : i32
        %add3A_1759 = arith.addi %add3A_1758, %add3A_1711 : i32
        %get3A_1760 = arith.index_cast %add3A_1759 : i32 to index
        %get3A_1761 = arith.constant 48 : index
        %get3A_1762 = tpu.vector_load %arg12[%get3A_1760, %get3A_1761] {strides = array<i32>} : memref<128x128xf32, #tpu.memory_space<vmem>>, vector<16xf32>,
        %mul3A_1763 = arith.mulf %mul3A_1757, %get3A_1762 : vector<16xf32>
        %swap3A_1764 = arith.index_cast %add3A_1711 : i32 to index
        %swap3A_1765 = arith.constant 48 : index
        %swap3A_1766 = tpu.vector_load %arg12[%swap3A_1764, %swap3A_1765] {strides = array<i32>} : memref<128x128xf32, #tpu.memory_space<vmem>>, vector<16xf32>,
        tpu.vector_store %arg12[%swap3A_1764, %swap3A_1765], %mul3A_1763 {strides = array<i32>} : memref<128x128xf32, #tpu.memory_space<vmem>>, vector<16xf32>,
        %get3A_1767 = arith.index_cast %add3A_1711 : i32 to index
        %get3A_1768 = arith.constant 64 : index
        %get3A_1769 = tpu.vector_load %arg12[%get3A_1767, %get3A_1768] {strides = array<i32>} : memref<128x128xf32, #tpu.memory_space<vmem>>, vector<16xf32>,
        %mul3A_1770 = arith.mulf %gather3A_1714, %get3A_1769 : vector<16xf32>
        %add3A_1771 = arith.constant 64 : i32
        %add3A_1772 = arith.addi %add3A_1771, %add3A_1711 : i32
        %get3A_1773 = arith.index_cast %add3A_1772 : i32 to index
        %get3A_1774 = arith.constant 64 : index
        %get3A_1775 = tpu.vector_load %arg12[%get3A_1773, %get3A_1774] {strides = array<i32>} : memref<128x128xf32, #tpu.memory_space<vmem>>, vector<16xf32>,
        %mul3A_1776 = arith.mulf %mul3A_1770, %get3A_1775 : vector<16xf32>
        %swap3A_1777 = arith.index_cast %add3A_1711 : i32 to index
        %swap3A_1778 = arith.constant 64 : index
        %swap3A_1779 = tpu.vector_load %arg12[%swap3A_1777, %swap3A_1778] {strides = array<i32>} : memref<128x128xf32, #tpu.memory_space<vmem>>, vector<16xf32>,
        tpu.vector_store %arg12[%swap3A_1777, %swap3A_1778], %mul3A_1776 {strides = array<i32>} : memref<128x128xf32, #tpu.memory_space<vmem>>, vector<16xf32>,
        %get3A_1780 = arith.index_cast %add3A_1711 : i32 to index
        %get3A_1781 = arith.constant 80 : index
        %get3A_1782 = tpu.vector_load %arg12[%get3A_1780, %get3A_1781] {strides = array<i32>} : memref<128x128xf32, #tpu.memory_space<vmem>>, vector<16xf32>,
        %mul3A_1783 = arith.mulf %gather3A_1714, %get3A_1782 : vector<16xf32>
        %add3A_1784 = arith.constant 64 : i32
        %add3A_1785 = arith.addi %add3A_1784, %add3A_1711 : i32
        %get3A_1786 = arith.index_cast %add3A_1785 : i32 to index
        %get3A_1787 = arith.constant 80 : index
        %get3A_1788 = tpu.vector_load %arg12[%get3A_1786, %get3A_1787] {strides = array<i32>} : memref<128x128xf32, #tpu.memory_space<vmem>>, vector<16xf32>,
        %mul3A_1789 = arith.mulf %mul3A_1783, %get3A_1788 : vector<16xf32>
        %swap3A_1790 = arith.index_cast %add3A_1711 : i32 to index
        %swap3A_1791 = arith.constant 80 : index
        %swap3A_1792 = tpu.vector_load %arg12[%swap3A_1790, %swap3A_1791] {strides = array<i32>} : memref<128x128xf32, #tpu.memory_space<vmem>>, vector<16xf32>,
        tpu.vector_store %arg12[%swap3A_1790, %swap3A_1791], %mul3A_1789 {strides = array<i32>} : memref<128x128xf32, #tpu.memory_space<vmem>>, vector<16xf32>,
        %get3A_1793 = arith.index_cast %add3A_1711 : i32 to index
        %get3A_1794 = arith.constant 96 : index
        %get3A_1795 = tpu.vector_load %arg12[%get3A_1793, %get3A_1794] {strides = array<i32>} : memref<128x128xf32, #tpu.memory_space<vmem>>, vector<16xf32>,
        %mul3A_1796 = arith.mulf %gather3A_1714, %get3A_1795 : vector<16xf32>
        %add3A_1797 = arith.constant 64 : i32
        %add3A_1798 = arith.addi %add3A_1797, %add3A_1711 : i32
        %get3A_1799 = arith.index_cast %add3A_1798 : i32 to index
        %get3A_1800 = arith.constant 96 : index
        %get3A_1801 = tpu.vector_load %arg12[%get3A_1799, %get3A_1800] {strides = array<i32>} : memref<128x128xf32, #tpu.memory_space<vmem>>, vector<16xf32>,
        %mul3A_1802 = arith.mulf %mul3A_1796, %get3A_1801 : vector<16xf32>
        %swap3A_1803 = arith.index_cast %add3A_1711 : i32 to index
        %swap3A_1804 = arith.constant 96 : index
        %swap3A_1805 = tpu.vector_load %arg12[%swap3A_1803, %swap3A_1804] {strides = array<i32>} : memref<128x128xf32, #tpu.memory_space<vmem>>, vector<16xf32>,
        tpu.vector_store %arg12[%swap3A_1803, %swap3A_1804], %mul3A_1802 {strides = array<i32>} : memref<128x128xf32, #tpu.memory_space<vmem>>, vector<16xf32>,
        %get3A_1806 = arith.index_cast %add3A_1711 : i32 to index
        %get3A_1807 = arith.constant 112 : index
        %get3A_1808 = tpu.vector_load %arg12[%get3A_1806, %get3A_1807] {strides = array<i32>} : memref<128x128xf32, #tpu.memory_space<vmem>>, vector<16xf32>,
        %mul3A_1809 = arith.mulf %gather3A_1714, %get3A_1808 : vector<16xf32>
        %add3A_1810 = arith.constant 64 : i32
        %add3A_1811 = arith.addi %add3A_1810, %add3A_1711 : i32
        %get3A_1812 = arith.index_cast %add3A_1811 : i32 to index
        %get3A_1813 = arith.constant 112 : index
        %get3A_1814 = tpu.vector_load %arg12[%get3A_1812, %get3A_1813] {strides = array<i32>} : memref<128x128xf32, #tpu.memory_space<vmem>>, vector<16xf32>,
        %mul3A_1815 = arith.mulf %mul3A_1809, %get3A_1814 : vector<16xf32>
        %swap3A_1816 = arith.index_cast %add3A_1711 : i32 to index
        %swap3A_1817 = arith.constant 112 : index
        %swap3A_1818 = tpu.vector_load %arg12[%swap3A_1816, %swap3A_1817] {strides = array<i32>} : memref<128x128xf32, #tpu.memory_space<vmem>>, vector<16xf32>,
        tpu.vector_store %arg12[%swap3A_1816, %swap3A_1817], %mul3A_1815 {strides = array<i32>} : memref<128x128xf32, #tpu.memory_space<vmem>>, vector<16xf32>,
        %mul3A_1819 = arith.constant 16 : i32
        %mul3A_1820 = arith.muli %add3A_242, %mul3A_1819 : i32
        %add3A_1821 = arith.constant 14 : i32
        %add3A_1822 = arith.addi %mul3A_1820, %add3A_1821 : i32
        %broadcast_in_dim3A_1823 = arith.constant 14 : i32
        %broadcast_in_dim3A_1824 = vector.broadcast %broadcast_in_dim3A_1823 : i32 to vector<16xi32>
        %gather3A_1825 = tpu.vector_load_idx %arg8[%broadcast_in_dim3A_1824] : memref<16xf32, #tpu.memory_space<vmem>>[vector<16xi32>], vector<16xf32>,
        %get3A_1826 = arith.index_cast %add3A_1822 : i32 to index
        %get3A_1827 = arith.constant 0 : index
        %get3A_1828 = tpu.vector_load %arg12[%get3A_1826, %get3A_1827] {strides = array<i32>} : memref<128x128xf32, #tpu.memory_space<vmem>>, vector<16xf32>,
        %mul3A_1829 = arith.mulf %gather3A_1825, %get3A_1828 : vector<16xf32>
        %add3A_1830 = arith.constant 64 : i32
        %add3A_1831 = arith.addi %add3A_1830, %add3A_1822 : i32
        %get3A_1832 = arith.index_cast %add3A_1831 : i32 to index
        %get3A_1833 = arith.constant 0 : index
        %get3A_1834 = tpu.vector_load %arg12[%get3A_1832, %get3A_1833] {strides = array<i32>} : memref<128x128xf32, #tpu.memory_space<vmem>>, vector<16xf32>,
        %mul3A_1835 = arith.mulf %mul3A_1829, %get3A_1834 : vector<16xf32>
        %swap3A_1836 = arith.index_cast %add3A_1822 : i32 to index
        %swap3A_1837 = arith.constant 0 : index
        %swap3A_1838 = tpu.vector_load %arg12[%swap3A_1836, %swap3A_1837] {strides = array<i32>} : memref<128x128xf32, #tpu.memory_space<vmem>>, vector<16xf32>,
        tpu.vector_store %arg12[%swap3A_1836, %swap3A_1837], %mul3A_1835 {strides = array<i32>} : memref<128x128xf32, #tpu.memory_space<vmem>>, vector<16xf32>,
        %get3A_1839 = arith.index_cast %add3A_1822 : i32 to index
        %get3A_1840 = arith.constant 16 : index
        %get3A_1841 = tpu.vector_load %arg12[%get3A_1839, %get3A_1840] {strides = array<i32>} : memref<128x128xf32, #tpu.memory_space<vmem>>, vector<16xf32>,
        %mul3A_1842 = arith.mulf %gather3A_1825, %get3A_1841 : vector<16xf32>
        %add3A_1843 = arith.constant 64 : i32
        %add3A_1844 = arith.addi %add3A_1843, %add3A_1822 : i32
        %get3A_1845 = arith.index_cast %add3A_1844 : i32 to index
        %get3A_1846 = arith.constant 16 : index
        %get3A_1847 = tpu.vector_load %arg12[%get3A_1845, %get3A_1846] {strides = array<i32>} : memref<128x128xf32, #tpu.memory_space<vmem>>, vector<16xf32>,
        %mul3A_1848 = arith.mulf %mul3A_1842, %get3A_1847 : vector<16xf32>
        %swap3A_1849 = arith.index_cast %add3A_1822 : i32 to index
        %swap3A_1850 = arith.constant 16 : index
        %swap3A_1851 = tpu.vector_load %arg12[%swap3A_1849, %swap3A_1850] {strides = array<i32>} : memref<128x128xf32, #tpu.memory_space<vmem>>, vector<16xf32>,
        tpu.vector_store %arg12[%swap3A_1849, %swap3A_1850], %mul3A_1848 {strides = array<i32>} : memref<128x128xf32, #tpu.memory_space<vmem>>, vector<16xf32>,
        %get3A_1852 = arith.index_cast %add3A_1822 : i32 to index
        %get3A_1853 = arith.constant 32 : index
        %get3A_1854 = tpu.vector_load %arg12[%get3A_1852, %get3A_1853] {strides = array<i32>} : memref<128x128xf32, #tpu.memory_space<vmem>>, vector<16xf32>,
        %mul3A_1855 = arith.mulf %gather3A_1825, %get3A_1854 : vector<16xf32>
        %add3A_1856 = arith.constant 64 : i32
        %add3A_1857 = arith.addi %add3A_1856, %add3A_1822 : i32
        %get3A_1858 = arith.index_cast %add3A_1857 : i32 to index
        %get3A_1859 = arith.constant 32 : index
        %get3A_1860 = tpu.vector_load %arg12[%get3A_1858, %get3A_1859] {strides = array<i32>} : memref<128x128xf32, #tpu.memory_space<vmem>>, vector<16xf32>,
        %mul3A_1861 = arith.mulf %mul3A_1855, %get3A_1860 : vector<16xf32>
        %swap3A_1862 = arith.index_cast %add3A_1822 : i32 to index
        %swap3A_1863 = arith.constant 32 : index
        %swap3A_1864 = tpu.vector_load %arg12[%swap3A_1862, %swap3A_1863] {strides = array<i32>} : memref<128x128xf32, #tpu.memory_space<vmem>>, vector<16xf32>,
        tpu.vector_store %arg12[%swap3A_1862, %swap3A_1863], %mul3A_1861 {strides = array<i32>} : memref<128x128xf32, #tpu.memory_space<vmem>>, vector<16xf32>,
        %get3A_1865 = arith.index_cast %add3A_1822 : i32 to index
        %get3A_1866 = arith.constant 48 : index
        %get3A_1867 = tpu.vector_load %arg12[%get3A_1865, %get3A_1866] {strides = array<i32>} : memref<128x128xf32, #tpu.memory_space<vmem>>, vector<16xf32>,
        %mul3A_1868 = arith.mulf %gather3A_1825, %get3A_1867 : vector<16xf32>
        %add3A_1869 = arith.constant 64 : i32
        %add3A_1870 = arith.addi %add3A_1869, %add3A_1822 : i32
        %get3A_1871 = arith.index_cast %add3A_1870 : i32 to index
        %get3A_1872 = arith.constant 48 : index
        %get3A_1873 = tpu.vector_load %arg12[%get3A_1871, %get3A_1872] {strides = array<i32>} : memref<128x128xf32, #tpu.memory_space<vmem>>, vector<16xf32>,
        %mul3A_1874 = arith.mulf %mul3A_1868, %get3A_1873 : vector<16xf32>
        %swap3A_1875 = arith.index_cast %add3A_1822 : i32 to index
        %swap3A_1876 = arith.constant 48 : index
        %swap3A_1877 = tpu.vector_load %arg12[%swap3A_1875, %swap3A_1876] {strides = array<i32>} : memref<128x128xf32, #tpu.memory_space<vmem>>, vector<16xf32>,
        tpu.vector_store %arg12[%swap3A_1875, %swap3A_1876], %mul3A_1874 {strides = array<i32>} : memref<128x128xf32, #tpu.memory_space<vmem>>, vector<16xf32>,
        %get3A_1878 = arith.index_cast %add3A_1822 : i32 to index
        %get3A_1879 = arith.constant 64 : index
        %get3A_1880 = tpu.vector_load %arg12[%get3A_1878, %get3A_1879] {strides = array<i32>} : memref<128x128xf32, #tpu.memory_space<vmem>>, vector<16xf32>,
        %mul3A_1881 = arith.mulf %gather3A_1825, %get3A_1880 : vector<16xf32>
        %add3A_1882 = arith.constant 64 : i32
        %add3A_1883 = arith.addi %add3A_1882, %add3A_1822 : i32
        %get3A_1884 = arith.index_cast %add3A_1883 : i32 to index
        %get3A_1885 = arith.constant 64 : index
        %get3A_1886 = tpu.vector_load %arg12[%get3A_1884, %get3A_1885] {strides = array<i32>} : memref<128x128xf32, #tpu.memory_space<vmem>>, vector<16xf32>,
        %mul3A_1887 = arith.mulf %mul3A_1881, %get3A_1886 : vector<16xf32>
        %swap3A_1888 = arith.index_cast %add3A_1822 : i32 to index
        %swap3A_1889 = arith.constant 64 : index
        %swap3A_1890 = tpu.vector_load %arg12[%swap3A_1888, %swap3A_1889] {strides = array<i32>} : memref<128x128xf32, #tpu.memory_space<vmem>>, vector<16xf32>,
        tpu.vector_store %arg12[%swap3A_1888, %swap3A_1889], %mul3A_1887 {strides = array<i32>} : memref<128x128xf32, #tpu.memory_space<vmem>>, vector<16xf32>,
        %get3A_1891 = arith.index_cast %add3A_1822 : i32 to index
        %get3A_1892 = arith.constant 80 : index
        %get3A_1893 = tpu.vector_load %arg12[%get3A_1891, %get3A_1892] {strides = array<i32>} : memref<128x128xf32, #tpu.memory_space<vmem>>, vector<16xf32>,
        %mul3A_1894 = arith.mulf %gather3A_1825, %get3A_1893 : vector<16xf32>
        %add3A_1895 = arith.constant 64 : i32
        %add3A_1896 = arith.addi %add3A_1895, %add3A_1822 : i32
        %get3A_1897 = arith.index_cast %add3A_1896 : i32 to index
        %get3A_1898 = arith.constant 80 : index
        %get3A_1899 = tpu.vector_load %arg12[%get3A_1897, %get3A_1898] {strides = array<i32>} : memref<128x128xf32, #tpu.memory_space<vmem>>, vector<16xf32>,
        %mul3A_1900 = arith.mulf %mul3A_1894, %get3A_1899 : vector<16xf32>
        %swap3A_1901 = arith.index_cast %add3A_1822 : i32 to index
        %swap3A_1902 = arith.constant 80 : index
        %swap3A_1903 = tpu.vector_load %arg12[%swap3A_1901, %swap3A_1902] {strides = array<i32>} : memref<128x128xf32, #tpu.memory_space<vmem>>, vector<16xf32>,
        tpu.vector_store %arg12[%swap3A_1901, %swap3A_1902], %mul3A_1900 {strides = array<i32>} : memref<128x128xf32, #tpu.memory_space<vmem>>, vector<16xf32>,
        %get3A_1904 = arith.index_cast %add3A_1822 : i32 to index
        %get3A_1905 = arith.constant 96 : index
        %get3A_1906 = tpu.vector_load %arg12[%get3A_1904, %get3A_1905] {strides = array<i32>} : memref<128x128xf32, #tpu.memory_space<vmem>>, vector<16xf32>,
        %mul3A_1907 = arith.mulf %gather3A_1825, %get3A_1906 : vector<16xf32>
        %add3A_1908 = arith.constant 64 : i32
        %add3A_1909 = arith.addi %add3A_1908, %add3A_1822 : i32
        %get3A_1910 = arith.index_cast %add3A_1909 : i32 to index
        %get3A_1911 = arith.constant 96 : index
        %get3A_1912 = tpu.vector_load %arg12[%get3A_1910, %get3A_1911] {strides = array<i32>} : memref<128x128xf32, #tpu.memory_space<vmem>>, vector<16xf32>,
        %mul3A_1913 = arith.mulf %mul3A_1907, %get3A_1912 : vector<16xf32>
        %swap3A_1914 = arith.index_cast %add3A_1822 : i32 to index
        %swap3A_1915 = arith.constant 96 : index
        %swap3A_1916 = tpu.vector_load %arg12[%swap3A_1914, %swap3A_1915] {strides = array<i32>} : memref<128x128xf32, #tpu.memory_space<vmem>>, vector<16xf32>,
        tpu.vector_store %arg12[%swap3A_1914, %swap3A_1915], %mul3A_1913 {strides = array<i32>} : memref<128x128xf32, #tpu.memory_space<vmem>>, vector<16xf32>,
        %get3A_1917 = arith.index_cast %add3A_1822 : i32 to index
        %get3A_1918 = arith.constant 112 : index
        %get3A_1919 = tpu.vector_load %arg12[%get3A_1917, %get3A_1918] {strides = array<i32>} : memref<128x128xf32, #tpu.memory_space<vmem>>, vector<16xf32>,
        %mul3A_1920 = arith.mulf %gather3A_1825, %get3A_1919 : vector<16xf32>
        %add3A_1921 = arith.constant 64 : i32
        %add3A_1922 = arith.addi %add3A_1921, %add3A_1822 : i32
        %get3A_1923 = arith.index_cast %add3A_1922 : i32 to index
        %get3A_1924 = arith.constant 112 : index
        %get3A_1925 = tpu.vector_load %arg12[%get3A_1923, %get3A_1924] {strides = array<i32>} : memref<128x128xf32, #tpu.memory_space<vmem>>, vector<16xf32>,
        %mul3A_1926 = arith.mulf %mul3A_1920, %get3A_1925 : vector<16xf32>
        %swap3A_1927 = arith.index_cast %add3A_1822 : i32 to index
        %swap3A_1928 = arith.constant 112 : index
        %swap3A_1929 = tpu.vector_load %arg12[%swap3A_1927, %swap3A_1928] {strides = array<i32>} : memref<128x128xf32, #tpu.memory_space<vmem>>, vector<16xf32>,
        tpu.vector_store %arg12[%swap3A_1927, %swap3A_1928], %mul3A_1926 {strides = array<i32>} : memref<128x128xf32, #tpu.memory_space<vmem>>, vector<16xf32>,
        %mul3A_1930 = arith.constant 16 : i32
        %mul3A_1931 = arith.muli %add3A_242, %mul3A_1930 : i32
        %add3A_1932 = arith.constant 15 : i32
        %add3A_1933 = arith.addi %mul3A_1931, %add3A_1932 : i32
        %broadcast_in_dim3A_1934 = arith.constant 15 : i32
        %broadcast_in_dim3A_1935 = vector.broadcast %broadcast_in_dim3A_1934 : i32 to vector<16xi32>
        %gather3A_1936 = tpu.vector_load_idx %arg8[%broadcast_in_dim3A_1935] : memref<16xf32, #tpu.memory_space<vmem>>[vector<16xi32>], vector<16xf32>,
        %get3A_1937 = arith.index_cast %add3A_1933 : i32 to index
        %get3A_1938 = arith.constant 0 : index
        %get3A_1939 = tpu.vector_load %arg12[%get3A_1937, %get3A_1938] {strides = array<i32>} : memref<128x128xf32, #tpu.memory_space<vmem>>, vector<16xf32>,
        %mul3A_1940 = arith.mulf %gather3A_1936, %get3A_1939 : vector<16xf32>
        %add3A_1941 = arith.constant 64 : i32
        %add3A_1942 = arith.addi %add3A_1941, %add3A_1933 : i32
        %get3A_1943 = arith.index_cast %add3A_1942 : i32 to index
        %get3A_1944 = arith.constant 0 : index
        %get3A_1945 = tpu.vector_load %arg12[%get3A_1943, %get3A_1944] {strides = array<i32>} : memref<128x128xf32, #tpu.memory_space<vmem>>, vector<16xf32>,
        %mul3A_1946 = arith.mulf %mul3A_1940, %get3A_1945 : vector<16xf32>
        %swap3A_1947 = arith.index_cast %add3A_1933 : i32 to index
        %swap3A_1948 = arith.constant 0 : index
        %swap3A_1949 = tpu.vector_load %arg12[%swap3A_1947, %swap3A_1948] {strides = array<i32>} : memref<128x128xf32, #tpu.memory_space<vmem>>, vector<16xf32>,
        tpu.vector_store %arg12[%swap3A_1947, %swap3A_1948], %mul3A_1946 {strides = array<i32>} : memref<128x128xf32, #tpu.memory_space<vmem>>, vector<16xf32>,
        %get3A_1950 = arith.index_cast %add3A_1933 : i32 to index
        %get3A_1951 = arith.constant 16 : index
        %get3A_1952 = tpu.vector_load %arg12[%get3A_1950, %get3A_1951] {strides = array<i32>} : memref<128x128xf32, #tpu.memory_space<vmem>>, vector<16xf32>,
        %mul3A_1953 = arith.mulf %gather3A_1936, %get3A_1952 : vector<16xf32>
        %add3A_1954 = arith.constant 64 : i32
        %add3A_1955 = arith.addi %add3A_1954, %add3A_1933 : i32
        %get3A_1956 = arith.index_cast %add3A_1955 : i32 to index
        %get3A_1957 = arith.constant 16 : index
        %get3A_1958 = tpu.vector_load %arg12[%get3A_1956, %get3A_1957] {strides = array<i32>} : memref<128x128xf32, #tpu.memory_space<vmem>>, vector<16xf32>,
        %mul3A_1959 = arith.mulf %mul3A_1953, %get3A_1958 : vector<16xf32>
        %swap3A_1960 = arith.index_cast %add3A_1933 : i32 to index
        %swap3A_1961 = arith.constant 16 : index
        %swap3A_1962 = tpu.vector_load %arg12[%swap3A_1960, %swap3A_1961] {strides = array<i32>} : memref<128x128xf32, #tpu.memory_space<vmem>>, vector<16xf32>,
        tpu.vector_store %arg12[%swap3A_1960, %swap3A_1961], %mul3A_1959 {strides = array<i32>} : memref<128x128xf32, #tpu.memory_space<vmem>>, vector<16xf32>,
        %get3A_1963 = arith.index_cast %add3A_1933 : i32 to index
        %get3A_1964 = arith.constant 32 : index
        %get3A_1965 = tpu.vector_load %arg12[%get3A_1963, %get3A_1964] {strides = array<i32>} : memref<128x128xf32, #tpu.memory_space<vmem>>, vector<16xf32>,
        %mul3A_1966 = arith.mulf %gather3A_1936, %get3A_1965 : vector<16xf32>
        %add3A_1967 = arith.constant 64 : i32
        %add3A_1968 = arith.addi %add3A_1967, %add3A_1933 : i32
        %get3A_1969 = arith.index_cast %add3A_1968 : i32 to index
        %get3A_1970 = arith.constant 32 : index
        %get3A_1971 = tpu.vector_load %arg12[%get3A_1969, %get3A_1970] {strides = array<i32>} : memref<128x128xf32, #tpu.memory_space<vmem>>, vector<16xf32>,
        %mul3A_1972 = arith.mulf %mul3A_1966, %get3A_1971 : vector<16xf32>
        %swap3A_1973 = arith.index_cast %add3A_1933 : i32 to index
        %swap3A_1974 = arith.constant 32 : index
        %swap3A_1975 = tpu.vector_load %arg12[%swap3A_1973, %swap3A_1974] {strides = array<i32>} : memref<128x128xf32, #tpu.memory_space<vmem>>, vector<16xf32>,
        tpu.vector_store %arg12[%swap3A_1973, %swap3A_1974], %mul3A_1972 {strides = array<i32>} : memref<128x128xf32, #tpu.memory_space<vmem>>, vector<16xf32>,
        %get3A_1976 = arith.index_cast %add3A_1933 : i32 to index
        %get3A_1977 = arith.constant 48 : index
        %get3A_1978 = tpu.vector_load %arg12[%get3A_1976, %get3A_1977] {strides = array<i32>} : memref<128x128xf32, #tpu.memory_space<vmem>>, vector<16xf32>,
        %mul3A_1979 = arith.mulf %gather3A_1936, %get3A_1978 : vector<16xf32>
        %add3A_1980 = arith.constant 64 : i32
        %add3A_1981 = arith.addi %add3A_1980, %add3A_1933 : i32
        %get3A_1982 = arith.index_cast %add3A_1981 : i32 to index
        %get3A_1983 = arith.constant 48 : index
        %get3A_1984 = tpu.vector_load %arg12[%get3A_1982, %get3A_1983] {strides = array<i32>} : memref<128x128xf32, #tpu.memory_space<vmem>>, vector<16xf32>,
        %mul3A_1985 = arith.mulf %mul3A_1979, %get3A_1984 : vector<16xf32>
        %swap3A_1986 = arith.index_cast %add3A_1933 : i32 to index
        %swap3A_1987 = arith.constant 48 : index
        %swap3A_1988 = tpu.vector_load %arg12[%swap3A_1986, %swap3A_1987] {strides = array<i32>} : memref<128x128xf32, #tpu.memory_space<vmem>>, vector<16xf32>,
        tpu.vector_store %arg12[%swap3A_1986, %swap3A_1987], %mul3A_1985 {strides = array<i32>} : memref<128x128xf32, #tpu.memory_space<vmem>>, vector<16xf32>,
        %get3A_1989 = arith.index_cast %add3A_1933 : i32 to index
        %get3A_1990 = arith.constant 64 : index
        %get3A_1991 = tpu.vector_load %arg12[%get3A_1989, %get3A_1990] {strides = array<i32>} : memref<128x128xf32, #tpu.memory_space<vmem>>, vector<16xf32>,
        %mul3A_1992 = arith.mulf %gather3A_1936, %get3A_1991 : vector<16xf32>
        %add3A_1993 = arith.constant 64 : i32
        %add3A_1994 = arith.addi %add3A_1993, %add3A_1933 : i32
        %get3A_1995 = arith.index_cast %add3A_1994 : i32 to index
        %get3A_1996 = arith.constant 64 : index
        %get3A_1997 = tpu.vector_load %arg12[%get3A_1995, %get3A_1996] {strides = array<i32>} : memref<128x128xf32, #tpu.memory_space<vmem>>, vector<16xf32>,
        %mul3A_1998 = arith.mulf %mul3A_1992, %get3A_1997 : vector<16xf32>
        %swap3A_1999 = arith.index_cast %add3A_1933 : i32 to index
        %swap3A_2000 = arith.constant 64 : index
        %swap3A_2001 = tpu.vector_load %arg12[%swap3A_1999, %swap3A_2000] {strides = array<i32>} : memref<128x128xf32, #tpu.memory_space<vmem>>, vector<16xf32>,
        tpu.vector_store %arg12[%swap3A_1999, %swap3A_2000], %mul3A_1998 {strides = array<i32>} : memref<128x128xf32, #tpu.memory_space<vmem>>, vector<16xf32>,
        %get3A_2002 = arith.index_cast %add3A_1933 : i32 to index
        %get3A_2003 = arith.constant 80 : index
        %get3A_2004 = tpu.vector_load %arg12[%get3A_2002, %get3A_2003] {strides = array<i32>} : memref<128x128xf32, #tpu.memory_space<vmem>>, vector<16xf32>,
        %mul3A_2005 = arith.mulf %gather3A_1936, %get3A_2004 : vector<16xf32>
        %add3A_2006 = arith.constant 64 : i32
        %add3A_2007 = arith.addi %add3A_2006, %add3A_1933 : i32
        %get3A_2008 = arith.index_cast %add3A_2007 : i32 to index
        %get3A_2009 = arith.constant 80 : index
        %get3A_2010 = tpu.vector_load %arg12[%get3A_2008, %get3A_2009] {strides = array<i32>} : memref<128x128xf32, #tpu.memory_space<vmem>>, vector<16xf32>,
        %mul3A_2011 = arith.mulf %mul3A_2005, %get3A_2010 : vector<16xf32>
        %swap3A_2012 = arith.index_cast %add3A_1933 : i32 to index
        %swap3A_2013 = arith.constant 80 : index
        %swap3A_2014 = tpu.vector_load %arg12[%swap3A_2012, %swap3A_2013] {strides = array<i32>} : memref<128x128xf32, #tpu.memory_space<vmem>>, vector<16xf32>,
        tpu.vector_store %arg12[%swap3A_2012, %swap3A_2013], %mul3A_2011 {strides = array<i32>} : memref<128x128xf32, #tpu.memory_space<vmem>>, vector<16xf32>,
        %get3A_2015 = arith.index_cast %add3A_1933 : i32 to index
        %get3A_2016 = arith.constant 96 : index
        %get3A_2017 = tpu.vector_load %arg12[%get3A_2015, %get3A_2016] {strides = array<i32>} : memref<128x128xf32, #tpu.memory_space<vmem>>, vector<16xf32>,
        %mul3A_2018 = arith.mulf %gather3A_1936, %get3A_2017 : vector<16xf32>
        %add3A_2019 = arith.constant 64 : i32
        %add3A_2020 = arith.addi %add3A_2019, %add3A_1933 : i32
        %get3A_2021 = arith.index_cast %add3A_2020 : i32 to index
        %get3A_2022 = arith.constant 96 : index
        %get3A_2023 = tpu.vector_load %arg12[%get3A_2021, %get3A_2022] {strides = array<i32>} : memref<128x128xf32, #tpu.memory_space<vmem>>, vector<16xf32>,
        %mul3A_2024 = arith.mulf %mul3A_2018, %get3A_2023 : vector<16xf32>
        %swap3A_2025 = arith.index_cast %add3A_1933 : i32 to index
        %swap3A_2026 = arith.constant 96 : index
        %swap3A_2027 = tpu.vector_load %arg12[%swap3A_2025, %swap3A_2026] {strides = array<i32>} : memref<128x128xf32, #tpu.memory_space<vmem>>, vector<16xf32>,
        tpu.vector_store %arg12[%swap3A_2025, %swap3A_2026], %mul3A_2024 {strides = array<i32>} : memref<128x128xf32, #tpu.memory_space<vmem>>, vector<16xf32>,
        %get3A_2028 = arith.index_cast %add3A_1933 : i32 to index
        %get3A_2029 = arith.constant 112 : index
        %get3A_2030 = tpu.vector_load %arg12[%get3A_2028, %get3A_2029] {strides = array<i32>} : memref<128x128xf32, #tpu.memory_space<vmem>>, vector<16xf32>,
        %mul3A_2031 = arith.mulf %gather3A_1936, %get3A_2030 : vector<16xf32>
        %add3A_2032 = arith.constant 64 : i32
        %add3A_2033 = arith.addi %add3A_2032, %add3A_1933 : i32
        %get3A_2034 = arith.index_cast %add3A_2033 : i32 to index
        %get3A_2035 = arith.constant 112 : index
        %get3A_2036 = tpu.vector_load %arg12[%get3A_2034, %get3A_2035] {strides = array<i32>} : memref<128x128xf32, #tpu.memory_space<vmem>>, vector<16xf32>,
        %mul3A_2037 = arith.mulf %mul3A_2031, %get3A_2036 : vector<16xf32>
        %swap3A_2038 = arith.index_cast %add3A_1933 : i32 to index
        %swap3A_2039 = arith.constant 112 : index
        %swap3A_2040 = tpu.vector_load %arg12[%swap3A_2038, %swap3A_2039] {strides = array<i32>} : memref<128x128xf32, #tpu.memory_space<vmem>>, vector<16xf32>,
        tpu.vector_store %arg12[%swap3A_2038, %swap3A_2039], %mul3A_2037 {strides = array<i32>} : memref<128x128xf32, #tpu.memory_space<vmem>>, vector<16xf32>,
      }
      %scan3A_180 = arith.constant 4 : i32
      %get3A_181 = arith.constant 0 : index
      %get3A_182 = tpu.vector_load %arg10[%get3A_181] {strides = array<i32>} : memref<192xi32, #tpu.memory_space<vmem>>, vector<16xi32>,
      %swap3A_183 = arith.constant 0 : index
      %swap3A_184 = tpu.vector_load %arg15[%swap3A_183] {strides = array<i32>} : memref<64xi32, #tpu.memory_space<vmem>>, vector<16xi32>,
      tpu.vector_store %arg15[%swap3A_183], %get3A_182 {strides = array<i32>} : memref<64xi32, #tpu.memory_space<vmem>>, vector<16xi32>,
      %multiple_of3A_185 = arith.constant 64 : i32
      %multiple_of3A_186 = tpu.assume_multiple %multiple_of3A_185, 16 : i32
      %get3A_187 = arith.index_cast %multiple_of3A_186 : i32 to index
      %get3A_188 = tpu.vector_load %arg10[%get3A_187] {strides = array<i32>} : memref<192xi32, #tpu.memory_space<vmem>>, vector<16xi32>,
      %swap3A_189 = arith.constant 0 : index
      %swap3A_190 = tpu.vector_load %arg16[%swap3A_189] {strides = array<i32>} : memref<64xi32, #tpu.memory_space<vmem>>, vector<16xi32>,
      tpu.vector_store %arg16[%swap3A_189], %get3A_188 {strides = array<i32>} : memref<64xi32, #tpu.memory_space<vmem>>, vector<16xi32>,
      %get3A_191 = arith.constant 16 : index
      %get3A_192 = tpu.vector_load %arg10[%get3A_191] {strides = array<i32>} : memref<192xi32, #tpu.memory_space<vmem>>, vector<16xi32>,
      %swap3A_193 = arith.constant 16 : index
      %swap3A_194 = tpu.vector_load %arg15[%swap3A_193] {strides = array<i32>} : memref<64xi32, #tpu.memory_space<vmem>>, vector<16xi32>,
      tpu.vector_store %arg15[%swap3A_193], %get3A_192 {strides = array<i32>} : memref<64xi32, #tpu.memory_space<vmem>>, vector<16xi32>,
      %multiple_of3A_195 = arith.constant 80 : i32
      %multiple_of3A_196 = tpu.assume_multiple %multiple_of3A_195, 16 : i32
      %get3A_197 = arith.index_cast %multiple_of3A_196 : i32 to index
      %get3A_198 = tpu.vector_load %arg10[%get3A_197] {strides = array<i32>} : memref<192xi32, #tpu.memory_space<vmem>>, vector<16xi32>,
      %swap3A_199 = arith.constant 16 : index
      %swap3A_200 = tpu.vector_load %arg16[%swap3A_199] {strides = array<i32>} : memref<64xi32, #tpu.memory_space<vmem>>, vector<16xi32>,
      tpu.vector_store %arg16[%swap3A_199], %get3A_198 {strides = array<i32>} : memref<64xi32, #tpu.memory_space<vmem>>, vector<16xi32>,
      %get3A_201 = arith.constant 32 : index
      %get3A_202 = tpu.vector_load %arg10[%get3A_201] {strides = array<i32>} : memref<192xi32, #tpu.memory_space<vmem>>, vector<16xi32>,
      %swap3A_203 = arith.constant 32 : index
      %swap3A_204 = tpu.vector_load %arg15[%swap3A_203] {strides = array<i32>} : memref<64xi32, #tpu.memory_space<vmem>>, vector<16xi32>,
      tpu.vector_store %arg15[%swap3A_203], %get3A_202 {strides = array<i32>} : memref<64xi32, #tpu.memory_space<vmem>>, vector<16xi32>,
      %multiple_of3A_205 = arith.constant 96 : i32
      %multiple_of3A_206 = tpu.assume_multiple %multiple_of3A_205, 16 : i32
      %get3A_207 = arith.index_cast %multiple_of3A_206 : i32 to index
      %get3A_208 = tpu.vector_load %arg10[%get3A_207] {strides = array<i32>} : memref<192xi32, #tpu.memory_space<vmem>>, vector<16xi32>,
      %swap3A_209 = arith.constant 32 : index
      %swap3A_210 = tpu.vector_load %arg16[%swap3A_209] {strides = array<i32>} : memref<64xi32, #tpu.memory_space<vmem>>, vector<16xi32>,
      tpu.vector_store %arg16[%swap3A_209], %get3A_208 {strides = array<i32>} : memref<64xi32, #tpu.memory_space<vmem>>, vector<16xi32>,
      %get3A_211 = arith.constant 48 : index
      %get3A_212 = tpu.vector_load %arg10[%get3A_211] {strides = array<i32>} : memref<192xi32, #tpu.memory_space<vmem>>, vector<16xi32>,
      %swap3A_213 = arith.constant 48 : index
      %swap3A_214 = tpu.vector_load %arg15[%swap3A_213] {strides = array<i32>} : memref<64xi32, #tpu.memory_space<vmem>>, vector<16xi32>,
      tpu.vector_store %arg15[%swap3A_213], %get3A_212 {strides = array<i32>} : memref<64xi32, #tpu.memory_space<vmem>>, vector<16xi32>,
      %multiple_of3A_215 = arith.constant 112 : i32
      %multiple_of3A_216 = tpu.assume_multiple %multiple_of3A_215, 16 : i32
      %get3A_217 = arith.index_cast %multiple_of3A_216 : i32 to index
      %get3A_218 = tpu.vector_load %arg10[%get3A_217] {strides = array<i32>} : memref<192xi32, #tpu.memory_space<vmem>>, vector<16xi32>,
      %swap3A_219 = arith.constant 48 : index
      %swap3A_220 = tpu.vector_load %arg16[%swap3A_219] {strides = array<i32>} : memref<64xi32, #tpu.memory_space<vmem>>, vector<16xi32>,
      tpu.vector_store %arg16[%swap3A_219], %get3A_218 {strides = array<i32>} : memref<64xi32, #tpu.memory_space<vmem>>, vector<16xi32>,
      %dma_start3A_221 = arith.constant 0 : i32
      %dma_start3A_222 = arith.constant 0 : i32
      %dma_start3A_223 = tpu.memref_slice %arg12[%dma_start3A_221, %dma_start3A_222] : memref<128x128xf32, #tpu.memory_space<vmem>> -> memref<64x128xf32, #tpu.memory_space<vmem>>
      %dma_start3A_224 = arith.constant 0 : i32
      %dma_start3A_225 = arith.constant 0 : i32
      %dma_start3A_226 = tpu.memref_slice %arg6[%dma_start3A_224, %dma_start3A_225] : memref<10112x128xf32, #tpu.memory_space<vmem_shared>> -> memref<10112x128xf32, #tpu.memory_space<vmem_shared>>
      tpu.enqueue_indirect_dma source(%dma_start3A_223 : memref<64x128xf32, #tpu.memory_space<vmem>>) target(%dma_start3A_226 : memref<10112x128xf32, #tpu.memory_space<vmem_shared>>) offsets(%arg15 : memref<64xi32, #tpu.memory_space<vmem>>) semaphore(%arg22 : memref<!tpu.dma_semaphore, #tpu.memory_space<semaphore_mem>>) {add = true}
      %dma_start3A_227 = arith.constant 0 : i32
      %dma_start3A_228 = arith.constant 0 : i32
      %dma_start3A_229 = tpu.memref_slice %arg12[%dma_start3A_227, %dma_start3A_228] : memref<128x128xf32, #tpu.memory_space<vmem>> -> memref<64x128xf32, #tpu.memory_space<vmem>>
      %dma_start3A_230 = arith.constant 0 : i32
      %dma_start3A_231 = arith.constant 0 : i32
      %dma_start3A_232 = tpu.memref_slice %arg6[%dma_start3A_230, %dma_start3A_231] : memref<10112x128xf32, #tpu.memory_space<vmem_shared>> -> memref<10112x128xf32, #tpu.memory_space<vmem_shared>>
      tpu.enqueue_indirect_dma source(%dma_start3A_229 : memref<64x128xf32, #tpu.memory_space<vmem>>) target(%dma_start3A_232 : memref<10112x128xf32, #tpu.memory_space<vmem_shared>>) offsets(%arg16 : memref<64xi32, #tpu.memory_space<vmem>>) semaphore(%arg22 : memref<!tpu.dma_semaphore, #tpu.memory_space<semaphore_mem>>) {add = true}
      %lt3A_233 = arith.constant 156 : i32
      %lt3A_234 = arith.cmpi slt, %add3A_165, %lt3A_233 : i32
      %convert_element_type3A_235 = arith.extui %lt3A_234 : i1 to i32
      %cond3A_236 = arith.constant 0 : i32
      %cond3A_237 = arith.cmpi ne, %convert_element_type3A_235, %cond3A_236 : i32
      scf.if %cond3A_237 {
        %add3A_238 = arith.addi %mul3A_32, %add3A_165 : i32
        %add3A_239 = arith.constant 2 : i32
        %add3A_240 = arith.addi %add3A_238, %add3A_239 : i32
        %mul3A_241 = arith.constant 192 : i32
        %mul3A_242 = arith.muli %add3A_240, %mul3A_241 : i32
        %dma_start3A_243 = tpu.memref_slice %arg3[%mul3A_242] : memref<970752xi32, #tpu.memory_space<hbm>> -> memref<192xi32, #tpu.memory_space<hbm>>
        %dma_start3A_244 = tpu.memref_slice %arg3[%mul3A_242] : memref<970752xi32, #tpu.memory_space<hbm>> -> memref<192xi32, #tpu.memory_space<hbm>>
        tpu.enqueue_dma source(%dma_start3A_244 : memref<192xi32, #tpu.memory_space<hbm>>) target(%arg10 : memref<192xi32, #tpu.memory_space<vmem>>) target_semaphore(%arg18 : memref<!tpu.dma_semaphore, #tpu.memory_space<semaphore_mem>>)
      } else {
      }
    }
    %scan3A_49 = arith.constant 79 : i32
    %dma_wait3A = arith.constant 0 : i32
    %dma_wait3A_50 = arith.constant 0 : i32
    %dma_wait3A_51 = tpu.memref_slice %arg11[%dma_wait3A, %dma_wait3A_50] : memref<128x128xf32, #tpu.memory_space<vmem>> -> memref<64x128xf32, #tpu.memory_space<vmem>>
    %dma_wait3A_52 = arith.constant 0 : i32
    %dma_wait3A_53 = arith.constant 0 : i32
    %dma_wait3A_54 = tpu.memref_slice %arg6[%dma_wait3A_52, %dma_wait3A_53] : memref<10112x128xf32, #tpu.memory_space<vmem_shared>> -> memref<10112x128xf32, #tpu.memory_space<vmem_shared>>
    tpu.wait_indirect_dma semaphore(%arg21 : memref<!tpu.dma_semaphore, #tpu.memory_space<semaphore_mem>>) src(%dma_wait3A_51 : memref<64x128xf32, #tpu.memory_space<vmem>>) dst(%dma_wait3A_54 : memref<10112x128xf32, #tpu.memory_space<vmem_shared>>)
    %dma_wait3A_55 = arith.constant 0 : i32
    %dma_wait3A_56 = arith.constant 0 : i32
    %dma_wait3A_57 = tpu.memref_slice %arg11[%dma_wait3A_55, %dma_wait3A_56] : memref<128x128xf32, #tpu.memory_space<vmem>> -> memref<64x128xf32, #tpu.memory_space<vmem>>
    %dma_wait3A_58 = arith.constant 0 : i32
    %dma_wait3A_59 = arith.constant 0 : i32
    %dma_wait3A_60 = tpu.memref_slice %arg6[%dma_wait3A_58, %dma_wait3A_59] : memref<10112x128xf32, #tpu.memory_space<vmem_shared>> -> memref<10112x128xf32, #tpu.memory_space<vmem_shared>>
    tpu.wait_indirect_dma semaphore(%arg21 : memref<!tpu.dma_semaphore, #tpu.memory_space<semaphore_mem>>) src(%dma_wait3A_57 : memref<64x128xf32, #tpu.memory_space<vmem>>) dst(%dma_wait3A_60 : memref<10112x128xf32, #tpu.memory_space<vmem_shared>>)
    %dma_wait3A_61 = arith.constant 0 : i32
    %dma_wait3A_62 = arith.constant 0 : i32
    %dma_wait3A_63 = tpu.memref_slice %arg12[%dma_wait3A_61, %dma_wait3A_62] : memref<128x128xf32, #tpu.memory_space<vmem>> -> memref<64x128xf32, #tpu.memory_space<vmem>>
    %dma_wait3A_64 = arith.constant 0 : i32
    %dma_wait3A_65 = arith.constant 0 : i32
    %dma_wait3A_66 = tpu.memref_slice %arg6[%dma_wait3A_64, %dma_wait3A_65] : memref<10112x128xf32, #tpu.memory_space<vmem_shared>> -> memref<10112x128xf32, #tpu.memory_space<vmem_shared>>
    tpu.wait_indirect_dma semaphore(%arg22 : memref<!tpu.dma_semaphore, #tpu.memory_space<semaphore_mem>>) src(%dma_wait3A_63 : memref<64x128xf32, #tpu.memory_space<vmem>>) dst(%dma_wait3A_66 : memref<10112x128xf32, #tpu.memory_space<vmem_shared>>)
    %dma_wait3A_67 = arith.constant 0 : i32
    %dma_wait3A_68 = arith.constant 0 : i32
    %dma_wait3A_69 = tpu.memref_slice %arg12[%dma_wait3A_67, %dma_wait3A_68] : memref<128x128xf32, #tpu.memory_space<vmem>> -> memref<64x128xf32, #tpu.memory_space<vmem>>
    %dma_wait3A_70 = arith.constant 0 : i32
    %dma_wait3A_71 = arith.constant 0 : i32
    %dma_wait3A_72 = tpu.memref_slice %arg6[%dma_wait3A_70, %dma_wait3A_71] : memref<10112x128xf32, #tpu.memory_space<vmem_shared>> -> memref<10112x128xf32, #tpu.memory_space<vmem_shared>>
    tpu.wait_indirect_dma semaphore(%arg22 : memref<!tpu.dma_semaphore, #tpu.memory_space<semaphore_mem>>) src(%dma_wait3A_69 : memref<64x128xf32, #tpu.memory_space<vmem>>) dst(%dma_wait3A_72 : memref<10112x128xf32, #tpu.memory_space<vmem_shared>>)
    %barrier3A_73 = arith.constant 0 : index
    tpu.barrier barrier_id(%barrier3A_73)
    %mul3A_74 = arith.constant 632 : i32
    %mul3A_75 = arith.muli %arg1, %mul3A_74 : i32
    %mul3A_76 = arith.constant 632 : i32
    %mul3A_77 = arith.muli %arg1, %mul3A_76 : i32
    "tpu.region"() ({
      %run_scoped3A = tpu.sem_alloc : memref<!tpu.dma_semaphore, #tpu.memory_space<semaphore_mem>>
      %dma_start3A_80 = arith.constant 0 : i32
      %dma_start3A_81 = tpu.memref_slice %arg4[%arg0, %mul3A_77, %dma_start3A_80] : memref<2x10112x128xf32, #tpu.memory_space<hbm>> -> memref<1x632x128xf32, #tpu.memory_space<hbm>>
      %dma_start3A_82 = tpu.memref_squeeze %dma_start3A_81 : memref<1x632x128xf32, #tpu.memory_space<hbm>> -> memref<632x128xf32, #tpu.memory_space<hbm>>
      %dma_start3A_83 = arith.constant 0 : i32
      %dma_start3A_84 = tpu.memref_slice %arg6[%mul3A_75, %dma_start3A_83] : memref<10112x128xf32, #tpu.memory_space<vmem_shared>> -> memref<632x128xf32, #tpu.memory_space<vmem_shared>>
      tpu.enqueue_dma source(%dma_start3A_84 : memref<632x128xf32, #tpu.memory_space<vmem_shared>>) target(%dma_start3A_82 : memref<632x128xf32, #tpu.memory_space<hbm>>) target_semaphore(%run_scoped3A : memref<!tpu.dma_semaphore, #tpu.memory_space<semaphore_mem>>)
      %dma_wait3A_85 = arith.constant 0 : i32
      %dma_wait3A_86 = tpu.memref_slice %arg4[%arg0, %mul3A_77, %dma_wait3A_85] : memref<2x10112x128xf32, #tpu.memory_space<hbm>> -> memref<1x632x128xf32, #tpu.memory_space<hbm>>
      %dma_wait3A_87 = tpu.memref_squeeze %dma_wait3A_86 : memref<1x632x128xf32, #tpu.memory_space<hbm>> -> memref<632x128xf32, #tpu.memory_space<hbm>>
      %dma_wait3A_88 = arith.constant 0 : i32
      %dma_wait3A_89 = tpu.memref_slice %arg6[%mul3A_75, %dma_wait3A_88] : memref<10112x128xf32, #tpu.memory_space<vmem_shared>> -> memref<632x128xf32, #tpu.memory_space<vmem_shared>>
      tpu.wait_dma2 semaphore(%run_scoped3A : memref<!tpu.dma_semaphore, #tpu.memory_space<semaphore_mem>>) src(%dma_wait3A_89 : memref<632x128xf32, #tpu.memory_space<vmem_shared>>) dst(%dma_wait3A_87 : memref<632x128xf32, #tpu.memory_space<hbm>>)
      tpu.yield
    }) : () -> ()
    %mul3A_78 = arith.constant 10112 : i32
    %mul3A_79 = arith.muli %add3A, %mul3A_78 : i32
    "tpu.region"() ({
      %run_scoped3A = tpu.sem_alloc : memref<!tpu.dma_semaphore, #tpu.memory_space<semaphore_mem>>
      %dma_start3A_80 = tpu.memref_slice %arg5[%mul3A_79] : memref<323584xf32, #tpu.memory_space<hbm>> -> memref<10112xf32, #tpu.memory_space<hbm>>
      %dma_start3A_81 = tpu.memref_slice %arg5[%mul3A_79] : memref<323584xf32, #tpu.memory_space<hbm>> -> memref<10112xf32, #tpu.memory_space<hbm>>
      tpu.enqueue_dma source(%arg7 : memref<10112xf32, #tpu.memory_space<vmem>>) target(%dma_start3A_81 : memref<10112xf32, #tpu.memory_space<hbm>>) target_semaphore(%run_scoped3A : memref<!tpu.dma_semaphore, #tpu.memory_space<semaphore_mem>>)
      %dma_wait3A_82 = tpu.memref_slice %arg5[%mul3A_79] : memref<323584xf32, #tpu.memory_space<hbm>> -> memref<10112xf32, #tpu.memory_space<hbm>>
      %dma_wait3A_83 = tpu.memref_slice %arg5[%mul3A_79] : memref<323584xf32, #tpu.memory_space<hbm>> -> memref<10112xf32, #tpu.memory_space<hbm>>
      tpu.wait_dma2 semaphore(%run_scoped3A : memref<!tpu.dma_semaphore, #tpu.memory_space<semaphore_mem>>) src(%arg7 : memref<10112xf32, #tpu.memory_space<vmem>>) dst(%dma_wait3A_83 : memref<10112xf32, #tpu.memory_space<hbm>>)
      tpu.yield
    }) : () -> ()
    return
  }
}

module attributes {stable_mosaic.version = 14 : i64} {
  func.func @_emb_mm_body(%arg0: memref<10000x128xf32, #tpu.memory_space<vmem>>, %arg1: memref<128x128xf32, #tpu.memory_space<vmem>>, %arg2: memref<1x128xf32, #tpu.memory_space<vmem>>, %arg3: memref<10000x128xf32, #tpu.memory_space<vmem>>) attributes {dimension_semantics = [], scalar_prefetch = 0 : i64, scratch_operands = 0 : i64, tpu.core_type = #tpu.core_type<tc>} {
    %get3A = arith.constant 0 : index
    %get3A_0 = arith.constant 0 : index
    %get3A_1 = vector.load %arg0[%get3A, %get3A_0] : memref<10000x128xf32, #tpu.memory_space<vmem>>, vector<10000x128xf32>
    %get3A_2 = arith.constant 0 : index
    %get3A_3 = arith.constant 0 : index
    %get3A_4 = vector.load %arg1[%get3A_2, %get3A_3] : memref<128x128xf32, #tpu.memory_space<vmem>>, vector<128x128xf32>
    %transpose3A = tpu.transpose %get3A_4, [1, 0] : vector<128x128xf32> -> vector<128x128xf32>
    %dot_general3A = arith.constant dense<0.000000e+00> : vector<10000x128xf32>
    %dot_general3A_5 = tpu.matmul %get3A_1, %transpose3A, %dot_general3A {dimension_numbers = #tpu.dot_dimension_numbers<[1], [0], [0], [1], [0, 0, 1, 1], [], []>, transpose_lhs_hint = false} : vector<10000x128xf32>, vector<128x128xf32>, vector<10000x128xf32> -> vector<10000x128xf32>
    %get3A_6 = arith.constant 0 : index
    %get3A_7 = arith.constant 0 : index
    %get3A_8 = vector.load %arg2[%get3A_6, %get3A_7] : memref<1x128xf32, #tpu.memory_space<vmem>>, vector<1x128xf32>
    %add3A = vector.broadcast %get3A_8 : vector<1x128xf32> to vector<10000x128xf32>
    %add3A_9 = arith.addf %dot_general3A_5, %add3A : vector<10000x128xf32>
    %swap3A = arith.constant 0 : index
    %swap3A_10 = arith.constant 0 : index
    %swap3A_11 = vector.load %arg3[%swap3A, %swap3A_10] : memref<10000x128xf32, #tpu.memory_space<vmem>>, vector<10000x128xf32>
    tpu.vector_store %arg3[%swap3A, %swap3A_10], %add3A_9 {strides = array<i32>} : memref<10000x128xf32, #tpu.memory_space<vmem>>, vector<10000x128xf32>,
    return
  }
}

module attributes {stable_mosaic.version = 14 : i64} {
  func.func @_combine_body(%arg0: memref<10000x128xf32, #tpu.memory_space<vmem>>, %arg1: memref<2x10112x128xf32, #tpu.memory_space<vmem>>, %arg2: memref<32x10112xf32, #tpu.memory_space<vmem>>, %arg3: memref<10000x128xf32, #tpu.memory_space<vmem>>) attributes {dimension_semantics = [], scalar_prefetch = 0 : i64, scratch_operands = 0 : i64, tpu.core_type = #tpu.core_type<tc>} {
    %get3A = arith.constant 0 : index
    %get3A_0 = arith.constant 0 : index
    %get3A_1 = vector.load %arg0[%get3A, %get3A_0] : memref<10000x128xf32, #tpu.memory_space<vmem>>, vector<10000x128xf32>
    %get3A_2 = arith.constant 0 : index
    %get3A_3 = arith.constant 0 : index
    %get3A_4 = arith.constant 0 : index
    %get3A_5 = vector.load %arg1[%get3A_2, %get3A_3, %get3A_4] : memref<2x10112x128xf32, #tpu.memory_space<vmem>>, vector<1x10000x128xf32>
    %get3A_6 = vector.shape_cast %get3A_5 : vector<1x10000x128xf32> to vector<10000x128xf32>
    %add3A = arith.addf %get3A_1, %get3A_6 : vector<10000x128xf32>
    %get3A_7 = arith.constant 1 : index
    %get3A_8 = arith.constant 0 : index
    %get3A_9 = arith.constant 0 : index
    %get3A_10 = vector.load %arg1[%get3A_7, %get3A_8, %get3A_9] : memref<2x10112x128xf32, #tpu.memory_space<vmem>>, vector<1x10000x128xf32>
    %get3A_11 = vector.shape_cast %get3A_10 : vector<1x10000x128xf32> to vector<10000x128xf32>
    %add3A_12 = arith.addf %add3A, %get3A_11 : vector<10000x128xf32>
    %get3A_13 = arith.constant 0 : index
    %get3A_14 = arith.constant 0 : index
    %get3A_15 = vector.load %arg2[%get3A_13, %get3A_14] : memref<32x10112xf32, #tpu.memory_space<vmem>>, vector<32x10112xf32>
    %reduce_sum3A = arith.constant dense<0.000000e+00> : vector<10112xf32>
    %reduce_sum3A_16 = vector.multi_reduction <add>, %get3A_15, %reduce_sum3A [0] : vector<32x10112xf32> to vector<10112xf32>
    %slice3A = vector.extract_strided_slice %reduce_sum3A_16 {offsets = [0], sizes = [10000], strides = [1]} : vector<10112xf32> to vector<10000xf32>
    %add3A_17 = arith.constant 1.000000e+00 : f32
    %add3A_18 = vector.broadcast %add3A_17 : f32 to vector<10000xf32>
    %add3A_19 = arith.addf %add3A_18, %slice3A : vector<10000xf32>
    %broadcast_in_dim3A = vector.shape_cast %add3A_19 : vector<10000xf32> to vector<10000x1xf32>
    %div3A = vector.broadcast %broadcast_in_dim3A : vector<10000x1xf32> to vector<10000x128xf32>
    %div3A_20 = arith.divf %add3A_12, %div3A : vector<10000x128xf32>
    %swap3A = arith.constant 0 : index
    %swap3A_21 = arith.constant 0 : index
    %swap3A_22 = vector.load %arg3[%swap3A, %swap3A_21] : memref<10000x128xf32, #tpu.memory_space<vmem>>, vector<10000x128xf32>
    tpu.vector_store %arg3[%swap3A, %swap3A_21], %div3A_20 {strides = array<i32>} : memref<10000x128xf32, #tpu.memory_space<vmem>>, vector<10000x128xf32>,
    return
  }
}

</mosaic_0001>

<sc_bundles>
// kernel: kernel.5.cloned.1.call-start
scs
__scs_entry_jumppad:
0x0: {  	(pc) =	sbr.rel $0x88, $3  }
0x1: {  	(tag) =	ssettag $0x0;
	lr =	simm.s32 $0x1  }
0x2: {  	[smem:$0x3F9C] =	sst lr;
	_ =	strace $0xD0000000  }
0x3: {  	_ = 	snop  }
0x4: {  	_ = 	snop  }
0x5: {  	_ = 	snop  }
0x6: {  	_ = 	snop  }
0x7: {  	_ = 	snop  }
__scs_overlays_trampoline_lowered:
0x8: {  	[smem:$0x3FAB] =	sst s0  }
0x9: {  	[smem:$0x3FAC] =	sst s1  }
0xa: {  	[smem:$0x3FAD] =	sst s2  }
0xb: {  	[smem:$0x3FAE] =	sst s3  }
0xc: {  	[smem:$0x3FAF] =	sst s4  }
0xd: {  	[smem:$0x3FB0] =	sst s5  }
0xe: {  	[smem:$0x3FB1] =	sst s6  }
0xf: {  	[smem:$0x3FB2] =	sst s7  }
0x10: {  	[smem:$0x3FB3] =	sst s8  }
0x11: {  	[smem:$0x3FB4] =	sst s9;
	s0 =	simm.s32 @!p0 $0x0  }
0x12: {  	s1 =	sld [smem:$0x3F9A];
	s0 =	simm.s32 @p0 $0x1  }
0x13: {  	[smem:$0x3FB5] =	sst s0;
	s0 =	simm.s32 @!p1 $0x0  }
0x14: {  	s2 =	sld [smem:$0x3F99];
	s0 =	simm.s32 @p1 $0x1  }
0x15: {  	[smem:$0x3FB6] =	sst s0;
	s0 =	simm.s32 @!p2 $0x0  }
0x16: {  	s3 =	sld [smem:$0x3FDB];
	s0 =	simm.s32 @p2 $0x1  }
0x17: {  	s4 =	simm.s32 $0x1BF5;
	[smem:$0x3FB8] =	sst s0  }
0x18: {  	s0 =	sld [smem:$0x3F9B];
	_ =	swait.ge [sflag:s4], $0x0  }
0x19: {  	s7 =	sld [smem:$0x3F9C]  }
0x1a: {  	s8 =	sadd.s32 $0xFFFFE003, lr  }
0x1b: {  	s9 =	sadd.s32 $0xFFFFFEF7, lr;
	s5 =	simm.s32 $0xFFFFFFFF;
	p2 =	slt.u32 s8, $0xFFFFF086  }
0x1c: {  	p1 =	slt.u32 s9, $0xF7A;
	s5 =	simm.s32 @!p2 $0x0  }
0x1d: {  	s5 =	simm.s32 @p1 $0x1;
	p0 =	seq.s32 s7, s2  }
0x1e: {  	s7 =	smul.u32 @!p0 $0xF7A, s2;
	p2 =	seq.s32 @!p0 s5, $0x0  }
0x1f: {  	s9 =	smul.u32 $0xF7A, s1;
	s8 =	simm.s32 @!p0 $0x1BF5;
	p2 =	por !p2, p0  }
0x20: {  	[sflag:s8] =	ssyncset.s32 @!p0 $0xFFFFF086;
	s6 =	sadd.s32 @!p0 s3, s7;
	s7 =	simm.s32 @!p0 $0x108  }
0x21: {  	s3 =	sadd.s32 s3, s9;
	s6 =	sadd.s32 @!p0 $0x88, s6;
	s7 =	simm.s32 @p2 $0x1082  }
0x22: {  	[simem:s7], [sflag:s8] =	dma.local @!p0 [hbm:s6], $0xF7A  }
0x23: {  	s9 =	sor.u32 $0xD0000000, s2;
	s6 =	simm.s32 $0x108;
	_ =	swait.ge @!p0 [sflag:s8], $0x0  }
0x24: {  	s3 =	sadd.s32 $0x88, s3;
	s6 =	simm.s32 @!p1 $0x1082;
	[sflag:s4] =	ssyncset.s32 $0xFFFFF086  }
0x25: {  	[simem:s6], [sflag:s4] =	dma.local [hbm:s3], $0xF7A  }
0x26: {  	[smem:$0x3F9C] =	sst s1;
	(tag) =	ssettag s2;
	_ =	strace s9  }
0x27: {  	s1 =	sld [smem:$0x3FAC]  }
0x28: {  	s2 =	sld [smem:$0x3FAD]  }
0x29: {  	s4 =	sld [smem:$0x3FAF]  }
0x2a: {  	p0 =	seq.s32 s5, $0x0;
	s5 =	sld [smem:$0x3FB0]  }
0x2b: {  	s6 =	sld [smem:$0x3FB1]  }
0x2c: {  	s7 =	sld [smem:$0x3FB2]  }
0x2d: {  	s3 =	simm.s32 $0x108;
	s8 =	sld [smem:$0x3FB3]  }
0x2e: {  	s3 =	simm.s32 @!p0 $0x1082;
	s9 =	sld [smem:$0x3FB4]  }
0x2f: {  	lr =	sadd.s32 s0, s3;
	s0 =	sld [smem:$0x3FAB]  }
0x30: {  	s3 =	sld [smem:$0x3FAE]  }
0x31: {  	[smem:$0x3FB7] =	sst s10  }
0x32: {  	s10 =	sld [smem:$0x3FB5];
	_ =	sdelay $0x3  }
0x33: {  	p0 =	seq.s32 s10, $0x1;
	s10 =	sld [smem:$0x3FB7];
	_ =	sdelay $0x3  }
0x34: {  	[smem:$0x3FB7] =	sst s10  }
0x35: {  	s10 =	sld [smem:$0x3FB6];
	_ =	sdelay $0x3  }
0x36: {  	p1 =	seq.s32 s10, $0x1;
	s10 =	sld [smem:$0x3FB7];
	_ =	sdelay $0x3  }
0x37: {  	[smem:$0x3FB7] =	sst s10  }
0x38: {  	s10 =	sld [smem:$0x3FB8]  }
0x39: {  	_ = 	snop;
	(pc) =	sbr.ind lr, $3  }
0x3a: {  	_ = 	snop  }
0x3b: {  	_ = 	snop  }
0x3c: {  	p2 =	seq.s32 s10, $0x1;
	s10 =	sld [smem:$0x3FB7]  }
0x3d: {  	_ =	shalt  }
0x3e: {  	_ =	shalt  }
0x3f: {  	_ =	shalt  }
0x40: {  	_ =	shalt  }
0x41: {  	_ =	shalt  }
0x42: {  	_ =	shalt  }
0x43: {  	_ =	shalt  }
0x44: {  	_ =	shalt  }
0x45: {  	_ =	shalt  }
0x46: {  	_ =	shalt  }
0x47: {  	_ =	shalt  }
0x48: {  	_ =	shalt  }
0x49: {  	_ =	shalt  }
0x4a: {  	_ =	shalt  }
0x4b: {  	_ =	shalt  }
0x4c: {  	_ =	shalt  }
0x4d: {  	_ =	shalt  }
0x4e: {  	_ =	shalt  }
0x4f: {  	_ =	shalt  }
0x50: {  	_ =	shalt  }
0x51: {  	_ =	shalt  }
0x52: {  	_ =	shalt  }
0x53: {  	_ =	shalt  }
0x54: {  	_ =	shalt  }
0x55: {  	_ =	shalt  }
0x56: {  	_ =	shalt  }
0x57: {  	_ =	shalt  }
0x58: {  	_ =	shalt  }
0x59: {  	_ =	shalt  }
0x5a: {  	_ =	shalt  }
0x5b: {  	_ =	shalt  }
0x5c: {  	_ =	shalt  }
0x5d: {  	_ =	shalt  }
0x5e: {  	_ =	shalt  }
0x5f: {  	_ =	shalt  }
0x60: {  	_ =	shalt  }
0x61: {  	_ =	shalt  }
0x62: {  	_ =	shalt  }
0x63: {  	_ =	shalt  }
0x64: {  	_ =	shalt  }
0x65: {  	_ =	shalt  }
0x66: {  	_ =	shalt  }
0x67: {  	_ =	shalt  }
0x68: {  	_ =	shalt  }
0x69: {  	_ =	shalt  }
0x6a: {  	_ =	shalt  }
0x6b: {  	_ =	shalt  }
0x6c: {  	_ =	shalt  }
0x6d: {  	_ =	shalt  }
0x6e: {  	_ =	shalt  }
0x6f: {  	_ =	shalt  }
0x70: {  	_ =	shalt  }
0x71: {  	_ =	shalt  }
0x72: {  	_ =	shalt  }
0x73: {  	_ =	shalt  }
0x74: {  	_ =	shalt  }
0x75: {  	_ =	shalt  }
0x76: {  	_ =	shalt  }
0x77: {  	_ =	shalt  }
0x78: {  	_ =	shalt  }
0x79: {  	_ =	shalt  }
0x7a: {  	_ =	shalt  }
0x7b: {  	_ =	shalt  }
0x7c: {  	_ =	shalt  }
0x7d: {  	_ =	shalt  }
0x7e: {  	_ =	shalt  }
0x7f: {  	_ =	shalt  }
0x80: {  	_ =	shalt  }
0x81: {  	_ =	shalt  }
0x82: {  	_ =	shalt  }
0x83: {  	_ =	shalt  }
0x84: {  	_ =	shalt  }
0x85: {  	_ =	shalt  }
0x86: {  	_ =	shalt  }
0x87: {  	_ =	shalt  }
.Lfunc_end0:
.L_simem_size_0:
called_computation_lowered:
.L_overlay_start_0:
0x88: {  	s2 =	sld [smem:$0x3FD9]  }
0x89: {  	s3 =	sld [smem:$0x3FFE];
	_ =	sdelay $0x1  }
0x8a: {  	s1 =	srdreg.scid  }
0x8b: {  	s0 =	sand.u32 $0x1, s1  }
0x8c: {  	s14 =	sshll.u32 s0, $0xA;
	s2 =	sadd.s32 s3, s2  }
0x8d: {  	s2 =	sadd.s32 s2, s14  }
0x8e: {  	[smem:$0x3FC3] =	sst s2  }
0x8f: {  	_ = 	snop  }
0x90: {  	s2 =	sld [smem:$0x3FD0];
	_ =	sdelay $0x2  }
0x91: {  	s15 =	simm.s32 $0xA;
	s4 =	simm.s32 $0x10  }
0x92: {  	[smem:s4], [sflag:s15] =	dma.local [hbm:s2], $0x1  }
0x93: {  	_ =	swait.eq [sflag:s15], $0x1  }
0x94: {  	[sflag:s15] =	ssyncset.done $0x0  }
0x95: {  	s16 =	sld [smem:$0x10];
	[sflag:s15] =	ssyncadd.s32 $0xFFFFFFFF  }
0x96: {  	s17 =	sld [smem:$0x11];
	(tm) =	ssettm $0x1  }
0x97: {  	s18 =	sld [smem:$0x3FFB];
	_ =	sdelay $0x3  }
0x98: {  	_ =	strace s18  }
0x99: {  	s4 =	sld [smem:$0x3FFC];
	_ =	sdelay $0x3  }
0x9a: {  	_ =	strace s4  }
0x9b: {  	s4 =	sld [smem:$0x3FFD];
	_ =	sdelay $0x3  }
0x9c: {  	_ =	strace s4  }
0x9d: {  	_ =	strace $0x8FFFFFFF  }
0x9e: {  	s19 =	sld [smem:$0x3FDB];
	_ =	sdelay $0x1  }
0x9f: {  	s5 =	simm.s32 $_scs_section_size  }
0xa0: {  	s6 =	simm.s32 $_size__tile_overlayer_lowered;
	s7 =	simm.s32 $_tile_overlayer_lowered  }
0xa1: {  	s22 =	simm.s32 $0x1BFF;
	s21 =	sshll.u32 s7, $0x1;
	s4 =	sadd.s32 s5, s19  }
0xa2: {  	s8 =	simm.s32 $0x0;
	s20 =	sshll.u32 s6, $0x1;
	s6 =	sadd.s32 s21, s4  }
0xa3: {  	[timem:s8], [sflag:s22] =	dma.local [hbm:s6], s20  }
0xa4: {  	_ =	swait.ge [sflag:s22], s20  }
0xa5: {  	s5 =	ssub.s32 $0x0, s20;
	[sflag:s22] =	ssyncset.done $0x0  }
0xa6: {  	[sflag:s22] =	ssyncadd.s32 s5;
	_ =	sdelay $0x1  }
0xa7: {  	s23 =	simm.s32 $0x1B8B  }
0xa8: {  	_ =	swait.ge [sflag:s23], $0x1  }
0xa9: {  	[sflag:s23] =	ssyncset.done $0x0  }
0xaa: {  	s25 =	simm.s32 $0x1B8E;
	s24 =	sld [smem:$0x3FFE];
	[sflag:s23] =	ssyncadd.s32 $0xFFFFFFFF  }
0xab: {  	s26 =	simm.s32 $execute0_lowered;
	[smem:$0x3FD2] =	sst s25  }
0xac: {  	s6 =	sshll.u32 s26, $0x1;
	_ =	strace $0x80000046;
	[dreg:$0x1] =	wrdreg $0xFFFFFFFF  }
0xad: {  	s28 =	simm.s32 $_size_execute0_lowered;
	s4 =	sadd.s32 s4, s6;
	[dreg:$0x0] =	wrdreg $0x0  }
0xae: {  	s6 =	sshll.u32 s28, $0x1;
	[dreg:$0x2] =	wrdreg s4  }
0xaf: {  	[dreg:$0x3] =	wrdreg s6  }
0xb0: {  	[dreg:$0x4] =	wrdreg $0xC0  }
0xb1: {  	_ =	task [dreg:s8], $0x5FFFF  }
0xb2: {  	[dreg:$0x1] =	wrdreg $0xFFFFFFFF  }
0xb3: {  	[dreg:$0x0] =	wrdreg $0x60  }
0xb4: {  	[dreg:$0x2] =	wrdreg s16  }
0xb5: {  	[dreg:$0x3] =	wrdreg s24  }
0xb6: {  	[dreg:$0x4] =	wrdreg s17  }
0xb7: {  	[dreg:$0x5] =	wrdreg $0x0  }
0xb8: {  	[dreg:$0x6] =	wrdreg $0x9  }
0xb9: {  	_ =	task.clear_ibuf [dreg:s8], $0x7FFFF;
	_ =	strace $0x90000046  }
0xba: {  	s29 =	simm.s32 $0x9;
	_ =	strace $0x80000048  }
0xbb: {  	_ =	swait.ge [sflag:s29], $0x1  }
0xbc: {  	[sflag:s29] =	ssyncadd.s32 $0xFFFFFFFF  }
0xbd: {  	_ =	strace $0x90000048  }
0xbe: {  	_ =	sfence  }
0xbf: {  	s30 =	sld [smem:$0x0];
	_ =	sdelay $0x2  }
0xc0: {  	s31 =	sshll.u32 s1, $0xD;
	s1 =	sshrl.u32 s1, $0x2  }
0xc1: {  	s3 =	sand.u32 $0x4000, s31;
	s1 =	sadd.s32 s1, s30  }
0xc2: {  	s0 =	sor.u32 s3, s0;
	s1 =	sshll.u32 s1, $0x11  }
0xc3: {  	s0 =	sor.u32 s1, s0  }
0xc4: {  	s0 =	sadd.s32 $0x8F2B, s0  }
0xc5: {  	[sflag:s0] =	ssyncadd.remote.s32 $0x1  }
0xc6: {  	_ =	sfence.sel $0xFFFF  }
0xc7: {  	[dreg:$0x0] =	wrdreg $0xFFFFFFFF;
	(pc) =	sbr.abs _section_cstart, $3  }
0xc8: {  	[dreg:$0x1] =	wrdreg $0xFFFFFFFF  }
0xc9: {  	_ =	task.clear_ibuf [dreg:s8], $0x2FFFF;
	_ =	strace $0x9FFFFFFF  }
0xca: {  	(tm) =	ssettm $0x7FFFFFFF  }
0xcb: {  	_ =	shalt  }
tec
execute0_lowered:
.L_overlay_start_1:
0x0: {  	(tag) =	ssettag $0x1  }
0x1: {  	s0 =	rddreg [dreg:$0x0]  }
0x2: {  	s1 =	rddreg [dreg:$0x1]  }
0x3: {  	s2 =	rddreg [dreg:$0x2]  }
0x4: {  	s4 =	srdreg.scid;
	s3 =	rddreg [dreg:$0x3]  }
0x5: {  	s9 =	stileid.u32;
	s17 =	simm.s32 $0x16600;
	s18 =	simm.s32 $0x7  }
0x6: {  	s28 =	simm.s32 $0x40;
	s29 =	simm.s32 $0x1E600;
	s7 =	smul.u32 $0x13C00, s9  }
0x7: {  	s6 =	sand.u32 $0x1, s4;
	s8 =	smul.u32 $0x4F000, s9;
	s9 =	sshll.u32 s9, $0x1  }
0x8: {  	s30 =	simm.s32 $0x1E680;
	s5 =	smul.u32 $0x13C000, s6;
	s11 =	sor.u32 s6, s9  }
0x9: {  	s31 =	simm.s32 $0x4;
	s4 =	simm.s32 $0x0;
	s22 =	smul.u32 $0x7680, s11  }
0xa: {  	s19 =	simm.s32 $0x5;
	[smem:$0x7FF] =	sst s4;
	s9 =	smul.u32 $0x9E, s11  }
0xb: {  	s20 =	ssub.s32 $0x2, s6;
	_ =	strace $0x80000047;
	s26 =	smul.u32 $0xED0, s11  }
0xc: {  	s10 =	sshrl.u32 s20, $0x1;
	s21 =	sshrl.u32 s8, $0x2;
	s11 =	smul.u32 $0x4F0, s11  }
0xd: {  	s7 =	sadd.s32 s7, s5;
	s5 =	sadd.s32 $0x1600, s1;
	s6 =	sadd.s32 s21, s3  }
0xe: {  	s21 =	simm.s32 $0x16500;
	s7 =	sshrl.u32 s7, $0x3;
	s23 =	sadd.s32 $0x4000, s6  }
0xf: {  	s24 =	sadd.s32 $0x8000, s6;
	s25 =	sadd.s32 $0xC000, s6;
	s8 =	sshrl.u32 s22, $0x3  }
0x10: {  	s12 =	sadd.s32 $0x10000, s6;
	s15 =	sadd.s32 s2, s11;
	[dreg:$0x5] =	wrdreg s23  }
0x11: {  	s22 =	simm.s32 $0x2;
	s2 =	simm.s32 $0x1E780;
	[dreg:$0x6] =	wrdreg s24  }
0x12: {  	s1 =	sadd.s32 s7, s1;
	s7 =	ssub.s32 s20, s10;
	[dreg:$0x7] =	wrdreg s25  }
0x13: {  	v0 =	vimm.f32 $0.0e+00;
	[dreg:$0x8] =	wrdreg s12;
	s8 =	sadd.s32 s5, s8;
	s10 =	sadd.s32 s5, s26  }
.Ltmp0:
0x14: {  	v1 =	vimm.s32 $0x1;
	v2 =	vimm.s32 $0x2;
	v3 =	vimm.s32 $0x3;
	s20 =	simm.s32 $0x80;
	s23 =	simm.s32 $0x1A600;
	(pc) =	sbr.rel .LBB2_1-.Ltmp0, $4  }
0x15: {  	v4 =	vimm.s32 $0x4;
	v5 =	vimm.s32 $0x5;
	v6 =	vimm.s32 $0x6;
	s24 =	simm.s32 $0x3;
	s25 =	simm.s32 $0x13C00;
	s26 =	simm.s32 $0x16380  }
0x16: {  	v7 =	vimm.s32 $0x7;
	v8 =	vimm.s32 $0x8;
	v9 =	vimm.s32 $0x9;
	[dreg:$0x9] =	wrdreg s10;
	s8 =	sadd.s32 $0x18, s8;
	s1 =	sadd.s32 $0x1F000, s1  }
0x17: {  	v10 =	vimm.s32 $0xA;
	v11 =	vimm.s32 $0xB;
	v12 =	vimm.s32 $0xC;
	s16 =	smax.u32 s7, $0x1;
	s7 =	simm.s32 $0x6;
	[dreg:$0xa] =	wrdreg s8  }
0x18: {  	v13 =	vimm.s32 $0xD;
	v14 =	vimm.s32 $0xE;
	v15 =	vimm.s32 $0xF;
	[dreg:$0xb] =	wrdreg s1;
	s1 =	simm.s32 $0x1E700;
	s8 =	simm.s32 $0x0  }
.LBB2_12:
0x19: {  	_ =	swait.ge [sflag:s19], $0x2000  }
0x1a: {  	[sflag:s19] =	ssyncset.done $0x0  }
0x1b: {  	[sflag:s19] =	ssyncadd.s32 $0xFFFFE000  }
0x1c: {  	_ =	swait.ge [sflag:s19], $0x2000  }
0x1d: {  	[sflag:s19] =	ssyncset.done $0x0  }
0x1e: {  	[sflag:s19] =	ssyncadd.s32 $0xFFFFE000  }
0x1f: {  	_ =	swait.ge [sflag:s7], $0x2000  }
0x20: {  	[sflag:s7] =	ssyncset.done $0x0  }
0x21: {  	[sflag:s7] =	ssyncadd.s32 $0xFFFFE000  }
0x22: {  	_ =	swait.ge [sflag:s7], $0x2000  }
0x23: {  	[sflag:s7] =	ssyncset.done $0x0  }
0x24: {  	s10 =	stileid.u32;
	[sflag:s7] =	ssyncadd.s32 $0xFFFFE000  }
0x25: {  	s10 =	sshll.u32 s10, $0x6;
	[bflag:$0x0] =	sbarrier.arrive $0xFFFF  }
0x26: {  	s11 =	sshrl.u32 s6, $0x3;
	s10 =	sor.u32 $0x1C07, s10;
	s12 =	rddreg [dreg:$0xb]  }
0x27: {  	[hbm:s12], [sflag:s10] =	dma.local [spmem:s11], $0x2780  }
0x28: {  	s8 =	sadd.s32 $0x1, s8;
	_ =	swait.ge [sflag:s18], $0x2780  }
0x29: {  	p0 =	sne.s32 s8, s16;
	[sflag:s18] =	ssyncset.done $0x0  }
.Ltmp1:
0x2a: {  	[sflag:s18] =	ssyncadd.s32 $0xFFFFD880;
	(pc) =	sbr.rel @!p0 .LBB2_13-.Ltmp1, $4  }
0x2b: {  	[hbm4b:s15+s4] =	stream.linear.scatter [tilespmem:s25], [sflag:$0x7], $0x2780, $0x38;
	[tilespmem:$0x1E800] =	vst v63  }
0x2c: {  	_ =	swait.ge [sflag:s18], $0x2780  }
0x2d: {  	[sflag:s18] =	ssyncset.done $0x0  }
0x2e: {  	[sflag:s18] =	ssyncadd.s32 $0xFFFFD880  }
.LBB2_1:
0x2f: {  	s10 =	simm.s32 $0x0;
	s11 =	simm.s32 $0x200  }
.LBB2_2:
0x30: {  	p0 =	sne.s32 s11, $0xFE00;
	[tilespmem:s10+$0x16670] =	vst v0  }
0x31: {  	[tilespmem:s10+$0x16600] =	vst v0  }
0x32: {  	[tilespmem:s10+$0x16610] =	vst v0  }
.Ltmp2:
0x33: {  	[tilespmem:s10+$0x16620] =	vst v0;
	(pc) =	sbr.rel @p0 .LBB2_2-.Ltmp2, $4  }
0x34: {  	[tilespmem:s10+$0x16630] =	vst v0  }
0x35: {  	[tilespmem:s10+$0x16640] =	vst v0  }
0x36: {  	[tilespmem:s10+$0x16650] =	vst v0  }
0x37: {  	[tilespmem:s10+$0x16660] =	vst v0;
	s10 =	sshra.s32 s11, $0x2;
	s11 =	sadd.s32 $0x200, s11  }
0x38: {  	[tilespmem:s10+$0x16670] =	vst v0  }
0x39: {  	[tilespmem:s10+$0x16600] =	vst v0  }
0x3a: {  	[tilespmem:s10+$0x16610] =	vst v0  }
0x3b: {  	[tilespmem:s10+$0x16620] =	vst v0  }
0x3c: {  	[tilespmem:s10+$0x16630] =	vst v0  }
0x3d: {  	[tilespmem:s10+$0x16640] =	vst v0  }
0x3e: {  	[tilespmem:s10+$0x16650] =	vst v0  }
0x3f: {  	[tilespmem:s10+$0x16660] =	vst v0  }
0x40: {  	[spmem:s6] =	stream.linear.scatter [tilespmem:s17], [sflag:$0x7], $0x4000, $0x38;
	[tilespmem:$0x1E800] =	vst v63  }
0x41: {  	_ =	swait.ge [sflag:s18], $0x4000  }
0x42: {  	[sflag:s18] =	ssyncset.done $0x0  }
0x43: {  	s11 =	rddreg [dreg:$0x5];
	[sflag:s18] =	ssyncadd.s32 $0xFFFFC000  }
0x44: {  	[spmem:s11] =	stream.linear.scatter [tilespmem:s17], [sflag:$0x7], $0x4000, $0x38;
	[tilespmem:$0x1E800] =	vst v63  }
0x45: {  	_ =	swait.ge [sflag:s18], $0x4000  }
0x46: {  	[sflag:s18] =	ssyncset.done $0x0  }
0x47: {  	s12 =	rddreg [dreg:$0x6];
	[sflag:s18] =	ssyncadd.s32 $0xFFFFC000  }
0x48: {  	[spmem:s12] =	stream.linear.scatter [tilespmem:s17], [sflag:$0x7], $0x4000, $0x38;
	[tilespmem:$0x1E800] =	vst v63  }
0x49: {  	_ =	swait.ge [sflag:s18], $0x4000  }
0x4a: {  	[sflag:s18] =	ssyncset.done $0x0  }
0x4b: {  	s13 =	rddreg [dreg:$0x7];
	[sflag:s18] =	ssyncadd.s32 $0xFFFFC000  }
0x4c: {  	[spmem:s13] =	stream.linear.scatter [tilespmem:s17], [sflag:$0x7], $0x4000, $0x38;
	[tilespmem:$0x1E800] =	vst v63  }
0x4d: {  	_ =	swait.ge [sflag:s18], $0x4000  }
0x4e: {  	[sflag:s18] =	ssyncset.done $0x0  }
0x4f: {  	s14 =	rddreg [dreg:$0x8];
	[sflag:s18] =	ssyncadd.s32 $0xFFFFC000  }
0x50: {  	[spmem:s14] =	stream.linear.scatter [tilespmem:s17], [sflag:$0x7], $0x3C00, $0x38;
	[tilespmem:$0x1E800] =	vst v63  }
0x51: {  	_ =	swait.ge [sflag:s18], $0x3C00  }
0x52: {  	[sflag:s18] =	ssyncset.done $0x0  }
0x53: {  	s10 =	simm.s32 $0x40;
	s11 =	simm.s32 $0x0;
	[sflag:s18] =	ssyncadd.s32 $0xFFFFC400  }
.LBB2_4:
0x54: {  	p0 =	sne.s32 s10, $0x9DC0;
	[tilespmem:s11+$0x13C00] =	vst v0;
	s11 =	smov.u32 s10;
	s10 =	sadd.s32 $0x40, s10  }
.Ltmp3:
0x55: {  	(pc) =	sbr.rel @p0 .LBB2_4-.Ltmp3, $2  }
0x56: {  	_ =	sdelay $0x2  }
0x57: {  	s11 =	sshra.s32 s11, $0x2  }
0x58: {  	[tilespmem:s11+$0x13C00] =	vst v0  }
0x59: {  	[bflag:$0x0] =	sbarrier.arrive $0xFFFF  }
0x5a: {  	s10 =	simm.s32 $0x0;
	s12 =	simm.s32 $0x16400;
	s13 =	rddreg [dreg:$0x9]  }
0x5b: {  	[tilespmem:s12], [sflag:$0x7] =	stream.linear.gather [hbm4b:s13+s10], $0xC0, $0x38;
	[tilespmem:$0x1E800] =	vst v63  }
0x5c: {  	_ =	swait.ge [sflag:s18], $0xC0  }
0x5d: {  	[sflag:s18] =	ssyncset.done $0x0  }
0x5e: {  	[sflag:s18] =	ssyncadd.s32 $0xFFFFFF40  }
0x5f: {  	[tilespmem:s17], [sflag:$0x3] =	stream.indirect.gather [hbm4b:s0+s20], $0x80, s12, s20, $0xb8;
	[tilespmem:$0x1E800] =	vst v63  }
0x60: {  	s14 =	rddreg [dreg:$0xa]  }
0x61: {  	[tilespmem:s21], [sflag:$0x2] =	stream.linear.gather [hbm4b:s14+s10], $0xC0, $0x38;
	[tilespmem:$0x1E800] =	vst v63  }
.LBB2_6:
0x62: {  	p0 =	seq.s32 s10, $0x0  }
0x63: {  	s11 =	simm.s32 @!p0 $0x6  }
0x64: {  	_ =	swait.ge @!p0 [sflag:s11], $0x2000  }
0x65: {  	[sflag:s11] =	ssyncset.done @!p0 $0x0  }
0x66: {  	[sflag:s11] =	ssyncadd.s32 @!p0 $0xFFFFE000  }
0x67: {  	_ =	swait.ge @!p0 [sflag:s11], $0x2000  }
0x68: {  	[sflag:s11] =	ssyncset.done @!p0 $0x0  }
0x69: {  	[sflag:s11] =	ssyncadd.s32 @!p0 $0xFFFFE000  }
0x6a: {  	_ =	swait.ge [sflag:s22], $0xC0  }
0x6b: {  	[sflag:s22] =	ssyncset.done $0x0  }
0x6c: {  	[sflag:s22] =	ssyncadd.s32 $0xFFFFFF40  }
0x6d: {  	[tilespmem:s23], [sflag:$0x4] =	stream.indirect.gather [hbm4b:s0+s20], $0x80, s21, s20, $0xb8;
	[tilespmem:$0x1E800] =	vst v63  }
0x6e: {  	_ =	swait.ge [sflag:s24], $0x4000  }
0x6f: {  	[sflag:s24] =	ssyncset.done $0x0  }
0x70: {  	s12 =	simm.s32 $0x0;
	s11 =	sshll.u32 s10, $0x1;
	[sflag:s24] =	ssyncadd.s32 $0xFFFFC000  }
.LBB2_7:
0x71: {  	s13 =	sshll.u32 s12, $0x4  }
0x72: {  	v16 =	vld [tilespmem:s13+$0x16480];
	_ =	sdelay $0x4  }
0x73: {  	v16 =	vadd.f32 $-1.000000000e+01, v16;
	_ =	sdelay $0x1  }
0x74: {  	v16 =	vmul.f32 $1.442695020e+00, v16;
	_ =	sdelay $0x1  }
0x75: {  	(erf) = vpow2.f32 v16;
	_ =	sdelay $0x8  }
0x76: {  	v16 =	vpop (erf)  }
0x77: {  	[tilespmem:$0x16380] =	vst v16  }
0x78: {  	v17 =	vld [tilespmem:s13+$0x16400]  }
0x79: {  	v18 =	vld [tilespmem:s13+$0x16440];
	_ =	sdelay $0x6  }
0x7a: {  	[tilespmem:v17+s25+$0x0] =	vst.idx.add.f32.msk $0xffff, v16  }
0x7b: {  	s14 =	sshll.u32 s12, $0xB;
	[tilespmem:v18+s25+$0x0] =	vst.idx.add.f32.msk $0xffff, v16  }
0x7c: {  	s13 =	sand.u32 $0x3FFFF800, s14;
	v16 =	vld.msk [tilespmem:s26+$0x0], $0xffff  }
0x7d: {  	s14 =	sor.u32 $0x2000, s14;
	v17 =	vld [tilespmem:s13+$0x16600]  }
0x7e: {  	s14 =	sand.u32 $0x3FFFF800, s14  }
0x7f: {  	v18 =	vld [tilespmem:s14+$0x16600];
	_ =	sdelay $0x2  }
0x80: {  	v17 =	vmul.f32 v17, v16;
	_ =	sdelay $0x1  }
0x81: {  	v17 =	vmul.f32 v18, v17  }
0x82: {  	v34 =	vld [tilespmem:s13+$0x16610]  }
0x83: {  	[tilespmem:s13+$0x16600] =	vst v17  }
0x84: {  	v17 =	vld [tilespmem:s14+$0x16610];
	_ =	sdelay $0x2  }
0x85: {  	v18 =	vmul.f32 v34, v16;
	_ =	sdelay $0x1  }
0x86: {  	v17 =	vmul.f32 v17, v18  }
0x87: {  	v35 =	vld [tilespmem:s13+$0x16620]  }
0x88: {  	[tilespmem:s13+$0x16610] =	vst v17  }
0x89: {  	v17 =	vld [tilespmem:s14+$0x16620];
	_ =	sdelay $0x2  }
0x8a: {  	v18 =	vmul.f32 v35, v16;
	_ =	sdelay $0x1  }
0x8b: {  	v17 =	vmul.f32 v17, v18  }
0x8c: {  	v36 =	vld [tilespmem:s13+$0x16630]  }
0x8d: {  	[tilespmem:s13+$0x16620] =	vst v17  }
0x8e: {  	v17 =	vld [tilespmem:s14+$0x16630];
	_ =	sdelay $0x2  }
0x8f: {  	v18 =	vmul.f32 v36, v16;
	_ =	sdelay $0x1  }
0x90: {  	v17 =	vmul.f32 v17, v18  }
0x91: {  	v37 =	vld [tilespmem:s13+$0x16640]  }
0x92: {  	[tilespmem:s13+$0x16630] =	vst v17  }
0x93: {  	v17 =	vld [tilespmem:s14+$0x16640];
	_ =	sdelay $0x2  }
0x94: {  	v18 =	vmul.f32 v37, v16;
	_ =	sdelay $0x1  }
0x95: {  	v17 =	vmul.f32 v17, v18  }
0x96: {  	v38 =	vld [tilespmem:s13+$0x16650]  }
0x97: {  	[tilespmem:s13+$0x16640] =	vst v17  }
0x98: {  	v17 =	vld [tilespmem:s14+$0x16650];
	_ =	sdelay $0x2  }
0x99: {  	v18 =	vmul.f32 v38, v16;
	_ =	sdelay $0x1  }
0x9a: {  	v17 =	vmul.f32 v17, v18  }
0x9b: {  	v39 =	vld [tilespmem:s13+$0x16660]  }
0x9c: {  	[tilespmem:s13+$0x16650] =	vst v17  }
0x9d: {  	v17 =	vld [tilespmem:s14+$0x16660];
	_ =	sdelay $0x2  }
0x9e: {  	v18 =	vmul.f32 v39, v16;
	_ =	sdelay $0x1  }
0x9f: {  	v17 =	vmul.f32 v17, v18  }
0xa0: {  	v40 =	vld [tilespmem:s13+$0x16670]  }
0xa1: {  	[tilespmem:s13+$0x16660] =	vst v17  }
0xa2: {  	v17 =	vld [tilespmem:s14+$0x16670]  }
0xa3: {  	v41 =	vld [tilespmem:s13+$0x18680]  }
0xa4: {  	v19 =	vld [tilespmem:s13+$0x16690]  }
0xa5: {  	v20 =	vld [tilespmem:s13+$0x18690];
	v16 =	vmul.f32 v40, v16  }
0xa6: {  	v21 =	vld [tilespmem:s13+$0x166A0]  }
0xa7: {  	v22 =	vld [tilespmem:s13+$0x186A0];
	v16 =	vmul.f32 v17, v16  }
0xa8: {  	v23 =	vld [tilespmem:s13+$0x166B0]  }
0xa9: {  	v17 =	vld [tilespmem:s13+$0x16680];
	[tilespmem:s13+$0x16670] =	vst v16  }
0xaa: {  	v16 =	vld.idx.msk [tilespmem:v1+s26+$0x0], $0xffff  }
0xab: {  	v24 =	vld [tilespmem:s13+$0x186B0]  }
0xac: {  	v25 =	vld [tilespmem:s13+$0x166C0]  }
0xad: {  	v27 =	vld [tilespmem:s13+$0x166D0]  }
0xae: {  	v28 =	vld [tilespmem:s13+$0x186D0]  }
0xaf: {  	v29 =	vld [tilespmem:s13+$0x166E0];
	v17 =	vmul.f32 v17, v16  }
0xb0: {  	v43 =	vld [tilespmem:s13+$0x166F0];
	v19 =	vmul.f32 v19, v16;
	v42 =	vmul.f32 v21, v16  }
0xb1: {  	v26 =	vld [tilespmem:s13+$0x186C0];
	v44 =	vmul.f32 v23, v16;
	v17 =	vmul.f32 v41, v17  }
0xb2: {  	v47 =	vld [tilespmem:s13+$0x186F0];
	v46 =	vmul.f32 v25, v16;
	v19 =	vmul.f32 v20, v19  }
0xb3: {  	v45 =	vld [tilespmem:s13+$0x186E0];
	v49 =	vmul.f32 v27, v16;
	v48 =	vmul.f32 v24, v44;
	[tilespmem:s13+$0x16680] =	vst v17  }
0xb4: {  	v52 =	vld [tilespmem:s13+$0x18700];
	v50 =	vmul.f32 v29, v16;
	v17 =	vmul.f32 v22, v42;
	[tilespmem:s13+$0x16690] =	vst v19  }
0xb5: {  	v53 =	vld [tilespmem:s13+$0x16710];
	v16 =	vmul.f32 v43, v16;
	v51 =	vmul.f32 v28, v49;
	[tilespmem:s13+$0x166B0] =	vst v48  }
0xb6: {  	v54 =	vld [tilespmem:s13+$0x18710];
	[tilespmem:s13+$0x166A0] =	vst v17;
	v17 =	vmul.f32 v26, v46  }
0xb7: {  	v55 =	vld [tilespmem:s13+$0x16720];
	v16 =	vmul.f32 v47, v16;
	[tilespmem:s13+$0x166D0] =	vst v51  }
0xb8: {  	v56 =	vld [tilespmem:s13+$0x18720];
	[tilespmem:s13+$0x166C0] =	vst v17;
	v17 =	vmul.f32 v45, v50  }
0xb9: {  	v57 =	vld [tilespmem:s13+$0x16730];
	[tilespmem:s13+$0x166F0] =	vst v16  }
0xba: {  	[tilespmem:s13+$0x166E0] =	vst v17;
	v17 =	vld [tilespmem:s13+$0x16700]  }
0xbb: {  	v16 =	vld.idx.msk [tilespmem:v2+s26+$0x0], $0xffff  }
0xbc: {  	v58 =	vld [tilespmem:s13+$0x18730]  }
0xbd: {  	v59 =	vld [tilespmem:s13+$0x16740]  }
0xbe: {  	v61 =	vld [tilespmem:s13+$0x16750]  }
0xbf: {  	v62 =	vld [tilespmem:s13+$0x18750]  }
0xc0: {  	v63 =	vld [tilespmem:s13+$0x16760];
	v17 =	vmul.f32 v17, v16  }
0xc1: {  	v31 =	vld [tilespmem:s13+$0x16770];
	v19 =	vmul.f32 v53, v16;
	v30 =	vmul.f32 v55, v16  }
0xc2: {  	v60 =	vld [tilespmem:s13+$0x18740];
	v32 =	vmul.f32 v57, v16;
	v17 =	vmul.f32 v52, v17  }
0xc3: {  	v35 =	vld [tilespmem:s13+$0x18770];
	v34 =	vmul.f32 v59, v16;
	v19 =	vmul.f32 v54, v19  }
0xc4: {  	v33 =	vld [tilespmem:s13+$0x18760];
	v37 =	vmul.f32 v61, v16;
	v36 =	vmul.f32 v58, v32;
	[tilespmem:s13+$0x16700] =	vst v17  }
0xc5: {  	v40 =	vld [tilespmem:s13+$0x18780];
	v38 =	vmul.f32 v63, v16;
	v17 =	vmul.f32 v56, v30;
	[tilespmem:s13+$0x16710] =	vst v19  }
0xc6: {  	v43 =	vld [tilespmem:s13+$0x167A0];
	v16 =	vmul.f32 v31, v16;
	v39 =	vmul.f32 v62, v37;
	[tilespmem:s13+$0x16730] =	vst v36  }
0xc7: {  	v41 =	vld [tilespmem:s13+$0x16790];
	[tilespmem:s13+$0x16720] =	vst v17;
	v17 =	vmul.f32 v60, v34  }
0xc8: {  	v44 =	vld [tilespmem:s13+$0x187A0];
	v16 =	vmul.f32 v35, v16;
	[tilespmem:s13+$0x16750] =	vst v39  }
0xc9: {  	v47 =	vld [tilespmem:s13+$0x167C0];
	[tilespmem:s13+$0x16740] =	vst v17;
	v17 =	vmul.f32 v33, v38  }
0xca: {  	v49 =	vld [tilespmem:s13+$0x167D0];
	[tilespmem:s13+$0x16770] =	vst v16  }
0xcb: {  	[tilespmem:s13+$0x16760] =	vst v17;
	v17 =	vld [tilespmem:s13+$0x16780]  }
0xcc: {  	v16 =	vld.idx.msk [tilespmem:v3+s26+$0x0], $0xffff  }
0xcd: {  	v42 =	vld [tilespmem:s13+$0x18790]  }
0xce: {  	v45 =	vld [tilespmem:s13+$0x167B0]  }
0xcf: {  	v51 =	vld [tilespmem:s13+$0x167E0]  }
0xd0: {  	v46 =	vld [tilespmem:s13+$0x187B0]  }
0xd1: {  	v50 =	vld [tilespmem:s13+$0x187D0];
	v17 =	vmul.f32 v17, v16  }
0xd2: {  	v53 =	vld [tilespmem:s13+$0x167F0];
	v19 =	vmul.f32 v41, v16;
	v52 =	vmul.f32 v43, v16  }
0xd3: {  	v48 =	vld [tilespmem:s13+$0x187C0];
	v54 =	vmul.f32 v45, v16;
	v17 =	vmul.f32 v40, v17  }
0xd4: {  	v57 =	vld [tilespmem:s13+$0x187F0];
	v56 =	vmul.f32 v47, v16;
	v19 =	vmul.f32 v42, v19  }
0xd5: {  	v55 =	vld [tilespmem:s13+$0x187E0];
	v59 =	vmul.f32 v49, v16;
	v58 =	vmul.f32 v46, v54;
	[tilespmem:s13+$0x16780] =	vst v17  }
0xd6: {  	v63 =	vld [tilespmem:s13+$0x16810];
	v60 =	vmul.f32 v51, v16;
	v17 =	vmul.f32 v44, v52;
	[tilespmem:s13+$0x16790] =	vst v19  }
0xd7: {  	v62 =	vld [tilespmem:s13+$0x18800];
	v16 =	vmul.f32 v53, v16;
	v61 =	vmul.f32 v50, v59;
	[tilespmem:s13+$0x167B0] =	vst v58  }
0xd8: {  	v32 =	vld [tilespmem:s13+$0x18810];
	[tilespmem:s13+$0x167A0] =	vst v17;
	v17 =	vmul.f32 v48, v56  }
0xd9: {  	v35 =	vld [tilespmem:s13+$0x16830];
	v16 =	vmul.f32 v57, v16;
	[tilespmem:s13+$0x167D0] =	vst v61  }
0xda: {  	v37 =	vld [tilespmem:s13+$0x16840];
	[tilespmem:s13+$0x167C0] =	vst v17;
	v17 =	vmul.f32 v55, v60  }
0xdb: {  	v36 =	vld [tilespmem:s13+$0x18830];
	[tilespmem:s13+$0x167F0] =	vst v16  }
0xdc: {  	[tilespmem:s13+$0x167E0] =	vst v17;
	v17 =	vld [tilespmem:s13+$0x16800]  }
0xdd: {  	v16 =	vld.idx.msk [tilespmem:v4+s26+$0x0], $0xffff  }
0xde: {  	v33 =	vld [tilespmem:s13+$0x16820]  }
0xdf: {  	v39 =	vld [tilespmem:s13+$0x16850]  }
0xe0: {  	v34 =	vld [tilespmem:s13+$0x18820]  }
0xe1: {  	v41 =	vld [tilespmem:s13+$0x16860]  }
0xe2: {  	v43 =	vld [tilespmem:s13+$0x16870];
	v17 =	vmul.f32 v17, v16  }
0xe3: {  	v40 =	vld [tilespmem:s13+$0x18850];
	v19 =	vmul.f32 v63, v16;
	v42 =	vmul.f32 v33, v16  }
0xe4: {  	v38 =	vld [tilespmem:s13+$0x18840];
	v44 =	vmul.f32 v35, v16;
	v17 =	vmul.f32 v62, v17  }
0xe5: {  	v47 =	vld [tilespmem:s13+$0x18870];
	v46 =	vmul.f32 v37, v16;
	v19 =	vmul.f32 v32, v19  }
0xe6: {  	v45 =	vld [tilespmem:s13+$0x18860];
	v49 =	vmul.f32 v39, v16;
	v48 =	vmul.f32 v36, v44;
	[tilespmem:s13+$0x16800] =	vst v17  }
0xe7: {  	v31 =	vld [tilespmem:s13+$0x168F0];
	v50 =	vmul.f32 v41, v16;
	v17 =	vmul.f32 v34, v42;
	[tilespmem:s13+$0x16810] =	vst v19  }
0xe8: {  	v53 =	vld [tilespmem:s13+$0x16890];
	v16 =	vmul.f32 v43, v16;
	v51 =	vmul.f32 v40, v49;
	[tilespmem:s13+$0x16830] =	vst v48  }
0xe9: {  	v54 =	vld [tilespmem:s13+$0x18890];
	[tilespmem:s13+$0x16820] =	vst v17;
	v17 =	vmul.f32 v38, v46  }
0xea: {  	v57 =	vld [tilespmem:s13+$0x168B0];
	v16 =	vmul.f32 v47, v16;
	[tilespmem:s13+$0x16850] =	vst v51  }
0xeb: {  	v59 =	vld [tilespmem:s13+$0x168C0];
	[tilespmem:s13+$0x16840] =	vst v17;
	v17 =	vmul.f32 v45, v50  }
0xec: {  	v52 =	vld [tilespmem:s13+$0x18880];
	[tilespmem:s13+$0x16870] =	vst v16  }
0xed: {  	[tilespmem:s13+$0x16860] =	vst v17;
	v17 =	vld [tilespmem:s13+$0x16880]  }
0xee: {  	v16 =	vld.idx.msk [tilespmem:v5+s26+$0x0], $0xffff  }
0xef: {  	v55 =	vld [tilespmem:s13+$0x168A0]  }
0xf0: {  	v58 =	vld [tilespmem:s13+$0x188B0]  }
0xf1: {  	v61 =	vld [tilespmem:s13+$0x168D0]  }
0xf2: {  	v56 =	vld [tilespmem:s13+$0x188A0]  }
0xf3: {  	v63 =	vld [tilespmem:s13+$0x168E0];
	v17 =	vmul.f32 v17, v16  }
0xf4: {  	v62 =	vld [tilespmem:s13+$0x188D0];
	v19 =	vmul.f32 v53, v16;
	v30 =	vmul.f32 v55, v16  }
0xf5: {  	v60 =	vld [tilespmem:s13+$0x188C0];
	v32 =	vmul.f32 v57, v16;
	v17 =	vmul.f32 v52, v17  }
0xf6: {  	v35 =	vld [tilespmem:s13+$0x188F0];
	v34 =	vmul.f32 v59, v16;
	v19 =	vmul.f32 v54, v19  }
0xf7: {  	v33 =	vld [tilespmem:s13+$0x188E0];
	v37 =	vmul.f32 v61, v16;
	v36 =	vmul.f32 v58, v32;
	[tilespmem:s13+$0x16880] =	vst v17  }
0xf8: {  	v41 =	vld [tilespmem:s13+$0x16910];
	v38 =	vmul.f32 v63, v16;
	v17 =	vmul.f32 v56, v30;
	[tilespmem:s13+$0x16890] =	vst v19  }
0xf9: {  	v43 =	vld [tilespmem:s13+$0x16920];
	v16 =	vmul.f32 v31, v16;
	v39 =	vmul.f32 v62, v37;
	[tilespmem:s13+$0x168B0] =	vst v36  }
0xfa: {  	v40 =	vld [tilespmem:s13+$0x18900];
	[tilespmem:s13+$0x168A0] =	vst v17;
	v17 =	vmul.f32 v60, v34  }
0xfb: {  	v44 =	vld [tilespmem:s13+$0x18920];
	v16 =	vmul.f32 v35, v16;
	[tilespmem:s13+$0x168D0] =	vst v39  }
0xfc: {  	v47 =	vld [tilespmem:s13+$0x16940];
	[tilespmem:s13+$0x168C0] =	vst v17;
	v17 =	vmul.f32 v33, v38  }
0xfd: {  	v49 =	vld [tilespmem:s13+$0x16950];
	[tilespmem:s13+$0x168F0] =	vst v16  }
0xfe: {  	[tilespmem:s13+$0x168E0] =	vst v17;
	v17 =	vld [tilespmem:s13+$0x16900]  }
0xff: {  	v16 =	vld.idx.msk [tilespmem:v6+s26+$0x0], $0xffff  }
0x100: {  	v42 =	vld [tilespmem:s13+$0x18910]  }
0x101: {  	v45 =	vld [tilespmem:s13+$0x16930]  }
0x102: {  	v51 =	vld [tilespmem:s13+$0x16960]  }
0x103: {  	v46 =	vld [tilespmem:s13+$0x18930]  }
0x104: {  	v50 =	vld [tilespmem:s13+$0x18950];
	v17 =	vmul.f32 v17, v16  }
0x105: {  	v53 =	vld [tilespmem:s13+$0x16970];
	v19 =	vmul.f32 v41, v16;
	v52 =	vmul.f32 v43, v16  }
0x106: {  	v48 =	vld [tilespmem:s13+$0x18940];
	v54 =	vmul.f32 v45, v16;
	v17 =	vmul.f32 v40, v17  }
0x107: {  	v57 =	vld [tilespmem:s13+$0x18970];
	v56 =	vmul.f32 v47, v16;
	v19 =	vmul.f32 v42, v19  }
0x108: {  	v55 =	vld [tilespmem:s13+$0x18960];
	v59 =	vmul.f32 v49, v16;
	v58 =	vmul.f32 v46, v54;
	[tilespmem:s13+$0x16900] =	vst v17  }
0x109: {  	v63 =	vld [tilespmem:s13+$0x16990];
	v60 =	vmul.f32 v51, v16;
	v17 =	vmul.f32 v44, v52;
	[tilespmem:s13+$0x16910] =	vst v19  }
0x10a: {  	v62 =	vld [tilespmem:s13+$0x18980];
	v16 =	vmul.f32 v53, v16;
	v61 =	vmul.f32 v50, v59;
	[tilespmem:s13+$0x16930] =	vst v58  }
0x10b: {  	v32 =	vld [tilespmem:s13+$0x18990];
	[tilespmem:s13+$0x16920] =	vst v17;
	v17 =	vmul.f32 v48, v56  }
0x10c: {  	v35 =	vld [tilespmem:s13+$0x169B0];
	v16 =	vmul.f32 v57, v16;
	[tilespmem:s13+$0x16950] =	vst v61  }
0x10d: {  	v37 =	vld [tilespmem:s13+$0x169C0];
	[tilespmem:s13+$0x16940] =	vst v17;
	v17 =	vmul.f32 v55, v60  }
0x10e: {  	v36 =	vld [tilespmem:s13+$0x189B0];
	[tilespmem:s13+$0x16970] =	vst v16  }
0x10f: {  	[tilespmem:s13+$0x16960] =	vst v17;
	v17 =	vld [tilespmem:s13+$0x16980]  }
0x110: {  	v16 =	vld.idx.msk [tilespmem:v7+s26+$0x0], $0xffff  }
0x111: {  	v33 =	vld [tilespmem:s13+$0x169A0]  }
0x112: {  	v39 =	vld [tilespmem:s13+$0x169D0]  }
0x113: {  	v34 =	vld [tilespmem:s13+$0x189A0]  }
0x114: {  	v41 =	vld [tilespmem:s13+$0x169E0]  }
0x115: {  	v43 =	vld [tilespmem:s13+$0x169F0];
	v17 =	vmul.f32 v17, v16  }
0x116: {  	v40 =	vld [tilespmem:s13+$0x189D0];
	v19 =	vmul.f32 v63, v16;
	v42 =	vmul.f32 v33, v16  }
0x117: {  	v38 =	vld [tilespmem:s13+$0x189C0];
	v44 =	vmul.f32 v35, v16;
	v17 =	vmul.f32 v62, v17  }
0x118: {  	v47 =	vld [tilespmem:s13+$0x189F0];
	v46 =	vmul.f32 v37, v16;
	v19 =	vmul.f32 v32, v19  }
0x119: {  	v45 =	vld [tilespmem:s13+$0x189E0];
	v49 =	vmul.f32 v39, v16;
	v48 =	vmul.f32 v36, v44;
	[tilespmem:s13+$0x16980] =	vst v17  }
0x11a: {  	v31 =	vld [tilespmem:s13+$0x16A70];
	v50 =	vmul.f32 v41, v16;
	v17 =	vmul.f32 v34, v42;
	[tilespmem:s13+$0x16990] =	vst v19  }
0x11b: {  	v53 =	vld [tilespmem:s13+$0x16A10];
	v16 =	vmul.f32 v43, v16;
	v51 =	vmul.f32 v40, v49;
	[tilespmem:s13+$0x169B0] =	vst v48  }
0x11c: {  	v54 =	vld [tilespmem:s13+$0x18A10];
	[tilespmem:s13+$0x169A0] =	vst v17;
	v17 =	vmul.f32 v38, v46  }
0x11d: {  	v57 =	vld [tilespmem:s13+$0x16A30];
	v16 =	vmul.f32 v47, v16;
	[tilespmem:s13+$0x169D0] =	vst v51  }
0x11e: {  	v59 =	vld [tilespmem:s13+$0x16A40];
	[tilespmem:s13+$0x169C0] =	vst v17;
	v17 =	vmul.f32 v45, v50  }
0x11f: {  	v52 =	vld [tilespmem:s13+$0x18A00];
	[tilespmem:s13+$0x169F0] =	vst v16  }
0x120: {  	[tilespmem:s13+$0x169E0] =	vst v17;
	v17 =	vld [tilespmem:s13+$0x16A00]  }
0x121: {  	v16 =	vld.idx.msk [tilespmem:v8+s26+$0x0], $0xffff  }
0x122: {  	v55 =	vld [tilespmem:s13+$0x16A20]  }
0x123: {  	v58 =	vld [tilespmem:s13+$0x18A30]  }
0x124: {  	v61 =	vld [tilespmem:s13+$0x16A50]  }
0x125: {  	v56 =	vld [tilespmem:s13+$0x18A20]  }
0x126: {  	v63 =	vld [tilespmem:s13+$0x16A60];
	v17 =	vmul.f32 v17, v16  }
0x127: {  	v62 =	vld [tilespmem:s13+$0x18A50];
	v19 =	vmul.f32 v53, v16;
	v30 =	vmul.f32 v55, v16  }
0x128: {  	v60 =	vld [tilespmem:s13+$0x18A40];
	v32 =	vmul.f32 v57, v16;
	v17 =	vmul.f32 v52, v17  }
0x129: {  	v35 =	vld [tilespmem:s13+$0x18A70];
	v34 =	vmul.f32 v59, v16;
	v19 =	vmul.f32 v54, v19  }
0x12a: {  	v33 =	vld [tilespmem:s13+$0x18A60];
	v37 =	vmul.f32 v61, v16;
	v36 =	vmul.f32 v58, v32;
	[tilespmem:s13+$0x16A00] =	vst v17  }
0x12b: {  	v41 =	vld [tilespmem:s13+$0x16A90];
	v38 =	vmul.f32 v63, v16;
	v17 =	vmul.f32 v56, v30;
	[tilespmem:s13+$0x16A10] =	vst v19  }
0x12c: {  	v43 =	vld [tilespmem:s13+$0x16AA0];
	v16 =	vmul.f32 v31, v16;
	v39 =	vmul.f32 v62, v37;
	[tilespmem:s13+$0x16A30] =	vst v36  }
0x12d: {  	v40 =	vld [tilespmem:s13+$0x18A80];
	[tilespmem:s13+$0x16A20] =	vst v17;
	v17 =	vmul.f32 v60, v34  }
0x12e: {  	v44 =	vld [tilespmem:s13+$0x18AA0];
	v16 =	vmul.f32 v35, v16;
	[tilespmem:s13+$0x16A50] =	vst v39  }
0x12f: {  	v47 =	vld [tilespmem:s13+$0x16AC0];
	[tilespmem:s13+$0x16A40] =	vst v17;
	v17 =	vmul.f32 v33, v38  }
0x130: {  	v49 =	vld [tilespmem:s13+$0x16AD0];
	[tilespmem:s13+$0x16A70] =	vst v16  }
0x131: {  	[tilespmem:s13+$0x16A60] =	vst v17;
	v17 =	vld [tilespmem:s13+$0x16A80]  }
0x132: {  	v16 =	vld.idx.msk [tilespmem:v9+s26+$0x0], $0xffff  }
0x133: {  	v42 =	vld [tilespmem:s13+$0x18A90]  }
0x134: {  	v45 =	vld [tilespmem:s13+$0x16AB0]  }
0x135: {  	v51 =	vld [tilespmem:s13+$0x16AE0]  }
0x136: {  	v46 =	vld [tilespmem:s13+$0x18AB0]  }
0x137: {  	v50 =	vld [tilespmem:s13+$0x18AD0];
	v17 =	vmul.f32 v17, v16  }
0x138: {  	v53 =	vld [tilespmem:s13+$0x16AF0];
	v19 =	vmul.f32 v41, v16;
	v52 =	vmul.f32 v43, v16  }
0x139: {  	v48 =	vld [tilespmem:s13+$0x18AC0];
	v54 =	vmul.f32 v45, v16;
	v17 =	vmul.f32 v40, v17  }
0x13a: {  	v57 =	vld [tilespmem:s13+$0x18AF0];
	v56 =	vmul.f32 v47, v16;
	v19 =	vmul.f32 v42, v19  }
0x13b: {  	v55 =	vld [tilespmem:s13+$0x18AE0];
	v59 =	vmul.f32 v49, v16;
	v58 =	vmul.f32 v46, v54;
	[tilespmem:s13+$0x16A80] =	vst v17  }
0x13c: {  	v63 =	vld [tilespmem:s13+$0x16B10];
	v60 =	vmul.f32 v51, v16;
	v17 =	vmul.f32 v44, v52;
	[tilespmem:s13+$0x16A90] =	vst v19  }
0x13d: {  	v62 =	vld [tilespmem:s13+$0x18B00];
	v16 =	vmul.f32 v53, v16;
	v61 =	vmul.f32 v50, v59;
	[tilespmem:s13+$0x16AB0] =	vst v58  }
0x13e: {  	v32 =	vld [tilespmem:s13+$0x18B10];
	[tilespmem:s13+$0x16AA0] =	vst v17;
	v17 =	vmul.f32 v48, v56  }
0x13f: {  	v35 =	vld [tilespmem:s13+$0x16B30];
	v16 =	vmul.f32 v57, v16;
	[tilespmem:s13+$0x16AD0] =	vst v61  }
0x140: {  	v37 =	vld [tilespmem:s13+$0x16B40];
	[tilespmem:s13+$0x16AC0] =	vst v17;
	v17 =	vmul.f32 v55, v60  }
0x141: {  	v36 =	vld [tilespmem:s13+$0x18B30];
	[tilespmem:s13+$0x16AF0] =	vst v16  }
0x142: {  	[tilespmem:s13+$0x16AE0] =	vst v17;
	v17 =	vld [tilespmem:s13+$0x16B00]  }
0x143: {  	v16 =	vld.idx.msk [tilespmem:v10+s26+$0x0], $0xffff  }
0x144: {  	v33 =	vld [tilespmem:s13+$0x16B20]  }
0x145: {  	v39 =	vld [tilespmem:s13+$0x16B50]  }
0x146: {  	v34 =	vld [tilespmem:s13+$0x18B20]  }
0x147: {  	v41 =	vld [tilespmem:s13+$0x16B60]  }
0x148: {  	v43 =	vld [tilespmem:s13+$0x16B70];
	v17 =	vmul.f32 v17, v16  }
0x149: {  	v40 =	vld [tilespmem:s13+$0x18B50];
	v19 =	vmul.f32 v63, v16;
	v42 =	vmul.f32 v33, v16  }
0x14a: {  	v38 =	vld [tilespmem:s13+$0x18B40];
	v44 =	vmul.f32 v35, v16;
	v17 =	vmul.f32 v62, v17  }
0x14b: {  	v47 =	vld [tilespmem:s13+$0x18B70];
	v46 =	vmul.f32 v37, v16;
	v19 =	vmul.f32 v32, v19  }
0x14c: {  	v45 =	vld [tilespmem:s13+$0x18B60];
	v49 =	vmul.f32 v39, v16;
	v48 =	vmul.f32 v36, v44;
	[tilespmem:s13+$0x16B00] =	vst v17  }
0x14d: {  	v31 =	vld [tilespmem:s13+$0x16BF0];
	v50 =	vmul.f32 v41, v16;
	v17 =	vmul.f32 v34, v42;
	[tilespmem:s13+$0x16B10] =	vst v19  }
0x14e: {  	v53 =	vld [tilespmem:s13+$0x16B90];
	v16 =	vmul.f32 v43, v16;
	v51 =	vmul.f32 v40, v49;
	[tilespmem:s13+$0x16B30] =	vst v48  }
0x14f: {  	v54 =	vld [tilespmem:s13+$0x18B90];
	[tilespmem:s13+$0x16B20] =	vst v17;
	v17 =	vmul.f32 v38, v46  }
0x150: {  	v57 =	vld [tilespmem:s13+$0x16BB0];
	v16 =	vmul.f32 v47, v16;
	[tilespmem:s13+$0x16B50] =	vst v51  }
0x151: {  	v59 =	vld [tilespmem:s13+$0x16BC0];
	[tilespmem:s13+$0x16B40] =	vst v17;
	v17 =	vmul.f32 v45, v50  }
0x152: {  	v52 =	vld [tilespmem:s13+$0x18B80];
	[tilespmem:s13+$0x16B70] =	vst v16  }
0x153: {  	[tilespmem:s13+$0x16B60] =	vst v17;
	v17 =	vld [tilespmem:s13+$0x16B80]  }
0x154: {  	v16 =	vld.idx.msk [tilespmem:v11+s26+$0x0], $0xffff  }
0x155: {  	v55 =	vld [tilespmem:s13+$0x16BA0]  }
0x156: {  	v58 =	vld [tilespmem:s13+$0x18BB0]  }
0x157: {  	v61 =	vld [tilespmem:s13+$0x16BD0]  }
0x158: {  	v56 =	vld [tilespmem:s13+$0x18BA0]  }
0x159: {  	v63 =	vld [tilespmem:s13+$0x16BE0];
	v17 =	vmul.f32 v17, v16  }
0x15a: {  	v62 =	vld [tilespmem:s13+$0x18BD0];
	v19 =	vmul.f32 v53, v16;
	v30 =	vmul.f32 v55, v16  }
0x15b: {  	v60 =	vld [tilespmem:s13+$0x18BC0];
	v32 =	vmul.f32 v57, v16;
	v17 =	vmul.f32 v52, v17  }
0x15c: {  	v35 =	vld [tilespmem:s13+$0x18BF0];
	v34 =	vmul.f32 v59, v16;
	v19 =	vmul.f32 v54, v19  }
0x15d: {  	v33 =	vld [tilespmem:s13+$0x18BE0];
	v37 =	vmul.f32 v61, v16;
	v36 =	vmul.f32 v58, v32;
	[tilespmem:s13+$0x16B80] =	vst v17  }
0x15e: {  	v41 =	vld [tilespmem:s13+$0x16C10];
	v38 =	vmul.f32 v63, v16;
	v17 =	vmul.f32 v56, v30;
	[tilespmem:s13+$0x16B90] =	vst v19  }
0x15f: {  	v43 =	vld [tilespmem:s13+$0x16C20];
	v16 =	vmul.f32 v31, v16;
	v39 =	vmul.f32 v62, v37;
	[tilespmem:s13+$0x16BB0] =	vst v36  }
0x160: {  	v40 =	vld [tilespmem:s13+$0x18C00];
	[tilespmem:s13+$0x16BA0] =	vst v17;
	v17 =	vmul.f32 v60, v34  }
0x161: {  	v44 =	vld [tilespmem:s13+$0x18C20];
	v16 =	vmul.f32 v35, v16;
	[tilespmem:s13+$0x16BD0] =	vst v39  }
0x162: {  	v47 =	vld [tilespmem:s13+$0x16C40];
	[tilespmem:s13+$0x16BC0] =	vst v17;
	v17 =	vmul.f32 v33, v38  }
0x163: {  	v49 =	vld [tilespmem:s13+$0x16C50];
	[tilespmem:s13+$0x16BF0] =	vst v16  }
0x164: {  	[tilespmem:s13+$0x16BE0] =	vst v17;
	v17 =	vld [tilespmem:s13+$0x16C00]  }
0x165: {  	v16 =	vld.idx.msk [tilespmem:v12+s26+$0x0], $0xffff  }
0x166: {  	v42 =	vld [tilespmem:s13+$0x18C10]  }
0x167: {  	v45 =	vld [tilespmem:s13+$0x16C30]  }
0x168: {  	v51 =	vld [tilespmem:s13+$0x16C60]  }
0x169: {  	v46 =	vld [tilespmem:s13+$0x18C30]  }
0x16a: {  	v50 =	vld [tilespmem:s13+$0x18C50];
	v17 =	vmul.f32 v17, v16  }
0x16b: {  	v53 =	vld [tilespmem:s13+$0x16C70];
	v19 =	vmul.f32 v41, v16;
	v52 =	vmul.f32 v43, v16  }
0x16c: {  	v48 =	vld [tilespmem:s13+$0x18C40];
	v54 =	vmul.f32 v45, v16;
	v17 =	vmul.f32 v40, v17  }
0x16d: {  	v57 =	vld [tilespmem:s13+$0x18C70];
	v56 =	vmul.f32 v47, v16;
	v19 =	vmul.f32 v42, v19  }
0x16e: {  	v55 =	vld [tilespmem:s13+$0x18C60];
	v59 =	vmul.f32 v49, v16;
	v58 =	vmul.f32 v46, v54;
	[tilespmem:s13+$0x16C00] =	vst v17  }
0x16f: {  	v63 =	vld [tilespmem:s13+$0x16C90];
	v60 =	vmul.f32 v51, v16;
	v17 =	vmul.f32 v44, v52;
	[tilespmem:s13+$0x16C10] =	vst v19  }
0x170: {  	v62 =	vld [tilespmem:s13+$0x18C80];
	v16 =	vmul.f32 v53, v16;
	v61 =	vmul.f32 v50, v59;
	[tilespmem:s13+$0x16C30] =	vst v58  }
0x171: {  	v32 =	vld [tilespmem:s13+$0x18C90];
	[tilespmem:s13+$0x16C20] =	vst v17;
	v17 =	vmul.f32 v48, v56  }
0x172: {  	v35 =	vld [tilespmem:s13+$0x16CB0];
	v16 =	vmul.f32 v57, v16;
	[tilespmem:s13+$0x16C50] =	vst v61  }
0x173: {  	v37 =	vld [tilespmem:s13+$0x16CC0];
	[tilespmem:s13+$0x16C40] =	vst v17;
	v17 =	vmul.f32 v55, v60  }
0x174: {  	v36 =	vld [tilespmem:s13+$0x18CB0];
	[tilespmem:s13+$0x16C70] =	vst v16  }
0x175: {  	[tilespmem:s13+$0x16C60] =	vst v17;
	v17 =	vld [tilespmem:s13+$0x16C80]  }
0x176: {  	v16 =	vld.idx.msk [tilespmem:v13+s26+$0x0], $0xffff  }
0x177: {  	v33 =	vld [tilespmem:s13+$0x16CA0]  }
0x178: {  	v39 =	vld [tilespmem:s13+$0x16CD0]  }
0x179: {  	v34 =	vld [tilespmem:s13+$0x18CA0]  }
0x17a: {  	v41 =	vld [tilespmem:s13+$0x16CE0]  }
0x17b: {  	v43 =	vld [tilespmem:s13+$0x16CF0];
	v17 =	vmul.f32 v17, v16  }
0x17c: {  	v40 =	vld [tilespmem:s13+$0x18CD0];
	v19 =	vmul.f32 v63, v16;
	v42 =	vmul.f32 v33, v16  }
0x17d: {  	v38 =	vld [tilespmem:s13+$0x18CC0];
	v44 =	vmul.f32 v35, v16;
	v17 =	vmul.f32 v62, v17  }
0x17e: {  	v47 =	vld [tilespmem:s13+$0x18CF0];
	v46 =	vmul.f32 v37, v16;
	v19 =	vmul.f32 v32, v19  }
0x17f: {  	v45 =	vld [tilespmem:s13+$0x18CE0];
	v49 =	vmul.f32 v39, v16;
	v48 =	vmul.f32 v36, v44;
	[tilespmem:s13+$0x16C80] =	vst v17  }
0x180: {  	v53 =	vld [tilespmem:s13+$0x16D10];
	v50 =	vmul.f32 v41, v16;
	v17 =	vmul.f32 v34, v42;
	[tilespmem:s13+$0x16C90] =	vst v19  }
0x181: {  	v54 =	vld [tilespmem:s13+$0x18D10];
	v16 =	vmul.f32 v43, v16;
	v51 =	vmul.f32 v40, v49;
	[tilespmem:s13+$0x16CB0] =	vst v48  }
0x182: {  	v57 =	vld [tilespmem:s13+$0x16D30];
	[tilespmem:s13+$0x16CA0] =	vst v17;
	v17 =	vmul.f32 v38, v46  }
0x183: {  	v59 =	vld [tilespmem:s13+$0x16D40];
	v16 =	vmul.f32 v47, v16;
	[tilespmem:s13+$0x16CD0] =	vst v51  }
0x184: {  	v52 =	vld [tilespmem:s13+$0x18D00];
	[tilespmem:s13+$0x16CC0] =	vst v17;
	v17 =	vmul.f32 v45, v50  }
0x185: {  	v58 =	vld [tilespmem:s13+$0x18D30];
	[tilespmem:s13+$0x16CF0] =	vst v16  }
0x186: {  	[tilespmem:s13+$0x16CE0] =	vst v17;
	v17 =	vld [tilespmem:s13+$0x16D00]  }
0x187: {  	v16 =	vld.idx.msk [tilespmem:v14+s26+$0x0], $0xffff  }
0x188: {  	v55 =	vld [tilespmem:s13+$0x16D20]  }
0x189: {  	v61 =	vld [tilespmem:s13+$0x16D50]  }
0x18a: {  	v56 =	vld [tilespmem:s13+$0x18D20]  }
0x18b: {  	v63 =	vld [tilespmem:s13+$0x16D60]  }
0x18c: {  	v33 =	vld [tilespmem:s13+$0x16D70];
	v17 =	vmul.f32 v17, v16  }
0x18d: {  	v62 =	vld [tilespmem:s13+$0x18D50];
	v19 =	vmul.f32 v53, v16;
	v32 =	vmul.f32 v55, v16  }
0x18e: {  	v60 =	vld [tilespmem:s13+$0x18D40];
	v34 =	vmul.f32 v57, v16;
	v17 =	vmul.f32 v52, v17  }
0x18f: {  	v37 =	vld [tilespmem:s13+$0x18D70];
	v36 =	vmul.f32 v59, v16;
	v19 =	vmul.f32 v54, v19  }
0x190: {  	v35 =	vld [tilespmem:s13+$0x18D60];
	v39 =	vmul.f32 v61, v16;
	v38 =	vmul.f32 v58, v34;
	[tilespmem:s13+$0x16D00] =	vst v17  }
0x191: {  	v43 =	vld [tilespmem:s13+$0x16D90];
	v40 =	vmul.f32 v63, v16;
	v17 =	vmul.f32 v56, v32;
	[tilespmem:s13+$0x16D10] =	vst v19  }
0x192: {  	v44 =	vld [tilespmem:s13+$0x18D90];
	v16 =	vmul.f32 v33, v16;
	v41 =	vmul.f32 v62, v39;
	[tilespmem:s13+$0x16D30] =	vst v38  }
0x193: {  	v47 =	vld [tilespmem:s13+$0x16DB0];
	[tilespmem:s13+$0x16D20] =	vst v17;
	v17 =	vmul.f32 v60, v36  }
0x194: {  	v49 =	vld [tilespmem:s13+$0x16DC0];
	v16 =	vmul.f32 v37, v16;
	[tilespmem:s13+$0x16D50] =	vst v41  }
0x195: {  	v42 =	vld [tilespmem:s13+$0x18D80];
	[tilespmem:s13+$0x16D40] =	vst v17;
	v17 =	vmul.f32 v35, v40  }
0x196: {  	v48 =	vld [tilespmem:s13+$0x18DB0];
	[tilespmem:s13+$0x16D70] =	vst v16  }
0x197: {  	[tilespmem:s13+$0x16D60] =	vst v17;
	v17 =	vld [tilespmem:s13+$0x16D80]  }
0x198: {  	v16 =	vld.idx.msk [tilespmem:v15+s26+$0x0], $0xffff  }
0x199: {  	v45 =	vld [tilespmem:s13+$0x16DA0]  }
0x19a: {  	v51 =	vld [tilespmem:s13+$0x16DD0]  }
0x19b: {  	v46 =	vld [tilespmem:s13+$0x18DA0]  }
0x19c: {  	v53 =	vld [tilespmem:s13+$0x16DE0]  }
0x19d: {  	v55 =	vld [tilespmem:s13+$0x16DF0];
	v17 =	vmul.f32 v17, v16  }
0x19e: {  	v52 =	vld [tilespmem:s13+$0x18DD0];
	v19 =	vmul.f32 v43, v16;
	v54 =	vmul.f32 v45, v16  }
0x19f: {  	v50 =	vld [tilespmem:s13+$0x18DC0];
	v56 =	vmul.f32 v47, v16;
	v17 =	vmul.f32 v42, v17  }
0x1a0: {  	v59 =	vld [tilespmem:s13+$0x18DF0];
	v58 =	vmul.f32 v49, v16;
	v19 =	vmul.f32 v44, v19  }
0x1a1: {  	v57 =	vld [tilespmem:s13+$0x18DE0];
	v61 =	vmul.f32 v51, v16;
	v60 =	vmul.f32 v48, v56;
	[tilespmem:s13+$0x16D80] =	vst v17  }
0x1a2: {  	v62 =	vmul.f32 v53, v16;
	v17 =	vmul.f32 v46, v54;
	[tilespmem:s13+$0x16D90] =	vst v19  }
0x1a3: {  	p0 =	sne.s32 s12, $0x3;
	v16 =	vmul.f32 v55, v16;
	v63 =	vmul.f32 v52, v61;
	[tilespmem:s13+$0x16DB0] =	vst v60  }
.Ltmp4:
0x1a4: {  	[tilespmem:s13+$0x16DA0] =	vst v17;
	v17 =	vmul.f32 v50, v58;
	(pc) =	sbr.rel @p0 .LBB2_7-.Ltmp4, $4  }
0x1a5: {  	v16 =	vmul.f32 v59, v16;
	[tilespmem:s13+$0x16DD0] =	vst v63  }
0x1a6: {  	[tilespmem:s13+$0x16DC0] =	vst v17;
	v17 =	vmul.f32 v57, v62  }
0x1a7: {  	[tilespmem:s13+$0x16DF0] =	vst v16  }
0x1a8: {  	s12 =	sadd.s32 $0x1, s12;
	[tilespmem:s13+$0x16DE0] =	vst v17  }
0x1a9: {  	v16 =	vld [tilespmem:$0x16400]  }
0x1aa: {  	v17 =	vld [tilespmem:$0x16440]  }
0x1ab: {  	v18 =	vld [tilespmem:$0x16410]  }
0x1ac: {  	v19 =	vld [tilespmem:$0x16450]  }
0x1ad: {  	v20 =	vld [tilespmem:$0x16420]  }
0x1ae: {  	v63 =	vld [tilespmem:$0x16470];
	[tilespmem:$0x1E600] =	vst v16  }
0x1af: {  	v16 =	vld [tilespmem:$0x16460];
	[tilespmem:$0x1E680] =	vst v17  }
0x1b0: {  	v17 =	vld [tilespmem:$0x16430];
	[tilespmem:$0x1E610] =	vst v18  }
0x1b1: {  	p0 =	seq.s32 s10, $0x4E;
	[tilespmem:$0x1E690] =	vst v19  }
0x1b2: {  	s12 =	sadd.s32 @!p0 s9, s11;
	[tilespmem:$0x1E620] =	vst v20  }
0x1b3: {  	s12 =	smul.u32 @!p0 $0xC0, s12;
	[tilespmem:$0x1E6B0] =	vst v63  }
0x1b4: {  	[tilespmem:$0x1E6A0] =	vst v16  }
0x1b5: {  	s11 =	sor.u32 @!p0 $0x1, s11;
	s12 =	sshrl.u32 @!p0 s12, $0x3;
	[tilespmem:$0x1E630] =	vst v17  }
0x1b6: {  	[spmem:s3] =	stream.indirect.scatter.add.f32 [tilespmem:s17], [sflag:$0x5], $0x80, s29, s28, $0xb8;
	[tilespmem:$0x1E800] =	vst v63  }
0x1b7: {  	s13 =	simm.s32 @!p0 $0x0;
	p1 =	sgt.u32 @!p0 s11, $0x9C;
	s12 =	sadd.s32 @!p0 s5, s12  }
0x1b8: {  	[spmem:s3] =	stream.indirect.scatter.add.f32 [tilespmem:s17], [sflag:$0x5], $0x80, s30, s28, $0xb8;
	[tilespmem:$0x1E800] =	vst v63  }
0x1b9: {  	s14 =	simm.s32 @!p0 $0x16400;
	p1 =	por p1, p0;
	s12 =	sadd.s32 @!p0 $0x30, s12  }
0x1ba: {  	[tilespmem:s14], [sflag:$0x1] =	stream.linear.gather @!p0 [hbm4b:s12+s13], $0xC0, $0x38;
	[tilespmem:$0x1E800] =	vst v63  }
0x1bb: {  	s12 =	simm.s32 @!p1 $0x5  }
0x1bc: {  	_ =	swait.ge @!p1 [sflag:s12], $0x2000  }
0x1bd: {  	[sflag:s12] =	ssyncset.done @!p1 $0x0  }
0x1be: {  	[sflag:s12] =	ssyncadd.s32 @!p1 $0xFFFFE000  }
0x1bf: {  	_ =	swait.ge @!p1 [sflag:s12], $0x2000  }
0x1c0: {  	[sflag:s12] =	ssyncset.done @!p1 $0x0  }
0x1c1: {  	[sflag:s12] =	ssyncadd.s32 @!p1 $0xFFFFE000;
	s12 =	simm.s32 @!p1 $0x1  }
0x1c2: {  	_ =	swait.ge @!p1 [sflag:s12], $0xC0  }
0x1c3: {  	s13 =	simm.s32 @!p1 $0x16400;
	[sflag:s12] =	ssyncset.done @!p1 $0x0  }
0x1c4: {  	s14 =	simm.s32 @!p1 $0x16600;
	[sflag:s12] =	ssyncadd.s32 @!p1 $0xFFFFFF40;
	s12 =	simm.s32 @!p1 $0x80  }
0x1c5: {  	[tilespmem:s14], [sflag:$0x3] =	stream.indirect.gather @!p1 [hbm4b:s0+s12], $0x80, s13, s12, $0xb8;
	[tilespmem:$0x1E800] =	vst v63  }
0x1c6: {  	_ =	swait.ge [sflag:s31], $0x4000  }
0x1c7: {  	[sflag:s31] =	ssyncset.done $0x0  }
0x1c8: {  	s11 =	simm.s32 @p0 $0x9D;
	s12 =	simm.s32 $0x0;
	[sflag:s31] =	ssyncadd.s32 $0xFFFFC000  }
.LBB2_9:
0x1c9: {  	s13 =	sshll.u32 s12, $0x4  }
0x1ca: {  	v16 =	vld [tilespmem:s13+$0x16580];
	_ =	sdelay $0x4  }
0x1cb: {  	v16 =	vadd.f32 $-1.000000000e+01, v16;
	_ =	sdelay $0x1  }
0x1cc: {  	v16 =	vmul.f32 $1.442695020e+00, v16;
	_ =	sdelay $0x1  }
0x1cd: {  	(erf) = vpow2.f32 v16;
	_ =	sdelay $0x8  }
0x1ce: {  	v16 =	vpop (erf)  }
0x1cf: {  	[tilespmem:$0x16380] =	vst v16  }
0x1d0: {  	v17 =	vld [tilespmem:s13+$0x16500]  }
0x1d1: {  	v18 =	vld [tilespmem:s13+$0x16540];
	_ =	sdelay $0x6  }
0x1d2: {  	[tilespmem:v17+s25+$0x0] =	vst.idx.add.f32.msk $0xffff, v16  }
0x1d3: {  	s14 =	sshll.u32 s12, $0xB;
	[tilespmem:v18+s25+$0x0] =	vst.idx.add.f32.msk $0xffff, v16  }
0x1d4: {  	s13 =	sand.u32 $0x3FFFF800, s14;
	v16 =	vld.msk [tilespmem:s26+$0x0], $0xffff  }
0x1d5: {  	s14 =	sor.u32 $0x2000, s14;
	v17 =	vld [tilespmem:s13+$0x1A600]  }
0x1d6: {  	s14 =	sand.u32 $0x3FFFF800, s14  }
0x1d7: {  	v18 =	vld [tilespmem:s14+$0x1A600];
	_ =	sdelay $0x2  }
0x1d8: {  	v17 =	vmul.f32 v17, v16;
	_ =	sdelay $0x1  }
0x1d9: {  	v17 =	vmul.f32 v18, v17  }
0x1da: {  	v34 =	vld [tilespmem:s13+$0x1A610]  }
0x1db: {  	[tilespmem:s13+$0x1A600] =	vst v17  }
0x1dc: {  	v17 =	vld [tilespmem:s14+$0x1A610];
	_ =	sdelay $0x2  }
0x1dd: {  	v18 =	vmul.f32 v34, v16;
	_ =	sdelay $0x1  }
0x1de: {  	v17 =	vmul.f32 v17, v18  }
0x1df: {  	v35 =	vld [tilespmem:s13+$0x1A620]  }
0x1e0: {  	[tilespmem:s13+$0x1A610] =	vst v17  }
0x1e1: {  	v17 =	vld [tilespmem:s14+$0x1A620];
	_ =	sdelay $0x2  }
0x1e2: {  	v18 =	vmul.f32 v35, v16;
	_ =	sdelay $0x1  }
0x1e3: {  	v17 =	vmul.f32 v17, v18  }
0x1e4: {  	v36 =	vld [tilespmem:s13+$0x1A630]  }
0x1e5: {  	[tilespmem:s13+$0x1A620] =	vst v17  }
0x1e6: {  	v17 =	vld [tilespmem:s14+$0x1A630];
	_ =	sdelay $0x2  }
0x1e7: {  	v18 =	vmul.f32 v36, v16;
	_ =	sdelay $0x1  }
0x1e8: {  	v17 =	vmul.f32 v17, v18  }
0x1e9: {  	v37 =	vld [tilespmem:s13+$0x1A640]  }
0x1ea: {  	[tilespmem:s13+$0x1A630] =	vst v17  }
0x1eb: {  	v17 =	vld [tilespmem:s14+$0x1A640];
	_ =	sdelay $0x2  }
0x1ec: {  	v18 =	vmul.f32 v37, v16;
	_ =	sdelay $0x1  }
0x1ed: {  	v17 =	vmul.f32 v17, v18  }
0x1ee: {  	v38 =	vld [tilespmem:s13+$0x1A650]  }
0x1ef: {  	[tilespmem:s13+$0x1A640] =	vst v17  }
0x1f0: {  	v17 =	vld [tilespmem:s14+$0x1A650];
	_ =	sdelay $0x2  }
0x1f1: {  	v18 =	vmul.f32 v38, v16;
	_ =	sdelay $0x1  }
0x1f2: {  	v17 =	vmul.f32 v17, v18  }
0x1f3: {  	v39 =	vld [tilespmem:s13+$0x1A660]  }
0x1f4: {  	[tilespmem:s13+$0x1A650] =	vst v17  }
0x1f5: {  	v17 =	vld [tilespmem:s14+$0x1A660];
	_ =	sdelay $0x2  }
0x1f6: {  	v18 =	vmul.f32 v39, v16;
	_ =	sdelay $0x1  }
0x1f7: {  	v17 =	vmul.f32 v17, v18  }
0x1f8: {  	v40 =	vld [tilespmem:s13+$0x1A670]  }
0x1f9: {  	[tilespmem:s13+$0x1A660] =	vst v17  }
0x1fa: {  	v17 =	vld [tilespmem:s14+$0x1A670]  }
0x1fb: {  	v41 =	vld [tilespmem:s13+$0x1C680]  }
0x1fc: {  	v19 =	vld [tilespmem:s13+$0x1A690]  }
0x1fd: {  	v20 =	vld [tilespmem:s13+$0x1C690];
	v16 =	vmul.f32 v40, v16  }
0x1fe: {  	v21 =	vld [tilespmem:s13+$0x1A6A0]  }
0x1ff: {  	v22 =	vld [tilespmem:s13+$0x1C6A0];
	v16 =	vmul.f32 v17, v16  }
0x200: {  	v23 =	vld [tilespmem:s13+$0x1A6B0]  }
0x201: {  	v17 =	vld [tilespmem:s13+$0x1A680];
	[tilespmem:s13+$0x1A670] =	vst v16  }
0x202: {  	v16 =	vld.idx.msk [tilespmem:v1+s26+$0x0], $0xffff  }
0x203: {  	v24 =	vld [tilespmem:s13+$0x1C6B0]  }
0x204: {  	v25 =	vld [tilespmem:s13+$0x1A6C0]  }
0x205: {  	v27 =	vld [tilespmem:s13+$0x1A6D0]  }
0x206: {  	v28 =	vld [tilespmem:s13+$0x1C6D0]  }
0x207: {  	v29 =	vld [tilespmem:s13+$0x1A6E0];
	v17 =	vmul.f32 v17, v16  }
0x208: {  	v43 =	vld [tilespmem:s13+$0x1A6F0];
	v19 =	vmul.f32 v19, v16;
	v42 =	vmul.f32 v21, v16  }
0x209: {  	v26 =	vld [tilespmem:s13+$0x1C6C0];
	v44 =	vmul.f32 v23, v16;
	v17 =	vmul.f32 v41, v17  }
0x20a: {  	v47 =	vld [tilespmem:s13+$0x1C6F0];
	v46 =	vmul.f32 v25, v16;
	v19 =	vmul.f32 v20, v19  }
0x20b: {  	v45 =	vld [tilespmem:s13+$0x1C6E0];
	v49 =	vmul.f32 v27, v16;
	v48 =	vmul.f32 v24, v44;
	[tilespmem:s13+$0x1A680] =	vst v17  }
0x20c: {  	v52 =	vld [tilespmem:s13+$0x1C700];
	v50 =	vmul.f32 v29, v16;
	v17 =	vmul.f32 v22, v42;
	[tilespmem:s13+$0x1A690] =	vst v19  }
0x20d: {  	v53 =	vld [tilespmem:s13+$0x1A710];
	v16 =	vmul.f32 v43, v16;
	v51 =	vmul.f32 v28, v49;
	[tilespmem:s13+$0x1A6B0] =	vst v48  }
0x20e: {  	v54 =	vld [tilespmem:s13+$0x1C710];
	[tilespmem:s13+$0x1A6A0] =	vst v17;
	v17 =	vmul.f32 v26, v46  }
0x20f: {  	v55 =	vld [tilespmem:s13+$0x1A720];
	v16 =	vmul.f32 v47, v16;
	[tilespmem:s13+$0x1A6D0] =	vst v51  }
0x210: {  	v56 =	vld [tilespmem:s13+$0x1C720];
	[tilespmem:s13+$0x1A6C0] =	vst v17;
	v17 =	vmul.f32 v45, v50  }
0x211: {  	v57 =	vld [tilespmem:s13+$0x1A730];
	[tilespmem:s13+$0x1A6F0] =	vst v16  }
0x212: {  	[tilespmem:s13+$0x1A6E0] =	vst v17;
	v17 =	vld [tilespmem:s13+$0x1A700]  }
0x213: {  	v16 =	vld.idx.msk [tilespmem:v2+s26+$0x0], $0xffff  }
0x214: {  	v58 =	vld [tilespmem:s13+$0x1C730]  }
0x215: {  	v59 =	vld [tilespmem:s13+$0x1A740]  }
0x216: {  	v61 =	vld [tilespmem:s13+$0x1A750]  }
0x217: {  	v62 =	vld [tilespmem:s13+$0x1C750]  }
0x218: {  	v63 =	vld [tilespmem:s13+$0x1A760];
	v17 =	vmul.f32 v17, v16  }
0x219: {  	v31 =	vld [tilespmem:s13+$0x1A770];
	v19 =	vmul.f32 v53, v16;
	v30 =	vmul.f32 v55, v16  }
0x21a: {  	v60 =	vld [tilespmem:s13+$0x1C740];
	v32 =	vmul.f32 v57, v16;
	v17 =	vmul.f32 v52, v17  }
0x21b: {  	v35 =	vld [tilespmem:s13+$0x1C770];
	v34 =	vmul.f32 v59, v16;
	v19 =	vmul.f32 v54, v19  }
0x21c: {  	v33 =	vld [tilespmem:s13+$0x1C760];
	v37 =	vmul.f32 v61, v16;
	v36 =	vmul.f32 v58, v32;
	[tilespmem:s13+$0x1A700] =	vst v17  }
0x21d: {  	v40 =	vld [tilespmem:s13+$0x1C780];
	v38 =	vmul.f32 v63, v16;
	v17 =	vmul.f32 v56, v30;
	[tilespmem:s13+$0x1A710] =	vst v19  }
0x21e: {  	v43 =	vld [tilespmem:s13+$0x1A7A0];
	v16 =	vmul.f32 v31, v16;
	v39 =	vmul.f32 v62, v37;
	[tilespmem:s13+$0x1A730] =	vst v36  }
0x21f: {  	v41 =	vld [tilespmem:s13+$0x1A790];
	[tilespmem:s13+$0x1A720] =	vst v17;
	v17 =	vmul.f32 v60, v34  }
0x220: {  	v44 =	vld [tilespmem:s13+$0x1C7A0];
	v16 =	vmul.f32 v35, v16;
	[tilespmem:s13+$0x1A750] =	vst v39  }
0x221: {  	v47 =	vld [tilespmem:s13+$0x1A7C0];
	[tilespmem:s13+$0x1A740] =	vst v17;
	v17 =	vmul.f32 v33, v38  }
0x222: {  	v49 =	vld [tilespmem:s13+$0x1A7D0];
	[tilespmem:s13+$0x1A770] =	vst v16  }
0x223: {  	[tilespmem:s13+$0x1A760] =	vst v17;
	v17 =	vld [tilespmem:s13+$0x1A780]  }
0x224: {  	v16 =	vld.idx.msk [tilespmem:v3+s26+$0x0], $0xffff  }
0x225: {  	v42 =	vld [tilespmem:s13+$0x1C790]  }
0x226: {  	v45 =	vld [tilespmem:s13+$0x1A7B0]  }
0x227: {  	v51 =	vld [tilespmem:s13+$0x1A7E0]  }
0x228: {  	v46 =	vld [tilespmem:s13+$0x1C7B0]  }
0x229: {  	v50 =	vld [tilespmem:s13+$0x1C7D0];
	v17 =	vmul.f32 v17, v16  }
0x22a: {  	v53 =	vld [tilespmem:s13+$0x1A7F0];
	v19 =	vmul.f32 v41, v16;
	v52 =	vmul.f32 v43, v16  }
0x22b: {  	v48 =	vld [tilespmem:s13+$0x1C7C0];
	v54 =	vmul.f32 v45, v16;
	v17 =	vmul.f32 v40, v17  }
0x22c: {  	v57 =	vld [tilespmem:s13+$0x1C7F0];
	v56 =	vmul.f32 v47, v16;
	v19 =	vmul.f32 v42, v19  }
0x22d: {  	v55 =	vld [tilespmem:s13+$0x1C7E0];
	v59 =	vmul.f32 v49, v16;
	v58 =	vmul.f32 v46, v54;
	[tilespmem:s13+$0x1A780] =	vst v17  }
0x22e: {  	v63 =	vld [tilespmem:s13+$0x1A810];
	v60 =	vmul.f32 v51, v16;
	v17 =	vmul.f32 v44, v52;
	[tilespmem:s13+$0x1A790] =	vst v19  }
0x22f: {  	v62 =	vld [tilespmem:s13+$0x1C800];
	v16 =	vmul.f32 v53, v16;
	v61 =	vmul.f32 v50, v59;
	[tilespmem:s13+$0x1A7B0] =	vst v58  }
0x230: {  	v32 =	vld [tilespmem:s13+$0x1C810];
	[tilespmem:s13+$0x1A7A0] =	vst v17;
	v17 =	vmul.f32 v48, v56  }
0x231: {  	v35 =	vld [tilespmem:s13+$0x1A830];
	v16 =	vmul.f32 v57, v16;
	[tilespmem:s13+$0x1A7D0] =	vst v61  }
0x232: {  	v37 =	vld [tilespmem:s13+$0x1A840];
	[tilespmem:s13+$0x1A7C0] =	vst v17;
	v17 =	vmul.f32 v55, v60  }
0x233: {  	v36 =	vld [tilespmem:s13+$0x1C830];
	[tilespmem:s13+$0x1A7F0] =	vst v16  }
0x234: {  	[tilespmem:s13+$0x1A7E0] =	vst v17;
	v17 =	vld [tilespmem:s13+$0x1A800]  }
0x235: {  	v16 =	vld.idx.msk [tilespmem:v4+s26+$0x0], $0xffff  }
0x236: {  	v33 =	vld [tilespmem:s13+$0x1A820]  }
0x237: {  	v39 =	vld [tilespmem:s13+$0x1A850]  }
0x238: {  	v34 =	vld [tilespmem:s13+$0x1C820]  }
0x239: {  	v41 =	vld [tilespmem:s13+$0x1A860]  }
0x23a: {  	v43 =	vld [tilespmem:s13+$0x1A870];
	v17 =	vmul.f32 v17, v16  }
0x23b: {  	v40 =	vld [tilespmem:s13+$0x1C850];
	v19 =	vmul.f32 v63, v16;
	v42 =	vmul.f32 v33, v16  }
0x23c: {  	v38 =	vld [tilespmem:s13+$0x1C840];
	v44 =	vmul.f32 v35, v16;
	v17 =	vmul.f32 v62, v17  }
0x23d: {  	v47 =	vld [tilespmem:s13+$0x1C870];
	v46 =	vmul.f32 v37, v16;
	v19 =	vmul.f32 v32, v19  }
0x23e: {  	v45 =	vld [tilespmem:s13+$0x1C860];
	v49 =	vmul.f32 v39, v16;
	v48 =	vmul.f32 v36, v44;
	[tilespmem:s13+$0x1A800] =	vst v17  }
0x23f: {  	v31 =	vld [tilespmem:s13+$0x1A8F0];
	v50 =	vmul.f32 v41, v16;
	v17 =	vmul.f32 v34, v42;
	[tilespmem:s13+$0x1A810] =	vst v19  }
0x240: {  	v53 =	vld [tilespmem:s13+$0x1A890];
	v16 =	vmul.f32 v43, v16;
	v51 =	vmul.f32 v40, v49;
	[tilespmem:s13+$0x1A830] =	vst v48  }
0x241: {  	v54 =	vld [tilespmem:s13+$0x1C890];
	[tilespmem:s13+$0x1A820] =	vst v17;
	v17 =	vmul.f32 v38, v46  }
0x242: {  	v57 =	vld [tilespmem:s13+$0x1A8B0];
	v16 =	vmul.f32 v47, v16;
	[tilespmem:s13+$0x1A850] =	vst v51  }
0x243: {  	v59 =	vld [tilespmem:s13+$0x1A8C0];
	[tilespmem:s13+$0x1A840] =	vst v17;
	v17 =	vmul.f32 v45, v50  }
0x244: {  	v52 =	vld [tilespmem:s13+$0x1C880];
	[tilespmem:s13+$0x1A870] =	vst v16  }
0x245: {  	[tilespmem:s13+$0x1A860] =	vst v17;
	v17 =	vld [tilespmem:s13+$0x1A880]  }
0x246: {  	v16 =	vld.idx.msk [tilespmem:v5+s26+$0x0], $0xffff  }
0x247: {  	v55 =	vld [tilespmem:s13+$0x1A8A0]  }
0x248: {  	v58 =	vld [tilespmem:s13+$0x1C8B0]  }
0x249: {  	v61 =	vld [tilespmem:s13+$0x1A8D0]  }
0x24a: {  	v56 =	vld [tilespmem:s13+$0x1C8A0]  }
0x24b: {  	v63 =	vld [tilespmem:s13+$0x1A8E0];
	v17 =	vmul.f32 v17, v16  }
0x24c: {  	v62 =	vld [tilespmem:s13+$0x1C8D0];
	v19 =	vmul.f32 v53, v16;
	v30 =	vmul.f32 v55, v16  }
0x24d: {  	v60 =	vld [tilespmem:s13+$0x1C8C0];
	v32 =	vmul.f32 v57, v16;
	v17 =	vmul.f32 v52, v17  }
0x24e: {  	v35 =	vld [tilespmem:s13+$0x1C8F0];
	v34 =	vmul.f32 v59, v16;
	v19 =	vmul.f32 v54, v19  }
0x24f: {  	v33 =	vld [tilespmem:s13+$0x1C8E0];
	v37 =	vmul.f32 v61, v16;
	v36 =	vmul.f32 v58, v32;
	[tilespmem:s13+$0x1A880] =	vst v17  }
0x250: {  	v41 =	vld [tilespmem:s13+$0x1A910];
	v38 =	vmul.f32 v63, v16;
	v17 =	vmul.f32 v56, v30;
	[tilespmem:s13+$0x1A890] =	vst v19  }
0x251: {  	v43 =	vld [tilespmem:s13+$0x1A920];
	v16 =	vmul.f32 v31, v16;
	v39 =	vmul.f32 v62, v37;
	[tilespmem:s13+$0x1A8B0] =	vst v36  }
0x252: {  	v40 =	vld [tilespmem:s13+$0x1C900];
	[tilespmem:s13+$0x1A8A0] =	vst v17;
	v17 =	vmul.f32 v60, v34  }
0x253: {  	v44 =	vld [tilespmem:s13+$0x1C920];
	v16 =	vmul.f32 v35, v16;
	[tilespmem:s13+$0x1A8D0] =	vst v39  }
0x254: {  	v47 =	vld [tilespmem:s13+$0x1A940];
	[tilespmem:s13+$0x1A8C0] =	vst v17;
	v17 =	vmul.f32 v33, v38  }
0x255: {  	v49 =	vld [tilespmem:s13+$0x1A950];
	[tilespmem:s13+$0x1A8F0] =	vst v16  }
0x256: {  	[tilespmem:s13+$0x1A8E0] =	vst v17;
	v17 =	vld [tilespmem:s13+$0x1A900]  }
0x257: {  	v16 =	vld.idx.msk [tilespmem:v6+s26+$0x0], $0xffff  }
0x258: {  	v42 =	vld [tilespmem:s13+$0x1C910]  }
0x259: {  	v45 =	vld [tilespmem:s13+$0x1A930]  }
0x25a: {  	v51 =	vld [tilespmem:s13+$0x1A960]  }
0x25b: {  	v46 =	vld [tilespmem:s13+$0x1C930]  }
0x25c: {  	v50 =	vld [tilespmem:s13+$0x1C950];
	v17 =	vmul.f32 v17, v16  }
0x25d: {  	v53 =	vld [tilespmem:s13+$0x1A970];
	v19 =	vmul.f32 v41, v16;
	v52 =	vmul.f32 v43, v16  }
0x25e: {  	v48 =	vld [tilespmem:s13+$0x1C940];
	v54 =	vmul.f32 v45, v16;
	v17 =	vmul.f32 v40, v17  }
0x25f: {  	v57 =	vld [tilespmem:s13+$0x1C970];
	v56 =	vmul.f32 v47, v16;
	v19 =	vmul.f32 v42, v19  }
0x260: {  	v55 =	vld [tilespmem:s13+$0x1C960];
	v59 =	vmul.f32 v49, v16;
	v58 =	vmul.f32 v46, v54;
	[tilespmem:s13+$0x1A900] =	vst v17  }
0x261: {  	v63 =	vld [tilespmem:s13+$0x1A990];
	v60 =	vmul.f32 v51, v16;
	v17 =	vmul.f32 v44, v52;
	[tilespmem:s13+$0x1A910] =	vst v19  }
0x262: {  	v62 =	vld [tilespmem:s13+$0x1C980];
	v16 =	vmul.f32 v53, v16;
	v61 =	vmul.f32 v50, v59;
	[tilespmem:s13+$0x1A930] =	vst v58  }
0x263: {  	v32 =	vld [tilespmem:s13+$0x1C990];
	[tilespmem:s13+$0x1A920] =	vst v17;
	v17 =	vmul.f32 v48, v56  }
0x264: {  	v35 =	vld [tilespmem:s13+$0x1A9B0];
	v16 =	vmul.f32 v57, v16;
	[tilespmem:s13+$0x1A950] =	vst v61  }
0x265: {  	v37 =	vld [tilespmem:s13+$0x1A9C0];
	[tilespmem:s13+$0x1A940] =	vst v17;
	v17 =	vmul.f32 v55, v60  }
0x266: {  	v36 =	vld [tilespmem:s13+$0x1C9B0];
	[tilespmem:s13+$0x1A970] =	vst v16  }
0x267: {  	[tilespmem:s13+$0x1A960] =	vst v17;
	v17 =	vld [tilespmem:s13+$0x1A980]  }
0x268: {  	v16 =	vld.idx.msk [tilespmem:v7+s26+$0x0], $0xffff  }
0x269: {  	v33 =	vld [tilespmem:s13+$0x1A9A0]  }
0x26a: {  	v39 =	vld [tilespmem:s13+$0x1A9D0]  }
0x26b: {  	v34 =	vld [tilespmem:s13+$0x1C9A0]  }
0x26c: {  	v41 =	vld [tilespmem:s13+$0x1A9E0]  }
0x26d: {  	v43 =	vld [tilespmem:s13+$0x1A9F0];
	v17 =	vmul.f32 v17, v16  }
0x26e: {  	v40 =	vld [tilespmem:s13+$0x1C9D0];
	v19 =	vmul.f32 v63, v16;
	v42 =	vmul.f32 v33, v16  }
0x26f: {  	v38 =	vld [tilespmem:s13+$0x1C9C0];
	v44 =	vmul.f32 v35, v16;
	v17 =	vmul.f32 v62, v17  }
0x270: {  	v47 =	vld [tilespmem:s13+$0x1C9F0];
	v46 =	vmul.f32 v37, v16;
	v19 =	vmul.f32 v32, v19  }
0x271: {  	v45 =	vld [tilespmem:s13+$0x1C9E0];
	v49 =	vmul.f32 v39, v16;
	v48 =	vmul.f32 v36, v44;
	[tilespmem:s13+$0x1A980] =	vst v17  }
0x272: {  	v31 =	vld [tilespmem:s13+$0x1AA70];
	v50 =	vmul.f32 v41, v16;
	v17 =	vmul.f32 v34, v42;
	[tilespmem:s13+$0x1A990] =	vst v19  }
0x273: {  	v53 =	vld [tilespmem:s13+$0x1AA10];
	v16 =	vmul.f32 v43, v16;
	v51 =	vmul.f32 v40, v49;
	[tilespmem:s13+$0x1A9B0] =	vst v48  }
0x274: {  	v54 =	vld [tilespmem:s13+$0x1CA10];
	[tilespmem:s13+$0x1A9A0] =	vst v17;
	v17 =	vmul.f32 v38, v46  }
0x275: {  	v57 =	vld [tilespmem:s13+$0x1AA30];
	v16 =	vmul.f32 v47, v16;
	[tilespmem:s13+$0x1A9D0] =	vst v51  }
0x276: {  	v59 =	vld [tilespmem:s13+$0x1AA40];
	[tilespmem:s13+$0x1A9C0] =	vst v17;
	v17 =	vmul.f32 v45, v50  }
0x277: {  	v52 =	vld [tilespmem:s13+$0x1CA00];
	[tilespmem:s13+$0x1A9F0] =	vst v16  }
0x278: {  	[tilespmem:s13+$0x1A9E0] =	vst v17;
	v17 =	vld [tilespmem:s13+$0x1AA00]  }
0x279: {  	v16 =	vld.idx.msk [tilespmem:v8+s26+$0x0], $0xffff  }
0x27a: {  	v55 =	vld [tilespmem:s13+$0x1AA20]  }
0x27b: {  	v58 =	vld [tilespmem:s13+$0x1CA30]  }
0x27c: {  	v61 =	vld [tilespmem:s13+$0x1AA50]  }
0x27d: {  	v56 =	vld [tilespmem:s13+$0x1CA20]  }
0x27e: {  	v63 =	vld [tilespmem:s13+$0x1AA60];
	v17 =	vmul.f32 v17, v16  }
0x27f: {  	v62 =	vld [tilespmem:s13+$0x1CA50];
	v19 =	vmul.f32 v53, v16;
	v30 =	vmul.f32 v55, v16  }
0x280: {  	v60 =	vld [tilespmem:s13+$0x1CA40];
	v32 =	vmul.f32 v57, v16;
	v17 =	vmul.f32 v52, v17  }
0x281: {  	v35 =	vld [tilespmem:s13+$0x1CA70];
	v34 =	vmul.f32 v59, v16;
	v19 =	vmul.f32 v54, v19  }
0x282: {  	v33 =	vld [tilespmem:s13+$0x1CA60];
	v37 =	vmul.f32 v61, v16;
	v36 =	vmul.f32 v58, v32;
	[tilespmem:s13+$0x1AA00] =	vst v17  }
0x283: {  	v41 =	vld [tilespmem:s13+$0x1AA90];
	v38 =	vmul.f32 v63, v16;
	v17 =	vmul.f32 v56, v30;
	[tilespmem:s13+$0x1AA10] =	vst v19  }
0x284: {  	v43 =	vld [tilespmem:s13+$0x1AAA0];
	v16 =	vmul.f32 v31, v16;
	v39 =	vmul.f32 v62, v37;
	[tilespmem:s13+$0x1AA30] =	vst v36  }
0x285: {  	v40 =	vld [tilespmem:s13+$0x1CA80];
	[tilespmem:s13+$0x1AA20] =	vst v17;
	v17 =	vmul.f32 v60, v34  }
0x286: {  	v44 =	vld [tilespmem:s13+$0x1CAA0];
	v16 =	vmul.f32 v35, v16;
	[tilespmem:s13+$0x1AA50] =	vst v39  }
0x287: {  	v47 =	vld [tilespmem:s13+$0x1AAC0];
	[tilespmem:s13+$0x1AA40] =	vst v17;
	v17 =	vmul.f32 v33, v38  }
0x288: {  	v49 =	vld [tilespmem:s13+$0x1AAD0];
	[tilespmem:s13+$0x1AA70] =	vst v16  }
0x289: {  	[tilespmem:s13+$0x1AA60] =	vst v17;
	v17 =	vld [tilespmem:s13+$0x1AA80]  }
0x28a: {  	v16 =	vld.idx.msk [tilespmem:v9+s26+$0x0], $0xffff  }
0x28b: {  	v42 =	vld [tilespmem:s13+$0x1CA90]  }
0x28c: {  	v45 =	vld [tilespmem:s13+$0x1AAB0]  }
0x28d: {  	v51 =	vld [tilespmem:s13+$0x1AAE0]  }
0x28e: {  	v46 =	vld [tilespmem:s13+$0x1CAB0]  }
0x28f: {  	v50 =	vld [tilespmem:s13+$0x1CAD0];
	v17 =	vmul.f32 v17, v16  }
0x290: {  	v53 =	vld [tilespmem:s13+$0x1AAF0];
	v19 =	vmul.f32 v41, v16;
	v52 =	vmul.f32 v43, v16  }
0x291: {  	v48 =	vld [tilespmem:s13+$0x1CAC0];
	v54 =	vmul.f32 v45, v16;
	v17 =	vmul.f32 v40, v17  }
0x292: {  	v57 =	vld [tilespmem:s13+$0x1CAF0];
	v56 =	vmul.f32 v47, v16;
	v19 =	vmul.f32 v42, v19  }
0x293: {  	v55 =	vld [tilespmem:s13+$0x1CAE0];
	v59 =	vmul.f32 v49, v16;
	v58 =	vmul.f32 v46, v54;
	[tilespmem:s13+$0x1AA80] =	vst v17  }
0x294: {  	v63 =	vld [tilespmem:s13+$0x1AB10];
	v60 =	vmul.f32 v51, v16;
	v17 =	vmul.f32 v44, v52;
	[tilespmem:s13+$0x1AA90] =	vst v19  }
0x295: {  	v62 =	vld [tilespmem:s13+$0x1CB00];
	v16 =	vmul.f32 v53, v16;
	v61 =	vmul.f32 v50, v59;
	[tilespmem:s13+$0x1AAB0] =	vst v58  }
0x296: {  	v32 =	vld [tilespmem:s13+$0x1CB10];
	[tilespmem:s13+$0x1AAA0] =	vst v17;
	v17 =	vmul.f32 v48, v56  }
0x297: {  	v35 =	vld [tilespmem:s13+$0x1AB30];
	v16 =	vmul.f32 v57, v16;
	[tilespmem:s13+$0x1AAD0] =	vst v61  }
0x298: {  	v37 =	vld [tilespmem:s13+$0x1AB40];
	[tilespmem:s13+$0x1AAC0] =	vst v17;
	v17 =	vmul.f32 v55, v60  }
0x299: {  	v36 =	vld [tilespmem:s13+$0x1CB30];
	[tilespmem:s13+$0x1AAF0] =	vst v16  }
0x29a: {  	[tilespmem:s13+$0x1AAE0] =	vst v17;
	v17 =	vld [tilespmem:s13+$0x1AB00]  }
0x29b: {  	v16 =	vld.idx.msk [tilespmem:v10+s26+$0x0], $0xffff  }
0x29c: {  	v33 =	vld [tilespmem:s13+$0x1AB20]  }
0x29d: {  	v39 =	vld [tilespmem:s13+$0x1AB50]  }
0x29e: {  	v34 =	vld [tilespmem:s13+$0x1CB20]  }
0x29f: {  	v41 =	vld [tilespmem:s13+$0x1AB60]  }
0x2a0: {  	v43 =	vld [tilespmem:s13+$0x1AB70];
	v17 =	vmul.f32 v17, v16  }
0x2a1: {  	v40 =	vld [tilespmem:s13+$0x1CB50];
	v19 =	vmul.f32 v63, v16;
	v42 =	vmul.f32 v33, v16  }
0x2a2: {  	v38 =	vld [tilespmem:s13+$0x1CB40];
	v44 =	vmul.f32 v35, v16;
	v17 =	vmul.f32 v62, v17  }
0x2a3: {  	v47 =	vld [tilespmem:s13+$0x1CB70];
	v46 =	vmul.f32 v37, v16;
	v19 =	vmul.f32 v32, v19  }
0x2a4: {  	v45 =	vld [tilespmem:s13+$0x1CB60];
	v49 =	vmul.f32 v39, v16;
	v48 =	vmul.f32 v36, v44;
	[tilespmem:s13+$0x1AB00] =	vst v17  }
0x2a5: {  	v31 =	vld [tilespmem:s13+$0x1ABF0];
	v50 =	vmul.f32 v41, v16;
	v17 =	vmul.f32 v34, v42;
	[tilespmem:s13+$0x1AB10] =	vst v19  }
0x2a6: {  	v53 =	vld [tilespmem:s13+$0x1AB90];
	v16 =	vmul.f32 v43, v16;
	v51 =	vmul.f32 v40, v49;
	[tilespmem:s13+$0x1AB30] =	vst v48  }
0x2a7: {  	v54 =	vld [tilespmem:s13+$0x1CB90];
	[tilespmem:s13+$0x1AB20] =	vst v17;
	v17 =	vmul.f32 v38, v46  }
0x2a8: {  	v57 =	vld [tilespmem:s13+$0x1ABB0];
	v16 =	vmul.f32 v47, v16;
	[tilespmem:s13+$0x1AB50] =	vst v51  }
0x2a9: {  	v59 =	vld [tilespmem:s13+$0x1ABC0];
	[tilespmem:s13+$0x1AB40] =	vst v17;
	v17 =	vmul.f32 v45, v50  }
0x2aa: {  	v52 =	vld [tilespmem:s13+$0x1CB80];
	[tilespmem:s13+$0x1AB70] =	vst v16  }
0x2ab: {  	[tilespmem:s13+$0x1AB60] =	vst v17;
	v17 =	vld [tilespmem:s13+$0x1AB80]  }
0x2ac: {  	v16 =	vld.idx.msk [tilespmem:v11+s26+$0x0], $0xffff  }
0x2ad: {  	v55 =	vld [tilespmem:s13+$0x1ABA0]  }
0x2ae: {  	v58 =	vld [tilespmem:s13+$0x1CBB0]  }
0x2af: {  	v61 =	vld [tilespmem:s13+$0x1ABD0]  }
0x2b0: {  	v56 =	vld [tilespmem:s13+$0x1CBA0]  }
0x2b1: {  	v63 =	vld [tilespmem:s13+$0x1ABE0];
	v17 =	vmul.f32 v17, v16  }
0x2b2: {  	v62 =	vld [tilespmem:s13+$0x1CBD0];
	v19 =	vmul.f32 v53, v16;
	v30 =	vmul.f32 v55, v16  }
0x2b3: {  	v60 =	vld [tilespmem:s13+$0x1CBC0];
	v32 =	vmul.f32 v57, v16;
	v17 =	vmul.f32 v52, v17  }
0x2b4: {  	v35 =	vld [tilespmem:s13+$0x1CBF0];
	v34 =	vmul.f32 v59, v16;
	v19 =	vmul.f32 v54, v19  }
0x2b5: {  	v33 =	vld [tilespmem:s13+$0x1CBE0];
	v37 =	vmul.f32 v61, v16;
	v36 =	vmul.f32 v58, v32;
	[tilespmem:s13+$0x1AB80] =	vst v17  }
0x2b6: {  	v41 =	vld [tilespmem:s13+$0x1AC10];
	v38 =	vmul.f32 v63, v16;
	v17 =	vmul.f32 v56, v30;
	[tilespmem:s13+$0x1AB90] =	vst v19  }
0x2b7: {  	v43 =	vld [tilespmem:s13+$0x1AC20];
	v16 =	vmul.f32 v31, v16;
	v39 =	vmul.f32 v62, v37;
	[tilespmem:s13+$0x1ABB0] =	vst v36  }
0x2b8: {  	v40 =	vld [tilespmem:s13+$0x1CC00];
	[tilespmem:s13+$0x1ABA0] =	vst v17;
	v17 =	vmul.f32 v60, v34  }
0x2b9: {  	v44 =	vld [tilespmem:s13+$0x1CC20];
	v16 =	vmul.f32 v35, v16;
	[tilespmem:s13+$0x1ABD0] =	vst v39  }
0x2ba: {  	v47 =	vld [tilespmem:s13+$0x1AC40];
	[tilespmem:s13+$0x1ABC0] =	vst v17;
	v17 =	vmul.f32 v33, v38  }
0x2bb: {  	v49 =	vld [tilespmem:s13+$0x1AC50];
	[tilespmem:s13+$0x1ABF0] =	vst v16  }
0x2bc: {  	[tilespmem:s13+$0x1ABE0] =	vst v17;
	v17 =	vld [tilespmem:s13+$0x1AC00]  }
0x2bd: {  	v16 =	vld.idx.msk [tilespmem:v12+s26+$0x0], $0xffff  }
0x2be: {  	v42 =	vld [tilespmem:s13+$0x1CC10]  }
0x2bf: {  	v45 =	vld [tilespmem:s13+$0x1AC30]  }
0x2c0: {  	v51 =	vld [tilespmem:s13+$0x1AC60]  }
0x2c1: {  	v46 =	vld [tilespmem:s13+$0x1CC30]  }
0x2c2: {  	v50 =	vld [tilespmem:s13+$0x1CC50];
	v17 =	vmul.f32 v17, v16  }
0x2c3: {  	v53 =	vld [tilespmem:s13+$0x1AC70];
	v19 =	vmul.f32 v41, v16;
	v52 =	vmul.f32 v43, v16  }
0x2c4: {  	v48 =	vld [tilespmem:s13+$0x1CC40];
	v54 =	vmul.f32 v45, v16;
	v17 =	vmul.f32 v40, v17  }
0x2c5: {  	v57 =	vld [tilespmem:s13+$0x1CC70];
	v56 =	vmul.f32 v47, v16;
	v19 =	vmul.f32 v42, v19  }
0x2c6: {  	v55 =	vld [tilespmem:s13+$0x1CC60];
	v59 =	vmul.f32 v49, v16;
	v58 =	vmul.f32 v46, v54;
	[tilespmem:s13+$0x1AC00] =	vst v17  }
0x2c7: {  	v63 =	vld [tilespmem:s13+$0x1AC90];
	v60 =	vmul.f32 v51, v16;
	v17 =	vmul.f32 v44, v52;
	[tilespmem:s13+$0x1AC10] =	vst v19  }
0x2c8: {  	v62 =	vld [tilespmem:s13+$0x1CC80];
	v16 =	vmul.f32 v53, v16;
	v61 =	vmul.f32 v50, v59;
	[tilespmem:s13+$0x1AC30] =	vst v58  }
0x2c9: {  	v32 =	vld [tilespmem:s13+$0x1CC90];
	[tilespmem:s13+$0x1AC20] =	vst v17;
	v17 =	vmul.f32 v48, v56  }
0x2ca: {  	v35 =	vld [tilespmem:s13+$0x1ACB0];
	v16 =	vmul.f32 v57, v16;
	[tilespmem:s13+$0x1AC50] =	vst v61  }
0x2cb: {  	v37 =	vld [tilespmem:s13+$0x1ACC0];
	[tilespmem:s13+$0x1AC40] =	vst v17;
	v17 =	vmul.f32 v55, v60  }
0x2cc: {  	v36 =	vld [tilespmem:s13+$0x1CCB0];
	[tilespmem:s13+$0x1AC70] =	vst v16  }
0x2cd: {  	[tilespmem:s13+$0x1AC60] =	vst v17;
	v17 =	vld [tilespmem:s13+$0x1AC80]  }
0x2ce: {  	v16 =	vld.idx.msk [tilespmem:v13+s26+$0x0], $0xffff  }
0x2cf: {  	v33 =	vld [tilespmem:s13+$0x1ACA0]  }
0x2d0: {  	v39 =	vld [tilespmem:s13+$0x1ACD0]  }
0x2d1: {  	v34 =	vld [tilespmem:s13+$0x1CCA0]  }
0x2d2: {  	v41 =	vld [tilespmem:s13+$0x1ACE0]  }
0x2d3: {  	v43 =	vld [tilespmem:s13+$0x1ACF0];
	v17 =	vmul.f32 v17, v16  }
0x2d4: {  	v40 =	vld [tilespmem:s13+$0x1CCD0];
	v19 =	vmul.f32 v63, v16;
	v42 =	vmul.f32 v33, v16  }
0x2d5: {  	v38 =	vld [tilespmem:s13+$0x1CCC0];
	v44 =	vmul.f32 v35, v16;
	v17 =	vmul.f32 v62, v17  }
0x2d6: {  	v47 =	vld [tilespmem:s13+$0x1CCF0];
	v46 =	vmul.f32 v37, v16;
	v19 =	vmul.f32 v32, v19  }
0x2d7: {  	v45 =	vld [tilespmem:s13+$0x1CCE0];
	v49 =	vmul.f32 v39, v16;
	v48 =	vmul.f32 v36, v44;
	[tilespmem:s13+$0x1AC80] =	vst v17  }
0x2d8: {  	v53 =	vld [tilespmem:s13+$0x1AD10];
	v50 =	vmul.f32 v41, v16;
	v17 =	vmul.f32 v34, v42;
	[tilespmem:s13+$0x1AC90] =	vst v19  }
0x2d9: {  	v54 =	vld [tilespmem:s13+$0x1CD10];
	v16 =	vmul.f32 v43, v16;
	v51 =	vmul.f32 v40, v49;
	[tilespmem:s13+$0x1ACB0] =	vst v48  }
0x2da: {  	v57 =	vld [tilespmem:s13+$0x1AD30];
	[tilespmem:s13+$0x1ACA0] =	vst v17;
	v17 =	vmul.f32 v38, v46  }
0x2db: {  	v59 =	vld [tilespmem:s13+$0x1AD40];
	v16 =	vmul.f32 v47, v16;
	[tilespmem:s13+$0x1ACD0] =	vst v51  }
0x2dc: {  	v52 =	vld [tilespmem:s13+$0x1CD00];
	[tilespmem:s13+$0x1ACC0] =	vst v17;
	v17 =	vmul.f32 v45, v50  }
0x2dd: {  	v58 =	vld [tilespmem:s13+$0x1CD30];
	[tilespmem:s13+$0x1ACF0] =	vst v16  }
0x2de: {  	[tilespmem:s13+$0x1ACE0] =	vst v17;
	v17 =	vld [tilespmem:s13+$0x1AD00]  }
0x2df: {  	v16 =	vld.idx.msk [tilespmem:v14+s26+$0x0], $0xffff  }
0x2e0: {  	v55 =	vld [tilespmem:s13+$0x1AD20]  }
0x2e1: {  	v61 =	vld [tilespmem:s13+$0x1AD50]  }
0x2e2: {  	v56 =	vld [tilespmem:s13+$0x1CD20]  }
0x2e3: {  	v63 =	vld [tilespmem:s13+$0x1AD60]  }
0x2e4: {  	v33 =	vld [tilespmem:s13+$0x1AD70];
	v17 =	vmul.f32 v17, v16  }
0x2e5: {  	v62 =	vld [tilespmem:s13+$0x1CD50];
	v19 =	vmul.f32 v53, v16;
	v32 =	vmul.f32 v55, v16  }
0x2e6: {  	v60 =	vld [tilespmem:s13+$0x1CD40];
	v34 =	vmul.f32 v57, v16;
	v17 =	vmul.f32 v52, v17  }
0x2e7: {  	v37 =	vld [tilespmem:s13+$0x1CD70];
	v36 =	vmul.f32 v59, v16;
	v19 =	vmul.f32 v54, v19  }
0x2e8: {  	v35 =	vld [tilespmem:s13+$0x1CD60];
	v39 =	vmul.f32 v61, v16;
	v38 =	vmul.f32 v58, v34;
	[tilespmem:s13+$0x1AD00] =	vst v17  }
0x2e9: {  	v43 =	vld [tilespmem:s13+$0x1AD90];
	v40 =	vmul.f32 v63, v16;
	v17 =	vmul.f32 v56, v32;
	[tilespmem:s13+$0x1AD10] =	vst v19  }
0x2ea: {  	v44 =	vld [tilespmem:s13+$0x1CD90];
	v16 =	vmul.f32 v33, v16;
	v41 =	vmul.f32 v62, v39;
	[tilespmem:s13+$0x1AD30] =	vst v38  }
0x2eb: {  	v47 =	vld [tilespmem:s13+$0x1ADB0];
	[tilespmem:s13+$0x1AD20] =	vst v17;
	v17 =	vmul.f32 v60, v36  }
0x2ec: {  	v49 =	vld [tilespmem:s13+$0x1ADC0];
	v16 =	vmul.f32 v37, v16;
	[tilespmem:s13+$0x1AD50] =	vst v41  }
0x2ed: {  	v42 =	vld [tilespmem:s13+$0x1CD80];
	[tilespmem:s13+$0x1AD40] =	vst v17;
	v17 =	vmul.f32 v35, v40  }
0x2ee: {  	v48 =	vld [tilespmem:s13+$0x1CDB0];
	[tilespmem:s13+$0x1AD70] =	vst v16  }
0x2ef: {  	[tilespmem:s13+$0x1AD60] =	vst v17;
	v17 =	vld [tilespmem:s13+$0x1AD80]  }
0x2f0: {  	v16 =	vld.idx.msk [tilespmem:v15+s26+$0x0], $0xffff  }
0x2f1: {  	v45 =	vld [tilespmem:s13+$0x1ADA0]  }
0x2f2: {  	v51 =	vld [tilespmem:s13+$0x1ADD0]  }
0x2f3: {  	v46 =	vld [tilespmem:s13+$0x1CDA0]  }
0x2f4: {  	v53 =	vld [tilespmem:s13+$0x1ADE0]  }
0x2f5: {  	v55 =	vld [tilespmem:s13+$0x1ADF0];
	v17 =	vmul.f32 v17, v16  }
0x2f6: {  	v52 =	vld [tilespmem:s13+$0x1CDD0];
	v19 =	vmul.f32 v43, v16;
	v54 =	vmul.f32 v45, v16  }
0x2f7: {  	v50 =	vld [tilespmem:s13+$0x1CDC0];
	v56 =	vmul.f32 v47, v16;
	v17 =	vmul.f32 v42, v17  }
0x2f8: {  	v59 =	vld [tilespmem:s13+$0x1CDF0];
	v58 =	vmul.f32 v49, v16;
	v19 =	vmul.f32 v44, v19  }
0x2f9: {  	v57 =	vld [tilespmem:s13+$0x1CDE0];
	v61 =	vmul.f32 v51, v16;
	v60 =	vmul.f32 v48, v56;
	[tilespmem:s13+$0x1AD80] =	vst v17  }
0x2fa: {  	v62 =	vmul.f32 v53, v16;
	v17 =	vmul.f32 v46, v54;
	[tilespmem:s13+$0x1AD90] =	vst v19  }
0x2fb: {  	p1 =	sne.s32 s12, $0x3;
	v16 =	vmul.f32 v55, v16;
	v63 =	vmul.f32 v52, v61;
	[tilespmem:s13+$0x1ADB0] =	vst v60  }
.Ltmp5:
0x2fc: {  	[tilespmem:s13+$0x1ADA0] =	vst v17;
	v17 =	vmul.f32 v50, v58;
	(pc) =	sbr.rel @p1 .LBB2_9-.Ltmp5, $4  }
0x2fd: {  	v16 =	vmul.f32 v59, v16;
	[tilespmem:s13+$0x1ADD0] =	vst v63  }
0x2fe: {  	[tilespmem:s13+$0x1ADC0] =	vst v17;
	v17 =	vmul.f32 v57, v62  }
0x2ff: {  	[tilespmem:s13+$0x1ADF0] =	vst v16  }
0x300: {  	s12 =	sadd.s32 $0x1, s12;
	[tilespmem:s13+$0x1ADE0] =	vst v17  }
0x301: {  	v16 =	vld [tilespmem:$0x16500]  }
0x302: {  	v17 =	vld [tilespmem:$0x16540]  }
0x303: {  	v18 =	vld [tilespmem:$0x16510]  }
0x304: {  	v19 =	vld [tilespmem:$0x16550]  }
0x305: {  	v20 =	vld [tilespmem:$0x16520]  }
0x306: {  	v63 =	vld [tilespmem:$0x16570];
	[tilespmem:$0x1E700] =	vst v16  }
0x307: {  	v16 =	vld [tilespmem:$0x16560];
	[tilespmem:$0x1E780] =	vst v17  }
0x308: {  	v17 =	vld [tilespmem:$0x16530];
	[tilespmem:$0x1E710] =	vst v18  }
0x309: {  	[tilespmem:$0x1E790] =	vst v19  }
0x30a: {  	[tilespmem:$0x1E720] =	vst v20  }
0x30b: {  	[tilespmem:$0x1E7B0] =	vst v63  }
.Ltmp6:
0x30c: {  	[tilespmem:$0x1E7A0] =	vst v16;
	(pc) =	sbr.rel @p0 .LBB2_12-.Ltmp6, $4  }
0x30d: {  	[tilespmem:$0x1E730] =	vst v17  }
0x30e: {  	[spmem:s3] =	stream.indirect.scatter.add.f32 [tilespmem:s23], [sflag:$0x6], $0x80, s1, s28, $0xb8;
	[tilespmem:$0x1E800] =	vst v63  }
0x30f: {  	_ = 	snop  }
0x310: {  	[spmem:s3] =	stream.indirect.scatter.add.f32 [tilespmem:s23], [sflag:$0x6], $0x80, s2, s28, $0xb8;
	[tilespmem:$0x1E800] =	vst v63  }
0x311: {  	s11 =	sadd.s32 s9, s11  }
0x312: {  	s11 =	smul.u32 $0xC0, s11  }
.Ltmp7:
0x313: {  	_ = 	snop;
	(pc) =	sbr.rel .LBB2_6-.Ltmp7, $4  }
0x314: {  	s11 =	sshrl.u32 s11, $0x3  }
0x315: {  	s11 =	sadd.s32 s5, s11  }
0x316: {  	s10 =	sadd.s32 $0x1, s10;
	s11 =	sadd.s32 $0x30, s11  }
0x317: {  	[tilespmem:s21], [sflag:$0x2] =	stream.linear.gather [hbm4b:s11+s4], $0xC0, $0x38;
	[tilespmem:$0x1E800] =	vst v63  }
.LBB2_13:
0x318: {  	_ =	sfence.sel $0x180000  }
0x319: {  	[bflag:$0x0] =	sbarrier.arrive $0xFFFF  }
0x31a: {  	_ =	strace $0x90000047  }
0x31b: {  	s0 =	stileid.u32;
	[bflag:$0x2] =	sbarrier.arrive $0xFFFF  }
0x31c: {  	p0 =	sne.s32 s0, $0x0;
	s0 =	rddreg [dreg:$0x4]  }
0x31d: {  	s0 =	sadd.s32 @!p0 $0x100000, s0  }
0x31e: {  	[sflag:s0] =	ssyncadd.tile.s32 @!p0 $0x1;
	_ =	shalt  }
.Lfunc_end2:
_tile_overlayer_lowered:
.L_overlay_start_2:
0x31f: {  	(tag) =	ssettag $0x2  }
0x320: {  	s0 =	rddreg [dreg:$0x0];
	s2 =	stileid.u32  }
0x321: {  	s1 =	rddreg [dreg:$0x1];
	p0 =	sne.s32 s2, $0x0  }
0x322: {  	s3 =	rddreg [dreg:$0x2];
	[bflag:$0x3] =	sbarrier.arrive $0xFFFF;
	s2 =	simm.s32 @!p0 $0x1C07  }
0x323: {  	[timem:s3], [sflag:s2] =	dma.local @!p0 [hbm:s0], s1  }
0x324: {  	s0 =	simm.s32 @!p0 $0x7  }
0x325: {  	_ =	swait.ge @!p0 [sflag:s0], s1  }
0x326: {  	s1 =	ssub.s32 @!p0 $0x0, s1;
	[sflag:s0] =	ssyncset.done @!p0 $0x0  }
0x327: {  	[sflag:s0] =	ssyncadd.s32 @!p0 s1  }
0x328: {  	[bflag:$0x3] =	sbarrier.arrive $0xFFFF  }
0x329: {  	_ =	shalt  }

</sc_bundles>
